<compile_context>
chip_gen: v7x
topology: tpu7x:2x2x1
jax: 0.10.2.dev20260603
libtpu: 0.0.44.dev20260713+nightly
codegen_flags: <defaults>
</compile_context>

<pallas_src>
import functools

import jax
import jax.numpy as jnp
from jax import lax
from jax.experimental import pallas as pl
from jax.experimental.pallas import tpu as pltpu
from jax.experimental.pallas import tpu_sc as plsc

MAXD = 128
NBUK = 2 * MAXD + 1
H = 16
S = 2048
T = 128
NT = S // T
NSEL = 5
L = 16
NC, NS = 2, 16
R = 8
PLEN = 4096
W_PIPE = 4

BAND_LO, BAND_HI = 119, 137
UNROLL = 7
DMAS_PER_HEAD = NSEL * (T // R)
DMAS_PER_W = DMAS_PER_HEAD // 2


def _sc_body(weight_hbm, tiles_hbm, w_vmem, p_scr, sem):
    cid = lax.axis_index("c")
    sid = lax.axis_index("s")
    wid = sid * NC + cid
    h = wid // 2
    half = wid % 2

    pltpu.sync_copy(weight_hbm, w_vmem)

    lane = lax.iota(jnp.int32, L)
    h_vec = jnp.full((L,), h, dtype=jnp.int32)
    v_lo = plsc.load_gather(w_vmem, [jnp.zeros((L,), jnp.int32), h_vec])
    v_hi = plsc.load_gather(
        w_vmem, [jnp.full((L,), NBUK - 1, jnp.int32), h_vec]
    )

    for d in range(R):
        off = (R - 1) - d - (S - 1)

        def flanks(ci, carry, d=d):
            for u in range(UNROLL):
                c_lo = ci * UNROLL + u
                p_scr[d, pl.ds(c_lo * L, L)] = v_lo
                c_hi = BAND_HI + ci * UNROLL + u
                p_scr[d, pl.ds(c_hi * L, L)] = v_hi
            return carry

        lax.fori_loop(0, BAND_LO // UNROLL, flanks, 0)

        def band(ci, carry, d=d, off=off):
            k = ci * L + lane + off
            b = jnp.clip(k, -MAXD, MAXD) + MAXD
            p_scr[d, pl.ds(ci * L, L)] = plsc.load_gather(w_vmem, [b, h_vec])
            return carry

        lax.fori_loop(BAND_LO, BAND_HI, band, 0)

    def fire(t, carry):
        idx = half * DMAS_PER_W + t
        sel = idx // (T // R)
        m = idx % (T // R)
        start = pl.multiple_of(T * (sel - 2) + 2040 - R * m + 0 * t, 8)
        src = p_scr.at[:, pl.ds(start, T)]
        dst = tiles_hbm.at[h, sel, pl.ds(R * m, R)]
        cp = pltpu.async_copy(src, dst, sem)

        @pl.when(t >= W_PIPE)
        def _():
            cp.wait()

        return carry

    lax.fori_loop(0, DMAS_PER_W, fire, 0)

    for _ in range(W_PIPE):
        pltpu.make_async_copy(
            tiles_hbm.at[0, 0, pl.ds(0, R)], p_scr.at[:, pl.ds(0, T)], sem
        ).wait()


_sc_tiles = functools.partial(
    pl.kernel,
    out_type=jax.ShapeDtypeStruct((H, NSEL, T, T), jnp.float32),
    mesh=plsc.VectorSubcoreMesh(
        core_axis_name="c", subcore_axis_name="s", num_cores=NC, num_subcores=NS
    ),
    scratch_types=[
        pltpu.VMEM((NBUK, H), jnp.float32),
        pltpu.VMEM((R, PLEN), jnp.float32),
        pltpu.SemaphoreType.DMA,
    ],
    compiler_params=pltpu.CompilerParams(
        use_tc_tiling_on_sc=False, needs_layout_passes=False
    ),
)(_sc_body)


TI_PER_BLK = 8


def _tc_body(tiles_ref, out_ref):
    tb = pl.program_id(1)
    for tl in range(TI_PER_BLK):
        ti = tb * TI_PER_BLK + tl
        for tj in range(NT):
            sel = jnp.clip(tj - ti, -2, 2) + 2
            out_ref[0, tl * T : (tl + 1) * T, tj * T : (tj + 1) * T] = (
                tiles_ref[0, sel]
            )


def _tc_expand(tiles):
    return pl.pallas_call(
        _tc_body,
        grid=(H, NT // TI_PER_BLK),
        in_specs=[
            pl.BlockSpec((1, NSEL, T, T), lambda h, tb: (h, 0, 0, 0)),
        ],
        out_specs=pl.BlockSpec((1, TI_PER_BLK * T, S), lambda h, tb: (h, tb, 0)),
        out_shape=jax.ShapeDtypeStruct((H, S, S), jnp.float32),
    )(tiles)


def kernel(seq_len, weight):
    del seq_len
    return _tc_expand(_sc_tiles(weight))

# --- scband reference (transcript-rebuilt; emitter-appended) ---
"""Pipeline reference for scband-learned-relative-positional-bias-26414048870487 (READ-ONLY COPY).

The authoritative reference and input builder live on the scoring server;
editing this copy changes nothing except your own understanding.
"""

import jax, jax.numpy as jnp
import numpy as np

MAX_DISTANCE = 128
NUM_HEADS = 16
NUM_BUCKETS = 2 * MAX_DISTANCE + 1  # bidirectional
SEQ_LEN = 2048


def setup_inputs(seed: int = 0) -> dict:
    key = jax.random.key(seed)
    weight = 0.02 * jax.random.normal(key, (NUM_BUCKETS, NUM_HEADS), dtype=jnp.float32)
    return {"seq_len": SEQ_LEN, "weight": weight}


def reference(seq_len, weight):
    positions = jnp.arange(SEQ_LEN) + 0 * seq_len
    relative_position = positions[None, :] - positions[:, None]  # [S, S]
    relative_buckets = jnp.clip(relative_position, -MAX_DISTANCE, MAX_DISTANCE) + MAX_DISTANCE
    bias = jnp.take(weight, relative_buckets, axis=0)  # [S, S, H] gather
    bias = jnp.transpose(bias, (2, 0, 1))  # [H, S, S]
    return bias

if __name__ == "__main__":
    import jax
    _d = setup_inputs()
    print(jax.jit(kernel)(*tuple(_d.values())))

</pallas_src>

<mosaic_0001>
#map = affine_map<(d0, d1) -> (0, 0)>
#map1 = affine_map<(d0, d1) -> (0, 0, 0, 0)>
module attributes {stable_mosaic.version = 14 : i64} {
  func.func @_sc_body(%arg0: i32, %arg1: i32, %arg2: memref<257x16xf32, #tpu.memory_space<hbm>>, %arg3: memref<16x5x128x128xf32, #tpu.memory_space<hbm>>, %arg4: memref<257x16xf32, #tpu.memory_space<vmem>>, %arg5: memref<8x4096xf32, #tpu.memory_space<vmem>>, %arg6: memref<!tpu.dma_semaphore, #tpu.memory_space<semaphore_mem>>) attributes {dimension_semantics = [#tpu.dimension_semantics<core_parallel>, #tpu.dimension_semantics<subcore_parallel>], iteration_bounds = array<i64: 2, 16>, scalar_prefetch = 0 : i64, scratch_operands = 3 : i64, tpu.core_type = #tpu.core_type<sc_vector_subcore>, window_params = [{transform_indices = #map}, {transform_indices = #map1}]} {
    %mul3A = arith.constant 2 : i32
    %mul3A_0 = arith.muli %arg1, %mul3A : i32
    %add3A = arith.addi %mul3A_0, %arg0 : i32
    %jit3A = arith.constant 2 : i32
    %div3A = arith.divsi %add3A, %jit3A : i32
    %sign3A = arith.constant 0 : i32
    %sign3A_1 = arith.cmpi sgt, %add3A, %sign3A : i32
    %sign3A_2 = arith.extui %sign3A_1 : i1 to i32
    %sign3A_3 = arith.constant 0 : i32
    %sign3A_4 = arith.cmpi slt, %add3A, %sign3A_3 : i32
    %sign3A_5 = arith.extui %sign3A_4 : i1 to i32
    %sign3A_6 = arith.subi %sign3A_2, %sign3A_5 : i32
    %sign3A_7 = arith.constant 0 : i32
    %sign3A_8 = arith.cmpi sgt, %jit3A, %sign3A_7 : i32
    %sign3A_9 = arith.extui %sign3A_8 : i1 to i32
    %sign3A_10 = arith.constant 0 : i32
    %sign3A_11 = arith.cmpi slt, %jit3A, %sign3A_10 : i32
    %sign3A_12 = arith.extui %sign3A_11 : i1 to i32
    %sign3A_13 = arith.subi %sign3A_9, %sign3A_12 : i32
    %ne3A = arith.cmpi ne, %sign3A_6, %sign3A_13 : i32
    %rem3A = arith.remsi %add3A, %jit3A : i32
    %ne3A_14 = arith.constant 0 : i32
    %ne3A_15 = arith.cmpi ne, %rem3A, %ne3A_14 : i32
    %and3A = arith.andi %ne3A, %ne3A_15 : i1
    %sub3A = arith.constant 1 : i32
    %sub3A_16 = arith.subi %div3A, %sub3A : i32
    %select_n3A = arith.select %and3A, %sub3A_16, %div3A : i32
    %jit3A_17 = arith.constant 2 : i32
    %eq3A = arith.constant 0 : i32
    %eq3A_18 = arith.cmpi eq, %jit3A_17, %eq3A : i32
    %jit3A_19 = arith.constant 1 : i32
    %select_n3A_20 = arith.select %eq3A_18, %jit3A_19, %jit3A_17 : i32
    %rem3A_21 = arith.remsi %add3A, %select_n3A_20 : i32
    %ne3A_22 = arith.constant 0 : i32
    %ne3A_23 = arith.cmpi ne, %rem3A_21, %ne3A_22 : i32
    %lt3A = arith.constant 0 : i32
    %lt3A_24 = arith.cmpi slt, %rem3A_21, %lt3A : i32
    %lt3A_25 = arith.constant 0 : i32
    %lt3A_26 = arith.cmpi slt, %select_n3A_20, %lt3A_25 : i32
    %ne3A_27 = arith.xori %lt3A_24, %lt3A_26 : i1
    %and3A_28 = arith.andi %ne3A_27, %ne3A_23 : i1
    %add3A_29 = arith.addi %rem3A_21, %select_n3A_20 : i32
    %select_n3A_30 = arith.select %and3A_28, %add3A_29, %rem3A_21 : i32
    "tpu.region"() ({
      %run_scoped3A = tpu.sem_alloc : memref<!tpu.dma_semaphore, #tpu.memory_space<semaphore_mem>>
      tpu.enqueue_dma source(%arg2 : memref<257x16xf32, #tpu.memory_space<hbm>>) target(%arg4 : memref<257x16xf32, #tpu.memory_space<vmem>>) target_semaphore(%run_scoped3A : memref<!tpu.dma_semaphore, #tpu.memory_space<semaphore_mem>>)
      tpu.wait_dma2 semaphore(%run_scoped3A : memref<!tpu.dma_semaphore, #tpu.memory_space<semaphore_mem>>) src(%arg2 : memref<257x16xf32, #tpu.memory_space<hbm>>) dst(%arg4 : memref<257x16xf32, #tpu.memory_space<vmem>>)
      tpu.yield
    }) : () -> ()
    %iota3A = tpu.iota {dimensions = array<i32: 0>} : vector<16xi32>
    %broadcast_in_dim3A = vector.broadcast %select_n3A : i32 to vector<16xi32>
    %broadcast_in_dim3A_31 = arith.constant 0 : i32
    %broadcast_in_dim3A_32 = vector.broadcast %broadcast_in_dim3A_31 : i32 to vector<16xi32>
    %gather3A = tpu.vector_load_idx %arg4[%broadcast_in_dim3A_32, %broadcast_in_dim3A] : memref<257x16xf32, #tpu.memory_space<vmem>>[vector<16xi32>, vector<16xi32>], vector<16xf32>,
    %broadcast_in_dim3A_33 = arith.constant 256 : i32
    %broadcast_in_dim3A_34 = vector.broadcast %broadcast_in_dim3A_33 : i32 to vector<16xi32>
    %gather3A_35 = tpu.vector_load_idx %arg4[%broadcast_in_dim3A_34, %broadcast_in_dim3A] : memref<257x16xf32, #tpu.memory_space<vmem>>[vector<16xi32>, vector<16xi32>], vector<16xf32>,
    %scan3A = arith.constant 0 : i32
    %scan3A_36 = arith.constant 0 : i32
    %scan3A_37 = arith.constant 17 : i32
    %scan3A_38 = arith.addi %scan3A_36, %scan3A_37 : i32
    %scan3A_39 = arith.constant 1 : i32
    scf.for %scan3A_200 = %scan3A_36 to %scan3A_38 step %scan3A_39  : i32 {
      %mul3A_201 = arith.constant 7 : i32
      %mul3A_202 = arith.muli %scan3A_200, %mul3A_201 : i32
      %add3A_203 = arith.constant 0 : i32
      %add3A_204 = arith.addi %mul3A_202, %add3A_203 : i32
      %mul3A_205 = arith.constant 16 : i32
      %mul3A_206 = arith.muli %add3A_204, %mul3A_205 : i32
      %swap3A = arith.constant 0 : i32
      %swap3A_207 = arith.index_cast %swap3A : i32 to index
      %swap3A_208 = arith.index_cast %mul3A_206 : i32 to index
      %swap3A_209 = tpu.vector_load %arg5[%swap3A_207, %swap3A_208] {strides = array<i32>} : memref<8x4096xf32, #tpu.memory_space<vmem>>, vector<16xf32>,
      tpu.vector_store %arg5[%swap3A_207, %swap3A_208], %gather3A {strides = array<i32>} : memref<8x4096xf32, #tpu.memory_space<vmem>>, vector<16xf32>,
      %mul3A_210 = arith.constant 7 : i32
      %mul3A_211 = arith.muli %scan3A_200, %mul3A_210 : i32
      %add3A_212 = arith.constant 137 : i32
      %add3A_213 = arith.addi %add3A_212, %mul3A_211 : i32
      %add3A_214 = arith.constant 0 : i32
      %add3A_215 = arith.addi %add3A_213, %add3A_214 : i32
      %mul3A_216 = arith.constant 16 : i32
      %mul3A_217 = arith.muli %add3A_215, %mul3A_216 : i32
      %swap3A_218 = arith.constant 0 : i32
      %swap3A_219 = arith.index_cast %swap3A_218 : i32 to index
      %swap3A_220 = arith.index_cast %mul3A_217 : i32 to index
      %swap3A_221 = tpu.vector_load %arg5[%swap3A_219, %swap3A_220] {strides = array<i32>} : memref<8x4096xf32, #tpu.memory_space<vmem>>, vector<16xf32>,
      tpu.vector_store %arg5[%swap3A_219, %swap3A_220], %gather3A_35 {strides = array<i32>} : memref<8x4096xf32, #tpu.memory_space<vmem>>, vector<16xf32>,
      %mul3A_222 = arith.constant 7 : i32
      %mul3A_223 = arith.muli %scan3A_200, %mul3A_222 : i32
      %add3A_224 = arith.constant 1 : i32
      %add3A_225 = arith.addi %mul3A_223, %add3A_224 : i32
      %mul3A_226 = arith.constant 16 : i32
      %mul3A_227 = arith.muli %add3A_225, %mul3A_226 : i32
      %swap3A_228 = arith.constant 0 : i32
      %swap3A_229 = arith.index_cast %swap3A_228 : i32 to index
      %swap3A_230 = arith.index_cast %mul3A_227 : i32 to index
      %swap3A_231 = tpu.vector_load %arg5[%swap3A_229, %swap3A_230] {strides = array<i32>} : memref<8x4096xf32, #tpu.memory_space<vmem>>, vector<16xf32>,
      tpu.vector_store %arg5[%swap3A_229, %swap3A_230], %gather3A {strides = array<i32>} : memref<8x4096xf32, #tpu.memory_space<vmem>>, vector<16xf32>,
      %mul3A_232 = arith.constant 7 : i32
      %mul3A_233 = arith.muli %scan3A_200, %mul3A_232 : i32
      %add3A_234 = arith.constant 137 : i32
      %add3A_235 = arith.addi %add3A_234, %mul3A_233 : i32
      %add3A_236 = arith.constant 1 : i32
      %add3A_237 = arith.addi %add3A_235, %add3A_236 : i32
      %mul3A_238 = arith.constant 16 : i32
      %mul3A_239 = arith.muli %add3A_237, %mul3A_238 : i32
      %swap3A_240 = arith.constant 0 : i32
      %swap3A_241 = arith.index_cast %swap3A_240 : i32 to index
      %swap3A_242 = arith.index_cast %mul3A_239 : i32 to index
      %swap3A_243 = tpu.vector_load %arg5[%swap3A_241, %swap3A_242] {strides = array<i32>} : memref<8x4096xf32, #tpu.memory_space<vmem>>, vector<16xf32>,
      tpu.vector_store %arg5[%swap3A_241, %swap3A_242], %gather3A_35 {strides = array<i32>} : memref<8x4096xf32, #tpu.memory_space<vmem>>, vector<16xf32>,
      %mul3A_244 = arith.constant 7 : i32
      %mul3A_245 = arith.muli %scan3A_200, %mul3A_244 : i32
      %add3A_246 = arith.constant 2 : i32
      %add3A_247 = arith.addi %mul3A_245, %add3A_246 : i32
      %mul3A_248 = arith.constant 16 : i32
      %mul3A_249 = arith.muli %add3A_247, %mul3A_248 : i32
      %swap3A_250 = arith.constant 0 : i32
      %swap3A_251 = arith.index_cast %swap3A_250 : i32 to index
      %swap3A_252 = arith.index_cast %mul3A_249 : i32 to index
      %swap3A_253 = tpu.vector_load %arg5[%swap3A_251, %swap3A_252] {strides = array<i32>} : memref<8x4096xf32, #tpu.memory_space<vmem>>, vector<16xf32>,
      tpu.vector_store %arg5[%swap3A_251, %swap3A_252], %gather3A {strides = array<i32>} : memref<8x4096xf32, #tpu.memory_space<vmem>>, vector<16xf32>,
      %mul3A_254 = arith.constant 7 : i32
      %mul3A_255 = arith.muli %scan3A_200, %mul3A_254 : i32
      %add3A_256 = arith.constant 137 : i32
      %add3A_257 = arith.addi %add3A_256, %mul3A_255 : i32
      %add3A_258 = arith.constant 2 : i32
      %add3A_259 = arith.addi %add3A_257, %add3A_258 : i32
      %mul3A_260 = arith.constant 16 : i32
      %mul3A_261 = arith.muli %add3A_259, %mul3A_260 : i32
      %swap3A_262 = arith.constant 0 : i32
      %swap3A_263 = arith.index_cast %swap3A_262 : i32 to index
      %swap3A_264 = arith.index_cast %mul3A_261 : i32 to index
      %swap3A_265 = tpu.vector_load %arg5[%swap3A_263, %swap3A_264] {strides = array<i32>} : memref<8x4096xf32, #tpu.memory_space<vmem>>, vector<16xf32>,
      tpu.vector_store %arg5[%swap3A_263, %swap3A_264], %gather3A_35 {strides = array<i32>} : memref<8x4096xf32, #tpu.memory_space<vmem>>, vector<16xf32>,
      %mul3A_266 = arith.constant 7 : i32
      %mul3A_267 = arith.muli %scan3A_200, %mul3A_266 : i32
      %add3A_268 = arith.constant 3 : i32
      %add3A_269 = arith.addi %mul3A_267, %add3A_268 : i32
      %mul3A_270 = arith.constant 16 : i32
      %mul3A_271 = arith.muli %add3A_269, %mul3A_270 : i32
      %swap3A_272 = arith.constant 0 : i32
      %swap3A_273 = arith.index_cast %swap3A_272 : i32 to index
      %swap3A_274 = arith.index_cast %mul3A_271 : i32 to index
      %swap3A_275 = tpu.vector_load %arg5[%swap3A_273, %swap3A_274] {strides = array<i32>} : memref<8x4096xf32, #tpu.memory_space<vmem>>, vector<16xf32>,
      tpu.vector_store %arg5[%swap3A_273, %swap3A_274], %gather3A {strides = array<i32>} : memref<8x4096xf32, #tpu.memory_space<vmem>>, vector<16xf32>,
      %mul3A_276 = arith.constant 7 : i32
      %mul3A_277 = arith.muli %scan3A_200, %mul3A_276 : i32
      %add3A_278 = arith.constant 137 : i32
      %add3A_279 = arith.addi %add3A_278, %mul3A_277 : i32
      %add3A_280 = arith.constant 3 : i32
      %add3A_281 = arith.addi %add3A_279, %add3A_280 : i32
      %mul3A_282 = arith.constant 16 : i32
      %mul3A_283 = arith.muli %add3A_281, %mul3A_282 : i32
      %swap3A_284 = arith.constant 0 : i32
      %swap3A_285 = arith.index_cast %swap3A_284 : i32 to index
      %swap3A_286 = arith.index_cast %mul3A_283 : i32 to index
      %swap3A_287 = tpu.vector_load %arg5[%swap3A_285, %swap3A_286] {strides = array<i32>} : memref<8x4096xf32, #tpu.memory_space<vmem>>, vector<16xf32>,
      tpu.vector_store %arg5[%swap3A_285, %swap3A_286], %gather3A_35 {strides = array<i32>} : memref<8x4096xf32, #tpu.memory_space<vmem>>, vector<16xf32>,
      %mul3A_288 = arith.constant 7 : i32
      %mul3A_289 = arith.muli %scan3A_200, %mul3A_288 : i32
      %add3A_290 = arith.constant 4 : i32
      %add3A_291 = arith.addi %mul3A_289, %add3A_290 : i32
      %mul3A_292 = arith.constant 16 : i32
      %mul3A_293 = arith.muli %add3A_291, %mul3A_292 : i32
      %swap3A_294 = arith.constant 0 : i32
      %swap3A_295 = arith.index_cast %swap3A_294 : i32 to index
      %swap3A_296 = arith.index_cast %mul3A_293 : i32 to index
      %swap3A_297 = tpu.vector_load %arg5[%swap3A_295, %swap3A_296] {strides = array<i32>} : memref<8x4096xf32, #tpu.memory_space<vmem>>, vector<16xf32>,
      tpu.vector_store %arg5[%swap3A_295, %swap3A_296], %gather3A {strides = array<i32>} : memref<8x4096xf32, #tpu.memory_space<vmem>>, vector<16xf32>,
      %mul3A_298 = arith.constant 7 : i32
      %mul3A_299 = arith.muli %scan3A_200, %mul3A_298 : i32
      %add3A_300 = arith.constant 137 : i32
      %add3A_301 = arith.addi %add3A_300, %mul3A_299 : i32
      %add3A_302 = arith.constant 4 : i32
      %add3A_303 = arith.addi %add3A_301, %add3A_302 : i32
      %mul3A_304 = arith.constant 16 : i32
      %mul3A_305 = arith.muli %add3A_303, %mul3A_304 : i32
      %swap3A_306 = arith.constant 0 : i32
      %swap3A_307 = arith.index_cast %swap3A_306 : i32 to index
      %swap3A_308 = arith.index_cast %mul3A_305 : i32 to index
      %swap3A_309 = tpu.vector_load %arg5[%swap3A_307, %swap3A_308] {strides = array<i32>} : memref<8x4096xf32, #tpu.memory_space<vmem>>, vector<16xf32>,
      tpu.vector_store %arg5[%swap3A_307, %swap3A_308], %gather3A_35 {strides = array<i32>} : memref<8x4096xf32, #tpu.memory_space<vmem>>, vector<16xf32>,
      %mul3A_310 = arith.constant 7 : i32
      %mul3A_311 = arith.muli %scan3A_200, %mul3A_310 : i32
      %add3A_312 = arith.constant 5 : i32
      %add3A_313 = arith.addi %mul3A_311, %add3A_312 : i32
      %mul3A_314 = arith.constant 16 : i32
      %mul3A_315 = arith.muli %add3A_313, %mul3A_314 : i32
      %swap3A_316 = arith.constant 0 : i32
      %swap3A_317 = arith.index_cast %swap3A_316 : i32 to index
      %swap3A_318 = arith.index_cast %mul3A_315 : i32 to index
      %swap3A_319 = tpu.vector_load %arg5[%swap3A_317, %swap3A_318] {strides = array<i32>} : memref<8x4096xf32, #tpu.memory_space<vmem>>, vector<16xf32>,
      tpu.vector_store %arg5[%swap3A_317, %swap3A_318], %gather3A {strides = array<i32>} : memref<8x4096xf32, #tpu.memory_space<vmem>>, vector<16xf32>,
      %mul3A_320 = arith.constant 7 : i32
      %mul3A_321 = arith.muli %scan3A_200, %mul3A_320 : i32
      %add3A_322 = arith.constant 137 : i32
      %add3A_323 = arith.addi %add3A_322, %mul3A_321 : i32
      %add3A_324 = arith.constant 5 : i32
      %add3A_325 = arith.addi %add3A_323, %add3A_324 : i32
      %mul3A_326 = arith.constant 16 : i32
      %mul3A_327 = arith.muli %add3A_325, %mul3A_326 : i32
      %swap3A_328 = arith.constant 0 : i32
      %swap3A_329 = arith.index_cast %swap3A_328 : i32 to index
      %swap3A_330 = arith.index_cast %mul3A_327 : i32 to index
      %swap3A_331 = tpu.vector_load %arg5[%swap3A_329, %swap3A_330] {strides = array<i32>} : memref<8x4096xf32, #tpu.memory_space<vmem>>, vector<16xf32>,
      tpu.vector_store %arg5[%swap3A_329, %swap3A_330], %gather3A_35 {strides = array<i32>} : memref<8x4096xf32, #tpu.memory_space<vmem>>, vector<16xf32>,
      %mul3A_332 = arith.constant 7 : i32
      %mul3A_333 = arith.muli %scan3A_200, %mul3A_332 : i32
      %add3A_334 = arith.constant 6 : i32
      %add3A_335 = arith.addi %mul3A_333, %add3A_334 : i32
      %mul3A_336 = arith.constant 16 : i32
      %mul3A_337 = arith.muli %add3A_335, %mul3A_336 : i32
      %swap3A_338 = arith.constant 0 : i32
      %swap3A_339 = arith.index_cast %swap3A_338 : i32 to index
      %swap3A_340 = arith.index_cast %mul3A_337 : i32 to index
      %swap3A_341 = tpu.vector_load %arg5[%swap3A_339, %swap3A_340] {strides = array<i32>} : memref<8x4096xf32, #tpu.memory_space<vmem>>, vector<16xf32>,
      tpu.vector_store %arg5[%swap3A_339, %swap3A_340], %gather3A {strides = array<i32>} : memref<8x4096xf32, #tpu.memory_space<vmem>>, vector<16xf32>,
      %mul3A_342 = arith.constant 7 : i32
      %mul3A_343 = arith.muli %scan3A_200, %mul3A_342 : i32
      %add3A_344 = arith.constant 137 : i32
      %add3A_345 = arith.addi %add3A_344, %mul3A_343 : i32
      %add3A_346 = arith.constant 6 : i32
      %add3A_347 = arith.addi %add3A_345, %add3A_346 : i32
      %mul3A_348 = arith.constant 16 : i32
      %mul3A_349 = arith.muli %add3A_347, %mul3A_348 : i32
      %swap3A_350 = arith.constant 0 : i32
      %swap3A_351 = arith.index_cast %swap3A_350 : i32 to index
      %swap3A_352 = arith.index_cast %mul3A_349 : i32 to index
      %swap3A_353 = tpu.vector_load %arg5[%swap3A_351, %swap3A_352] {strides = array<i32>} : memref<8x4096xf32, #tpu.memory_space<vmem>>, vector<16xf32>,
      tpu.vector_store %arg5[%swap3A_351, %swap3A_352], %gather3A_35 {strides = array<i32>} : memref<8x4096xf32, #tpu.memory_space<vmem>>, vector<16xf32>,
    }
    %scan3A_40 = arith.constant 17 : i32
    %scan3A_41 = arith.constant 0 : i32
    %scan3A_42 = arith.constant 119 : i32
    %scan3A_43 = arith.constant 18 : i32
    %scan3A_44 = arith.addi %scan3A_42, %scan3A_43 : i32
    %scan3A_45 = arith.constant 1 : i32
    scf.for %scan3A_200 = %scan3A_42 to %scan3A_44 step %scan3A_45  : i32 {
      %mul3A_201 = arith.constant 16 : i32
      %mul3A_202 = arith.muli %scan3A_200, %mul3A_201 : i32
      %add3A_203 = vector.broadcast %mul3A_202 : i32 to vector<16xi32>
      %add3A_204 = arith.addi %add3A_203, %iota3A : vector<16xi32>
      %add3A_205 = arith.constant -2040 : i32
      %add3A_206 = vector.broadcast %add3A_205 : i32 to vector<16xi32>
      %add3A_207 = arith.addi %add3A_204, %add3A_206 : vector<16xi32>
      %jit3A_208 = arith.constant -128 : i32
      %jit3A_209 = arith.constant 128 : i32
      %max3A = vector.broadcast %jit3A_208 : i32 to vector<16xi32>
      %max3A_210 = arith.maxsi %max3A, %add3A_207 : vector<16xi32>
      %min3A = vector.broadcast %jit3A_209 : i32 to vector<16xi32>
      %min3A_211 = arith.minsi %min3A, %max3A_210 : vector<16xi32>
      %add3A_212 = arith.constant 128 : i32
      %add3A_213 = vector.broadcast %add3A_212 : i32 to vector<16xi32>
      %add3A_214 = arith.addi %min3A_211, %add3A_213 : vector<16xi32>
      %gather3A_215 = tpu.vector_load_idx %arg4[%add3A_214, %broadcast_in_dim3A] : memref<257x16xf32, #tpu.memory_space<vmem>>[vector<16xi32>, vector<16xi32>], vector<16xf32>,
      %mul3A_216 = arith.constant 16 : i32
      %mul3A_217 = arith.muli %scan3A_200, %mul3A_216 : i32
      %swap3A = arith.constant 0 : i32
      %swap3A_218 = arith.index_cast %swap3A : i32 to index
      %swap3A_219 = arith.index_cast %mul3A_217 : i32 to index
      %swap3A_220 = tpu.vector_load %arg5[%swap3A_218, %swap3A_219] {strides = array<i32>} : memref<8x4096xf32, #tpu.memory_space<vmem>>, vector<16xf32>,
      tpu.vector_store %arg5[%swap3A_218, %swap3A_219], %gather3A_215 {strides = array<i32>} : memref<8x4096xf32, #tpu.memory_space<vmem>>, vector<16xf32>,
    }
    %scan3A_46 = arith.constant 18 : i32
    %scan3A_47 = arith.constant 0 : i32
    %scan3A_48 = arith.constant 0 : i32
    %scan3A_49 = arith.constant 17 : i32
    %scan3A_50 = arith.addi %scan3A_48, %scan3A_49 : i32
    %scan3A_51 = arith.constant 1 : i32
    scf.for %scan3A_200 = %scan3A_48 to %scan3A_50 step %scan3A_51  : i32 {
      %mul3A_201 = arith.constant 7 : i32
      %mul3A_202 = arith.muli %scan3A_200, %mul3A_201 : i32
      %add3A_203 = arith.constant 0 : i32
      %add3A_204 = arith.addi %mul3A_202, %add3A_203 : i32
      %mul3A_205 = arith.constant 16 : i32
      %mul3A_206 = arith.muli %add3A_204, %mul3A_205 : i32
      %swap3A = arith.constant 1 : i32
      %swap3A_207 = arith.index_cast %swap3A : i32 to index
      %swap3A_208 = arith.index_cast %mul3A_206 : i32 to index
      %swap3A_209 = tpu.vector_load %arg5[%swap3A_207, %swap3A_208] {strides = array<i32>} : memref<8x4096xf32, #tpu.memory_space<vmem>>, vector<16xf32>,
      tpu.vector_store %arg5[%swap3A_207, %swap3A_208], %gather3A {strides = array<i32>} : memref<8x4096xf32, #tpu.memory_space<vmem>>, vector<16xf32>,
      %mul3A_210 = arith.constant 7 : i32
      %mul3A_211 = arith.muli %scan3A_200, %mul3A_210 : i32
      %add3A_212 = arith.constant 137 : i32
      %add3A_213 = arith.addi %add3A_212, %mul3A_211 : i32
      %add3A_214 = arith.constant 0 : i32
      %add3A_215 = arith.addi %add3A_213, %add3A_214 : i32
      %mul3A_216 = arith.constant 16 : i32
      %mul3A_217 = arith.muli %add3A_215, %mul3A_216 : i32
      %swap3A_218 = arith.constant 1 : i32
      %swap3A_219 = arith.index_cast %swap3A_218 : i32 to index
      %swap3A_220 = arith.index_cast %mul3A_217 : i32 to index
      %swap3A_221 = tpu.vector_load %arg5[%swap3A_219, %swap3A_220] {strides = array<i32>} : memref<8x4096xf32, #tpu.memory_space<vmem>>, vector<16xf32>,
      tpu.vector_store %arg5[%swap3A_219, %swap3A_220], %gather3A_35 {strides = array<i32>} : memref<8x4096xf32, #tpu.memory_space<vmem>>, vector<16xf32>,
      %mul3A_222 = arith.constant 7 : i32
      %mul3A_223 = arith.muli %scan3A_200, %mul3A_222 : i32
      %add3A_224 = arith.constant 1 : i32
      %add3A_225 = arith.addi %mul3A_223, %add3A_224 : i32
      %mul3A_226 = arith.constant 16 : i32
      %mul3A_227 = arith.muli %add3A_225, %mul3A_226 : i32
      %swap3A_228 = arith.constant 1 : i32
      %swap3A_229 = arith.index_cast %swap3A_228 : i32 to index
      %swap3A_230 = arith.index_cast %mul3A_227 : i32 to index
      %swap3A_231 = tpu.vector_load %arg5[%swap3A_229, %swap3A_230] {strides = array<i32>} : memref<8x4096xf32, #tpu.memory_space<vmem>>, vector<16xf32>,
      tpu.vector_store %arg5[%swap3A_229, %swap3A_230], %gather3A {strides = array<i32>} : memref<8x4096xf32, #tpu.memory_space<vmem>>, vector<16xf32>,
      %mul3A_232 = arith.constant 7 : i32
      %mul3A_233 = arith.muli %scan3A_200, %mul3A_232 : i32
      %add3A_234 = arith.constant 137 : i32
      %add3A_235 = arith.addi %add3A_234, %mul3A_233 : i32
      %add3A_236 = arith.constant 1 : i32
      %add3A_237 = arith.addi %add3A_235, %add3A_236 : i32
      %mul3A_238 = arith.constant 16 : i32
      %mul3A_239 = arith.muli %add3A_237, %mul3A_238 : i32
      %swap3A_240 = arith.constant 1 : i32
      %swap3A_241 = arith.index_cast %swap3A_240 : i32 to index
      %swap3A_242 = arith.index_cast %mul3A_239 : i32 to index
      %swap3A_243 = tpu.vector_load %arg5[%swap3A_241, %swap3A_242] {strides = array<i32>} : memref<8x4096xf32, #tpu.memory_space<vmem>>, vector<16xf32>,
      tpu.vector_store %arg5[%swap3A_241, %swap3A_242], %gather3A_35 {strides = array<i32>} : memref<8x4096xf32, #tpu.memory_space<vmem>>, vector<16xf32>,
      %mul3A_244 = arith.constant 7 : i32
      %mul3A_245 = arith.muli %scan3A_200, %mul3A_244 : i32
      %add3A_246 = arith.constant 2 : i32
      %add3A_247 = arith.addi %mul3A_245, %add3A_246 : i32
      %mul3A_248 = arith.constant 16 : i32
      %mul3A_249 = arith.muli %add3A_247, %mul3A_248 : i32
      %swap3A_250 = arith.constant 1 : i32
      %swap3A_251 = arith.index_cast %swap3A_250 : i32 to index
      %swap3A_252 = arith.index_cast %mul3A_249 : i32 to index
      %swap3A_253 = tpu.vector_load %arg5[%swap3A_251, %swap3A_252] {strides = array<i32>} : memref<8x4096xf32, #tpu.memory_space<vmem>>, vector<16xf32>,
      tpu.vector_store %arg5[%swap3A_251, %swap3A_252], %gather3A {strides = array<i32>} : memref<8x4096xf32, #tpu.memory_space<vmem>>, vector<16xf32>,
      %mul3A_254 = arith.constant 7 : i32
      %mul3A_255 = arith.muli %scan3A_200, %mul3A_254 : i32
      %add3A_256 = arith.constant 137 : i32
      %add3A_257 = arith.addi %add3A_256, %mul3A_255 : i32
      %add3A_258 = arith.constant 2 : i32
      %add3A_259 = arith.addi %add3A_257, %add3A_258 : i32
      %mul3A_260 = arith.constant 16 : i32
      %mul3A_261 = arith.muli %add3A_259, %mul3A_260 : i32
      %swap3A_262 = arith.constant 1 : i32
      %swap3A_263 = arith.index_cast %swap3A_262 : i32 to index
      %swap3A_264 = arith.index_cast %mul3A_261 : i32 to index
      %swap3A_265 = tpu.vector_load %arg5[%swap3A_263, %swap3A_264] {strides = array<i32>} : memref<8x4096xf32, #tpu.memory_space<vmem>>, vector<16xf32>,
      tpu.vector_store %arg5[%swap3A_263, %swap3A_264], %gather3A_35 {strides = array<i32>} : memref<8x4096xf32, #tpu.memory_space<vmem>>, vector<16xf32>,
      %mul3A_266 = arith.constant 7 : i32
      %mul3A_267 = arith.muli %scan3A_200, %mul3A_266 : i32
      %add3A_268 = arith.constant 3 : i32
      %add3A_269 = arith.addi %mul3A_267, %add3A_268 : i32
      %mul3A_270 = arith.constant 16 : i32
      %mul3A_271 = arith.muli %add3A_269, %mul3A_270 : i32
      %swap3A_272 = arith.constant 1 : i32
      %swap3A_273 = arith.index_cast %swap3A_272 : i32 to index
      %swap3A_274 = arith.index_cast %mul3A_271 : i32 to index
      %swap3A_275 = tpu.vector_load %arg5[%swap3A_273, %swap3A_274] {strides = array<i32>} : memref<8x4096xf32, #tpu.memory_space<vmem>>, vector<16xf32>,
      tpu.vector_store %arg5[%swap3A_273, %swap3A_274], %gather3A {strides = array<i32>} : memref<8x4096xf32, #tpu.memory_space<vmem>>, vector<16xf32>,
      %mul3A_276 = arith.constant 7 : i32
      %mul3A_277 = arith.muli %scan3A_200, %mul3A_276 : i32
      %add3A_278 = arith.constant 137 : i32
      %add3A_279 = arith.addi %add3A_278, %mul3A_277 : i32
      %add3A_280 = arith.constant 3 : i32
      %add3A_281 = arith.addi %add3A_279, %add3A_280 : i32
      %mul3A_282 = arith.constant 16 : i32
      %mul3A_283 = arith.muli %add3A_281, %mul3A_282 : i32
      %swap3A_284 = arith.constant 1 : i32
      %swap3A_285 = arith.index_cast %swap3A_284 : i32 to index
      %swap3A_286 = arith.index_cast %mul3A_283 : i32 to index
      %swap3A_287 = tpu.vector_load %arg5[%swap3A_285, %swap3A_286] {strides = array<i32>} : memref<8x4096xf32, #tpu.memory_space<vmem>>, vector<16xf32>,
      tpu.vector_store %arg5[%swap3A_285, %swap3A_286], %gather3A_35 {strides = array<i32>} : memref<8x4096xf32, #tpu.memory_space<vmem>>, vector<16xf32>,
      %mul3A_288 = arith.constant 7 : i32
      %mul3A_289 = arith.muli %scan3A_200, %mul3A_288 : i32
      %add3A_290 = arith.constant 4 : i32
      %add3A_291 = arith.addi %mul3A_289, %add3A_290 : i32
      %mul3A_292 = arith.constant 16 : i32
      %mul3A_293 = arith.muli %add3A_291, %mul3A_292 : i32
      %swap3A_294 = arith.constant 1 : i32
      %swap3A_295 = arith.index_cast %swap3A_294 : i32 to index
      %swap3A_296 = arith.index_cast %mul3A_293 : i32 to index
      %swap3A_297 = tpu.vector_load %arg5[%swap3A_295, %swap3A_296] {strides = array<i32>} : memref<8x4096xf32, #tpu.memory_space<vmem>>, vector<16xf32>,
      tpu.vector_store %arg5[%swap3A_295, %swap3A_296], %gather3A {strides = array<i32>} : memref<8x4096xf32, #tpu.memory_space<vmem>>, vector<16xf32>,
      %mul3A_298 = arith.constant 7 : i32
      %mul3A_299 = arith.muli %scan3A_200, %mul3A_298 : i32
      %add3A_300 = arith.constant 137 : i32
      %add3A_301 = arith.addi %add3A_300, %mul3A_299 : i32
      %add3A_302 = arith.constant 4 : i32
      %add3A_303 = arith.addi %add3A_301, %add3A_302 : i32
      %mul3A_304 = arith.constant 16 : i32
      %mul3A_305 = arith.muli %add3A_303, %mul3A_304 : i32
      %swap3A_306 = arith.constant 1 : i32
      %swap3A_307 = arith.index_cast %swap3A_306 : i32 to index
      %swap3A_308 = arith.index_cast %mul3A_305 : i32 to index
      %swap3A_309 = tpu.vector_load %arg5[%swap3A_307, %swap3A_308] {strides = array<i32>} : memref<8x4096xf32, #tpu.memory_space<vmem>>, vector<16xf32>,
      tpu.vector_store %arg5[%swap3A_307, %swap3A_308], %gather3A_35 {strides = array<i32>} : memref<8x4096xf32, #tpu.memory_space<vmem>>, vector<16xf32>,
      %mul3A_310 = arith.constant 7 : i32
      %mul3A_311 = arith.muli %scan3A_200, %mul3A_310 : i32
      %add3A_312 = arith.constant 5 : i32
      %add3A_313 = arith.addi %mul3A_311, %add3A_312 : i32
      %mul3A_314 = arith.constant 16 : i32
      %mul3A_315 = arith.muli %add3A_313, %mul3A_314 : i32
      %swap3A_316 = arith.constant 1 : i32
      %swap3A_317 = arith.index_cast %swap3A_316 : i32 to index
      %swap3A_318 = arith.index_cast %mul3A_315 : i32 to index
      %swap3A_319 = tpu.vector_load %arg5[%swap3A_317, %swap3A_318] {strides = array<i32>} : memref<8x4096xf32, #tpu.memory_space<vmem>>, vector<16xf32>,
      tpu.vector_store %arg5[%swap3A_317, %swap3A_318], %gather3A {strides = array<i32>} : memref<8x4096xf32, #tpu.memory_space<vmem>>, vector<16xf32>,
      %mul3A_320 = arith.constant 7 : i32
      %mul3A_321 = arith.muli %scan3A_200, %mul3A_320 : i32
      %add3A_322 = arith.constant 137 : i32
      %add3A_323 = arith.addi %add3A_322, %mul3A_321 : i32
      %add3A_324 = arith.constant 5 : i32
      %add3A_325 = arith.addi %add3A_323, %add3A_324 : i32
      %mul3A_326 = arith.constant 16 : i32
      %mul3A_327 = arith.muli %add3A_325, %mul3A_326 : i32
      %swap3A_328 = arith.constant 1 : i32
      %swap3A_329 = arith.index_cast %swap3A_328 : i32 to index
      %swap3A_330 = arith.index_cast %mul3A_327 : i32 to index
      %swap3A_331 = tpu.vector_load %arg5[%swap3A_329, %swap3A_330] {strides = array<i32>} : memref<8x4096xf32, #tpu.memory_space<vmem>>, vector<16xf32>,
      tpu.vector_store %arg5[%swap3A_329, %swap3A_330], %gather3A_35 {strides = array<i32>} : memref<8x4096xf32, #tpu.memory_space<vmem>>, vector<16xf32>,
      %mul3A_332 = arith.constant 7 : i32
      %mul3A_333 = arith.muli %scan3A_200, %mul3A_332 : i32
      %add3A_334 = arith.constant 6 : i32
      %add3A_335 = arith.addi %mul3A_333, %add3A_334 : i32
      %mul3A_336 = arith.constant 16 : i32
      %mul3A_337 = arith.muli %add3A_335, %mul3A_336 : i32
      %swap3A_338 = arith.constant 1 : i32
      %swap3A_339 = arith.index_cast %swap3A_338 : i32 to index
      %swap3A_340 = arith.index_cast %mul3A_337 : i32 to index
      %swap3A_341 = tpu.vector_load %arg5[%swap3A_339, %swap3A_340] {strides = array<i32>} : memref<8x4096xf32, #tpu.memory_space<vmem>>, vector<16xf32>,
      tpu.vector_store %arg5[%swap3A_339, %swap3A_340], %gather3A {strides = array<i32>} : memref<8x4096xf32, #tpu.memory_space<vmem>>, vector<16xf32>,
      %mul3A_342 = arith.constant 7 : i32
      %mul3A_343 = arith.muli %scan3A_200, %mul3A_342 : i32
      %add3A_344 = arith.constant 137 : i32
      %add3A_345 = arith.addi %add3A_344, %mul3A_343 : i32
      %add3A_346 = arith.constant 6 : i32
      %add3A_347 = arith.addi %add3A_345, %add3A_346 : i32
      %mul3A_348 = arith.constant 16 : i32
      %mul3A_349 = arith.muli %add3A_347, %mul3A_348 : i32
      %swap3A_350 = arith.constant 1 : i32
      %swap3A_351 = arith.index_cast %swap3A_350 : i32 to index
      %swap3A_352 = arith.index_cast %mul3A_349 : i32 to index
      %swap3A_353 = tpu.vector_load %arg5[%swap3A_351, %swap3A_352] {strides = array<i32>} : memref<8x4096xf32, #tpu.memory_space<vmem>>, vector<16xf32>,
      tpu.vector_store %arg5[%swap3A_351, %swap3A_352], %gather3A_35 {strides = array<i32>} : memref<8x4096xf32, #tpu.memory_space<vmem>>, vector<16xf32>,
    }
    %scan3A_52 = arith.constant 17 : i32
    %scan3A_53 = arith.constant 0 : i32
    %scan3A_54 = arith.constant 119 : i32
    %scan3A_55 = arith.constant 18 : i32
    %scan3A_56 = arith.addi %scan3A_54, %scan3A_55 : i32
    %scan3A_57 = arith.constant 1 : i32
    scf.for %scan3A_200 = %scan3A_54 to %scan3A_56 step %scan3A_57  : i32 {
      %mul3A_201 = arith.constant 16 : i32
      %mul3A_202 = arith.muli %scan3A_200, %mul3A_201 : i32
      %add3A_203 = vector.broadcast %mul3A_202 : i32 to vector<16xi32>
      %add3A_204 = arith.addi %add3A_203, %iota3A : vector<16xi32>
      %add3A_205 = arith.constant -2041 : i32
      %add3A_206 = vector.broadcast %add3A_205 : i32 to vector<16xi32>
      %add3A_207 = arith.addi %add3A_204, %add3A_206 : vector<16xi32>
      %jit3A_208 = arith.constant -128 : i32
      %jit3A_209 = arith.constant 128 : i32
      %max3A = vector.broadcast %jit3A_208 : i32 to vector<16xi32>
      %max3A_210 = arith.maxsi %max3A, %add3A_207 : vector<16xi32>
      %min3A = vector.broadcast %jit3A_209 : i32 to vector<16xi32>
      %min3A_211 = arith.minsi %min3A, %max3A_210 : vector<16xi32>
      %add3A_212 = arith.constant 128 : i32
      %add3A_213 = vector.broadcast %add3A_212 : i32 to vector<16xi32>
      %add3A_214 = arith.addi %min3A_211, %add3A_213 : vector<16xi32>
      %gather3A_215 = tpu.vector_load_idx %arg4[%add3A_214, %broadcast_in_dim3A] : memref<257x16xf32, #tpu.memory_space<vmem>>[vector<16xi32>, vector<16xi32>], vector<16xf32>,
      %mul3A_216 = arith.constant 16 : i32
      %mul3A_217 = arith.muli %scan3A_200, %mul3A_216 : i32
      %swap3A = arith.constant 1 : i32
      %swap3A_218 = arith.index_cast %swap3A : i32 to index
      %swap3A_219 = arith.index_cast %mul3A_217 : i32 to index
      %swap3A_220 = tpu.vector_load %arg5[%swap3A_218, %swap3A_219] {strides = array<i32>} : memref<8x4096xf32, #tpu.memory_space<vmem>>, vector<16xf32>,
      tpu.vector_store %arg5[%swap3A_218, %swap3A_219], %gather3A_215 {strides = array<i32>} : memref<8x4096xf32, #tpu.memory_space<vmem>>, vector<16xf32>,
    }
    %scan3A_58 = arith.constant 18 : i32
    %scan3A_59 = arith.constant 0 : i32
    %scan3A_60 = arith.constant 0 : i32
    %scan3A_61 = arith.constant 17 : i32
    %scan3A_62 = arith.addi %scan3A_60, %scan3A_61 : i32
    %scan3A_63 = arith.constant 1 : i32
    scf.for %scan3A_200 = %scan3A_60 to %scan3A_62 step %scan3A_63  : i32 {
      %mul3A_201 = arith.constant 7 : i32
      %mul3A_202 = arith.muli %scan3A_200, %mul3A_201 : i32
      %add3A_203 = arith.constant 0 : i32
      %add3A_204 = arith.addi %mul3A_202, %add3A_203 : i32
      %mul3A_205 = arith.constant 16 : i32
      %mul3A_206 = arith.muli %add3A_204, %mul3A_205 : i32
      %swap3A = arith.constant 2 : i32
      %swap3A_207 = arith.index_cast %swap3A : i32 to index
      %swap3A_208 = arith.index_cast %mul3A_206 : i32 to index
      %swap3A_209 = tpu.vector_load %arg5[%swap3A_207, %swap3A_208] {strides = array<i32>} : memref<8x4096xf32, #tpu.memory_space<vmem>>, vector<16xf32>,
      tpu.vector_store %arg5[%swap3A_207, %swap3A_208], %gather3A {strides = array<i32>} : memref<8x4096xf32, #tpu.memory_space<vmem>>, vector<16xf32>,
      %mul3A_210 = arith.constant 7 : i32
      %mul3A_211 = arith.muli %scan3A_200, %mul3A_210 : i32
      %add3A_212 = arith.constant 137 : i32
      %add3A_213 = arith.addi %add3A_212, %mul3A_211 : i32
      %add3A_214 = arith.constant 0 : i32
      %add3A_215 = arith.addi %add3A_213, %add3A_214 : i32
      %mul3A_216 = arith.constant 16 : i32
      %mul3A_217 = arith.muli %add3A_215, %mul3A_216 : i32
      %swap3A_218 = arith.constant 2 : i32
      %swap3A_219 = arith.index_cast %swap3A_218 : i32 to index
      %swap3A_220 = arith.index_cast %mul3A_217 : i32 to index
      %swap3A_221 = tpu.vector_load %arg5[%swap3A_219, %swap3A_220] {strides = array<i32>} : memref<8x4096xf32, #tpu.memory_space<vmem>>, vector<16xf32>,
      tpu.vector_store %arg5[%swap3A_219, %swap3A_220], %gather3A_35 {strides = array<i32>} : memref<8x4096xf32, #tpu.memory_space<vmem>>, vector<16xf32>,
      %mul3A_222 = arith.constant 7 : i32
      %mul3A_223 = arith.muli %scan3A_200, %mul3A_222 : i32
      %add3A_224 = arith.constant 1 : i32
      %add3A_225 = arith.addi %mul3A_223, %add3A_224 : i32
      %mul3A_226 = arith.constant 16 : i32
      %mul3A_227 = arith.muli %add3A_225, %mul3A_226 : i32
      %swap3A_228 = arith.constant 2 : i32
      %swap3A_229 = arith.index_cast %swap3A_228 : i32 to index
      %swap3A_230 = arith.index_cast %mul3A_227 : i32 to index
      %swap3A_231 = tpu.vector_load %arg5[%swap3A_229, %swap3A_230] {strides = array<i32>} : memref<8x4096xf32, #tpu.memory_space<vmem>>, vector<16xf32>,
      tpu.vector_store %arg5[%swap3A_229, %swap3A_230], %gather3A {strides = array<i32>} : memref<8x4096xf32, #tpu.memory_space<vmem>>, vector<16xf32>,
      %mul3A_232 = arith.constant 7 : i32
      %mul3A_233 = arith.muli %scan3A_200, %mul3A_232 : i32
      %add3A_234 = arith.constant 137 : i32
      %add3A_235 = arith.addi %add3A_234, %mul3A_233 : i32
      %add3A_236 = arith.constant 1 : i32
      %add3A_237 = arith.addi %add3A_235, %add3A_236 : i32
      %mul3A_238 = arith.constant 16 : i32
      %mul3A_239 = arith.muli %add3A_237, %mul3A_238 : i32
      %swap3A_240 = arith.constant 2 : i32
      %swap3A_241 = arith.index_cast %swap3A_240 : i32 to index
      %swap3A_242 = arith.index_cast %mul3A_239 : i32 to index
      %swap3A_243 = tpu.vector_load %arg5[%swap3A_241, %swap3A_242] {strides = array<i32>} : memref<8x4096xf32, #tpu.memory_space<vmem>>, vector<16xf32>,
      tpu.vector_store %arg5[%swap3A_241, %swap3A_242], %gather3A_35 {strides = array<i32>} : memref<8x4096xf32, #tpu.memory_space<vmem>>, vector<16xf32>,
      %mul3A_244 = arith.constant 7 : i32
      %mul3A_245 = arith.muli %scan3A_200, %mul3A_244 : i32
      %add3A_246 = arith.constant 2 : i32
      %add3A_247 = arith.addi %mul3A_245, %add3A_246 : i32
      %mul3A_248 = arith.constant 16 : i32
      %mul3A_249 = arith.muli %add3A_247, %mul3A_248 : i32
      %swap3A_250 = arith.constant 2 : i32
      %swap3A_251 = arith.index_cast %swap3A_250 : i32 to index
      %swap3A_252 = arith.index_cast %mul3A_249 : i32 to index
      %swap3A_253 = tpu.vector_load %arg5[%swap3A_251, %swap3A_252] {strides = array<i32>} : memref<8x4096xf32, #tpu.memory_space<vmem>>, vector<16xf32>,
      tpu.vector_store %arg5[%swap3A_251, %swap3A_252], %gather3A {strides = array<i32>} : memref<8x4096xf32, #tpu.memory_space<vmem>>, vector<16xf32>,
      %mul3A_254 = arith.constant 7 : i32
      %mul3A_255 = arith.muli %scan3A_200, %mul3A_254 : i32
      %add3A_256 = arith.constant 137 : i32
      %add3A_257 = arith.addi %add3A_256, %mul3A_255 : i32
      %add3A_258 = arith.constant 2 : i32
      %add3A_259 = arith.addi %add3A_257, %add3A_258 : i32
      %mul3A_260 = arith.constant 16 : i32
      %mul3A_261 = arith.muli %add3A_259, %mul3A_260 : i32
      %swap3A_262 = arith.constant 2 : i32
      %swap3A_263 = arith.index_cast %swap3A_262 : i32 to index
      %swap3A_264 = arith.index_cast %mul3A_261 : i32 to index
      %swap3A_265 = tpu.vector_load %arg5[%swap3A_263, %swap3A_264] {strides = array<i32>} : memref<8x4096xf32, #tpu.memory_space<vmem>>, vector<16xf32>,
      tpu.vector_store %arg5[%swap3A_263, %swap3A_264], %gather3A_35 {strides = array<i32>} : memref<8x4096xf32, #tpu.memory_space<vmem>>, vector<16xf32>,
      %mul3A_266 = arith.constant 7 : i32
      %mul3A_267 = arith.muli %scan3A_200, %mul3A_266 : i32
      %add3A_268 = arith.constant 3 : i32
      %add3A_269 = arith.addi %mul3A_267, %add3A_268 : i32
      %mul3A_270 = arith.constant 16 : i32
      %mul3A_271 = arith.muli %add3A_269, %mul3A_270 : i32
      %swap3A_272 = arith.constant 2 : i32
      %swap3A_273 = arith.index_cast %swap3A_272 : i32 to index
      %swap3A_274 = arith.index_cast %mul3A_271 : i32 to index
      %swap3A_275 = tpu.vector_load %arg5[%swap3A_273, %swap3A_274] {strides = array<i32>} : memref<8x4096xf32, #tpu.memory_space<vmem>>, vector<16xf32>,
      tpu.vector_store %arg5[%swap3A_273, %swap3A_274], %gather3A {strides = array<i32>} : memref<8x4096xf32, #tpu.memory_space<vmem>>, vector<16xf32>,
      %mul3A_276 = arith.constant 7 : i32
      %mul3A_277 = arith.muli %scan3A_200, %mul3A_276 : i32
      %add3A_278 = arith.constant 137 : i32
      %add3A_279 = arith.addi %add3A_278, %mul3A_277 : i32
      %add3A_280 = arith.constant 3 : i32
      %add3A_281 = arith.addi %add3A_279, %add3A_280 : i32
      %mul3A_282 = arith.constant 16 : i32
      %mul3A_283 = arith.muli %add3A_281, %mul3A_282 : i32
      %swap3A_284 = arith.constant 2 : i32
      %swap3A_285 = arith.index_cast %swap3A_284 : i32 to index
      %swap3A_286 = arith.index_cast %mul3A_283 : i32 to index
      %swap3A_287 = tpu.vector_load %arg5[%swap3A_285, %swap3A_286] {strides = array<i32>} : memref<8x4096xf32, #tpu.memory_space<vmem>>, vector<16xf32>,
      tpu.vector_store %arg5[%swap3A_285, %swap3A_286], %gather3A_35 {strides = array<i32>} : memref<8x4096xf32, #tpu.memory_space<vmem>>, vector<16xf32>,
      %mul3A_288 = arith.constant 7 : i32
      %mul3A_289 = arith.muli %scan3A_200, %mul3A_288 : i32
      %add3A_290 = arith.constant 4 : i32
      %add3A_291 = arith.addi %mul3A_289, %add3A_290 : i32
      %mul3A_292 = arith.constant 16 : i32
      %mul3A_293 = arith.muli %add3A_291, %mul3A_292 : i32
      %swap3A_294 = arith.constant 2 : i32
      %swap3A_295 = arith.index_cast %swap3A_294 : i32 to index
      %swap3A_296 = arith.index_cast %mul3A_293 : i32 to index
      %swap3A_297 = tpu.vector_load %arg5[%swap3A_295, %swap3A_296] {strides = array<i32>} : memref<8x4096xf32, #tpu.memory_space<vmem>>, vector<16xf32>,
      tpu.vector_store %arg5[%swap3A_295, %swap3A_296], %gather3A {strides = array<i32>} : memref<8x4096xf32, #tpu.memory_space<vmem>>, vector<16xf32>,
      %mul3A_298 = arith.constant 7 : i32
      %mul3A_299 = arith.muli %scan3A_200, %mul3A_298 : i32
      %add3A_300 = arith.constant 137 : i32
      %add3A_301 = arith.addi %add3A_300, %mul3A_299 : i32
      %add3A_302 = arith.constant 4 : i32
      %add3A_303 = arith.addi %add3A_301, %add3A_302 : i32
      %mul3A_304 = arith.constant 16 : i32
      %mul3A_305 = arith.muli %add3A_303, %mul3A_304 : i32
      %swap3A_306 = arith.constant 2 : i32
      %swap3A_307 = arith.index_cast %swap3A_306 : i32 to index
      %swap3A_308 = arith.index_cast %mul3A_305 : i32 to index
      %swap3A_309 = tpu.vector_load %arg5[%swap3A_307, %swap3A_308] {strides = array<i32>} : memref<8x4096xf32, #tpu.memory_space<vmem>>, vector<16xf32>,
      tpu.vector_store %arg5[%swap3A_307, %swap3A_308], %gather3A_35 {strides = array<i32>} : memref<8x4096xf32, #tpu.memory_space<vmem>>, vector<16xf32>,
      %mul3A_310 = arith.constant 7 : i32
      %mul3A_311 = arith.muli %scan3A_200, %mul3A_310 : i32
      %add3A_312 = arith.constant 5 : i32
      %add3A_313 = arith.addi %mul3A_311, %add3A_312 : i32
      %mul3A_314 = arith.constant 16 : i32
      %mul3A_315 = arith.muli %add3A_313, %mul3A_314 : i32
      %swap3A_316 = arith.constant 2 : i32
      %swap3A_317 = arith.index_cast %swap3A_316 : i32 to index
      %swap3A_318 = arith.index_cast %mul3A_315 : i32 to index
      %swap3A_319 = tpu.vector_load %arg5[%swap3A_317, %swap3A_318] {strides = array<i32>} : memref<8x4096xf32, #tpu.memory_space<vmem>>, vector<16xf32>,
      tpu.vector_store %arg5[%swap3A_317, %swap3A_318], %gather3A {strides = array<i32>} : memref<8x4096xf32, #tpu.memory_space<vmem>>, vector<16xf32>,
      %mul3A_320 = arith.constant 7 : i32
      %mul3A_321 = arith.muli %scan3A_200, %mul3A_320 : i32
      %add3A_322 = arith.constant 137 : i32
      %add3A_323 = arith.addi %add3A_322, %mul3A_321 : i32
      %add3A_324 = arith.constant 5 : i32
      %add3A_325 = arith.addi %add3A_323, %add3A_324 : i32
      %mul3A_326 = arith.constant 16 : i32
      %mul3A_327 = arith.muli %add3A_325, %mul3A_326 : i32
      %swap3A_328 = arith.constant 2 : i32
      %swap3A_329 = arith.index_cast %swap3A_328 : i32 to index
      %swap3A_330 = arith.index_cast %mul3A_327 : i32 to index
      %swap3A_331 = tpu.vector_load %arg5[%swap3A_329, %swap3A_330] {strides = array<i32>} : memref<8x4096xf32, #tpu.memory_space<vmem>>, vector<16xf32>,
      tpu.vector_store %arg5[%swap3A_329, %swap3A_330], %gather3A_35 {strides = array<i32>} : memref<8x4096xf32, #tpu.memory_space<vmem>>, vector<16xf32>,
      %mul3A_332 = arith.constant 7 : i32
      %mul3A_333 = arith.muli %scan3A_200, %mul3A_332 : i32
      %add3A_334 = arith.constant 6 : i32
      %add3A_335 = arith.addi %mul3A_333, %add3A_334 : i32
      %mul3A_336 = arith.constant 16 : i32
      %mul3A_337 = arith.muli %add3A_335, %mul3A_336 : i32
      %swap3A_338 = arith.constant 2 : i32
      %swap3A_339 = arith.index_cast %swap3A_338 : i32 to index
      %swap3A_340 = arith.index_cast %mul3A_337 : i32 to index
      %swap3A_341 = tpu.vector_load %arg5[%swap3A_339, %swap3A_340] {strides = array<i32>} : memref<8x4096xf32, #tpu.memory_space<vmem>>, vector<16xf32>,
      tpu.vector_store %arg5[%swap3A_339, %swap3A_340], %gather3A {strides = array<i32>} : memref<8x4096xf32, #tpu.memory_space<vmem>>, vector<16xf32>,
      %mul3A_342 = arith.constant 7 : i32
      %mul3A_343 = arith.muli %scan3A_200, %mul3A_342 : i32
      %add3A_344 = arith.constant 137 : i32
      %add3A_345 = arith.addi %add3A_344, %mul3A_343 : i32
      %add3A_346 = arith.constant 6 : i32
      %add3A_347 = arith.addi %add3A_345, %add3A_346 : i32
      %mul3A_348 = arith.constant 16 : i32
      %mul3A_349 = arith.muli %add3A_347, %mul3A_348 : i32
      %swap3A_350 = arith.constant 2 : i32
      %swap3A_351 = arith.index_cast %swap3A_350 : i32 to index
      %swap3A_352 = arith.index_cast %mul3A_349 : i32 to index
      %swap3A_353 = tpu.vector_load %arg5[%swap3A_351, %swap3A_352] {strides = array<i32>} : memref<8x4096xf32, #tpu.memory_space<vmem>>, vector<16xf32>,
      tpu.vector_store %arg5[%swap3A_351, %swap3A_352], %gather3A_35 {strides = array<i32>} : memref<8x4096xf32, #tpu.memory_space<vmem>>, vector<16xf32>,
    }
    %scan3A_64 = arith.constant 17 : i32
    %scan3A_65 = arith.constant 0 : i32
    %scan3A_66 = arith.constant 119 : i32
    %scan3A_67 = arith.constant 18 : i32
    %scan3A_68 = arith.addi %scan3A_66, %scan3A_67 : i32
    %scan3A_69 = arith.constant 1 : i32
    scf.for %scan3A_200 = %scan3A_66 to %scan3A_68 step %scan3A_69  : i32 {
      %mul3A_201 = arith.constant 16 : i32
      %mul3A_202 = arith.muli %scan3A_200, %mul3A_201 : i32
      %add3A_203 = vector.broadcast %mul3A_202 : i32 to vector<16xi32>
      %add3A_204 = arith.addi %add3A_203, %iota3A : vector<16xi32>
      %add3A_205 = arith.constant -2042 : i32
      %add3A_206 = vector.broadcast %add3A_205 : i32 to vector<16xi32>
      %add3A_207 = arith.addi %add3A_204, %add3A_206 : vector<16xi32>
      %jit3A_208 = arith.constant -128 : i32
      %jit3A_209 = arith.constant 128 : i32
      %max3A = vector.broadcast %jit3A_208 : i32 to vector<16xi32>
      %max3A_210 = arith.maxsi %max3A, %add3A_207 : vector<16xi32>
      %min3A = vector.broadcast %jit3A_209 : i32 to vector<16xi32>
      %min3A_211 = arith.minsi %min3A, %max3A_210 : vector<16xi32>
      %add3A_212 = arith.constant 128 : i32
      %add3A_213 = vector.broadcast %add3A_212 : i32 to vector<16xi32>
      %add3A_214 = arith.addi %min3A_211, %add3A_213 : vector<16xi32>
      %gather3A_215 = tpu.vector_load_idx %arg4[%add3A_214, %broadcast_in_dim3A] : memref<257x16xf32, #tpu.memory_space<vmem>>[vector<16xi32>, vector<16xi32>], vector<16xf32>,
      %mul3A_216 = arith.constant 16 : i32
      %mul3A_217 = arith.muli %scan3A_200, %mul3A_216 : i32
      %swap3A = arith.constant 2 : i32
      %swap3A_218 = arith.index_cast %swap3A : i32 to index
      %swap3A_219 = arith.index_cast %mul3A_217 : i32 to index
      %swap3A_220 = tpu.vector_load %arg5[%swap3A_218, %swap3A_219] {strides = array<i32>} : memref<8x4096xf32, #tpu.memory_space<vmem>>, vector<16xf32>,
      tpu.vector_store %arg5[%swap3A_218, %swap3A_219], %gather3A_215 {strides = array<i32>} : memref<8x4096xf32, #tpu.memory_space<vmem>>, vector<16xf32>,
    }
    %scan3A_70 = arith.constant 18 : i32
    %scan3A_71 = arith.constant 0 : i32
    %scan3A_72 = arith.constant 0 : i32
    %scan3A_73 = arith.constant 17 : i32
    %scan3A_74 = arith.addi %scan3A_72, %scan3A_73 : i32
    %scan3A_75 = arith.constant 1 : i32
    scf.for %scan3A_200 = %scan3A_72 to %scan3A_74 step %scan3A_75  : i32 {
      %mul3A_201 = arith.constant 7 : i32
      %mul3A_202 = arith.muli %scan3A_200, %mul3A_201 : i32
      %add3A_203 = arith.constant 0 : i32
      %add3A_204 = arith.addi %mul3A_202, %add3A_203 : i32
      %mul3A_205 = arith.constant 16 : i32
      %mul3A_206 = arith.muli %add3A_204, %mul3A_205 : i32
      %swap3A = arith.constant 3 : i32
      %swap3A_207 = arith.index_cast %swap3A : i32 to index
      %swap3A_208 = arith.index_cast %mul3A_206 : i32 to index
      %swap3A_209 = tpu.vector_load %arg5[%swap3A_207, %swap3A_208] {strides = array<i32>} : memref<8x4096xf32, #tpu.memory_space<vmem>>, vector<16xf32>,
      tpu.vector_store %arg5[%swap3A_207, %swap3A_208], %gather3A {strides = array<i32>} : memref<8x4096xf32, #tpu.memory_space<vmem>>, vector<16xf32>,
      %mul3A_210 = arith.constant 7 : i32
      %mul3A_211 = arith.muli %scan3A_200, %mul3A_210 : i32
      %add3A_212 = arith.constant 137 : i32
      %add3A_213 = arith.addi %add3A_212, %mul3A_211 : i32
      %add3A_214 = arith.constant 0 : i32
      %add3A_215 = arith.addi %add3A_213, %add3A_214 : i32
      %mul3A_216 = arith.constant 16 : i32
      %mul3A_217 = arith.muli %add3A_215, %mul3A_216 : i32
      %swap3A_218 = arith.constant 3 : i32
      %swap3A_219 = arith.index_cast %swap3A_218 : i32 to index
      %swap3A_220 = arith.index_cast %mul3A_217 : i32 to index
      %swap3A_221 = tpu.vector_load %arg5[%swap3A_219, %swap3A_220] {strides = array<i32>} : memref<8x4096xf32, #tpu.memory_space<vmem>>, vector<16xf32>,
      tpu.vector_store %arg5[%swap3A_219, %swap3A_220], %gather3A_35 {strides = array<i32>} : memref<8x4096xf32, #tpu.memory_space<vmem>>, vector<16xf32>,
      %mul3A_222 = arith.constant 7 : i32
      %mul3A_223 = arith.muli %scan3A_200, %mul3A_222 : i32
      %add3A_224 = arith.constant 1 : i32
      %add3A_225 = arith.addi %mul3A_223, %add3A_224 : i32
      %mul3A_226 = arith.constant 16 : i32
      %mul3A_227 = arith.muli %add3A_225, %mul3A_226 : i32
      %swap3A_228 = arith.constant 3 : i32
      %swap3A_229 = arith.index_cast %swap3A_228 : i32 to index
      %swap3A_230 = arith.index_cast %mul3A_227 : i32 to index
      %swap3A_231 = tpu.vector_load %arg5[%swap3A_229, %swap3A_230] {strides = array<i32>} : memref<8x4096xf32, #tpu.memory_space<vmem>>, vector<16xf32>,
      tpu.vector_store %arg5[%swap3A_229, %swap3A_230], %gather3A {strides = array<i32>} : memref<8x4096xf32, #tpu.memory_space<vmem>>, vector<16xf32>,
      %mul3A_232 = arith.constant 7 : i32
      %mul3A_233 = arith.muli %scan3A_200, %mul3A_232 : i32
      %add3A_234 = arith.constant 137 : i32
      %add3A_235 = arith.addi %add3A_234, %mul3A_233 : i32
      %add3A_236 = arith.constant 1 : i32
      %add3A_237 = arith.addi %add3A_235, %add3A_236 : i32
      %mul3A_238 = arith.constant 16 : i32
      %mul3A_239 = arith.muli %add3A_237, %mul3A_238 : i32
      %swap3A_240 = arith.constant 3 : i32
      %swap3A_241 = arith.index_cast %swap3A_240 : i32 to index
      %swap3A_242 = arith.index_cast %mul3A_239 : i32 to index
      %swap3A_243 = tpu.vector_load %arg5[%swap3A_241, %swap3A_242] {strides = array<i32>} : memref<8x4096xf32, #tpu.memory_space<vmem>>, vector<16xf32>,
      tpu.vector_store %arg5[%swap3A_241, %swap3A_242], %gather3A_35 {strides = array<i32>} : memref<8x4096xf32, #tpu.memory_space<vmem>>, vector<16xf32>,
      %mul3A_244 = arith.constant 7 : i32
      %mul3A_245 = arith.muli %scan3A_200, %mul3A_244 : i32
      %add3A_246 = arith.constant 2 : i32
      %add3A_247 = arith.addi %mul3A_245, %add3A_246 : i32
      %mul3A_248 = arith.constant 16 : i32
      %mul3A_249 = arith.muli %add3A_247, %mul3A_248 : i32
      %swap3A_250 = arith.constant 3 : i32
      %swap3A_251 = arith.index_cast %swap3A_250 : i32 to index
      %swap3A_252 = arith.index_cast %mul3A_249 : i32 to index
      %swap3A_253 = tpu.vector_load %arg5[%swap3A_251, %swap3A_252] {strides = array<i32>} : memref<8x4096xf32, #tpu.memory_space<vmem>>, vector<16xf32>,
      tpu.vector_store %arg5[%swap3A_251, %swap3A_252], %gather3A {strides = array<i32>} : memref<8x4096xf32, #tpu.memory_space<vmem>>, vector<16xf32>,
      %mul3A_254 = arith.constant 7 : i32
      %mul3A_255 = arith.muli %scan3A_200, %mul3A_254 : i32
      %add3A_256 = arith.constant 137 : i32
      %add3A_257 = arith.addi %add3A_256, %mul3A_255 : i32
      %add3A_258 = arith.constant 2 : i32
      %add3A_259 = arith.addi %add3A_257, %add3A_258 : i32
      %mul3A_260 = arith.constant 16 : i32
      %mul3A_261 = arith.muli %add3A_259, %mul3A_260 : i32
      %swap3A_262 = arith.constant 3 : i32
      %swap3A_263 = arith.index_cast %swap3A_262 : i32 to index
      %swap3A_264 = arith.index_cast %mul3A_261 : i32 to index
      %swap3A_265 = tpu.vector_load %arg5[%swap3A_263, %swap3A_264] {strides = array<i32>} : memref<8x4096xf32, #tpu.memory_space<vmem>>, vector<16xf32>,
      tpu.vector_store %arg5[%swap3A_263, %swap3A_264], %gather3A_35 {strides = array<i32>} : memref<8x4096xf32, #tpu.memory_space<vmem>>, vector<16xf32>,
      %mul3A_266 = arith.constant 7 : i32
      %mul3A_267 = arith.muli %scan3A_200, %mul3A_266 : i32
      %add3A_268 = arith.constant 3 : i32
      %add3A_269 = arith.addi %mul3A_267, %add3A_268 : i32
      %mul3A_270 = arith.constant 16 : i32
      %mul3A_271 = arith.muli %add3A_269, %mul3A_270 : i32
      %swap3A_272 = arith.constant 3 : i32
      %swap3A_273 = arith.index_cast %swap3A_272 : i32 to index
      %swap3A_274 = arith.index_cast %mul3A_271 : i32 to index
      %swap3A_275 = tpu.vector_load %arg5[%swap3A_273, %swap3A_274] {strides = array<i32>} : memref<8x4096xf32, #tpu.memory_space<vmem>>, vector<16xf32>,
      tpu.vector_store %arg5[%swap3A_273, %swap3A_274], %gather3A {strides = array<i32>} : memref<8x4096xf32, #tpu.memory_space<vmem>>, vector<16xf32>,
      %mul3A_276 = arith.constant 7 : i32
      %mul3A_277 = arith.muli %scan3A_200, %mul3A_276 : i32
      %add3A_278 = arith.constant 137 : i32
      %add3A_279 = arith.addi %add3A_278, %mul3A_277 : i32
      %add3A_280 = arith.constant 3 : i32
      %add3A_281 = arith.addi %add3A_279, %add3A_280 : i32
      %mul3A_282 = arith.constant 16 : i32
      %mul3A_283 = arith.muli %add3A_281, %mul3A_282 : i32
      %swap3A_284 = arith.constant 3 : i32
      %swap3A_285 = arith.index_cast %swap3A_284 : i32 to index
      %swap3A_286 = arith.index_cast %mul3A_283 : i32 to index
      %swap3A_287 = tpu.vector_load %arg5[%swap3A_285, %swap3A_286] {strides = array<i32>} : memref<8x4096xf32, #tpu.memory_space<vmem>>, vector<16xf32>,
      tpu.vector_store %arg5[%swap3A_285, %swap3A_286], %gather3A_35 {strides = array<i32>} : memref<8x4096xf32, #tpu.memory_space<vmem>>, vector<16xf32>,
      %mul3A_288 = arith.constant 7 : i32
      %mul3A_289 = arith.muli %scan3A_200, %mul3A_288 : i32
      %add3A_290 = arith.constant 4 : i32
      %add3A_291 = arith.addi %mul3A_289, %add3A_290 : i32
      %mul3A_292 = arith.constant 16 : i32
      %mul3A_293 = arith.muli %add3A_291, %mul3A_292 : i32
      %swap3A_294 = arith.constant 3 : i32
      %swap3A_295 = arith.index_cast %swap3A_294 : i32 to index
      %swap3A_296 = arith.index_cast %mul3A_293 : i32 to index
      %swap3A_297 = tpu.vector_load %arg5[%swap3A_295, %swap3A_296] {strides = array<i32>} : memref<8x4096xf32, #tpu.memory_space<vmem>>, vector<16xf32>,
      tpu.vector_store %arg5[%swap3A_295, %swap3A_296], %gather3A {strides = array<i32>} : memref<8x4096xf32, #tpu.memory_space<vmem>>, vector<16xf32>,
      %mul3A_298 = arith.constant 7 : i32
      %mul3A_299 = arith.muli %scan3A_200, %mul3A_298 : i32
      %add3A_300 = arith.constant 137 : i32
      %add3A_301 = arith.addi %add3A_300, %mul3A_299 : i32
      %add3A_302 = arith.constant 4 : i32
      %add3A_303 = arith.addi %add3A_301, %add3A_302 : i32
      %mul3A_304 = arith.constant 16 : i32
      %mul3A_305 = arith.muli %add3A_303, %mul3A_304 : i32
      %swap3A_306 = arith.constant 3 : i32
      %swap3A_307 = arith.index_cast %swap3A_306 : i32 to index
      %swap3A_308 = arith.index_cast %mul3A_305 : i32 to index
      %swap3A_309 = tpu.vector_load %arg5[%swap3A_307, %swap3A_308] {strides = array<i32>} : memref<8x4096xf32, #tpu.memory_space<vmem>>, vector<16xf32>,
      tpu.vector_store %arg5[%swap3A_307, %swap3A_308], %gather3A_35 {strides = array<i32>} : memref<8x4096xf32, #tpu.memory_space<vmem>>, vector<16xf32>,
      %mul3A_310 = arith.constant 7 : i32
      %mul3A_311 = arith.muli %scan3A_200, %mul3A_310 : i32
      %add3A_312 = arith.constant 5 : i32
      %add3A_313 = arith.addi %mul3A_311, %add3A_312 : i32
      %mul3A_314 = arith.constant 16 : i32
      %mul3A_315 = arith.muli %add3A_313, %mul3A_314 : i32
      %swap3A_316 = arith.constant 3 : i32
      %swap3A_317 = arith.index_cast %swap3A_316 : i32 to index
      %swap3A_318 = arith.index_cast %mul3A_315 : i32 to index
      %swap3A_319 = tpu.vector_load %arg5[%swap3A_317, %swap3A_318] {strides = array<i32>} : memref<8x4096xf32, #tpu.memory_space<vmem>>, vector<16xf32>,
      tpu.vector_store %arg5[%swap3A_317, %swap3A_318], %gather3A {strides = array<i32>} : memref<8x4096xf32, #tpu.memory_space<vmem>>, vector<16xf32>,
      %mul3A_320 = arith.constant 7 : i32
      %mul3A_321 = arith.muli %scan3A_200, %mul3A_320 : i32
      %add3A_322 = arith.constant 137 : i32
      %add3A_323 = arith.addi %add3A_322, %mul3A_321 : i32
      %add3A_324 = arith.constant 5 : i32
      %add3A_325 = arith.addi %add3A_323, %add3A_324 : i32
      %mul3A_326 = arith.constant 16 : i32
      %mul3A_327 = arith.muli %add3A_325, %mul3A_326 : i32
      %swap3A_328 = arith.constant 3 : i32
      %swap3A_329 = arith.index_cast %swap3A_328 : i32 to index
      %swap3A_330 = arith.index_cast %mul3A_327 : i32 to index
      %swap3A_331 = tpu.vector_load %arg5[%swap3A_329, %swap3A_330] {strides = array<i32>} : memref<8x4096xf32, #tpu.memory_space<vmem>>, vector<16xf32>,
      tpu.vector_store %arg5[%swap3A_329, %swap3A_330], %gather3A_35 {strides = array<i32>} : memref<8x4096xf32, #tpu.memory_space<vmem>>, vector<16xf32>,
      %mul3A_332 = arith.constant 7 : i32
      %mul3A_333 = arith.muli %scan3A_200, %mul3A_332 : i32
      %add3A_334 = arith.constant 6 : i32
      %add3A_335 = arith.addi %mul3A_333, %add3A_334 : i32
      %mul3A_336 = arith.constant 16 : i32
      %mul3A_337 = arith.muli %add3A_335, %mul3A_336 : i32
      %swap3A_338 = arith.constant 3 : i32
      %swap3A_339 = arith.index_cast %swap3A_338 : i32 to index
      %swap3A_340 = arith.index_cast %mul3A_337 : i32 to index
      %swap3A_341 = tpu.vector_load %arg5[%swap3A_339, %swap3A_340] {strides = array<i32>} : memref<8x4096xf32, #tpu.memory_space<vmem>>, vector<16xf32>,
      tpu.vector_store %arg5[%swap3A_339, %swap3A_340], %gather3A {strides = array<i32>} : memref<8x4096xf32, #tpu.memory_space<vmem>>, vector<16xf32>,
      %mul3A_342 = arith.constant 7 : i32
      %mul3A_343 = arith.muli %scan3A_200, %mul3A_342 : i32
      %add3A_344 = arith.constant 137 : i32
      %add3A_345 = arith.addi %add3A_344, %mul3A_343 : i32
      %add3A_346 = arith.constant 6 : i32
      %add3A_347 = arith.addi %add3A_345, %add3A_346 : i32
      %mul3A_348 = arith.constant 16 : i32
      %mul3A_349 = arith.muli %add3A_347, %mul3A_348 : i32
      %swap3A_350 = arith.constant 3 : i32
      %swap3A_351 = arith.index_cast %swap3A_350 : i32 to index
      %swap3A_352 = arith.index_cast %mul3A_349 : i32 to index
      %swap3A_353 = tpu.vector_load %arg5[%swap3A_351, %swap3A_352] {strides = array<i32>} : memref<8x4096xf32, #tpu.memory_space<vmem>>, vector<16xf32>,
      tpu.vector_store %arg5[%swap3A_351, %swap3A_352], %gather3A_35 {strides = array<i32>} : memref<8x4096xf32, #tpu.memory_space<vmem>>, vector<16xf32>,
    }
    %scan3A_76 = arith.constant 17 : i32
    %scan3A_77 = arith.constant 0 : i32
    %scan3A_78 = arith.constant 119 : i32
    %scan3A_79 = arith.constant 18 : i32
    %scan3A_80 = arith.addi %scan3A_78, %scan3A_79 : i32
    %scan3A_81 = arith.constant 1 : i32
    scf.for %scan3A_200 = %scan3A_78 to %scan3A_80 step %scan3A_81  : i32 {
      %mul3A_201 = arith.constant 16 : i32
      %mul3A_202 = arith.muli %scan3A_200, %mul3A_201 : i32
      %add3A_203 = vector.broadcast %mul3A_202 : i32 to vector<16xi32>
      %add3A_204 = arith.addi %add3A_203, %iota3A : vector<16xi32>
      %add3A_205 = arith.constant -2043 : i32
      %add3A_206 = vector.broadcast %add3A_205 : i32 to vector<16xi32>
      %add3A_207 = arith.addi %add3A_204, %add3A_206 : vector<16xi32>
      %jit3A_208 = arith.constant -128 : i32
      %jit3A_209 = arith.constant 128 : i32
      %max3A = vector.broadcast %jit3A_208 : i32 to vector<16xi32>
      %max3A_210 = arith.maxsi %max3A, %add3A_207 : vector<16xi32>
      %min3A = vector.broadcast %jit3A_209 : i32 to vector<16xi32>
      %min3A_211 = arith.minsi %min3A, %max3A_210 : vector<16xi32>
      %add3A_212 = arith.constant 128 : i32
      %add3A_213 = vector.broadcast %add3A_212 : i32 to vector<16xi32>
      %add3A_214 = arith.addi %min3A_211, %add3A_213 : vector<16xi32>
      %gather3A_215 = tpu.vector_load_idx %arg4[%add3A_214, %broadcast_in_dim3A] : memref<257x16xf32, #tpu.memory_space<vmem>>[vector<16xi32>, vector<16xi32>], vector<16xf32>,
      %mul3A_216 = arith.constant 16 : i32
      %mul3A_217 = arith.muli %scan3A_200, %mul3A_216 : i32
      %swap3A = arith.constant 3 : i32
      %swap3A_218 = arith.index_cast %swap3A : i32 to index
      %swap3A_219 = arith.index_cast %mul3A_217 : i32 to index
      %swap3A_220 = tpu.vector_load %arg5[%swap3A_218, %swap3A_219] {strides = array<i32>} : memref<8x4096xf32, #tpu.memory_space<vmem>>, vector<16xf32>,
      tpu.vector_store %arg5[%swap3A_218, %swap3A_219], %gather3A_215 {strides = array<i32>} : memref<8x4096xf32, #tpu.memory_space<vmem>>, vector<16xf32>,
    }
    %scan3A_82 = arith.constant 18 : i32
    %scan3A_83 = arith.constant 0 : i32
    %scan3A_84 = arith.constant 0 : i32
    %scan3A_85 = arith.constant 17 : i32
    %scan3A_86 = arith.addi %scan3A_84, %scan3A_85 : i32
    %scan3A_87 = arith.constant 1 : i32
    scf.for %scan3A_200 = %scan3A_84 to %scan3A_86 step %scan3A_87  : i32 {
      %mul3A_201 = arith.constant 7 : i32
      %mul3A_202 = arith.muli %scan3A_200, %mul3A_201 : i32
      %add3A_203 = arith.constant 0 : i32
      %add3A_204 = arith.addi %mul3A_202, %add3A_203 : i32
      %mul3A_205 = arith.constant 16 : i32
      %mul3A_206 = arith.muli %add3A_204, %mul3A_205 : i32
      %swap3A = arith.constant 4 : i32
      %swap3A_207 = arith.index_cast %swap3A : i32 to index
      %swap3A_208 = arith.index_cast %mul3A_206 : i32 to index
      %swap3A_209 = tpu.vector_load %arg5[%swap3A_207, %swap3A_208] {strides = array<i32>} : memref<8x4096xf32, #tpu.memory_space<vmem>>, vector<16xf32>,
      tpu.vector_store %arg5[%swap3A_207, %swap3A_208], %gather3A {strides = array<i32>} : memref<8x4096xf32, #tpu.memory_space<vmem>>, vector<16xf32>,
      %mul3A_210 = arith.constant 7 : i32
      %mul3A_211 = arith.muli %scan3A_200, %mul3A_210 : i32
      %add3A_212 = arith.constant 137 : i32
      %add3A_213 = arith.addi %add3A_212, %mul3A_211 : i32
      %add3A_214 = arith.constant 0 : i32
      %add3A_215 = arith.addi %add3A_213, %add3A_214 : i32
      %mul3A_216 = arith.constant 16 : i32
      %mul3A_217 = arith.muli %add3A_215, %mul3A_216 : i32
      %swap3A_218 = arith.constant 4 : i32
      %swap3A_219 = arith.index_cast %swap3A_218 : i32 to index
      %swap3A_220 = arith.index_cast %mul3A_217 : i32 to index
      %swap3A_221 = tpu.vector_load %arg5[%swap3A_219, %swap3A_220] {strides = array<i32>} : memref<8x4096xf32, #tpu.memory_space<vmem>>, vector<16xf32>,
      tpu.vector_store %arg5[%swap3A_219, %swap3A_220], %gather3A_35 {strides = array<i32>} : memref<8x4096xf32, #tpu.memory_space<vmem>>, vector<16xf32>,
      %mul3A_222 = arith.constant 7 : i32
      %mul3A_223 = arith.muli %scan3A_200, %mul3A_222 : i32
      %add3A_224 = arith.constant 1 : i32
      %add3A_225 = arith.addi %mul3A_223, %add3A_224 : i32
      %mul3A_226 = arith.constant 16 : i32
      %mul3A_227 = arith.muli %add3A_225, %mul3A_226 : i32
      %swap3A_228 = arith.constant 4 : i32
      %swap3A_229 = arith.index_cast %swap3A_228 : i32 to index
      %swap3A_230 = arith.index_cast %mul3A_227 : i32 to index
      %swap3A_231 = tpu.vector_load %arg5[%swap3A_229, %swap3A_230] {strides = array<i32>} : memref<8x4096xf32, #tpu.memory_space<vmem>>, vector<16xf32>,
      tpu.vector_store %arg5[%swap3A_229, %swap3A_230], %gather3A {strides = array<i32>} : memref<8x4096xf32, #tpu.memory_space<vmem>>, vector<16xf32>,
      %mul3A_232 = arith.constant 7 : i32
      %mul3A_233 = arith.muli %scan3A_200, %mul3A_232 : i32
      %add3A_234 = arith.constant 137 : i32
      %add3A_235 = arith.addi %add3A_234, %mul3A_233 : i32
      %add3A_236 = arith.constant 1 : i32
      %add3A_237 = arith.addi %add3A_235, %add3A_236 : i32
      %mul3A_238 = arith.constant 16 : i32
      %mul3A_239 = arith.muli %add3A_237, %mul3A_238 : i32
      %swap3A_240 = arith.constant 4 : i32
      %swap3A_241 = arith.index_cast %swap3A_240 : i32 to index
      %swap3A_242 = arith.index_cast %mul3A_239 : i32 to index
      %swap3A_243 = tpu.vector_load %arg5[%swap3A_241, %swap3A_242] {strides = array<i32>} : memref<8x4096xf32, #tpu.memory_space<vmem>>, vector<16xf32>,
      tpu.vector_store %arg5[%swap3A_241, %swap3A_242], %gather3A_35 {strides = array<i32>} : memref<8x4096xf32, #tpu.memory_space<vmem>>, vector<16xf32>,
      %mul3A_244 = arith.constant 7 : i32
      %mul3A_245 = arith.muli %scan3A_200, %mul3A_244 : i32
      %add3A_246 = arith.constant 2 : i32
      %add3A_247 = arith.addi %mul3A_245, %add3A_246 : i32
      %mul3A_248 = arith.constant 16 : i32
      %mul3A_249 = arith.muli %add3A_247, %mul3A_248 : i32
      %swap3A_250 = arith.constant 4 : i32
      %swap3A_251 = arith.index_cast %swap3A_250 : i32 to index
      %swap3A_252 = arith.index_cast %mul3A_249 : i32 to index
      %swap3A_253 = tpu.vector_load %arg5[%swap3A_251, %swap3A_252] {strides = array<i32>} : memref<8x4096xf32, #tpu.memory_space<vmem>>, vector<16xf32>,
      tpu.vector_store %arg5[%swap3A_251, %swap3A_252], %gather3A {strides = array<i32>} : memref<8x4096xf32, #tpu.memory_space<vmem>>, vector<16xf32>,
      %mul3A_254 = arith.constant 7 : i32
      %mul3A_255 = arith.muli %scan3A_200, %mul3A_254 : i32
      %add3A_256 = arith.constant 137 : i32
      %add3A_257 = arith.addi %add3A_256, %mul3A_255 : i32
      %add3A_258 = arith.constant 2 : i32
      %add3A_259 = arith.addi %add3A_257, %add3A_258 : i32
      %mul3A_260 = arith.constant 16 : i32
      %mul3A_261 = arith.muli %add3A_259, %mul3A_260 : i32
      %swap3A_262 = arith.constant 4 : i32
      %swap3A_263 = arith.index_cast %swap3A_262 : i32 to index
      %swap3A_264 = arith.index_cast %mul3A_261 : i32 to index
      %swap3A_265 = tpu.vector_load %arg5[%swap3A_263, %swap3A_264] {strides = array<i32>} : memref<8x4096xf32, #tpu.memory_space<vmem>>, vector<16xf32>,
      tpu.vector_store %arg5[%swap3A_263, %swap3A_264], %gather3A_35 {strides = array<i32>} : memref<8x4096xf32, #tpu.memory_space<vmem>>, vector<16xf32>,
      %mul3A_266 = arith.constant 7 : i32
      %mul3A_267 = arith.muli %scan3A_200, %mul3A_266 : i32
      %add3A_268 = arith.constant 3 : i32
      %add3A_269 = arith.addi %mul3A_267, %add3A_268 : i32
      %mul3A_270 = arith.constant 16 : i32
      %mul3A_271 = arith.muli %add3A_269, %mul3A_270 : i32
      %swap3A_272 = arith.constant 4 : i32
      %swap3A_273 = arith.index_cast %swap3A_272 : i32 to index
      %swap3A_274 = arith.index_cast %mul3A_271 : i32 to index
      %swap3A_275 = tpu.vector_load %arg5[%swap3A_273, %swap3A_274] {strides = array<i32>} : memref<8x4096xf32, #tpu.memory_space<vmem>>, vector<16xf32>,
      tpu.vector_store %arg5[%swap3A_273, %swap3A_274], %gather3A {strides = array<i32>} : memref<8x4096xf32, #tpu.memory_space<vmem>>, vector<16xf32>,
      %mul3A_276 = arith.constant 7 : i32
      %mul3A_277 = arith.muli %scan3A_200, %mul3A_276 : i32
      %add3A_278 = arith.constant 137 : i32
      %add3A_279 = arith.addi %add3A_278, %mul3A_277 : i32
      %add3A_280 = arith.constant 3 : i32
      %add3A_281 = arith.addi %add3A_279, %add3A_280 : i32
      %mul3A_282 = arith.constant 16 : i32
      %mul3A_283 = arith.muli %add3A_281, %mul3A_282 : i32
      %swap3A_284 = arith.constant 4 : i32
      %swap3A_285 = arith.index_cast %swap3A_284 : i32 to index
      %swap3A_286 = arith.index_cast %mul3A_283 : i32 to index
      %swap3A_287 = tpu.vector_load %arg5[%swap3A_285, %swap3A_286] {strides = array<i32>} : memref<8x4096xf32, #tpu.memory_space<vmem>>, vector<16xf32>,
      tpu.vector_store %arg5[%swap3A_285, %swap3A_286], %gather3A_35 {strides = array<i32>} : memref<8x4096xf32, #tpu.memory_space<vmem>>, vector<16xf32>,
      %mul3A_288 = arith.constant 7 : i32
      %mul3A_289 = arith.muli %scan3A_200, %mul3A_288 : i32
      %add3A_290 = arith.constant 4 : i32
      %add3A_291 = arith.addi %mul3A_289, %add3A_290 : i32
      %mul3A_292 = arith.constant 16 : i32
      %mul3A_293 = arith.muli %add3A_291, %mul3A_292 : i32
      %swap3A_294 = arith.constant 4 : i32
      %swap3A_295 = arith.index_cast %swap3A_294 : i32 to index
      %swap3A_296 = arith.index_cast %mul3A_293 : i32 to index
      %swap3A_297 = tpu.vector_load %arg5[%swap3A_295, %swap3A_296] {strides = array<i32>} : memref<8x4096xf32, #tpu.memory_space<vmem>>, vector<16xf32>,
      tpu.vector_store %arg5[%swap3A_295, %swap3A_296], %gather3A {strides = array<i32>} : memref<8x4096xf32, #tpu.memory_space<vmem>>, vector<16xf32>,
      %mul3A_298 = arith.constant 7 : i32
      %mul3A_299 = arith.muli %scan3A_200, %mul3A_298 : i32
      %add3A_300 = arith.constant 137 : i32
      %add3A_301 = arith.addi %add3A_300, %mul3A_299 : i32
      %add3A_302 = arith.constant 4 : i32
      %add3A_303 = arith.addi %add3A_301, %add3A_302 : i32
      %mul3A_304 = arith.constant 16 : i32
      %mul3A_305 = arith.muli %add3A_303, %mul3A_304 : i32
      %swap3A_306 = arith.constant 4 : i32
      %swap3A_307 = arith.index_cast %swap3A_306 : i32 to index
      %swap3A_308 = arith.index_cast %mul3A_305 : i32 to index
      %swap3A_309 = tpu.vector_load %arg5[%swap3A_307, %swap3A_308] {strides = array<i32>} : memref<8x4096xf32, #tpu.memory_space<vmem>>, vector<16xf32>,
      tpu.vector_store %arg5[%swap3A_307, %swap3A_308], %gather3A_35 {strides = array<i32>} : memref<8x4096xf32, #tpu.memory_space<vmem>>, vector<16xf32>,
      %mul3A_310 = arith.constant 7 : i32
      %mul3A_311 = arith.muli %scan3A_200, %mul3A_310 : i32
      %add3A_312 = arith.constant 5 : i32
      %add3A_313 = arith.addi %mul3A_311, %add3A_312 : i32
      %mul3A_314 = arith.constant 16 : i32
      %mul3A_315 = arith.muli %add3A_313, %mul3A_314 : i32
      %swap3A_316 = arith.constant 4 : i32
      %swap3A_317 = arith.index_cast %swap3A_316 : i32 to index
      %swap3A_318 = arith.index_cast %mul3A_315 : i32 to index
      %swap3A_319 = tpu.vector_load %arg5[%swap3A_317, %swap3A_318] {strides = array<i32>} : memref<8x4096xf32, #tpu.memory_space<vmem>>, vector<16xf32>,
      tpu.vector_store %arg5[%swap3A_317, %swap3A_318], %gather3A {strides = array<i32>} : memref<8x4096xf32, #tpu.memory_space<vmem>>, vector<16xf32>,
      %mul3A_320 = arith.constant 7 : i32
      %mul3A_321 = arith.muli %scan3A_200, %mul3A_320 : i32
      %add3A_322 = arith.constant 137 : i32
      %add3A_323 = arith.addi %add3A_322, %mul3A_321 : i32
      %add3A_324 = arith.constant 5 : i32
      %add3A_325 = arith.addi %add3A_323, %add3A_324 : i32
      %mul3A_326 = arith.constant 16 : i32
      %mul3A_327 = arith.muli %add3A_325, %mul3A_326 : i32
      %swap3A_328 = arith.constant 4 : i32
      %swap3A_329 = arith.index_cast %swap3A_328 : i32 to index
      %swap3A_330 = arith.index_cast %mul3A_327 : i32 to index
      %swap3A_331 = tpu.vector_load %arg5[%swap3A_329, %swap3A_330] {strides = array<i32>} : memref<8x4096xf32, #tpu.memory_space<vmem>>, vector<16xf32>,
      tpu.vector_store %arg5[%swap3A_329, %swap3A_330], %gather3A_35 {strides = array<i32>} : memref<8x4096xf32, #tpu.memory_space<vmem>>, vector<16xf32>,
      %mul3A_332 = arith.constant 7 : i32
      %mul3A_333 = arith.muli %scan3A_200, %mul3A_332 : i32
      %add3A_334 = arith.constant 6 : i32
      %add3A_335 = arith.addi %mul3A_333, %add3A_334 : i32
      %mul3A_336 = arith.constant 16 : i32
      %mul3A_337 = arith.muli %add3A_335, %mul3A_336 : i32
      %swap3A_338 = arith.constant 4 : i32
      %swap3A_339 = arith.index_cast %swap3A_338 : i32 to index
      %swap3A_340 = arith.index_cast %mul3A_337 : i32 to index
      %swap3A_341 = tpu.vector_load %arg5[%swap3A_339, %swap3A_340] {strides = array<i32>} : memref<8x4096xf32, #tpu.memory_space<vmem>>, vector<16xf32>,
      tpu.vector_store %arg5[%swap3A_339, %swap3A_340], %gather3A {strides = array<i32>} : memref<8x4096xf32, #tpu.memory_space<vmem>>, vector<16xf32>,
      %mul3A_342 = arith.constant 7 : i32
      %mul3A_343 = arith.muli %scan3A_200, %mul3A_342 : i32
      %add3A_344 = arith.constant 137 : i32
      %add3A_345 = arith.addi %add3A_344, %mul3A_343 : i32
      %add3A_346 = arith.constant 6 : i32
      %add3A_347 = arith.addi %add3A_345, %add3A_346 : i32
      %mul3A_348 = arith.constant 16 : i32
      %mul3A_349 = arith.muli %add3A_347, %mul3A_348 : i32
      %swap3A_350 = arith.constant 4 : i32
      %swap3A_351 = arith.index_cast %swap3A_350 : i32 to index
      %swap3A_352 = arith.index_cast %mul3A_349 : i32 to index
      %swap3A_353 = tpu.vector_load %arg5[%swap3A_351, %swap3A_352] {strides = array<i32>} : memref<8x4096xf32, #tpu.memory_space<vmem>>, vector<16xf32>,
      tpu.vector_store %arg5[%swap3A_351, %swap3A_352], %gather3A_35 {strides = array<i32>} : memref<8x4096xf32, #tpu.memory_space<vmem>>, vector<16xf32>,
    }
    %scan3A_88 = arith.constant 17 : i32
    %scan3A_89 = arith.constant 0 : i32
    %scan3A_90 = arith.constant 119 : i32
    %scan3A_91 = arith.constant 18 : i32
    %scan3A_92 = arith.addi %scan3A_90, %scan3A_91 : i32
    %scan3A_93 = arith.constant 1 : i32
    scf.for %scan3A_200 = %scan3A_90 to %scan3A_92 step %scan3A_93  : i32 {
      %mul3A_201 = arith.constant 16 : i32
      %mul3A_202 = arith.muli %scan3A_200, %mul3A_201 : i32
      %add3A_203 = vector.broadcast %mul3A_202 : i32 to vector<16xi32>
      %add3A_204 = arith.addi %add3A_203, %iota3A : vector<16xi32>
      %add3A_205 = arith.constant -2044 : i32
      %add3A_206 = vector.broadcast %add3A_205 : i32 to vector<16xi32>
      %add3A_207 = arith.addi %add3A_204, %add3A_206 : vector<16xi32>
      %jit3A_208 = arith.constant -128 : i32
      %jit3A_209 = arith.constant 128 : i32
      %max3A = vector.broadcast %jit3A_208 : i32 to vector<16xi32>
      %max3A_210 = arith.maxsi %max3A, %add3A_207 : vector<16xi32>
      %min3A = vector.broadcast %jit3A_209 : i32 to vector<16xi32>
      %min3A_211 = arith.minsi %min3A, %max3A_210 : vector<16xi32>
      %add3A_212 = arith.constant 128 : i32
      %add3A_213 = vector.broadcast %add3A_212 : i32 to vector<16xi32>
      %add3A_214 = arith.addi %min3A_211, %add3A_213 : vector<16xi32>
      %gather3A_215 = tpu.vector_load_idx %arg4[%add3A_214, %broadcast_in_dim3A] : memref<257x16xf32, #tpu.memory_space<vmem>>[vector<16xi32>, vector<16xi32>], vector<16xf32>,
      %mul3A_216 = arith.constant 16 : i32
      %mul3A_217 = arith.muli %scan3A_200, %mul3A_216 : i32
      %swap3A = arith.constant 4 : i32
      %swap3A_218 = arith.index_cast %swap3A : i32 to index
      %swap3A_219 = arith.index_cast %mul3A_217 : i32 to index
      %swap3A_220 = tpu.vector_load %arg5[%swap3A_218, %swap3A_219] {strides = array<i32>} : memref<8x4096xf32, #tpu.memory_space<vmem>>, vector<16xf32>,
      tpu.vector_store %arg5[%swap3A_218, %swap3A_219], %gather3A_215 {strides = array<i32>} : memref<8x4096xf32, #tpu.memory_space<vmem>>, vector<16xf32>,
    }
    %scan3A_94 = arith.constant 18 : i32
    %scan3A_95 = arith.constant 0 : i32
    %scan3A_96 = arith.constant 0 : i32
    %scan3A_97 = arith.constant 17 : i32
    %scan3A_98 = arith.addi %scan3A_96, %scan3A_97 : i32
    %scan3A_99 = arith.constant 1 : i32
    scf.for %scan3A_200 = %scan3A_96 to %scan3A_98 step %scan3A_99  : i32 {
      %mul3A_201 = arith.constant 7 : i32
      %mul3A_202 = arith.muli %scan3A_200, %mul3A_201 : i32
      %add3A_203 = arith.constant 0 : i32
      %add3A_204 = arith.addi %mul3A_202, %add3A_203 : i32
      %mul3A_205 = arith.constant 16 : i32
      %mul3A_206 = arith.muli %add3A_204, %mul3A_205 : i32
      %swap3A = arith.constant 5 : i32
      %swap3A_207 = arith.index_cast %swap3A : i32 to index
      %swap3A_208 = arith.index_cast %mul3A_206 : i32 to index
      %swap3A_209 = tpu.vector_load %arg5[%swap3A_207, %swap3A_208] {strides = array<i32>} : memref<8x4096xf32, #tpu.memory_space<vmem>>, vector<16xf32>,
      tpu.vector_store %arg5[%swap3A_207, %swap3A_208], %gather3A {strides = array<i32>} : memref<8x4096xf32, #tpu.memory_space<vmem>>, vector<16xf32>,
      %mul3A_210 = arith.constant 7 : i32
      %mul3A_211 = arith.muli %scan3A_200, %mul3A_210 : i32
      %add3A_212 = arith.constant 137 : i32
      %add3A_213 = arith.addi %add3A_212, %mul3A_211 : i32
      %add3A_214 = arith.constant 0 : i32
      %add3A_215 = arith.addi %add3A_213, %add3A_214 : i32
      %mul3A_216 = arith.constant 16 : i32
      %mul3A_217 = arith.muli %add3A_215, %mul3A_216 : i32
      %swap3A_218 = arith.constant 5 : i32
      %swap3A_219 = arith.index_cast %swap3A_218 : i32 to index
      %swap3A_220 = arith.index_cast %mul3A_217 : i32 to index
      %swap3A_221 = tpu.vector_load %arg5[%swap3A_219, %swap3A_220] {strides = array<i32>} : memref<8x4096xf32, #tpu.memory_space<vmem>>, vector<16xf32>,
      tpu.vector_store %arg5[%swap3A_219, %swap3A_220], %gather3A_35 {strides = array<i32>} : memref<8x4096xf32, #tpu.memory_space<vmem>>, vector<16xf32>,
      %mul3A_222 = arith.constant 7 : i32
      %mul3A_223 = arith.muli %scan3A_200, %mul3A_222 : i32
      %add3A_224 = arith.constant 1 : i32
      %add3A_225 = arith.addi %mul3A_223, %add3A_224 : i32
      %mul3A_226 = arith.constant 16 : i32
      %mul3A_227 = arith.muli %add3A_225, %mul3A_226 : i32
      %swap3A_228 = arith.constant 5 : i32
      %swap3A_229 = arith.index_cast %swap3A_228 : i32 to index
      %swap3A_230 = arith.index_cast %mul3A_227 : i32 to index
      %swap3A_231 = tpu.vector_load %arg5[%swap3A_229, %swap3A_230] {strides = array<i32>} : memref<8x4096xf32, #tpu.memory_space<vmem>>, vector<16xf32>,
      tpu.vector_store %arg5[%swap3A_229, %swap3A_230], %gather3A {strides = array<i32>} : memref<8x4096xf32, #tpu.memory_space<vmem>>, vector<16xf32>,
      %mul3A_232 = arith.constant 7 : i32
      %mul3A_233 = arith.muli %scan3A_200, %mul3A_232 : i32
      %add3A_234 = arith.constant 137 : i32
      %add3A_235 = arith.addi %add3A_234, %mul3A_233 : i32
      %add3A_236 = arith.constant 1 : i32
      %add3A_237 = arith.addi %add3A_235, %add3A_236 : i32
      %mul3A_238 = arith.constant 16 : i32
      %mul3A_239 = arith.muli %add3A_237, %mul3A_238 : i32
      %swap3A_240 = arith.constant 5 : i32
      %swap3A_241 = arith.index_cast %swap3A_240 : i32 to index
      %swap3A_242 = arith.index_cast %mul3A_239 : i32 to index
      %swap3A_243 = tpu.vector_load %arg5[%swap3A_241, %swap3A_242] {strides = array<i32>} : memref<8x4096xf32, #tpu.memory_space<vmem>>, vector<16xf32>,
      tpu.vector_store %arg5[%swap3A_241, %swap3A_242], %gather3A_35 {strides = array<i32>} : memref<8x4096xf32, #tpu.memory_space<vmem>>, vector<16xf32>,
      %mul3A_244 = arith.constant 7 : i32
      %mul3A_245 = arith.muli %scan3A_200, %mul3A_244 : i32
      %add3A_246 = arith.constant 2 : i32
      %add3A_247 = arith.addi %mul3A_245, %add3A_246 : i32
      %mul3A_248 = arith.constant 16 : i32
      %mul3A_249 = arith.muli %add3A_247, %mul3A_248 : i32
      %swap3A_250 = arith.constant 5 : i32
      %swap3A_251 = arith.index_cast %swap3A_250 : i32 to index
      %swap3A_252 = arith.index_cast %mul3A_249 : i32 to index
      %swap3A_253 = tpu.vector_load %arg5[%swap3A_251, %swap3A_252] {strides = array<i32>} : memref<8x4096xf32, #tpu.memory_space<vmem>>, vector<16xf32>,
      tpu.vector_store %arg5[%swap3A_251, %swap3A_252], %gather3A {strides = array<i32>} : memref<8x4096xf32, #tpu.memory_space<vmem>>, vector<16xf32>,
      %mul3A_254 = arith.constant 7 : i32
      %mul3A_255 = arith.muli %scan3A_200, %mul3A_254 : i32
      %add3A_256 = arith.constant 137 : i32
      %add3A_257 = arith.addi %add3A_256, %mul3A_255 : i32
      %add3A_258 = arith.constant 2 : i32
      %add3A_259 = arith.addi %add3A_257, %add3A_258 : i32
      %mul3A_260 = arith.constant 16 : i32
      %mul3A_261 = arith.muli %add3A_259, %mul3A_260 : i32
      %swap3A_262 = arith.constant 5 : i32
      %swap3A_263 = arith.index_cast %swap3A_262 : i32 to index
      %swap3A_264 = arith.index_cast %mul3A_261 : i32 to index
      %swap3A_265 = tpu.vector_load %arg5[%swap3A_263, %swap3A_264] {strides = array<i32>} : memref<8x4096xf32, #tpu.memory_space<vmem>>, vector<16xf32>,
      tpu.vector_store %arg5[%swap3A_263, %swap3A_264], %gather3A_35 {strides = array<i32>} : memref<8x4096xf32, #tpu.memory_space<vmem>>, vector<16xf32>,
      %mul3A_266 = arith.constant 7 : i32
      %mul3A_267 = arith.muli %scan3A_200, %mul3A_266 : i32
      %add3A_268 = arith.constant 3 : i32
      %add3A_269 = arith.addi %mul3A_267, %add3A_268 : i32
      %mul3A_270 = arith.constant 16 : i32
      %mul3A_271 = arith.muli %add3A_269, %mul3A_270 : i32
      %swap3A_272 = arith.constant 5 : i32
      %swap3A_273 = arith.index_cast %swap3A_272 : i32 to index
      %swap3A_274 = arith.index_cast %mul3A_271 : i32 to index
      %swap3A_275 = tpu.vector_load %arg5[%swap3A_273, %swap3A_274] {strides = array<i32>} : memref<8x4096xf32, #tpu.memory_space<vmem>>, vector<16xf32>,
      tpu.vector_store %arg5[%swap3A_273, %swap3A_274], %gather3A {strides = array<i32>} : memref<8x4096xf32, #tpu.memory_space<vmem>>, vector<16xf32>,
      %mul3A_276 = arith.constant 7 : i32
      %mul3A_277 = arith.muli %scan3A_200, %mul3A_276 : i32
      %add3A_278 = arith.constant 137 : i32
      %add3A_279 = arith.addi %add3A_278, %mul3A_277 : i32
      %add3A_280 = arith.constant 3 : i32
      %add3A_281 = arith.addi %add3A_279, %add3A_280 : i32
      %mul3A_282 = arith.constant 16 : i32
      %mul3A_283 = arith.muli %add3A_281, %mul3A_282 : i32
      %swap3A_284 = arith.constant 5 : i32
      %swap3A_285 = arith.index_cast %swap3A_284 : i32 to index
      %swap3A_286 = arith.index_cast %mul3A_283 : i32 to index
      %swap3A_287 = tpu.vector_load %arg5[%swap3A_285, %swap3A_286] {strides = array<i32>} : memref<8x4096xf32, #tpu.memory_space<vmem>>, vector<16xf32>,
      tpu.vector_store %arg5[%swap3A_285, %swap3A_286], %gather3A_35 {strides = array<i32>} : memref<8x4096xf32, #tpu.memory_space<vmem>>, vector<16xf32>,
      %mul3A_288 = arith.constant 7 : i32
      %mul3A_289 = arith.muli %scan3A_200, %mul3A_288 : i32
      %add3A_290 = arith.constant 4 : i32
      %add3A_291 = arith.addi %mul3A_289, %add3A_290 : i32
      %mul3A_292 = arith.constant 16 : i32
      %mul3A_293 = arith.muli %add3A_291, %mul3A_292 : i32
      %swap3A_294 = arith.constant 5 : i32
      %swap3A_295 = arith.index_cast %swap3A_294 : i32 to index
      %swap3A_296 = arith.index_cast %mul3A_293 : i32 to index
      %swap3A_297 = tpu.vector_load %arg5[%swap3A_295, %swap3A_296] {strides = array<i32>} : memref<8x4096xf32, #tpu.memory_space<vmem>>, vector<16xf32>,
      tpu.vector_store %arg5[%swap3A_295, %swap3A_296], %gather3A {strides = array<i32>} : memref<8x4096xf32, #tpu.memory_space<vmem>>, vector<16xf32>,
      %mul3A_298 = arith.constant 7 : i32
      %mul3A_299 = arith.muli %scan3A_200, %mul3A_298 : i32
      %add3A_300 = arith.constant 137 : i32
      %add3A_301 = arith.addi %add3A_300, %mul3A_299 : i32
      %add3A_302 = arith.constant 4 : i32
      %add3A_303 = arith.addi %add3A_301, %add3A_302 : i32
      %mul3A_304 = arith.constant 16 : i32
      %mul3A_305 = arith.muli %add3A_303, %mul3A_304 : i32
      %swap3A_306 = arith.constant 5 : i32
      %swap3A_307 = arith.index_cast %swap3A_306 : i32 to index
      %swap3A_308 = arith.index_cast %mul3A_305 : i32 to index
      %swap3A_309 = tpu.vector_load %arg5[%swap3A_307, %swap3A_308] {strides = array<i32>} : memref<8x4096xf32, #tpu.memory_space<vmem>>, vector<16xf32>,
      tpu.vector_store %arg5[%swap3A_307, %swap3A_308], %gather3A_35 {strides = array<i32>} : memref<8x4096xf32, #tpu.memory_space<vmem>>, vector<16xf32>,
      %mul3A_310 = arith.constant 7 : i32
      %mul3A_311 = arith.muli %scan3A_200, %mul3A_310 : i32
      %add3A_312 = arith.constant 5 : i32
      %add3A_313 = arith.addi %mul3A_311, %add3A_312 : i32
      %mul3A_314 = arith.constant 16 : i32
      %mul3A_315 = arith.muli %add3A_313, %mul3A_314 : i32
      %swap3A_316 = arith.constant 5 : i32
      %swap3A_317 = arith.index_cast %swap3A_316 : i32 to index
      %swap3A_318 = arith.index_cast %mul3A_315 : i32 to index
      %swap3A_319 = tpu.vector_load %arg5[%swap3A_317, %swap3A_318] {strides = array<i32>} : memref<8x4096xf32, #tpu.memory_space<vmem>>, vector<16xf32>,
      tpu.vector_store %arg5[%swap3A_317, %swap3A_318], %gather3A {strides = array<i32>} : memref<8x4096xf32, #tpu.memory_space<vmem>>, vector<16xf32>,
      %mul3A_320 = arith.constant 7 : i32
      %mul3A_321 = arith.muli %scan3A_200, %mul3A_320 : i32
      %add3A_322 = arith.constant 137 : i32
      %add3A_323 = arith.addi %add3A_322, %mul3A_321 : i32
      %add3A_324 = arith.constant 5 : i32
      %add3A_325 = arith.addi %add3A_323, %add3A_324 : i32
      %mul3A_326 = arith.constant 16 : i32
      %mul3A_327 = arith.muli %add3A_325, %mul3A_326 : i32
      %swap3A_328 = arith.constant 5 : i32
      %swap3A_329 = arith.index_cast %swap3A_328 : i32 to index
      %swap3A_330 = arith.index_cast %mul3A_327 : i32 to index
      %swap3A_331 = tpu.vector_load %arg5[%swap3A_329, %swap3A_330] {strides = array<i32>} : memref<8x4096xf32, #tpu.memory_space<vmem>>, vector<16xf32>,
      tpu.vector_store %arg5[%swap3A_329, %swap3A_330], %gather3A_35 {strides = array<i32>} : memref<8x4096xf32, #tpu.memory_space<vmem>>, vector<16xf32>,
      %mul3A_332 = arith.constant 7 : i32
      %mul3A_333 = arith.muli %scan3A_200, %mul3A_332 : i32
      %add3A_334 = arith.constant 6 : i32
      %add3A_335 = arith.addi %mul3A_333, %add3A_334 : i32
      %mul3A_336 = arith.constant 16 : i32
      %mul3A_337 = arith.muli %add3A_335, %mul3A_336 : i32
      %swap3A_338 = arith.constant 5 : i32
      %swap3A_339 = arith.index_cast %swap3A_338 : i32 to index
      %swap3A_340 = arith.index_cast %mul3A_337 : i32 to index
      %swap3A_341 = tpu.vector_load %arg5[%swap3A_339, %swap3A_340] {strides = array<i32>} : memref<8x4096xf32, #tpu.memory_space<vmem>>, vector<16xf32>,
      tpu.vector_store %arg5[%swap3A_339, %swap3A_340], %gather3A {strides = array<i32>} : memref<8x4096xf32, #tpu.memory_space<vmem>>, vector<16xf32>,
      %mul3A_342 = arith.constant 7 : i32
      %mul3A_343 = arith.muli %scan3A_200, %mul3A_342 : i32
      %add3A_344 = arith.constant 137 : i32
      %add3A_345 = arith.addi %add3A_344, %mul3A_343 : i32
      %add3A_346 = arith.constant 6 : i32
      %add3A_347 = arith.addi %add3A_345, %add3A_346 : i32
      %mul3A_348 = arith.constant 16 : i32
      %mul3A_349 = arith.muli %add3A_347, %mul3A_348 : i32
      %swap3A_350 = arith.constant 5 : i32
      %swap3A_351 = arith.index_cast %swap3A_350 : i32 to index
      %swap3A_352 = arith.index_cast %mul3A_349 : i32 to index
      %swap3A_353 = tpu.vector_load %arg5[%swap3A_351, %swap3A_352] {strides = array<i32>} : memref<8x4096xf32, #tpu.memory_space<vmem>>, vector<16xf32>,
      tpu.vector_store %arg5[%swap3A_351, %swap3A_352], %gather3A_35 {strides = array<i32>} : memref<8x4096xf32, #tpu.memory_space<vmem>>, vector<16xf32>,
    }
    %scan3A_100 = arith.constant 17 : i32
    %scan3A_101 = arith.constant 0 : i32
    %scan3A_102 = arith.constant 119 : i32
    %scan3A_103 = arith.constant 18 : i32
    %scan3A_104 = arith.addi %scan3A_102, %scan3A_103 : i32
    %scan3A_105 = arith.constant 1 : i32
    scf.for %scan3A_200 = %scan3A_102 to %scan3A_104 step %scan3A_105  : i32 {
      %mul3A_201 = arith.constant 16 : i32
      %mul3A_202 = arith.muli %scan3A_200, %mul3A_201 : i32
      %add3A_203 = vector.broadcast %mul3A_202 : i32 to vector<16xi32>
      %add3A_204 = arith.addi %add3A_203, %iota3A : vector<16xi32>
      %add3A_205 = arith.constant -2045 : i32
      %add3A_206 = vector.broadcast %add3A_205 : i32 to vector<16xi32>
      %add3A_207 = arith.addi %add3A_204, %add3A_206 : vector<16xi32>
      %jit3A_208 = arith.constant -128 : i32
      %jit3A_209 = arith.constant 128 : i32
      %max3A = vector.broadcast %jit3A_208 : i32 to vector<16xi32>
      %max3A_210 = arith.maxsi %max3A, %add3A_207 : vector<16xi32>
      %min3A = vector.broadcast %jit3A_209 : i32 to vector<16xi32>
      %min3A_211 = arith.minsi %min3A, %max3A_210 : vector<16xi32>
      %add3A_212 = arith.constant 128 : i32
      %add3A_213 = vector.broadcast %add3A_212 : i32 to vector<16xi32>
      %add3A_214 = arith.addi %min3A_211, %add3A_213 : vector<16xi32>
      %gather3A_215 = tpu.vector_load_idx %arg4[%add3A_214, %broadcast_in_dim3A] : memref<257x16xf32, #tpu.memory_space<vmem>>[vector<16xi32>, vector<16xi32>], vector<16xf32>,
      %mul3A_216 = arith.constant 16 : i32
      %mul3A_217 = arith.muli %scan3A_200, %mul3A_216 : i32
      %swap3A = arith.constant 5 : i32
      %swap3A_218 = arith.index_cast %swap3A : i32 to index
      %swap3A_219 = arith.index_cast %mul3A_217 : i32 to index
      %swap3A_220 = tpu.vector_load %arg5[%swap3A_218, %swap3A_219] {strides = array<i32>} : memref<8x4096xf32, #tpu.memory_space<vmem>>, vector<16xf32>,
      tpu.vector_store %arg5[%swap3A_218, %swap3A_219], %gather3A_215 {strides = array<i32>} : memref<8x4096xf32, #tpu.memory_space<vmem>>, vector<16xf32>,
    }
    %scan3A_106 = arith.constant 18 : i32
    %scan3A_107 = arith.constant 0 : i32
    %scan3A_108 = arith.constant 0 : i32
    %scan3A_109 = arith.constant 17 : i32
    %scan3A_110 = arith.addi %scan3A_108, %scan3A_109 : i32
    %scan3A_111 = arith.constant 1 : i32
    scf.for %scan3A_200 = %scan3A_108 to %scan3A_110 step %scan3A_111  : i32 {
      %mul3A_201 = arith.constant 7 : i32
      %mul3A_202 = arith.muli %scan3A_200, %mul3A_201 : i32
      %add3A_203 = arith.constant 0 : i32
      %add3A_204 = arith.addi %mul3A_202, %add3A_203 : i32
      %mul3A_205 = arith.constant 16 : i32
      %mul3A_206 = arith.muli %add3A_204, %mul3A_205 : i32
      %swap3A = arith.constant 6 : i32
      %swap3A_207 = arith.index_cast %swap3A : i32 to index
      %swap3A_208 = arith.index_cast %mul3A_206 : i32 to index
      %swap3A_209 = tpu.vector_load %arg5[%swap3A_207, %swap3A_208] {strides = array<i32>} : memref<8x4096xf32, #tpu.memory_space<vmem>>, vector<16xf32>,
      tpu.vector_store %arg5[%swap3A_207, %swap3A_208], %gather3A {strides = array<i32>} : memref<8x4096xf32, #tpu.memory_space<vmem>>, vector<16xf32>,
      %mul3A_210 = arith.constant 7 : i32
      %mul3A_211 = arith.muli %scan3A_200, %mul3A_210 : i32
      %add3A_212 = arith.constant 137 : i32
      %add3A_213 = arith.addi %add3A_212, %mul3A_211 : i32
      %add3A_214 = arith.constant 0 : i32
      %add3A_215 = arith.addi %add3A_213, %add3A_214 : i32
      %mul3A_216 = arith.constant 16 : i32
      %mul3A_217 = arith.muli %add3A_215, %mul3A_216 : i32
      %swap3A_218 = arith.constant 6 : i32
      %swap3A_219 = arith.index_cast %swap3A_218 : i32 to index
      %swap3A_220 = arith.index_cast %mul3A_217 : i32 to index
      %swap3A_221 = tpu.vector_load %arg5[%swap3A_219, %swap3A_220] {strides = array<i32>} : memref<8x4096xf32, #tpu.memory_space<vmem>>, vector<16xf32>,
      tpu.vector_store %arg5[%swap3A_219, %swap3A_220], %gather3A_35 {strides = array<i32>} : memref<8x4096xf32, #tpu.memory_space<vmem>>, vector<16xf32>,
      %mul3A_222 = arith.constant 7 : i32
      %mul3A_223 = arith.muli %scan3A_200, %mul3A_222 : i32
      %add3A_224 = arith.constant 1 : i32
      %add3A_225 = arith.addi %mul3A_223, %add3A_224 : i32
      %mul3A_226 = arith.constant 16 : i32
      %mul3A_227 = arith.muli %add3A_225, %mul3A_226 : i32
      %swap3A_228 = arith.constant 6 : i32
      %swap3A_229 = arith.index_cast %swap3A_228 : i32 to index
      %swap3A_230 = arith.index_cast %mul3A_227 : i32 to index
      %swap3A_231 = tpu.vector_load %arg5[%swap3A_229, %swap3A_230] {strides = array<i32>} : memref<8x4096xf32, #tpu.memory_space<vmem>>, vector<16xf32>,
      tpu.vector_store %arg5[%swap3A_229, %swap3A_230], %gather3A {strides = array<i32>} : memref<8x4096xf32, #tpu.memory_space<vmem>>, vector<16xf32>,
      %mul3A_232 = arith.constant 7 : i32
      %mul3A_233 = arith.muli %scan3A_200, %mul3A_232 : i32
      %add3A_234 = arith.constant 137 : i32
      %add3A_235 = arith.addi %add3A_234, %mul3A_233 : i32
      %add3A_236 = arith.constant 1 : i32
      %add3A_237 = arith.addi %add3A_235, %add3A_236 : i32
      %mul3A_238 = arith.constant 16 : i32
      %mul3A_239 = arith.muli %add3A_237, %mul3A_238 : i32
      %swap3A_240 = arith.constant 6 : i32
      %swap3A_241 = arith.index_cast %swap3A_240 : i32 to index
      %swap3A_242 = arith.index_cast %mul3A_239 : i32 to index
      %swap3A_243 = tpu.vector_load %arg5[%swap3A_241, %swap3A_242] {strides = array<i32>} : memref<8x4096xf32, #tpu.memory_space<vmem>>, vector<16xf32>,
      tpu.vector_store %arg5[%swap3A_241, %swap3A_242], %gather3A_35 {strides = array<i32>} : memref<8x4096xf32, #tpu.memory_space<vmem>>, vector<16xf32>,
      %mul3A_244 = arith.constant 7 : i32
      %mul3A_245 = arith.muli %scan3A_200, %mul3A_244 : i32
      %add3A_246 = arith.constant 2 : i32
      %add3A_247 = arith.addi %mul3A_245, %add3A_246 : i32
      %mul3A_248 = arith.constant 16 : i32
      %mul3A_249 = arith.muli %add3A_247, %mul3A_248 : i32
      %swap3A_250 = arith.constant 6 : i32
      %swap3A_251 = arith.index_cast %swap3A_250 : i32 to index
      %swap3A_252 = arith.index_cast %mul3A_249 : i32 to index
      %swap3A_253 = tpu.vector_load %arg5[%swap3A_251, %swap3A_252] {strides = array<i32>} : memref<8x4096xf32, #tpu.memory_space<vmem>>, vector<16xf32>,
      tpu.vector_store %arg5[%swap3A_251, %swap3A_252], %gather3A {strides = array<i32>} : memref<8x4096xf32, #tpu.memory_space<vmem>>, vector<16xf32>,
      %mul3A_254 = arith.constant 7 : i32
      %mul3A_255 = arith.muli %scan3A_200, %mul3A_254 : i32
      %add3A_256 = arith.constant 137 : i32
      %add3A_257 = arith.addi %add3A_256, %mul3A_255 : i32
      %add3A_258 = arith.constant 2 : i32
      %add3A_259 = arith.addi %add3A_257, %add3A_258 : i32
      %mul3A_260 = arith.constant 16 : i32
      %mul3A_261 = arith.muli %add3A_259, %mul3A_260 : i32
      %swap3A_262 = arith.constant 6 : i32
      %swap3A_263 = arith.index_cast %swap3A_262 : i32 to index
      %swap3A_264 = arith.index_cast %mul3A_261 : i32 to index
      %swap3A_265 = tpu.vector_load %arg5[%swap3A_263, %swap3A_264] {strides = array<i32>} : memref<8x4096xf32, #tpu.memory_space<vmem>>, vector<16xf32>,
      tpu.vector_store %arg5[%swap3A_263, %swap3A_264], %gather3A_35 {strides = array<i32>} : memref<8x4096xf32, #tpu.memory_space<vmem>>, vector<16xf32>,
      %mul3A_266 = arith.constant 7 : i32
      %mul3A_267 = arith.muli %scan3A_200, %mul3A_266 : i32
      %add3A_268 = arith.constant 3 : i32
      %add3A_269 = arith.addi %mul3A_267, %add3A_268 : i32
      %mul3A_270 = arith.constant 16 : i32
      %mul3A_271 = arith.muli %add3A_269, %mul3A_270 : i32
      %swap3A_272 = arith.constant 6 : i32
      %swap3A_273 = arith.index_cast %swap3A_272 : i32 to index
      %swap3A_274 = arith.index_cast %mul3A_271 : i32 to index
      %swap3A_275 = tpu.vector_load %arg5[%swap3A_273, %swap3A_274] {strides = array<i32>} : memref<8x4096xf32, #tpu.memory_space<vmem>>, vector<16xf32>,
      tpu.vector_store %arg5[%swap3A_273, %swap3A_274], %gather3A {strides = array<i32>} : memref<8x4096xf32, #tpu.memory_space<vmem>>, vector<16xf32>,
      %mul3A_276 = arith.constant 7 : i32
      %mul3A_277 = arith.muli %scan3A_200, %mul3A_276 : i32
      %add3A_278 = arith.constant 137 : i32
      %add3A_279 = arith.addi %add3A_278, %mul3A_277 : i32
      %add3A_280 = arith.constant 3 : i32
      %add3A_281 = arith.addi %add3A_279, %add3A_280 : i32
      %mul3A_282 = arith.constant 16 : i32
      %mul3A_283 = arith.muli %add3A_281, %mul3A_282 : i32
      %swap3A_284 = arith.constant 6 : i32
      %swap3A_285 = arith.index_cast %swap3A_284 : i32 to index
      %swap3A_286 = arith.index_cast %mul3A_283 : i32 to index
      %swap3A_287 = tpu.vector_load %arg5[%swap3A_285, %swap3A_286] {strides = array<i32>} : memref<8x4096xf32, #tpu.memory_space<vmem>>, vector<16xf32>,
      tpu.vector_store %arg5[%swap3A_285, %swap3A_286], %gather3A_35 {strides = array<i32>} : memref<8x4096xf32, #tpu.memory_space<vmem>>, vector<16xf32>,
      %mul3A_288 = arith.constant 7 : i32
      %mul3A_289 = arith.muli %scan3A_200, %mul3A_288 : i32
      %add3A_290 = arith.constant 4 : i32
      %add3A_291 = arith.addi %mul3A_289, %add3A_290 : i32
      %mul3A_292 = arith.constant 16 : i32
      %mul3A_293 = arith.muli %add3A_291, %mul3A_292 : i32
      %swap3A_294 = arith.constant 6 : i32
      %swap3A_295 = arith.index_cast %swap3A_294 : i32 to index
      %swap3A_296 = arith.index_cast %mul3A_293 : i32 to index
      %swap3A_297 = tpu.vector_load %arg5[%swap3A_295, %swap3A_296] {strides = array<i32>} : memref<8x4096xf32, #tpu.memory_space<vmem>>, vector<16xf32>,
      tpu.vector_store %arg5[%swap3A_295, %swap3A_296], %gather3A {strides = array<i32>} : memref<8x4096xf32, #tpu.memory_space<vmem>>, vector<16xf32>,
      %mul3A_298 = arith.constant 7 : i32
      %mul3A_299 = arith.muli %scan3A_200, %mul3A_298 : i32
      %add3A_300 = arith.constant 137 : i32
      %add3A_301 = arith.addi %add3A_300, %mul3A_299 : i32
      %add3A_302 = arith.constant 4 : i32
      %add3A_303 = arith.addi %add3A_301, %add3A_302 : i32
      %mul3A_304 = arith.constant 16 : i32
      %mul3A_305 = arith.muli %add3A_303, %mul3A_304 : i32
      %swap3A_306 = arith.constant 6 : i32
      %swap3A_307 = arith.index_cast %swap3A_306 : i32 to index
      %swap3A_308 = arith.index_cast %mul3A_305 : i32 to index
      %swap3A_309 = tpu.vector_load %arg5[%swap3A_307, %swap3A_308] {strides = array<i32>} : memref<8x4096xf32, #tpu.memory_space<vmem>>, vector<16xf32>,
      tpu.vector_store %arg5[%swap3A_307, %swap3A_308], %gather3A_35 {strides = array<i32>} : memref<8x4096xf32, #tpu.memory_space<vmem>>, vector<16xf32>,
      %mul3A_310 = arith.constant 7 : i32
      %mul3A_311 = arith.muli %scan3A_200, %mul3A_310 : i32
      %add3A_312 = arith.constant 5 : i32
      %add3A_313 = arith.addi %mul3A_311, %add3A_312 : i32
      %mul3A_314 = arith.constant 16 : i32
      %mul3A_315 = arith.muli %add3A_313, %mul3A_314 : i32
      %swap3A_316 = arith.constant 6 : i32
      %swap3A_317 = arith.index_cast %swap3A_316 : i32 to index
      %swap3A_318 = arith.index_cast %mul3A_315 : i32 to index
      %swap3A_319 = tpu.vector_load %arg5[%swap3A_317, %swap3A_318] {strides = array<i32>} : memref<8x4096xf32, #tpu.memory_space<vmem>>, vector<16xf32>,
      tpu.vector_store %arg5[%swap3A_317, %swap3A_318], %gather3A {strides = array<i32>} : memref<8x4096xf32, #tpu.memory_space<vmem>>, vector<16xf32>,
      %mul3A_320 = arith.constant 7 : i32
      %mul3A_321 = arith.muli %scan3A_200, %mul3A_320 : i32
      %add3A_322 = arith.constant 137 : i32
      %add3A_323 = arith.addi %add3A_322, %mul3A_321 : i32
      %add3A_324 = arith.constant 5 : i32
      %add3A_325 = arith.addi %add3A_323, %add3A_324 : i32
      %mul3A_326 = arith.constant 16 : i32
      %mul3A_327 = arith.muli %add3A_325, %mul3A_326 : i32
      %swap3A_328 = arith.constant 6 : i32
      %swap3A_329 = arith.index_cast %swap3A_328 : i32 to index
      %swap3A_330 = arith.index_cast %mul3A_327 : i32 to index
      %swap3A_331 = tpu.vector_load %arg5[%swap3A_329, %swap3A_330] {strides = array<i32>} : memref<8x4096xf32, #tpu.memory_space<vmem>>, vector<16xf32>,
      tpu.vector_store %arg5[%swap3A_329, %swap3A_330], %gather3A_35 {strides = array<i32>} : memref<8x4096xf32, #tpu.memory_space<vmem>>, vector<16xf32>,
      %mul3A_332 = arith.constant 7 : i32
      %mul3A_333 = arith.muli %scan3A_200, %mul3A_332 : i32
      %add3A_334 = arith.constant 6 : i32
      %add3A_335 = arith.addi %mul3A_333, %add3A_334 : i32
      %mul3A_336 = arith.constant 16 : i32
      %mul3A_337 = arith.muli %add3A_335, %mul3A_336 : i32
      %swap3A_338 = arith.constant 6 : i32
      %swap3A_339 = arith.index_cast %swap3A_338 : i32 to index
      %swap3A_340 = arith.index_cast %mul3A_337 : i32 to index
      %swap3A_341 = tpu.vector_load %arg5[%swap3A_339, %swap3A_340] {strides = array<i32>} : memref<8x4096xf32, #tpu.memory_space<vmem>>, vector<16xf32>,
      tpu.vector_store %arg5[%swap3A_339, %swap3A_340], %gather3A {strides = array<i32>} : memref<8x4096xf32, #tpu.memory_space<vmem>>, vector<16xf32>,
      %mul3A_342 = arith.constant 7 : i32
      %mul3A_343 = arith.muli %scan3A_200, %mul3A_342 : i32
      %add3A_344 = arith.constant 137 : i32
      %add3A_345 = arith.addi %add3A_344, %mul3A_343 : i32
      %add3A_346 = arith.constant 6 : i32
      %add3A_347 = arith.addi %add3A_345, %add3A_346 : i32
      %mul3A_348 = arith.constant 16 : i32
      %mul3A_349 = arith.muli %add3A_347, %mul3A_348 : i32
      %swap3A_350 = arith.constant 6 : i32
      %swap3A_351 = arith.index_cast %swap3A_350 : i32 to index
      %swap3A_352 = arith.index_cast %mul3A_349 : i32 to index
      %swap3A_353 = tpu.vector_load %arg5[%swap3A_351, %swap3A_352] {strides = array<i32>} : memref<8x4096xf32, #tpu.memory_space<vmem>>, vector<16xf32>,
      tpu.vector_store %arg5[%swap3A_351, %swap3A_352], %gather3A_35 {strides = array<i32>} : memref<8x4096xf32, #tpu.memory_space<vmem>>, vector<16xf32>,
    }
    %scan3A_112 = arith.constant 17 : i32
    %scan3A_113 = arith.constant 0 : i32
    %scan3A_114 = arith.constant 119 : i32
    %scan3A_115 = arith.constant 18 : i32
    %scan3A_116 = arith.addi %scan3A_114, %scan3A_115 : i32
    %scan3A_117 = arith.constant 1 : i32
    scf.for %scan3A_200 = %scan3A_114 to %scan3A_116 step %scan3A_117  : i32 {
      %mul3A_201 = arith.constant 16 : i32
      %mul3A_202 = arith.muli %scan3A_200, %mul3A_201 : i32
      %add3A_203 = vector.broadcast %mul3A_202 : i32 to vector<16xi32>
      %add3A_204 = arith.addi %add3A_203, %iota3A : vector<16xi32>
      %add3A_205 = arith.constant -2046 : i32
      %add3A_206 = vector.broadcast %add3A_205 : i32 to vector<16xi32>
      %add3A_207 = arith.addi %add3A_204, %add3A_206 : vector<16xi32>
      %jit3A_208 = arith.constant -128 : i32
      %jit3A_209 = arith.constant 128 : i32
      %max3A = vector.broadcast %jit3A_208 : i32 to vector<16xi32>
      %max3A_210 = arith.maxsi %max3A, %add3A_207 : vector<16xi32>
      %min3A = vector.broadcast %jit3A_209 : i32 to vector<16xi32>
      %min3A_211 = arith.minsi %min3A, %max3A_210 : vector<16xi32>
      %add3A_212 = arith.constant 128 : i32
      %add3A_213 = vector.broadcast %add3A_212 : i32 to vector<16xi32>
      %add3A_214 = arith.addi %min3A_211, %add3A_213 : vector<16xi32>
      %gather3A_215 = tpu.vector_load_idx %arg4[%add3A_214, %broadcast_in_dim3A] : memref<257x16xf32, #tpu.memory_space<vmem>>[vector<16xi32>, vector<16xi32>], vector<16xf32>,
      %mul3A_216 = arith.constant 16 : i32
      %mul3A_217 = arith.muli %scan3A_200, %mul3A_216 : i32
      %swap3A = arith.constant 6 : i32
      %swap3A_218 = arith.index_cast %swap3A : i32 to index
      %swap3A_219 = arith.index_cast %mul3A_217 : i32 to index
      %swap3A_220 = tpu.vector_load %arg5[%swap3A_218, %swap3A_219] {strides = array<i32>} : memref<8x4096xf32, #tpu.memory_space<vmem>>, vector<16xf32>,
      tpu.vector_store %arg5[%swap3A_218, %swap3A_219], %gather3A_215 {strides = array<i32>} : memref<8x4096xf32, #tpu.memory_space<vmem>>, vector<16xf32>,
    }
    %scan3A_118 = arith.constant 18 : i32
    %scan3A_119 = arith.constant 0 : i32
    %scan3A_120 = arith.constant 0 : i32
    %scan3A_121 = arith.constant 17 : i32
    %scan3A_122 = arith.addi %scan3A_120, %scan3A_121 : i32
    %scan3A_123 = arith.constant 1 : i32
    scf.for %scan3A_200 = %scan3A_120 to %scan3A_122 step %scan3A_123  : i32 {
      %mul3A_201 = arith.constant 7 : i32
      %mul3A_202 = arith.muli %scan3A_200, %mul3A_201 : i32
      %add3A_203 = arith.constant 0 : i32
      %add3A_204 = arith.addi %mul3A_202, %add3A_203 : i32
      %mul3A_205 = arith.constant 16 : i32
      %mul3A_206 = arith.muli %add3A_204, %mul3A_205 : i32
      %swap3A = arith.constant 7 : i32
      %swap3A_207 = arith.index_cast %swap3A : i32 to index
      %swap3A_208 = arith.index_cast %mul3A_206 : i32 to index
      %swap3A_209 = tpu.vector_load %arg5[%swap3A_207, %swap3A_208] {strides = array<i32>} : memref<8x4096xf32, #tpu.memory_space<vmem>>, vector<16xf32>,
      tpu.vector_store %arg5[%swap3A_207, %swap3A_208], %gather3A {strides = array<i32>} : memref<8x4096xf32, #tpu.memory_space<vmem>>, vector<16xf32>,
      %mul3A_210 = arith.constant 7 : i32
      %mul3A_211 = arith.muli %scan3A_200, %mul3A_210 : i32
      %add3A_212 = arith.constant 137 : i32
      %add3A_213 = arith.addi %add3A_212, %mul3A_211 : i32
      %add3A_214 = arith.constant 0 : i32
      %add3A_215 = arith.addi %add3A_213, %add3A_214 : i32
      %mul3A_216 = arith.constant 16 : i32
      %mul3A_217 = arith.muli %add3A_215, %mul3A_216 : i32
      %swap3A_218 = arith.constant 7 : i32
      %swap3A_219 = arith.index_cast %swap3A_218 : i32 to index
      %swap3A_220 = arith.index_cast %mul3A_217 : i32 to index
      %swap3A_221 = tpu.vector_load %arg5[%swap3A_219, %swap3A_220] {strides = array<i32>} : memref<8x4096xf32, #tpu.memory_space<vmem>>, vector<16xf32>,
      tpu.vector_store %arg5[%swap3A_219, %swap3A_220], %gather3A_35 {strides = array<i32>} : memref<8x4096xf32, #tpu.memory_space<vmem>>, vector<16xf32>,
      %mul3A_222 = arith.constant 7 : i32
      %mul3A_223 = arith.muli %scan3A_200, %mul3A_222 : i32
      %add3A_224 = arith.constant 1 : i32
      %add3A_225 = arith.addi %mul3A_223, %add3A_224 : i32
      %mul3A_226 = arith.constant 16 : i32
      %mul3A_227 = arith.muli %add3A_225, %mul3A_226 : i32
      %swap3A_228 = arith.constant 7 : i32
      %swap3A_229 = arith.index_cast %swap3A_228 : i32 to index
      %swap3A_230 = arith.index_cast %mul3A_227 : i32 to index
      %swap3A_231 = tpu.vector_load %arg5[%swap3A_229, %swap3A_230] {strides = array<i32>} : memref<8x4096xf32, #tpu.memory_space<vmem>>, vector<16xf32>,
      tpu.vector_store %arg5[%swap3A_229, %swap3A_230], %gather3A {strides = array<i32>} : memref<8x4096xf32, #tpu.memory_space<vmem>>, vector<16xf32>,
      %mul3A_232 = arith.constant 7 : i32
      %mul3A_233 = arith.muli %scan3A_200, %mul3A_232 : i32
      %add3A_234 = arith.constant 137 : i32
      %add3A_235 = arith.addi %add3A_234, %mul3A_233 : i32
      %add3A_236 = arith.constant 1 : i32
      %add3A_237 = arith.addi %add3A_235, %add3A_236 : i32
      %mul3A_238 = arith.constant 16 : i32
      %mul3A_239 = arith.muli %add3A_237, %mul3A_238 : i32
      %swap3A_240 = arith.constant 7 : i32
      %swap3A_241 = arith.index_cast %swap3A_240 : i32 to index
      %swap3A_242 = arith.index_cast %mul3A_239 : i32 to index
      %swap3A_243 = tpu.vector_load %arg5[%swap3A_241, %swap3A_242] {strides = array<i32>} : memref<8x4096xf32, #tpu.memory_space<vmem>>, vector<16xf32>,
      tpu.vector_store %arg5[%swap3A_241, %swap3A_242], %gather3A_35 {strides = array<i32>} : memref<8x4096xf32, #tpu.memory_space<vmem>>, vector<16xf32>,
      %mul3A_244 = arith.constant 7 : i32
      %mul3A_245 = arith.muli %scan3A_200, %mul3A_244 : i32
      %add3A_246 = arith.constant 2 : i32
      %add3A_247 = arith.addi %mul3A_245, %add3A_246 : i32
      %mul3A_248 = arith.constant 16 : i32
      %mul3A_249 = arith.muli %add3A_247, %mul3A_248 : i32
      %swap3A_250 = arith.constant 7 : i32
      %swap3A_251 = arith.index_cast %swap3A_250 : i32 to index
      %swap3A_252 = arith.index_cast %mul3A_249 : i32 to index
      %swap3A_253 = tpu.vector_load %arg5[%swap3A_251, %swap3A_252] {strides = array<i32>} : memref<8x4096xf32, #tpu.memory_space<vmem>>, vector<16xf32>,
      tpu.vector_store %arg5[%swap3A_251, %swap3A_252], %gather3A {strides = array<i32>} : memref<8x4096xf32, #tpu.memory_space<vmem>>, vector<16xf32>,
      %mul3A_254 = arith.constant 7 : i32
      %mul3A_255 = arith.muli %scan3A_200, %mul3A_254 : i32
      %add3A_256 = arith.constant 137 : i32
      %add3A_257 = arith.addi %add3A_256, %mul3A_255 : i32
      %add3A_258 = arith.constant 2 : i32
      %add3A_259 = arith.addi %add3A_257, %add3A_258 : i32
      %mul3A_260 = arith.constant 16 : i32
      %mul3A_261 = arith.muli %add3A_259, %mul3A_260 : i32
      %swap3A_262 = arith.constant 7 : i32
      %swap3A_263 = arith.index_cast %swap3A_262 : i32 to index
      %swap3A_264 = arith.index_cast %mul3A_261 : i32 to index
      %swap3A_265 = tpu.vector_load %arg5[%swap3A_263, %swap3A_264] {strides = array<i32>} : memref<8x4096xf32, #tpu.memory_space<vmem>>, vector<16xf32>,
      tpu.vector_store %arg5[%swap3A_263, %swap3A_264], %gather3A_35 {strides = array<i32>} : memref<8x4096xf32, #tpu.memory_space<vmem>>, vector<16xf32>,
      %mul3A_266 = arith.constant 7 : i32
      %mul3A_267 = arith.muli %scan3A_200, %mul3A_266 : i32
      %add3A_268 = arith.constant 3 : i32
      %add3A_269 = arith.addi %mul3A_267, %add3A_268 : i32
      %mul3A_270 = arith.constant 16 : i32
      %mul3A_271 = arith.muli %add3A_269, %mul3A_270 : i32
      %swap3A_272 = arith.constant 7 : i32
      %swap3A_273 = arith.index_cast %swap3A_272 : i32 to index
      %swap3A_274 = arith.index_cast %mul3A_271 : i32 to index
      %swap3A_275 = tpu.vector_load %arg5[%swap3A_273, %swap3A_274] {strides = array<i32>} : memref<8x4096xf32, #tpu.memory_space<vmem>>, vector<16xf32>,
      tpu.vector_store %arg5[%swap3A_273, %swap3A_274], %gather3A {strides = array<i32>} : memref<8x4096xf32, #tpu.memory_space<vmem>>, vector<16xf32>,
      %mul3A_276 = arith.constant 7 : i32
      %mul3A_277 = arith.muli %scan3A_200, %mul3A_276 : i32
      %add3A_278 = arith.constant 137 : i32
      %add3A_279 = arith.addi %add3A_278, %mul3A_277 : i32
      %add3A_280 = arith.constant 3 : i32
      %add3A_281 = arith.addi %add3A_279, %add3A_280 : i32
      %mul3A_282 = arith.constant 16 : i32
      %mul3A_283 = arith.muli %add3A_281, %mul3A_282 : i32
      %swap3A_284 = arith.constant 7 : i32
      %swap3A_285 = arith.index_cast %swap3A_284 : i32 to index
      %swap3A_286 = arith.index_cast %mul3A_283 : i32 to index
      %swap3A_287 = tpu.vector_load %arg5[%swap3A_285, %swap3A_286] {strides = array<i32>} : memref<8x4096xf32, #tpu.memory_space<vmem>>, vector<16xf32>,
      tpu.vector_store %arg5[%swap3A_285, %swap3A_286], %gather3A_35 {strides = array<i32>} : memref<8x4096xf32, #tpu.memory_space<vmem>>, vector<16xf32>,
      %mul3A_288 = arith.constant 7 : i32
      %mul3A_289 = arith.muli %scan3A_200, %mul3A_288 : i32
      %add3A_290 = arith.constant 4 : i32
      %add3A_291 = arith.addi %mul3A_289, %add3A_290 : i32
      %mul3A_292 = arith.constant 16 : i32
      %mul3A_293 = arith.muli %add3A_291, %mul3A_292 : i32
      %swap3A_294 = arith.constant 7 : i32
      %swap3A_295 = arith.index_cast %swap3A_294 : i32 to index
      %swap3A_296 = arith.index_cast %mul3A_293 : i32 to index
      %swap3A_297 = tpu.vector_load %arg5[%swap3A_295, %swap3A_296] {strides = array<i32>} : memref<8x4096xf32, #tpu.memory_space<vmem>>, vector<16xf32>,
      tpu.vector_store %arg5[%swap3A_295, %swap3A_296], %gather3A {strides = array<i32>} : memref<8x4096xf32, #tpu.memory_space<vmem>>, vector<16xf32>,
      %mul3A_298 = arith.constant 7 : i32
      %mul3A_299 = arith.muli %scan3A_200, %mul3A_298 : i32
      %add3A_300 = arith.constant 137 : i32
      %add3A_301 = arith.addi %add3A_300, %mul3A_299 : i32
      %add3A_302 = arith.constant 4 : i32
      %add3A_303 = arith.addi %add3A_301, %add3A_302 : i32
      %mul3A_304 = arith.constant 16 : i32
      %mul3A_305 = arith.muli %add3A_303, %mul3A_304 : i32
      %swap3A_306 = arith.constant 7 : i32
      %swap3A_307 = arith.index_cast %swap3A_306 : i32 to index
      %swap3A_308 = arith.index_cast %mul3A_305 : i32 to index
      %swap3A_309 = tpu.vector_load %arg5[%swap3A_307, %swap3A_308] {strides = array<i32>} : memref<8x4096xf32, #tpu.memory_space<vmem>>, vector<16xf32>,
      tpu.vector_store %arg5[%swap3A_307, %swap3A_308], %gather3A_35 {strides = array<i32>} : memref<8x4096xf32, #tpu.memory_space<vmem>>, vector<16xf32>,
      %mul3A_310 = arith.constant 7 : i32
      %mul3A_311 = arith.muli %scan3A_200, %mul3A_310 : i32
      %add3A_312 = arith.constant 5 : i32
      %add3A_313 = arith.addi %mul3A_311, %add3A_312 : i32
      %mul3A_314 = arith.constant 16 : i32
      %mul3A_315 = arith.muli %add3A_313, %mul3A_314 : i32
      %swap3A_316 = arith.constant 7 : i32
      %swap3A_317 = arith.index_cast %swap3A_316 : i32 to index
      %swap3A_318 = arith.index_cast %mul3A_315 : i32 to index
      %swap3A_319 = tpu.vector_load %arg5[%swap3A_317, %swap3A_318] {strides = array<i32>} : memref<8x4096xf32, #tpu.memory_space<vmem>>, vector<16xf32>,
      tpu.vector_store %arg5[%swap3A_317, %swap3A_318], %gather3A {strides = array<i32>} : memref<8x4096xf32, #tpu.memory_space<vmem>>, vector<16xf32>,
      %mul3A_320 = arith.constant 7 : i32
      %mul3A_321 = arith.muli %scan3A_200, %mul3A_320 : i32
      %add3A_322 = arith.constant 137 : i32
      %add3A_323 = arith.addi %add3A_322, %mul3A_321 : i32
      %add3A_324 = arith.constant 5 : i32
      %add3A_325 = arith.addi %add3A_323, %add3A_324 : i32
      %mul3A_326 = arith.constant 16 : i32
      %mul3A_327 = arith.muli %add3A_325, %mul3A_326 : i32
      %swap3A_328 = arith.constant 7 : i32
      %swap3A_329 = arith.index_cast %swap3A_328 : i32 to index
      %swap3A_330 = arith.index_cast %mul3A_327 : i32 to index
      %swap3A_331 = tpu.vector_load %arg5[%swap3A_329, %swap3A_330] {strides = array<i32>} : memref<8x4096xf32, #tpu.memory_space<vmem>>, vector<16xf32>,
      tpu.vector_store %arg5[%swap3A_329, %swap3A_330], %gather3A_35 {strides = array<i32>} : memref<8x4096xf32, #tpu.memory_space<vmem>>, vector<16xf32>,
      %mul3A_332 = arith.constant 7 : i32
      %mul3A_333 = arith.muli %scan3A_200, %mul3A_332 : i32
      %add3A_334 = arith.constant 6 : i32
      %add3A_335 = arith.addi %mul3A_333, %add3A_334 : i32
      %mul3A_336 = arith.constant 16 : i32
      %mul3A_337 = arith.muli %add3A_335, %mul3A_336 : i32
      %swap3A_338 = arith.constant 7 : i32
      %swap3A_339 = arith.index_cast %swap3A_338 : i32 to index
      %swap3A_340 = arith.index_cast %mul3A_337 : i32 to index
      %swap3A_341 = tpu.vector_load %arg5[%swap3A_339, %swap3A_340] {strides = array<i32>} : memref<8x4096xf32, #tpu.memory_space<vmem>>, vector<16xf32>,
      tpu.vector_store %arg5[%swap3A_339, %swap3A_340], %gather3A {strides = array<i32>} : memref<8x4096xf32, #tpu.memory_space<vmem>>, vector<16xf32>,
      %mul3A_342 = arith.constant 7 : i32
      %mul3A_343 = arith.muli %scan3A_200, %mul3A_342 : i32
      %add3A_344 = arith.constant 137 : i32
      %add3A_345 = arith.addi %add3A_344, %mul3A_343 : i32
      %add3A_346 = arith.constant 6 : i32
      %add3A_347 = arith.addi %add3A_345, %add3A_346 : i32
      %mul3A_348 = arith.constant 16 : i32
      %mul3A_349 = arith.muli %add3A_347, %mul3A_348 : i32
      %swap3A_350 = arith.constant 7 : i32
      %swap3A_351 = arith.index_cast %swap3A_350 : i32 to index
      %swap3A_352 = arith.index_cast %mul3A_349 : i32 to index
      %swap3A_353 = tpu.vector_load %arg5[%swap3A_351, %swap3A_352] {strides = array<i32>} : memref<8x4096xf32, #tpu.memory_space<vmem>>, vector<16xf32>,
      tpu.vector_store %arg5[%swap3A_351, %swap3A_352], %gather3A_35 {strides = array<i32>} : memref<8x4096xf32, #tpu.memory_space<vmem>>, vector<16xf32>,
    }
    %scan3A_124 = arith.constant 17 : i32
    %scan3A_125 = arith.constant 0 : i32
    %scan3A_126 = arith.constant 119 : i32
    %scan3A_127 = arith.constant 18 : i32
    %scan3A_128 = arith.addi %scan3A_126, %scan3A_127 : i32
    %scan3A_129 = arith.constant 1 : i32
    scf.for %scan3A_200 = %scan3A_126 to %scan3A_128 step %scan3A_129  : i32 {
      %mul3A_201 = arith.constant 16 : i32
      %mul3A_202 = arith.muli %scan3A_200, %mul3A_201 : i32
      %add3A_203 = vector.broadcast %mul3A_202 : i32 to vector<16xi32>
      %add3A_204 = arith.addi %add3A_203, %iota3A : vector<16xi32>
      %add3A_205 = arith.constant -2047 : i32
      %add3A_206 = vector.broadcast %add3A_205 : i32 to vector<16xi32>
      %add3A_207 = arith.addi %add3A_204, %add3A_206 : vector<16xi32>
      %jit3A_208 = arith.constant -128 : i32
      %jit3A_209 = arith.constant 128 : i32
      %max3A = vector.broadcast %jit3A_208 : i32 to vector<16xi32>
      %max3A_210 = arith.maxsi %max3A, %add3A_207 : vector<16xi32>
      %min3A = vector.broadcast %jit3A_209 : i32 to vector<16xi32>
      %min3A_211 = arith.minsi %min3A, %max3A_210 : vector<16xi32>
      %add3A_212 = arith.constant 128 : i32
      %add3A_213 = vector.broadcast %add3A_212 : i32 to vector<16xi32>
      %add3A_214 = arith.addi %min3A_211, %add3A_213 : vector<16xi32>
      %gather3A_215 = tpu.vector_load_idx %arg4[%add3A_214, %broadcast_in_dim3A] : memref<257x16xf32, #tpu.memory_space<vmem>>[vector<16xi32>, vector<16xi32>], vector<16xf32>,
      %mul3A_216 = arith.constant 16 : i32
      %mul3A_217 = arith.muli %scan3A_200, %mul3A_216 : i32
      %swap3A = arith.constant 7 : i32
      %swap3A_218 = arith.index_cast %swap3A : i32 to index
      %swap3A_219 = arith.index_cast %mul3A_217 : i32 to index
      %swap3A_220 = tpu.vector_load %arg5[%swap3A_218, %swap3A_219] {strides = array<i32>} : memref<8x4096xf32, #tpu.memory_space<vmem>>, vector<16xf32>,
      tpu.vector_store %arg5[%swap3A_218, %swap3A_219], %gather3A_215 {strides = array<i32>} : memref<8x4096xf32, #tpu.memory_space<vmem>>, vector<16xf32>,
    }
    %scan3A_130 = arith.constant 18 : i32
    %scan3A_131 = arith.constant 0 : i32
    %scan3A_132 = arith.constant 0 : i32
    %scan3A_133 = arith.constant 40 : i32
    %scan3A_134 = arith.addi %scan3A_132, %scan3A_133 : i32
    %scan3A_135 = arith.constant 1 : i32
    scf.for %scan3A_200 = %scan3A_132 to %scan3A_134 step %scan3A_135  : i32 {
      %mul3A_201 = arith.constant 40 : i32
      %mul3A_202 = arith.muli %select_n3A_30, %mul3A_201 : i32
      %add3A_203 = arith.addi %mul3A_202, %scan3A_200 : i32
      %jit3A_204 = arith.constant 16 : i32
      %div3A_205 = arith.divsi %add3A_203, %jit3A_204 : i32
      %sign3A_206 = arith.constant 0 : i32
      %sign3A_207 = arith.cmpi sgt, %add3A_203, %sign3A_206 : i32
      %sign3A_208 = arith.extui %sign3A_207 : i1 to i32
      %sign3A_209 = arith.constant 0 : i32
      %sign3A_210 = arith.cmpi slt, %add3A_203, %sign3A_209 : i32
      %sign3A_211 = arith.extui %sign3A_210 : i1 to i32
      %sign3A_212 = arith.subi %sign3A_208, %sign3A_211 : i32
      %sign3A_213 = arith.constant 0 : i32
      %sign3A_214 = arith.cmpi sgt, %jit3A_204, %sign3A_213 : i32
      %sign3A_215 = arith.extui %sign3A_214 : i1 to i32
      %sign3A_216 = arith.constant 0 : i32
      %sign3A_217 = arith.cmpi slt, %jit3A_204, %sign3A_216 : i32
      %sign3A_218 = arith.extui %sign3A_217 : i1 to i32
      %sign3A_219 = arith.subi %sign3A_215, %sign3A_218 : i32
      %ne3A_220 = arith.cmpi ne, %sign3A_212, %sign3A_219 : i32
      %rem3A_221 = arith.remsi %add3A_203, %jit3A_204 : i32
      %ne3A_222 = arith.constant 0 : i32
      %ne3A_223 = arith.cmpi ne, %rem3A_221, %ne3A_222 : i32
      %and3A_224 = arith.andi %ne3A_220, %ne3A_223 : i1
      %sub3A_225 = arith.constant 1 : i32
      %sub3A_226 = arith.subi %div3A_205, %sub3A_225 : i32
      %select_n3A_227 = arith.select %and3A_224, %sub3A_226, %div3A_205 : i32
      %jit3A_228 = arith.constant 16 : i32
      %eq3A_229 = arith.constant 0 : i32
      %eq3A_230 = arith.cmpi eq, %jit3A_228, %eq3A_229 : i32
      %jit3A_231 = arith.constant 1 : i32
      %select_n3A_232 = arith.select %eq3A_230, %jit3A_231, %jit3A_228 : i32
      %rem3A_233 = arith.remsi %add3A_203, %select_n3A_232 : i32
      %ne3A_234 = arith.constant 0 : i32
      %ne3A_235 = arith.cmpi ne, %rem3A_233, %ne3A_234 : i32
      %lt3A_236 = arith.constant 0 : i32
      %lt3A_237 = arith.cmpi slt, %rem3A_233, %lt3A_236 : i32
      %lt3A_238 = arith.constant 0 : i32
      %lt3A_239 = arith.cmpi slt, %select_n3A_232, %lt3A_238 : i32
      %ne3A_240 = arith.xori %lt3A_237, %lt3A_239 : i1
      %and3A_241 = arith.andi %ne3A_240, %ne3A_235 : i1
      %add3A_242 = arith.addi %rem3A_233, %select_n3A_232 : i32
      %select_n3A_243 = arith.select %and3A_241, %add3A_242, %rem3A_233 : i32
      %sub3A_244 = arith.constant 2 : i32
      %sub3A_245 = arith.subi %select_n3A_227, %sub3A_244 : i32
      %mul3A_246 = arith.constant 128 : i32
      %mul3A_247 = arith.muli %mul3A_246, %sub3A_245 : i32
      %add3A_248 = arith.constant 2040 : i32
      %add3A_249 = arith.addi %mul3A_247, %add3A_248 : i32
      %mul3A_250 = arith.constant 8 : i32
      %mul3A_251 = arith.muli %mul3A_250, %select_n3A_243 : i32
      %sub3A_252 = arith.subi %add3A_249, %mul3A_251 : i32
      %mul3A_253 = arith.constant 0 : i32
      %mul3A_254 = arith.muli %mul3A_253, %scan3A_200 : i32
      %add3A_255 = arith.addi %sub3A_252, %mul3A_254 : i32
      %multiple_of3A = tpu.assume_multiple %add3A_255, 8 : i32
      %mul3A_256 = arith.constant 8 : i32
      %mul3A_257 = arith.muli %mul3A_256, %select_n3A_243 : i32
      %dma_start3A = arith.constant 0 : i32
      %dma_start3A_258 = tpu.memref_slice %arg5[%dma_start3A, %multiple_of3A] : memref<8x4096xf32, #tpu.memory_space<vmem>> -> memref<8x128xf32, #tpu.memory_space<vmem>>
      %dma_start3A_259 = arith.constant 0 : i32
      %dma_start3A_260 = tpu.memref_slice %arg3[%select_n3A, %select_n3A_227, %mul3A_257, %dma_start3A_259] : memref<16x5x128x128xf32, #tpu.memory_space<hbm>> -> memref<1x1x8x128xf32, #tpu.memory_space<hbm>>
      %dma_start3A_261 = tpu.memref_squeeze %dma_start3A_260 : memref<1x1x8x128xf32, #tpu.memory_space<hbm>> -> memref<8x128xf32, #tpu.memory_space<hbm>>
      %dma_start3A_262 = arith.constant 0 : i32
      %dma_start3A_263 = tpu.memref_slice %arg3[%select_n3A, %select_n3A_227, %mul3A_257, %dma_start3A_262] : memref<16x5x128x128xf32, #tpu.memory_space<hbm>> -> memref<1x1x8x128xf32, #tpu.memory_space<hbm>>
      %dma_start3A_264 = tpu.memref_squeeze %dma_start3A_263 : memref<1x1x8x128xf32, #tpu.memory_space<hbm>> -> memref<8x128xf32, #tpu.memory_space<hbm>>
      %dma_start3A_265 = arith.constant 0 : i32
      %dma_start3A_266 = tpu.memref_slice %arg5[%dma_start3A_265, %multiple_of3A] : memref<8x4096xf32, #tpu.memory_space<vmem>> -> memref<8x128xf32, #tpu.memory_space<vmem>>
      tpu.enqueue_dma source(%dma_start3A_266 : memref<8x128xf32, #tpu.memory_space<vmem>>) target(%dma_start3A_264 : memref<8x128xf32, #tpu.memory_space<hbm>>) target_semaphore(%arg6 : memref<!tpu.dma_semaphore, #tpu.memory_space<semaphore_mem>>)
      %ge3A = arith.constant 4 : i32
      %ge3A_267 = arith.cmpi sge, %scan3A_200, %ge3A : i32
      %convert_element_type3A = arith.extui %ge3A_267 : i1 to i32
      %cond3A = arith.constant 0 : i32
      %cond3A_268 = arith.cmpi ne, %convert_element_type3A, %cond3A : i32
      scf.if %cond3A_268 {
        %dma_wait3A_269 = arith.constant 0 : i32
        %dma_wait3A_270 = tpu.memref_slice %arg5[%dma_wait3A_269, %multiple_of3A] : memref<8x4096xf32, #tpu.memory_space<vmem>> -> memref<8x128xf32, #tpu.memory_space<vmem>>
        %dma_wait3A_271 = arith.constant 0 : i32
        %dma_wait3A_272 = tpu.memref_slice %arg3[%select_n3A, %select_n3A_227, %mul3A_257, %dma_wait3A_271] : memref<16x5x128x128xf32, #tpu.memory_space<hbm>> -> memref<1x1x8x128xf32, #tpu.memory_space<hbm>>
        %dma_wait3A_273 = tpu.memref_squeeze %dma_wait3A_272 : memref<1x1x8x128xf32, #tpu.memory_space<hbm>> -> memref<8x128xf32, #tpu.memory_space<hbm>>
        %dma_wait3A_274 = arith.constant 0 : i32
        %dma_wait3A_275 = tpu.memref_slice %arg3[%select_n3A, %select_n3A_227, %mul3A_257, %dma_wait3A_274] : memref<16x5x128x128xf32, #tpu.memory_space<hbm>> -> memref<1x1x8x128xf32, #tpu.memory_space<hbm>>
        %dma_wait3A_276 = tpu.memref_squeeze %dma_wait3A_275 : memref<1x1x8x128xf32, #tpu.memory_space<hbm>> -> memref<8x128xf32, #tpu.memory_space<hbm>>
        %dma_wait3A_277 = arith.constant 0 : i32
        %dma_wait3A_278 = tpu.memref_slice %arg5[%dma_wait3A_277, %multiple_of3A] : memref<8x4096xf32, #tpu.memory_space<vmem>> -> memref<8x128xf32, #tpu.memory_space<vmem>>
        tpu.wait_dma2 semaphore(%arg6 : memref<!tpu.dma_semaphore, #tpu.memory_space<semaphore_mem>>) src(%dma_wait3A_278 : memref<8x128xf32, #tpu.memory_space<vmem>>) dst(%dma_wait3A_276 : memref<8x128xf32, #tpu.memory_space<hbm>>)
      } else {
      }
    }
    %scan3A_136 = arith.constant 40 : i32
    %dma_wait3A = arith.constant 0 : i32
    %dma_wait3A_137 = arith.constant 0 : i32
    %dma_wait3A_138 = arith.constant 0 : i32
    %dma_wait3A_139 = arith.constant 0 : i32
    %dma_wait3A_140 = tpu.memref_slice %arg5[%dma_wait3A_138, %dma_wait3A_139] : memref<8x4096xf32, #tpu.memory_space<vmem>> -> memref<8x128xf32, #tpu.memory_space<vmem>>
    %dma_wait3A_141 = arith.constant 0 : i32
    %dma_wait3A_142 = arith.constant 0 : i32
    %dma_wait3A_143 = tpu.memref_slice %arg3[%dma_wait3A, %dma_wait3A_137, %dma_wait3A_141, %dma_wait3A_142] : memref<16x5x128x128xf32, #tpu.memory_space<hbm>> -> memref<1x1x8x128xf32, #tpu.memory_space<hbm>>
    %dma_wait3A_144 = tpu.memref_squeeze %dma_wait3A_143 : memref<1x1x8x128xf32, #tpu.memory_space<hbm>> -> memref<8x128xf32, #tpu.memory_space<hbm>>
    %dma_wait3A_145 = arith.constant 0 : i32
    %dma_wait3A_146 = arith.constant 0 : i32
    %dma_wait3A_147 = tpu.memref_slice %arg5[%dma_wait3A_145, %dma_wait3A_146] : memref<8x4096xf32, #tpu.memory_space<vmem>> -> memref<8x128xf32, #tpu.memory_space<vmem>>
    %dma_wait3A_148 = arith.constant 0 : i32
    %dma_wait3A_149 = arith.constant 0 : i32
    %dma_wait3A_150 = tpu.memref_slice %arg3[%dma_wait3A, %dma_wait3A_137, %dma_wait3A_148, %dma_wait3A_149] : memref<16x5x128x128xf32, #tpu.memory_space<hbm>> -> memref<1x1x8x128xf32, #tpu.memory_space<hbm>>
    %dma_wait3A_151 = tpu.memref_squeeze %dma_wait3A_150 : memref<1x1x8x128xf32, #tpu.memory_space<hbm>> -> memref<8x128xf32, #tpu.memory_space<hbm>>
    tpu.wait_dma2 semaphore(%arg6 : memref<!tpu.dma_semaphore, #tpu.memory_space<semaphore_mem>>) src(%dma_wait3A_151 : memref<8x128xf32, #tpu.memory_space<hbm>>) dst(%dma_wait3A_147 : memref<8x128xf32, #tpu.memory_space<vmem>>)
    %dma_wait3A_152 = arith.constant 0 : i32
    %dma_wait3A_153 = arith.constant 0 : i32
    %dma_wait3A_154 = arith.constant 0 : i32
    %dma_wait3A_155 = arith.constant 0 : i32
    %dma_wait3A_156 = tpu.memref_slice %arg5[%dma_wait3A_154, %dma_wait3A_155] : memref<8x4096xf32, #tpu.memory_space<vmem>> -> memref<8x128xf32, #tpu.memory_space<vmem>>
    %dma_wait3A_157 = arith.constant 0 : i32
    %dma_wait3A_158 = arith.constant 0 : i32
    %dma_wait3A_159 = tpu.memref_slice %arg3[%dma_wait3A_152, %dma_wait3A_153, %dma_wait3A_157, %dma_wait3A_158] : memref<16x5x128x128xf32, #tpu.memory_space<hbm>> -> memref<1x1x8x128xf32, #tpu.memory_space<hbm>>
    %dma_wait3A_160 = tpu.memref_squeeze %dma_wait3A_159 : memref<1x1x8x128xf32, #tpu.memory_space<hbm>> -> memref<8x128xf32, #tpu.memory_space<hbm>>
    %dma_wait3A_161 = arith.constant 0 : i32
    %dma_wait3A_162 = arith.constant 0 : i32
    %dma_wait3A_163 = tpu.memref_slice %arg5[%dma_wait3A_161, %dma_wait3A_162] : memref<8x4096xf32, #tpu.memory_space<vmem>> -> memref<8x128xf32, #tpu.memory_space<vmem>>
    %dma_wait3A_164 = arith.constant 0 : i32
    %dma_wait3A_165 = arith.constant 0 : i32
    %dma_wait3A_166 = tpu.memref_slice %arg3[%dma_wait3A_152, %dma_wait3A_153, %dma_wait3A_164, %dma_wait3A_165] : memref<16x5x128x128xf32, #tpu.memory_space<hbm>> -> memref<1x1x8x128xf32, #tpu.memory_space<hbm>>
    %dma_wait3A_167 = tpu.memref_squeeze %dma_wait3A_166 : memref<1x1x8x128xf32, #tpu.memory_space<hbm>> -> memref<8x128xf32, #tpu.memory_space<hbm>>
    tpu.wait_dma2 semaphore(%arg6 : memref<!tpu.dma_semaphore, #tpu.memory_space<semaphore_mem>>) src(%dma_wait3A_167 : memref<8x128xf32, #tpu.memory_space<hbm>>) dst(%dma_wait3A_163 : memref<8x128xf32, #tpu.memory_space<vmem>>)
    %dma_wait3A_168 = arith.constant 0 : i32
    %dma_wait3A_169 = arith.constant 0 : i32
    %dma_wait3A_170 = arith.constant 0 : i32
    %dma_wait3A_171 = arith.constant 0 : i32
    %dma_wait3A_172 = tpu.memref_slice %arg5[%dma_wait3A_170, %dma_wait3A_171] : memref<8x4096xf32, #tpu.memory_space<vmem>> -> memref<8x128xf32, #tpu.memory_space<vmem>>
    %dma_wait3A_173 = arith.constant 0 : i32
    %dma_wait3A_174 = arith.constant 0 : i32
    %dma_wait3A_175 = tpu.memref_slice %arg3[%dma_wait3A_168, %dma_wait3A_169, %dma_wait3A_173, %dma_wait3A_174] : memref<16x5x128x128xf32, #tpu.memory_space<hbm>> -> memref<1x1x8x128xf32, #tpu.memory_space<hbm>>
    %dma_wait3A_176 = tpu.memref_squeeze %dma_wait3A_175 : memref<1x1x8x128xf32, #tpu.memory_space<hbm>> -> memref<8x128xf32, #tpu.memory_space<hbm>>
    %dma_wait3A_177 = arith.constant 0 : i32
    %dma_wait3A_178 = arith.constant 0 : i32
    %dma_wait3A_179 = tpu.memref_slice %arg5[%dma_wait3A_177, %dma_wait3A_178] : memref<8x4096xf32, #tpu.memory_space<vmem>> -> memref<8x128xf32, #tpu.memory_space<vmem>>
    %dma_wait3A_180 = arith.constant 0 : i32
    %dma_wait3A_181 = arith.constant 0 : i32
    %dma_wait3A_182 = tpu.memref_slice %arg3[%dma_wait3A_168, %dma_wait3A_169, %dma_wait3A_180, %dma_wait3A_181] : memref<16x5x128x128xf32, #tpu.memory_space<hbm>> -> memref<1x1x8x128xf32, #tpu.memory_space<hbm>>
    %dma_wait3A_183 = tpu.memref_squeeze %dma_wait3A_182 : memref<1x1x8x128xf32, #tpu.memory_space<hbm>> -> memref<8x128xf32, #tpu.memory_space<hbm>>
    tpu.wait_dma2 semaphore(%arg6 : memref<!tpu.dma_semaphore, #tpu.memory_space<semaphore_mem>>) src(%dma_wait3A_183 : memref<8x128xf32, #tpu.memory_space<hbm>>) dst(%dma_wait3A_179 : memref<8x128xf32, #tpu.memory_space<vmem>>)
    %dma_wait3A_184 = arith.constant 0 : i32
    %dma_wait3A_185 = arith.constant 0 : i32
    %dma_wait3A_186 = arith.constant 0 : i32
    %dma_wait3A_187 = arith.constant 0 : i32
    %dma_wait3A_188 = tpu.memref_slice %arg5[%dma_wait3A_186, %dma_wait3A_187] : memref<8x4096xf32, #tpu.memory_space<vmem>> -> memref<8x128xf32, #tpu.memory_space<vmem>>
    %dma_wait3A_189 = arith.constant 0 : i32
    %dma_wait3A_190 = arith.constant 0 : i32
    %dma_wait3A_191 = tpu.memref_slice %arg3[%dma_wait3A_184, %dma_wait3A_185, %dma_wait3A_189, %dma_wait3A_190] : memref<16x5x128x128xf32, #tpu.memory_space<hbm>> -> memref<1x1x8x128xf32, #tpu.memory_space<hbm>>
    %dma_wait3A_192 = tpu.memref_squeeze %dma_wait3A_191 : memref<1x1x8x128xf32, #tpu.memory_space<hbm>> -> memref<8x128xf32, #tpu.memory_space<hbm>>
    %dma_wait3A_193 = arith.constant 0 : i32
    %dma_wait3A_194 = arith.constant 0 : i32
    %dma_wait3A_195 = tpu.memref_slice %arg5[%dma_wait3A_193, %dma_wait3A_194] : memref<8x4096xf32, #tpu.memory_space<vmem>> -> memref<8x128xf32, #tpu.memory_space<vmem>>
    %dma_wait3A_196 = arith.constant 0 : i32
    %dma_wait3A_197 = arith.constant 0 : i32
    %dma_wait3A_198 = tpu.memref_slice %arg3[%dma_wait3A_184, %dma_wait3A_185, %dma_wait3A_196, %dma_wait3A_197] : memref<16x5x128x128xf32, #tpu.memory_space<hbm>> -> memref<1x1x8x128xf32, #tpu.memory_space<hbm>>
    %dma_wait3A_199 = tpu.memref_squeeze %dma_wait3A_198 : memref<1x1x8x128xf32, #tpu.memory_space<hbm>> -> memref<8x128xf32, #tpu.memory_space<hbm>>
    tpu.wait_dma2 semaphore(%arg6 : memref<!tpu.dma_semaphore, #tpu.memory_space<semaphore_mem>>) src(%dma_wait3A_199 : memref<8x128xf32, #tpu.memory_space<hbm>>) dst(%dma_wait3A_195 : memref<8x128xf32, #tpu.memory_space<vmem>>)
    return
  }
}

module attributes {stable_mosaic.version = 14 : i64} {
  func.func @_tc_body(%arg0: i32, %arg1: i32, %arg2: memref<1x5x128x128xf32, #tpu.memory_space<vmem>>, %arg3: memref<1x1024x2048xf32, #tpu.memory_space<vmem>>) attributes {dimension_semantics = [#tpu.dimension_semantics<arbitrary>, #tpu.dimension_semantics<arbitrary>], iteration_bounds = array<i64: 16, 2>, scalar_prefetch = 0 : i64, scratch_operands = 0 : i64, tpu.core_type = #tpu.core_type<tc>, window_params = [{transform_indices = @transform_0, window_bounds = array<i64: 1, 5, 128, 128>}, {transform_indices = @transform_1, window_bounds = array<i64: 1, 1024, 2048>}]} {
    %mul3A = arith.constant 8 : i32
    %mul3A_0 = arith.muli %arg1, %mul3A : i32
    %add3A = arith.constant 0 : i32
    %add3A_1 = arith.addi %mul3A_0, %add3A : i32
    %sub3A = arith.constant 0 : i32
    %sub3A_2 = arith.subi %sub3A, %add3A_1 : i32
    %jit3A = arith.constant -2 : i32
    %jit3A_3 = arith.constant 2 : i32
    %max3A = arith.maxsi %jit3A, %sub3A_2 : i32
    %min3A = arith.minsi %jit3A_3, %max3A : i32
    %add3A_4 = arith.constant 2 : i32
    %add3A_5 = arith.addi %min3A, %add3A_4 : i32
    %get3A = arith.constant 0 : index
    %get3A_6 = arith.index_cast %add3A_5 : i32 to index
    %get3A_7 = arith.constant 0 : index
    %get3A_8 = arith.constant 0 : index
    %get3A_9 = vector.load %arg2[%get3A, %get3A_6, %get3A_7, %get3A_8] : memref<1x5x128x128xf32, #tpu.memory_space<vmem>>, vector<1x1x128x128xf32>
    %get3A_10 = vector.shape_cast %get3A_9 : vector<1x1x128x128xf32> to vector<128x128xf32>
    %swap3A = arith.constant 0 : index
    %swap3A_11 = arith.constant 0 : index
    %swap3A_12 = arith.constant 0 : index
    %swap3A_13 = vector.load %arg3[%swap3A, %swap3A_11, %swap3A_12] : memref<1x1024x2048xf32, #tpu.memory_space<vmem>>, vector<1x128x128xf32>
    %swap3A_14 = vector.shape_cast %swap3A_13 : vector<1x128x128xf32> to vector<128x128xf32>
    %swap3A_15 = vector.shape_cast %get3A_10 : vector<128x128xf32> to vector<1x128x128xf32>
    tpu.vector_store %arg3[%swap3A, %swap3A_11, %swap3A_12], %swap3A_15 {strides = array<i32>} : memref<1x1024x2048xf32, #tpu.memory_space<vmem>>, vector<1x128x128xf32>,
    %sub3A_16 = arith.constant 1 : i32
    %sub3A_17 = arith.subi %sub3A_16, %add3A_1 : i32
    %jit3A_18 = arith.constant -2 : i32
    %jit3A_19 = arith.constant 2 : i32
    %max3A_20 = arith.maxsi %jit3A_18, %sub3A_17 : i32
    %min3A_21 = arith.minsi %jit3A_19, %max3A_20 : i32
    %add3A_22 = arith.constant 2 : i32
    %add3A_23 = arith.addi %min3A_21, %add3A_22 : i32
    %get3A_24 = arith.constant 0 : index
    %get3A_25 = arith.index_cast %add3A_23 : i32 to index
    %get3A_26 = arith.constant 0 : index
    %get3A_27 = arith.constant 0 : index
    %get3A_28 = vector.load %arg2[%get3A_24, %get3A_25, %get3A_26, %get3A_27] : memref<1x5x128x128xf32, #tpu.memory_space<vmem>>, vector<1x1x128x128xf32>
    %get3A_29 = vector.shape_cast %get3A_28 : vector<1x1x128x128xf32> to vector<128x128xf32>
    %swap3A_30 = arith.constant 0 : index
    %swap3A_31 = arith.constant 0 : index
    %swap3A_32 = arith.constant 128 : index
    %swap3A_33 = vector.load %arg3[%swap3A_30, %swap3A_31, %swap3A_32] : memref<1x1024x2048xf32, #tpu.memory_space<vmem>>, vector<1x128x128xf32>
    %swap3A_34 = vector.shape_cast %swap3A_33 : vector<1x128x128xf32> to vector<128x128xf32>
    %swap3A_35 = vector.shape_cast %get3A_29 : vector<128x128xf32> to vector<1x128x128xf32>
    tpu.vector_store %arg3[%swap3A_30, %swap3A_31, %swap3A_32], %swap3A_35 {strides = array<i32>} : memref<1x1024x2048xf32, #tpu.memory_space<vmem>>, vector<1x128x128xf32>,
    %sub3A_36 = arith.constant 2 : i32
    %sub3A_37 = arith.subi %sub3A_36, %add3A_1 : i32
    %jit3A_38 = arith.constant -2 : i32
    %jit3A_39 = arith.constant 2 : i32
    %max3A_40 = arith.maxsi %jit3A_38, %sub3A_37 : i32
    %min3A_41 = arith.minsi %jit3A_39, %max3A_40 : i32
    %add3A_42 = arith.constant 2 : i32
    %add3A_43 = arith.addi %min3A_41, %add3A_42 : i32
    %get3A_44 = arith.constant 0 : index
    %get3A_45 = arith.index_cast %add3A_43 : i32 to index
    %get3A_46 = arith.constant 0 : index
    %get3A_47 = arith.constant 0 : index
    %get3A_48 = vector.load %arg2[%get3A_44, %get3A_45, %get3A_46, %get3A_47] : memref<1x5x128x128xf32, #tpu.memory_space<vmem>>, vector<1x1x128x128xf32>
    %get3A_49 = vector.shape_cast %get3A_48 : vector<1x1x128x128xf32> to vector<128x128xf32>
    %swap3A_50 = arith.constant 0 : index
    %swap3A_51 = arith.constant 0 : index
    %swap3A_52 = arith.constant 256 : index
    %swap3A_53 = vector.load %arg3[%swap3A_50, %swap3A_51, %swap3A_52] : memref<1x1024x2048xf32, #tpu.memory_space<vmem>>, vector<1x128x128xf32>
    %swap3A_54 = vector.shape_cast %swap3A_53 : vector<1x128x128xf32> to vector<128x128xf32>
    %swap3A_55 = vector.shape_cast %get3A_49 : vector<128x128xf32> to vector<1x128x128xf32>
    tpu.vector_store %arg3[%swap3A_50, %swap3A_51, %swap3A_52], %swap3A_55 {strides = array<i32>} : memref<1x1024x2048xf32, #tpu.memory_space<vmem>>, vector<1x128x128xf32>,
    %sub3A_56 = arith.constant 3 : i32
    %sub3A_57 = arith.subi %sub3A_56, %add3A_1 : i32
    %jit3A_58 = arith.constant -2 : i32
    %jit3A_59 = arith.constant 2 : i32
    %max3A_60 = arith.maxsi %jit3A_58, %sub3A_57 : i32
    %min3A_61 = arith.minsi %jit3A_59, %max3A_60 : i32
    %add3A_62 = arith.constant 2 : i32
    %add3A_63 = arith.addi %min3A_61, %add3A_62 : i32
    %get3A_64 = arith.constant 0 : index
    %get3A_65 = arith.index_cast %add3A_63 : i32 to index
    %get3A_66 = arith.constant 0 : index
    %get3A_67 = arith.constant 0 : index
    %get3A_68 = vector.load %arg2[%get3A_64, %get3A_65, %get3A_66, %get3A_67] : memref<1x5x128x128xf32, #tpu.memory_space<vmem>>, vector<1x1x128x128xf32>
    %get3A_69 = vector.shape_cast %get3A_68 : vector<1x1x128x128xf32> to vector<128x128xf32>
    %swap3A_70 = arith.constant 0 : index
    %swap3A_71 = arith.constant 0 : index
    %swap3A_72 = arith.constant 384 : index
    %swap3A_73 = vector.load %arg3[%swap3A_70, %swap3A_71, %swap3A_72] : memref<1x1024x2048xf32, #tpu.memory_space<vmem>>, vector<1x128x128xf32>
    %swap3A_74 = vector.shape_cast %swap3A_73 : vector<1x128x128xf32> to vector<128x128xf32>
    %swap3A_75 = vector.shape_cast %get3A_69 : vector<128x128xf32> to vector<1x128x128xf32>
    tpu.vector_store %arg3[%swap3A_70, %swap3A_71, %swap3A_72], %swap3A_75 {strides = array<i32>} : memref<1x1024x2048xf32, #tpu.memory_space<vmem>>, vector<1x128x128xf32>,
    %sub3A_76 = arith.constant 4 : i32
    %sub3A_77 = arith.subi %sub3A_76, %add3A_1 : i32
    %jit3A_78 = arith.constant -2 : i32
    %jit3A_79 = arith.constant 2 : i32
    %max3A_80 = arith.maxsi %jit3A_78, %sub3A_77 : i32
    %min3A_81 = arith.minsi %jit3A_79, %max3A_80 : i32
    %add3A_82 = arith.constant 2 : i32
    %add3A_83 = arith.addi %min3A_81, %add3A_82 : i32
    %get3A_84 = arith.constant 0 : index
    %get3A_85 = arith.index_cast %add3A_83 : i32 to index
    %get3A_86 = arith.constant 0 : index
    %get3A_87 = arith.constant 0 : index
    %get3A_88 = vector.load %arg2[%get3A_84, %get3A_85, %get3A_86, %get3A_87] : memref<1x5x128x128xf32, #tpu.memory_space<vmem>>, vector<1x1x128x128xf32>
    %get3A_89 = vector.shape_cast %get3A_88 : vector<1x1x128x128xf32> to vector<128x128xf32>
    %swap3A_90 = arith.constant 0 : index
    %swap3A_91 = arith.constant 0 : index
    %swap3A_92 = arith.constant 512 : index
    %swap3A_93 = vector.load %arg3[%swap3A_90, %swap3A_91, %swap3A_92] : memref<1x1024x2048xf32, #tpu.memory_space<vmem>>, vector<1x128x128xf32>
    %swap3A_94 = vector.shape_cast %swap3A_93 : vector<1x128x128xf32> to vector<128x128xf32>
    %swap3A_95 = vector.shape_cast %get3A_89 : vector<128x128xf32> to vector<1x128x128xf32>
    tpu.vector_store %arg3[%swap3A_90, %swap3A_91, %swap3A_92], %swap3A_95 {strides = array<i32>} : memref<1x1024x2048xf32, #tpu.memory_space<vmem>>, vector<1x128x128xf32>,
    %sub3A_96 = arith.constant 5 : i32
    %sub3A_97 = arith.subi %sub3A_96, %add3A_1 : i32
    %jit3A_98 = arith.constant -2 : i32
    %jit3A_99 = arith.constant 2 : i32
    %max3A_100 = arith.maxsi %jit3A_98, %sub3A_97 : i32
    %min3A_101 = arith.minsi %jit3A_99, %max3A_100 : i32
    %add3A_102 = arith.constant 2 : i32
    %add3A_103 = arith.addi %min3A_101, %add3A_102 : i32
    %get3A_104 = arith.constant 0 : index
    %get3A_105 = arith.index_cast %add3A_103 : i32 to index
    %get3A_106 = arith.constant 0 : index
    %get3A_107 = arith.constant 0 : index
    %get3A_108 = vector.load %arg2[%get3A_104, %get3A_105, %get3A_106, %get3A_107] : memref<1x5x128x128xf32, #tpu.memory_space<vmem>>, vector<1x1x128x128xf32>
    %get3A_109 = vector.shape_cast %get3A_108 : vector<1x1x128x128xf32> to vector<128x128xf32>
    %swap3A_110 = arith.constant 0 : index
    %swap3A_111 = arith.constant 0 : index
    %swap3A_112 = arith.constant 640 : index
    %swap3A_113 = vector.load %arg3[%swap3A_110, %swap3A_111, %swap3A_112] : memref<1x1024x2048xf32, #tpu.memory_space<vmem>>, vector<1x128x128xf32>
    %swap3A_114 = vector.shape_cast %swap3A_113 : vector<1x128x128xf32> to vector<128x128xf32>
    %swap3A_115 = vector.shape_cast %get3A_109 : vector<128x128xf32> to vector<1x128x128xf32>
    tpu.vector_store %arg3[%swap3A_110, %swap3A_111, %swap3A_112], %swap3A_115 {strides = array<i32>} : memref<1x1024x2048xf32, #tpu.memory_space<vmem>>, vector<1x128x128xf32>,
    %sub3A_116 = arith.constant 6 : i32
    %sub3A_117 = arith.subi %sub3A_116, %add3A_1 : i32
    %jit3A_118 = arith.constant -2 : i32
    %jit3A_119 = arith.constant 2 : i32
    %max3A_120 = arith.maxsi %jit3A_118, %sub3A_117 : i32
    %min3A_121 = arith.minsi %jit3A_119, %max3A_120 : i32
    %add3A_122 = arith.constant 2 : i32
    %add3A_123 = arith.addi %min3A_121, %add3A_122 : i32
    %get3A_124 = arith.constant 0 : index
    %get3A_125 = arith.index_cast %add3A_123 : i32 to index
    %get3A_126 = arith.constant 0 : index
    %get3A_127 = arith.constant 0 : index
    %get3A_128 = vector.load %arg2[%get3A_124, %get3A_125, %get3A_126, %get3A_127] : memref<1x5x128x128xf32, #tpu.memory_space<vmem>>, vector<1x1x128x128xf32>
    %get3A_129 = vector.shape_cast %get3A_128 : vector<1x1x128x128xf32> to vector<128x128xf32>
    %swap3A_130 = arith.constant 0 : index
    %swap3A_131 = arith.constant 0 : index
    %swap3A_132 = arith.constant 768 : index
    %swap3A_133 = vector.load %arg3[%swap3A_130, %swap3A_131, %swap3A_132] : memref<1x1024x2048xf32, #tpu.memory_space<vmem>>, vector<1x128x128xf32>
    %swap3A_134 = vector.shape_cast %swap3A_133 : vector<1x128x128xf32> to vector<128x128xf32>
    %swap3A_135 = vector.shape_cast %get3A_129 : vector<128x128xf32> to vector<1x128x128xf32>
    tpu.vector_store %arg3[%swap3A_130, %swap3A_131, %swap3A_132], %swap3A_135 {strides = array<i32>} : memref<1x1024x2048xf32, #tpu.memory_space<vmem>>, vector<1x128x128xf32>,
    %sub3A_136 = arith.constant 7 : i32
    %sub3A_137 = arith.subi %sub3A_136, %add3A_1 : i32
    %jit3A_138 = arith.constant -2 : i32
    %jit3A_139 = arith.constant 2 : i32
    %max3A_140 = arith.maxsi %jit3A_138, %sub3A_137 : i32
    %min3A_141 = arith.minsi %jit3A_139, %max3A_140 : i32
    %add3A_142 = arith.constant 2 : i32
    %add3A_143 = arith.addi %min3A_141, %add3A_142 : i32
    %get3A_144 = arith.constant 0 : index
    %get3A_145 = arith.index_cast %add3A_143 : i32 to index
    %get3A_146 = arith.constant 0 : index
    %get3A_147 = arith.constant 0 : index
    %get3A_148 = vector.load %arg2[%get3A_144, %get3A_145, %get3A_146, %get3A_147] : memref<1x5x128x128xf32, #tpu.memory_space<vmem>>, vector<1x1x128x128xf32>
    %get3A_149 = vector.shape_cast %get3A_148 : vector<1x1x128x128xf32> to vector<128x128xf32>
    %swap3A_150 = arith.constant 0 : index
    %swap3A_151 = arith.constant 0 : index
    %swap3A_152 = arith.constant 896 : index
    %swap3A_153 = vector.load %arg3[%swap3A_150, %swap3A_151, %swap3A_152] : memref<1x1024x2048xf32, #tpu.memory_space<vmem>>, vector<1x128x128xf32>
    %swap3A_154 = vector.shape_cast %swap3A_153 : vector<1x128x128xf32> to vector<128x128xf32>
    %swap3A_155 = vector.shape_cast %get3A_149 : vector<128x128xf32> to vector<1x128x128xf32>
    tpu.vector_store %arg3[%swap3A_150, %swap3A_151, %swap3A_152], %swap3A_155 {strides = array<i32>} : memref<1x1024x2048xf32, #tpu.memory_space<vmem>>, vector<1x128x128xf32>,
    %sub3A_156 = arith.constant 8 : i32
    %sub3A_157 = arith.subi %sub3A_156, %add3A_1 : i32
    %jit3A_158 = arith.constant -2 : i32
    %jit3A_159 = arith.constant 2 : i32
    %max3A_160 = arith.maxsi %jit3A_158, %sub3A_157 : i32
    %min3A_161 = arith.minsi %jit3A_159, %max3A_160 : i32
    %add3A_162 = arith.constant 2 : i32
    %add3A_163 = arith.addi %min3A_161, %add3A_162 : i32
    %get3A_164 = arith.constant 0 : index
    %get3A_165 = arith.index_cast %add3A_163 : i32 to index
    %get3A_166 = arith.constant 0 : index
    %get3A_167 = arith.constant 0 : index
    %get3A_168 = vector.load %arg2[%get3A_164, %get3A_165, %get3A_166, %get3A_167] : memref<1x5x128x128xf32, #tpu.memory_space<vmem>>, vector<1x1x128x128xf32>
    %get3A_169 = vector.shape_cast %get3A_168 : vector<1x1x128x128xf32> to vector<128x128xf32>
    %swap3A_170 = arith.constant 0 : index
    %swap3A_171 = arith.constant 0 : index
    %swap3A_172 = arith.constant 1024 : index
    %swap3A_173 = vector.load %arg3[%swap3A_170, %swap3A_171, %swap3A_172] : memref<1x1024x2048xf32, #tpu.memory_space<vmem>>, vector<1x128x128xf32>
    %swap3A_174 = vector.shape_cast %swap3A_173 : vector<1x128x128xf32> to vector<128x128xf32>
    %swap3A_175 = vector.shape_cast %get3A_169 : vector<128x128xf32> to vector<1x128x128xf32>
    tpu.vector_store %arg3[%swap3A_170, %swap3A_171, %swap3A_172], %swap3A_175 {strides = array<i32>} : memref<1x1024x2048xf32, #tpu.memory_space<vmem>>, vector<1x128x128xf32>,
    %sub3A_176 = arith.constant 9 : i32
    %sub3A_177 = arith.subi %sub3A_176, %add3A_1 : i32
    %jit3A_178 = arith.constant -2 : i32
    %jit3A_179 = arith.constant 2 : i32
    %max3A_180 = arith.maxsi %jit3A_178, %sub3A_177 : i32
    %min3A_181 = arith.minsi %jit3A_179, %max3A_180 : i32
    %add3A_182 = arith.constant 2 : i32
    %add3A_183 = arith.addi %min3A_181, %add3A_182 : i32
    %get3A_184 = arith.constant 0 : index
    %get3A_185 = arith.index_cast %add3A_183 : i32 to index
    %get3A_186 = arith.constant 0 : index
    %get3A_187 = arith.constant 0 : index
    %get3A_188 = vector.load %arg2[%get3A_184, %get3A_185, %get3A_186, %get3A_187] : memref<1x5x128x128xf32, #tpu.memory_space<vmem>>, vector<1x1x128x128xf32>
    %get3A_189 = vector.shape_cast %get3A_188 : vector<1x1x128x128xf32> to vector<128x128xf32>
    %swap3A_190 = arith.constant 0 : index
    %swap3A_191 = arith.constant 0 : index
    %swap3A_192 = arith.constant 1152 : index
    %swap3A_193 = vector.load %arg3[%swap3A_190, %swap3A_191, %swap3A_192] : memref<1x1024x2048xf32, #tpu.memory_space<vmem>>, vector<1x128x128xf32>
    %swap3A_194 = vector.shape_cast %swap3A_193 : vector<1x128x128xf32> to vector<128x128xf32>
    %swap3A_195 = vector.shape_cast %get3A_189 : vector<128x128xf32> to vector<1x128x128xf32>
    tpu.vector_store %arg3[%swap3A_190, %swap3A_191, %swap3A_192], %swap3A_195 {strides = array<i32>} : memref<1x1024x2048xf32, #tpu.memory_space<vmem>>, vector<1x128x128xf32>,
    %sub3A_196 = arith.constant 10 : i32
    %sub3A_197 = arith.subi %sub3A_196, %add3A_1 : i32
    %jit3A_198 = arith.constant -2 : i32
    %jit3A_199 = arith.constant 2 : i32
    %max3A_200 = arith.maxsi %jit3A_198, %sub3A_197 : i32
    %min3A_201 = arith.minsi %jit3A_199, %max3A_200 : i32
    %add3A_202 = arith.constant 2 : i32
    %add3A_203 = arith.addi %min3A_201, %add3A_202 : i32
    %get3A_204 = arith.constant 0 : index
    %get3A_205 = arith.index_cast %add3A_203 : i32 to index
    %get3A_206 = arith.constant 0 : index
    %get3A_207 = arith.constant 0 : index
    %get3A_208 = vector.load %arg2[%get3A_204, %get3A_205, %get3A_206, %get3A_207] : memref<1x5x128x128xf32, #tpu.memory_space<vmem>>, vector<1x1x128x128xf32>
    %get3A_209 = vector.shape_cast %get3A_208 : vector<1x1x128x128xf32> to vector<128x128xf32>
    %swap3A_210 = arith.constant 0 : index
    %swap3A_211 = arith.constant 0 : index
    %swap3A_212 = arith.constant 1280 : index
    %swap3A_213 = vector.load %arg3[%swap3A_210, %swap3A_211, %swap3A_212] : memref<1x1024x2048xf32, #tpu.memory_space<vmem>>, vector<1x128x128xf32>
    %swap3A_214 = vector.shape_cast %swap3A_213 : vector<1x128x128xf32> to vector<128x128xf32>
    %swap3A_215 = vector.shape_cast %get3A_209 : vector<128x128xf32> to vector<1x128x128xf32>
    tpu.vector_store %arg3[%swap3A_210, %swap3A_211, %swap3A_212], %swap3A_215 {strides = array<i32>} : memref<1x1024x2048xf32, #tpu.memory_space<vmem>>, vector<1x128x128xf32>,
    %sub3A_216 = arith.constant 11 : i32
    %sub3A_217 = arith.subi %sub3A_216, %add3A_1 : i32
    %jit3A_218 = arith.constant -2 : i32
    %jit3A_219 = arith.constant 2 : i32
    %max3A_220 = arith.maxsi %jit3A_218, %sub3A_217 : i32
    %min3A_221 = arith.minsi %jit3A_219, %max3A_220 : i32
    %add3A_222 = arith.constant 2 : i32
    %add3A_223 = arith.addi %min3A_221, %add3A_222 : i32
    %get3A_224 = arith.constant 0 : index
    %get3A_225 = arith.index_cast %add3A_223 : i32 to index
    %get3A_226 = arith.constant 0 : index
    %get3A_227 = arith.constant 0 : index
    %get3A_228 = vector.load %arg2[%get3A_224, %get3A_225, %get3A_226, %get3A_227] : memref<1x5x128x128xf32, #tpu.memory_space<vmem>>, vector<1x1x128x128xf32>
    %get3A_229 = vector.shape_cast %get3A_228 : vector<1x1x128x128xf32> to vector<128x128xf32>
    %swap3A_230 = arith.constant 0 : index
    %swap3A_231 = arith.constant 0 : index
    %swap3A_232 = arith.constant 1408 : index
    %swap3A_233 = vector.load %arg3[%swap3A_230, %swap3A_231, %swap3A_232] : memref<1x1024x2048xf32, #tpu.memory_space<vmem>>, vector<1x128x128xf32>
    %swap3A_234 = vector.shape_cast %swap3A_233 : vector<1x128x128xf32> to vector<128x128xf32>
    %swap3A_235 = vector.shape_cast %get3A_229 : vector<128x128xf32> to vector<1x128x128xf32>
    tpu.vector_store %arg3[%swap3A_230, %swap3A_231, %swap3A_232], %swap3A_235 {strides = array<i32>} : memref<1x1024x2048xf32, #tpu.memory_space<vmem>>, vector<1x128x128xf32>,
    %sub3A_236 = arith.constant 12 : i32
    %sub3A_237 = arith.subi %sub3A_236, %add3A_1 : i32
    %jit3A_238 = arith.constant -2 : i32
    %jit3A_239 = arith.constant 2 : i32
    %max3A_240 = arith.maxsi %jit3A_238, %sub3A_237 : i32
    %min3A_241 = arith.minsi %jit3A_239, %max3A_240 : i32
    %add3A_242 = arith.constant 2 : i32
    %add3A_243 = arith.addi %min3A_241, %add3A_242 : i32
    %get3A_244 = arith.constant 0 : index
    %get3A_245 = arith.index_cast %add3A_243 : i32 to index
    %get3A_246 = arith.constant 0 : index
    %get3A_247 = arith.constant 0 : index
    %get3A_248 = vector.load %arg2[%get3A_244, %get3A_245, %get3A_246, %get3A_247] : memref<1x5x128x128xf32, #tpu.memory_space<vmem>>, vector<1x1x128x128xf32>
    %get3A_249 = vector.shape_cast %get3A_248 : vector<1x1x128x128xf32> to vector<128x128xf32>
    %swap3A_250 = arith.constant 0 : index
    %swap3A_251 = arith.constant 0 : index
    %swap3A_252 = arith.constant 1536 : index
    %swap3A_253 = vector.load %arg3[%swap3A_250, %swap3A_251, %swap3A_252] : memref<1x1024x2048xf32, #tpu.memory_space<vmem>>, vector<1x128x128xf32>
    %swap3A_254 = vector.shape_cast %swap3A_253 : vector<1x128x128xf32> to vector<128x128xf32>
    %swap3A_255 = vector.shape_cast %get3A_249 : vector<128x128xf32> to vector<1x128x128xf32>
    tpu.vector_store %arg3[%swap3A_250, %swap3A_251, %swap3A_252], %swap3A_255 {strides = array<i32>} : memref<1x1024x2048xf32, #tpu.memory_space<vmem>>, vector<1x128x128xf32>,
    %sub3A_256 = arith.constant 13 : i32
    %sub3A_257 = arith.subi %sub3A_256, %add3A_1 : i32
    %jit3A_258 = arith.constant -2 : i32
    %jit3A_259 = arith.constant 2 : i32
    %max3A_260 = arith.maxsi %jit3A_258, %sub3A_257 : i32
    %min3A_261 = arith.minsi %jit3A_259, %max3A_260 : i32
    %add3A_262 = arith.constant 2 : i32
    %add3A_263 = arith.addi %min3A_261, %add3A_262 : i32
    %get3A_264 = arith.constant 0 : index
    %get3A_265 = arith.index_cast %add3A_263 : i32 to index
    %get3A_266 = arith.constant 0 : index
    %get3A_267 = arith.constant 0 : index
    %get3A_268 = vector.load %arg2[%get3A_264, %get3A_265, %get3A_266, %get3A_267] : memref<1x5x128x128xf32, #tpu.memory_space<vmem>>, vector<1x1x128x128xf32>
    %get3A_269 = vector.shape_cast %get3A_268 : vector<1x1x128x128xf32> to vector<128x128xf32>
    %swap3A_270 = arith.constant 0 : index
    %swap3A_271 = arith.constant 0 : index
    %swap3A_272 = arith.constant 1664 : index
    %swap3A_273 = vector.load %arg3[%swap3A_270, %swap3A_271, %swap3A_272] : memref<1x1024x2048xf32, #tpu.memory_space<vmem>>, vector<1x128x128xf32>
    %swap3A_274 = vector.shape_cast %swap3A_273 : vector<1x128x128xf32> to vector<128x128xf32>
    %swap3A_275 = vector.shape_cast %get3A_269 : vector<128x128xf32> to vector<1x128x128xf32>
    tpu.vector_store %arg3[%swap3A_270, %swap3A_271, %swap3A_272], %swap3A_275 {strides = array<i32>} : memref<1x1024x2048xf32, #tpu.memory_space<vmem>>, vector<1x128x128xf32>,
    %sub3A_276 = arith.constant 14 : i32
    %sub3A_277 = arith.subi %sub3A_276, %add3A_1 : i32
    %jit3A_278 = arith.constant -2 : i32
    %jit3A_279 = arith.constant 2 : i32
    %max3A_280 = arith.maxsi %jit3A_278, %sub3A_277 : i32
    %min3A_281 = arith.minsi %jit3A_279, %max3A_280 : i32
    %add3A_282 = arith.constant 2 : i32
    %add3A_283 = arith.addi %min3A_281, %add3A_282 : i32
    %get3A_284 = arith.constant 0 : index
    %get3A_285 = arith.index_cast %add3A_283 : i32 to index
    %get3A_286 = arith.constant 0 : index
    %get3A_287 = arith.constant 0 : index
    %get3A_288 = vector.load %arg2[%get3A_284, %get3A_285, %get3A_286, %get3A_287] : memref<1x5x128x128xf32, #tpu.memory_space<vmem>>, vector<1x1x128x128xf32>
    %get3A_289 = vector.shape_cast %get3A_288 : vector<1x1x128x128xf32> to vector<128x128xf32>
    %swap3A_290 = arith.constant 0 : index
    %swap3A_291 = arith.constant 0 : index
    %swap3A_292 = arith.constant 1792 : index
    %swap3A_293 = vector.load %arg3[%swap3A_290, %swap3A_291, %swap3A_292] : memref<1x1024x2048xf32, #tpu.memory_space<vmem>>, vector<1x128x128xf32>
    %swap3A_294 = vector.shape_cast %swap3A_293 : vector<1x128x128xf32> to vector<128x128xf32>
    %swap3A_295 = vector.shape_cast %get3A_289 : vector<128x128xf32> to vector<1x128x128xf32>
    tpu.vector_store %arg3[%swap3A_290, %swap3A_291, %swap3A_292], %swap3A_295 {strides = array<i32>} : memref<1x1024x2048xf32, #tpu.memory_space<vmem>>, vector<1x128x128xf32>,
    %sub3A_296 = arith.constant 15 : i32
    %sub3A_297 = arith.subi %sub3A_296, %add3A_1 : i32
    %jit3A_298 = arith.constant -2 : i32
    %jit3A_299 = arith.constant 2 : i32
    %max3A_300 = arith.maxsi %jit3A_298, %sub3A_297 : i32
    %min3A_301 = arith.minsi %jit3A_299, %max3A_300 : i32
    %add3A_302 = arith.constant 2 : i32
    %add3A_303 = arith.addi %min3A_301, %add3A_302 : i32
    %get3A_304 = arith.constant 0 : index
    %get3A_305 = arith.index_cast %add3A_303 : i32 to index
    %get3A_306 = arith.constant 0 : index
    %get3A_307 = arith.constant 0 : index
    %get3A_308 = vector.load %arg2[%get3A_304, %get3A_305, %get3A_306, %get3A_307] : memref<1x5x128x128xf32, #tpu.memory_space<vmem>>, vector<1x1x128x128xf32>
    %get3A_309 = vector.shape_cast %get3A_308 : vector<1x1x128x128xf32> to vector<128x128xf32>
    %swap3A_310 = arith.constant 0 : index
    %swap3A_311 = arith.constant 0 : index
    %swap3A_312 = arith.constant 1920 : index
    %swap3A_313 = vector.load %arg3[%swap3A_310, %swap3A_311, %swap3A_312] : memref<1x1024x2048xf32, #tpu.memory_space<vmem>>, vector<1x128x128xf32>
    %swap3A_314 = vector.shape_cast %swap3A_313 : vector<1x128x128xf32> to vector<128x128xf32>
    %swap3A_315 = vector.shape_cast %get3A_309 : vector<128x128xf32> to vector<1x128x128xf32>
    tpu.vector_store %arg3[%swap3A_310, %swap3A_311, %swap3A_312], %swap3A_315 {strides = array<i32>} : memref<1x1024x2048xf32, #tpu.memory_space<vmem>>, vector<1x128x128xf32>,
    %mul3A_316 = arith.constant 8 : i32
    %mul3A_317 = arith.muli %arg1, %mul3A_316 : i32
    %add3A_318 = arith.constant 1 : i32
    %add3A_319 = arith.addi %mul3A_317, %add3A_318 : i32
    %sub3A_320 = arith.constant 0 : i32
    %sub3A_321 = arith.subi %sub3A_320, %add3A_319 : i32
    %jit3A_322 = arith.constant -2 : i32
    %jit3A_323 = arith.constant 2 : i32
    %max3A_324 = arith.maxsi %jit3A_322, %sub3A_321 : i32
    %min3A_325 = arith.minsi %jit3A_323, %max3A_324 : i32
    %add3A_326 = arith.constant 2 : i32
    %add3A_327 = arith.addi %min3A_325, %add3A_326 : i32
    %get3A_328 = arith.constant 0 : index
    %get3A_329 = arith.index_cast %add3A_327 : i32 to index
    %get3A_330 = arith.constant 0 : index
    %get3A_331 = arith.constant 0 : index
    %get3A_332 = vector.load %arg2[%get3A_328, %get3A_329, %get3A_330, %get3A_331] : memref<1x5x128x128xf32, #tpu.memory_space<vmem>>, vector<1x1x128x128xf32>
    %get3A_333 = vector.shape_cast %get3A_332 : vector<1x1x128x128xf32> to vector<128x128xf32>
    %swap3A_334 = arith.constant 0 : index
    %swap3A_335 = arith.constant 128 : index
    %swap3A_336 = arith.constant 0 : index
    %swap3A_337 = vector.load %arg3[%swap3A_334, %swap3A_335, %swap3A_336] : memref<1x1024x2048xf32, #tpu.memory_space<vmem>>, vector<1x128x128xf32>
    %swap3A_338 = vector.shape_cast %swap3A_337 : vector<1x128x128xf32> to vector<128x128xf32>
    %swap3A_339 = vector.shape_cast %get3A_333 : vector<128x128xf32> to vector<1x128x128xf32>
    tpu.vector_store %arg3[%swap3A_334, %swap3A_335, %swap3A_336], %swap3A_339 {strides = array<i32>} : memref<1x1024x2048xf32, #tpu.memory_space<vmem>>, vector<1x128x128xf32>,
    %sub3A_340 = arith.constant 1 : i32
    %sub3A_341 = arith.subi %sub3A_340, %add3A_319 : i32
    %jit3A_342 = arith.constant -2 : i32
    %jit3A_343 = arith.constant 2 : i32
    %max3A_344 = arith.maxsi %jit3A_342, %sub3A_341 : i32
    %min3A_345 = arith.minsi %jit3A_343, %max3A_344 : i32
    %add3A_346 = arith.constant 2 : i32
    %add3A_347 = arith.addi %min3A_345, %add3A_346 : i32
    %get3A_348 = arith.constant 0 : index
    %get3A_349 = arith.index_cast %add3A_347 : i32 to index
    %get3A_350 = arith.constant 0 : index
    %get3A_351 = arith.constant 0 : index
    %get3A_352 = vector.load %arg2[%get3A_348, %get3A_349, %get3A_350, %get3A_351] : memref<1x5x128x128xf32, #tpu.memory_space<vmem>>, vector<1x1x128x128xf32>
    %get3A_353 = vector.shape_cast %get3A_352 : vector<1x1x128x128xf32> to vector<128x128xf32>
    %swap3A_354 = arith.constant 0 : index
    %swap3A_355 = arith.constant 128 : index
    %swap3A_356 = arith.constant 128 : index
    %swap3A_357 = vector.load %arg3[%swap3A_354, %swap3A_355, %swap3A_356] : memref<1x1024x2048xf32, #tpu.memory_space<vmem>>, vector<1x128x128xf32>
    %swap3A_358 = vector.shape_cast %swap3A_357 : vector<1x128x128xf32> to vector<128x128xf32>
    %swap3A_359 = vector.shape_cast %get3A_353 : vector<128x128xf32> to vector<1x128x128xf32>
    tpu.vector_store %arg3[%swap3A_354, %swap3A_355, %swap3A_356], %swap3A_359 {strides = array<i32>} : memref<1x1024x2048xf32, #tpu.memory_space<vmem>>, vector<1x128x128xf32>,
    %sub3A_360 = arith.constant 2 : i32
    %sub3A_361 = arith.subi %sub3A_360, %add3A_319 : i32
    %jit3A_362 = arith.constant -2 : i32
    %jit3A_363 = arith.constant 2 : i32
    %max3A_364 = arith.maxsi %jit3A_362, %sub3A_361 : i32
    %min3A_365 = arith.minsi %jit3A_363, %max3A_364 : i32
    %add3A_366 = arith.constant 2 : i32
    %add3A_367 = arith.addi %min3A_365, %add3A_366 : i32
    %get3A_368 = arith.constant 0 : index
    %get3A_369 = arith.index_cast %add3A_367 : i32 to index
    %get3A_370 = arith.constant 0 : index
    %get3A_371 = arith.constant 0 : index
    %get3A_372 = vector.load %arg2[%get3A_368, %get3A_369, %get3A_370, %get3A_371] : memref<1x5x128x128xf32, #tpu.memory_space<vmem>>, vector<1x1x128x128xf32>
    %get3A_373 = vector.shape_cast %get3A_372 : vector<1x1x128x128xf32> to vector<128x128xf32>
    %swap3A_374 = arith.constant 0 : index
    %swap3A_375 = arith.constant 128 : index
    %swap3A_376 = arith.constant 256 : index
    %swap3A_377 = vector.load %arg3[%swap3A_374, %swap3A_375, %swap3A_376] : memref<1x1024x2048xf32, #tpu.memory_space<vmem>>, vector<1x128x128xf32>
    %swap3A_378 = vector.shape_cast %swap3A_377 : vector<1x128x128xf32> to vector<128x128xf32>
    %swap3A_379 = vector.shape_cast %get3A_373 : vector<128x128xf32> to vector<1x128x128xf32>
    tpu.vector_store %arg3[%swap3A_374, %swap3A_375, %swap3A_376], %swap3A_379 {strides = array<i32>} : memref<1x1024x2048xf32, #tpu.memory_space<vmem>>, vector<1x128x128xf32>,
    %sub3A_380 = arith.constant 3 : i32
    %sub3A_381 = arith.subi %sub3A_380, %add3A_319 : i32
    %jit3A_382 = arith.constant -2 : i32
    %jit3A_383 = arith.constant 2 : i32
    %max3A_384 = arith.maxsi %jit3A_382, %sub3A_381 : i32
    %min3A_385 = arith.minsi %jit3A_383, %max3A_384 : i32
    %add3A_386 = arith.constant 2 : i32
    %add3A_387 = arith.addi %min3A_385, %add3A_386 : i32
    %get3A_388 = arith.constant 0 : index
    %get3A_389 = arith.index_cast %add3A_387 : i32 to index
    %get3A_390 = arith.constant 0 : index
    %get3A_391 = arith.constant 0 : index
    %get3A_392 = vector.load %arg2[%get3A_388, %get3A_389, %get3A_390, %get3A_391] : memref<1x5x128x128xf32, #tpu.memory_space<vmem>>, vector<1x1x128x128xf32>
    %get3A_393 = vector.shape_cast %get3A_392 : vector<1x1x128x128xf32> to vector<128x128xf32>
    %swap3A_394 = arith.constant 0 : index
    %swap3A_395 = arith.constant 128 : index
    %swap3A_396 = arith.constant 384 : index
    %swap3A_397 = vector.load %arg3[%swap3A_394, %swap3A_395, %swap3A_396] : memref<1x1024x2048xf32, #tpu.memory_space<vmem>>, vector<1x128x128xf32>
    %swap3A_398 = vector.shape_cast %swap3A_397 : vector<1x128x128xf32> to vector<128x128xf32>
    %swap3A_399 = vector.shape_cast %get3A_393 : vector<128x128xf32> to vector<1x128x128xf32>
    tpu.vector_store %arg3[%swap3A_394, %swap3A_395, %swap3A_396], %swap3A_399 {strides = array<i32>} : memref<1x1024x2048xf32, #tpu.memory_space<vmem>>, vector<1x128x128xf32>,
    %sub3A_400 = arith.constant 4 : i32
    %sub3A_401 = arith.subi %sub3A_400, %add3A_319 : i32
    %jit3A_402 = arith.constant -2 : i32
    %jit3A_403 = arith.constant 2 : i32
    %max3A_404 = arith.maxsi %jit3A_402, %sub3A_401 : i32
    %min3A_405 = arith.minsi %jit3A_403, %max3A_404 : i32
    %add3A_406 = arith.constant 2 : i32
    %add3A_407 = arith.addi %min3A_405, %add3A_406 : i32
    %get3A_408 = arith.constant 0 : index
    %get3A_409 = arith.index_cast %add3A_407 : i32 to index
    %get3A_410 = arith.constant 0 : index
    %get3A_411 = arith.constant 0 : index
    %get3A_412 = vector.load %arg2[%get3A_408, %get3A_409, %get3A_410, %get3A_411] : memref<1x5x128x128xf32, #tpu.memory_space<vmem>>, vector<1x1x128x128xf32>
    %get3A_413 = vector.shape_cast %get3A_412 : vector<1x1x128x128xf32> to vector<128x128xf32>
    %swap3A_414 = arith.constant 0 : index
    %swap3A_415 = arith.constant 128 : index
    %swap3A_416 = arith.constant 512 : index
    %swap3A_417 = vector.load %arg3[%swap3A_414, %swap3A_415, %swap3A_416] : memref<1x1024x2048xf32, #tpu.memory_space<vmem>>, vector<1x128x128xf32>
    %swap3A_418 = vector.shape_cast %swap3A_417 : vector<1x128x128xf32> to vector<128x128xf32>
    %swap3A_419 = vector.shape_cast %get3A_413 : vector<128x128xf32> to vector<1x128x128xf32>
    tpu.vector_store %arg3[%swap3A_414, %swap3A_415, %swap3A_416], %swap3A_419 {strides = array<i32>} : memref<1x1024x2048xf32, #tpu.memory_space<vmem>>, vector<1x128x128xf32>,
    %sub3A_420 = arith.constant 5 : i32
    %sub3A_421 = arith.subi %sub3A_420, %add3A_319 : i32
    %jit3A_422 = arith.constant -2 : i32
    %jit3A_423 = arith.constant 2 : i32
    %max3A_424 = arith.maxsi %jit3A_422, %sub3A_421 : i32
    %min3A_425 = arith.minsi %jit3A_423, %max3A_424 : i32
    %add3A_426 = arith.constant 2 : i32
    %add3A_427 = arith.addi %min3A_425, %add3A_426 : i32
    %get3A_428 = arith.constant 0 : index
    %get3A_429 = arith.index_cast %add3A_427 : i32 to index
    %get3A_430 = arith.constant 0 : index
    %get3A_431 = arith.constant 0 : index
    %get3A_432 = vector.load %arg2[%get3A_428, %get3A_429, %get3A_430, %get3A_431] : memref<1x5x128x128xf32, #tpu.memory_space<vmem>>, vector<1x1x128x128xf32>
    %get3A_433 = vector.shape_cast %get3A_432 : vector<1x1x128x128xf32> to vector<128x128xf32>
    %swap3A_434 = arith.constant 0 : index
    %swap3A_435 = arith.constant 128 : index
    %swap3A_436 = arith.constant 640 : index
    %swap3A_437 = vector.load %arg3[%swap3A_434, %swap3A_435, %swap3A_436] : memref<1x1024x2048xf32, #tpu.memory_space<vmem>>, vector<1x128x128xf32>
    %swap3A_438 = vector.shape_cast %swap3A_437 : vector<1x128x128xf32> to vector<128x128xf32>
    %swap3A_439 = vector.shape_cast %get3A_433 : vector<128x128xf32> to vector<1x128x128xf32>
    tpu.vector_store %arg3[%swap3A_434, %swap3A_435, %swap3A_436], %swap3A_439 {strides = array<i32>} : memref<1x1024x2048xf32, #tpu.memory_space<vmem>>, vector<1x128x128xf32>,
    %sub3A_440 = arith.constant 6 : i32
    %sub3A_441 = arith.subi %sub3A_440, %add3A_319 : i32
    %jit3A_442 = arith.constant -2 : i32
    %jit3A_443 = arith.constant 2 : i32
    %max3A_444 = arith.maxsi %jit3A_442, %sub3A_441 : i32
    %min3A_445 = arith.minsi %jit3A_443, %max3A_444 : i32
    %add3A_446 = arith.constant 2 : i32
    %add3A_447 = arith.addi %min3A_445, %add3A_446 : i32
    %get3A_448 = arith.constant 0 : index
    %get3A_449 = arith.index_cast %add3A_447 : i32 to index
    %get3A_450 = arith.constant 0 : index
    %get3A_451 = arith.constant 0 : index
    %get3A_452 = vector.load %arg2[%get3A_448, %get3A_449, %get3A_450, %get3A_451] : memref<1x5x128x128xf32, #tpu.memory_space<vmem>>, vector<1x1x128x128xf32>
    %get3A_453 = vector.shape_cast %get3A_452 : vector<1x1x128x128xf32> to vector<128x128xf32>
    %swap3A_454 = arith.constant 0 : index
    %swap3A_455 = arith.constant 128 : index
    %swap3A_456 = arith.constant 768 : index
    %swap3A_457 = vector.load %arg3[%swap3A_454, %swap3A_455, %swap3A_456] : memref<1x1024x2048xf32, #tpu.memory_space<vmem>>, vector<1x128x128xf32>
    %swap3A_458 = vector.shape_cast %swap3A_457 : vector<1x128x128xf32> to vector<128x128xf32>
    %swap3A_459 = vector.shape_cast %get3A_453 : vector<128x128xf32> to vector<1x128x128xf32>
    tpu.vector_store %arg3[%swap3A_454, %swap3A_455, %swap3A_456], %swap3A_459 {strides = array<i32>} : memref<1x1024x2048xf32, #tpu.memory_space<vmem>>, vector<1x128x128xf32>,
    %sub3A_460 = arith.constant 7 : i32
    %sub3A_461 = arith.subi %sub3A_460, %add3A_319 : i32
    %jit3A_462 = arith.constant -2 : i32
    %jit3A_463 = arith.constant 2 : i32
    %max3A_464 = arith.maxsi %jit3A_462, %sub3A_461 : i32
    %min3A_465 = arith.minsi %jit3A_463, %max3A_464 : i32
    %add3A_466 = arith.constant 2 : i32
    %add3A_467 = arith.addi %min3A_465, %add3A_466 : i32
    %get3A_468 = arith.constant 0 : index
    %get3A_469 = arith.index_cast %add3A_467 : i32 to index
    %get3A_470 = arith.constant 0 : index
    %get3A_471 = arith.constant 0 : index
    %get3A_472 = vector.load %arg2[%get3A_468, %get3A_469, %get3A_470, %get3A_471] : memref<1x5x128x128xf32, #tpu.memory_space<vmem>>, vector<1x1x128x128xf32>
    %get3A_473 = vector.shape_cast %get3A_472 : vector<1x1x128x128xf32> to vector<128x128xf32>
    %swap3A_474 = arith.constant 0 : index
    %swap3A_475 = arith.constant 128 : index
    %swap3A_476 = arith.constant 896 : index
    %swap3A_477 = vector.load %arg3[%swap3A_474, %swap3A_475, %swap3A_476] : memref<1x1024x2048xf32, #tpu.memory_space<vmem>>, vector<1x128x128xf32>
    %swap3A_478 = vector.shape_cast %swap3A_477 : vector<1x128x128xf32> to vector<128x128xf32>
    %swap3A_479 = vector.shape_cast %get3A_473 : vector<128x128xf32> to vector<1x128x128xf32>
    tpu.vector_store %arg3[%swap3A_474, %swap3A_475, %swap3A_476], %swap3A_479 {strides = array<i32>} : memref<1x1024x2048xf32, #tpu.memory_space<vmem>>, vector<1x128x128xf32>,
    %sub3A_480 = arith.constant 8 : i32
    %sub3A_481 = arith.subi %sub3A_480, %add3A_319 : i32
    %jit3A_482 = arith.constant -2 : i32
    %jit3A_483 = arith.constant 2 : i32
    %max3A_484 = arith.maxsi %jit3A_482, %sub3A_481 : i32
    %min3A_485 = arith.minsi %jit3A_483, %max3A_484 : i32
    %add3A_486 = arith.constant 2 : i32
    %add3A_487 = arith.addi %min3A_485, %add3A_486 : i32
    %get3A_488 = arith.constant 0 : index
    %get3A_489 = arith.index_cast %add3A_487 : i32 to index
    %get3A_490 = arith.constant 0 : index
    %get3A_491 = arith.constant 0 : index
    %get3A_492 = vector.load %arg2[%get3A_488, %get3A_489, %get3A_490, %get3A_491] : memref<1x5x128x128xf32, #tpu.memory_space<vmem>>, vector<1x1x128x128xf32>
    %get3A_493 = vector.shape_cast %get3A_492 : vector<1x1x128x128xf32> to vector<128x128xf32>
    %swap3A_494 = arith.constant 0 : index
    %swap3A_495 = arith.constant 128 : index
    %swap3A_496 = arith.constant 1024 : index
    %swap3A_497 = vector.load %arg3[%swap3A_494, %swap3A_495, %swap3A_496] : memref<1x1024x2048xf32, #tpu.memory_space<vmem>>, vector<1x128x128xf32>
    %swap3A_498 = vector.shape_cast %swap3A_497 : vector<1x128x128xf32> to vector<128x128xf32>
    %swap3A_499 = vector.shape_cast %get3A_493 : vector<128x128xf32> to vector<1x128x128xf32>
    tpu.vector_store %arg3[%swap3A_494, %swap3A_495, %swap3A_496], %swap3A_499 {strides = array<i32>} : memref<1x1024x2048xf32, #tpu.memory_space<vmem>>, vector<1x128x128xf32>,
    %sub3A_500 = arith.constant 9 : i32
    %sub3A_501 = arith.subi %sub3A_500, %add3A_319 : i32
    %jit3A_502 = arith.constant -2 : i32
    %jit3A_503 = arith.constant 2 : i32
    %max3A_504 = arith.maxsi %jit3A_502, %sub3A_501 : i32
    %min3A_505 = arith.minsi %jit3A_503, %max3A_504 : i32
    %add3A_506 = arith.constant 2 : i32
    %add3A_507 = arith.addi %min3A_505, %add3A_506 : i32
    %get3A_508 = arith.constant 0 : index
    %get3A_509 = arith.index_cast %add3A_507 : i32 to index
    %get3A_510 = arith.constant 0 : index
    %get3A_511 = arith.constant 0 : index
    %get3A_512 = vector.load %arg2[%get3A_508, %get3A_509, %get3A_510, %get3A_511] : memref<1x5x128x128xf32, #tpu.memory_space<vmem>>, vector<1x1x128x128xf32>
    %get3A_513 = vector.shape_cast %get3A_512 : vector<1x1x128x128xf32> to vector<128x128xf32>
    %swap3A_514 = arith.constant 0 : index
    %swap3A_515 = arith.constant 128 : index
    %swap3A_516 = arith.constant 1152 : index
    %swap3A_517 = vector.load %arg3[%swap3A_514, %swap3A_515, %swap3A_516] : memref<1x1024x2048xf32, #tpu.memory_space<vmem>>, vector<1x128x128xf32>
    %swap3A_518 = vector.shape_cast %swap3A_517 : vector<1x128x128xf32> to vector<128x128xf32>
    %swap3A_519 = vector.shape_cast %get3A_513 : vector<128x128xf32> to vector<1x128x128xf32>
    tpu.vector_store %arg3[%swap3A_514, %swap3A_515, %swap3A_516], %swap3A_519 {strides = array<i32>} : memref<1x1024x2048xf32, #tpu.memory_space<vmem>>, vector<1x128x128xf32>,
    %sub3A_520 = arith.constant 10 : i32
    %sub3A_521 = arith.subi %sub3A_520, %add3A_319 : i32
    %jit3A_522 = arith.constant -2 : i32
    %jit3A_523 = arith.constant 2 : i32
    %max3A_524 = arith.maxsi %jit3A_522, %sub3A_521 : i32
    %min3A_525 = arith.minsi %jit3A_523, %max3A_524 : i32
    %add3A_526 = arith.constant 2 : i32
    %add3A_527 = arith.addi %min3A_525, %add3A_526 : i32
    %get3A_528 = arith.constant 0 : index
    %get3A_529 = arith.index_cast %add3A_527 : i32 to index
    %get3A_530 = arith.constant 0 : index
    %get3A_531 = arith.constant 0 : index
    %get3A_532 = vector.load %arg2[%get3A_528, %get3A_529, %get3A_530, %get3A_531] : memref<1x5x128x128xf32, #tpu.memory_space<vmem>>, vector<1x1x128x128xf32>
    %get3A_533 = vector.shape_cast %get3A_532 : vector<1x1x128x128xf32> to vector<128x128xf32>
    %swap3A_534 = arith.constant 0 : index
    %swap3A_535 = arith.constant 128 : index
    %swap3A_536 = arith.constant 1280 : index
    %swap3A_537 = vector.load %arg3[%swap3A_534, %swap3A_535, %swap3A_536] : memref<1x1024x2048xf32, #tpu.memory_space<vmem>>, vector<1x128x128xf32>
    %swap3A_538 = vector.shape_cast %swap3A_537 : vector<1x128x128xf32> to vector<128x128xf32>
    %swap3A_539 = vector.shape_cast %get3A_533 : vector<128x128xf32> to vector<1x128x128xf32>
    tpu.vector_store %arg3[%swap3A_534, %swap3A_535, %swap3A_536], %swap3A_539 {strides = array<i32>} : memref<1x1024x2048xf32, #tpu.memory_space<vmem>>, vector<1x128x128xf32>,
    %sub3A_540 = arith.constant 11 : i32
    %sub3A_541 = arith.subi %sub3A_540, %add3A_319 : i32
    %jit3A_542 = arith.constant -2 : i32
    %jit3A_543 = arith.constant 2 : i32
    %max3A_544 = arith.maxsi %jit3A_542, %sub3A_541 : i32
    %min3A_545 = arith.minsi %jit3A_543, %max3A_544 : i32
    %add3A_546 = arith.constant 2 : i32
    %add3A_547 = arith.addi %min3A_545, %add3A_546 : i32
    %get3A_548 = arith.constant 0 : index
    %get3A_549 = arith.index_cast %add3A_547 : i32 to index
    %get3A_550 = arith.constant 0 : index
    %get3A_551 = arith.constant 0 : index
    %get3A_552 = vector.load %arg2[%get3A_548, %get3A_549, %get3A_550, %get3A_551] : memref<1x5x128x128xf32, #tpu.memory_space<vmem>>, vector<1x1x128x128xf32>
    %get3A_553 = vector.shape_cast %get3A_552 : vector<1x1x128x128xf32> to vector<128x128xf32>
    %swap3A_554 = arith.constant 0 : index
    %swap3A_555 = arith.constant 128 : index
    %swap3A_556 = arith.constant 1408 : index
    %swap3A_557 = vector.load %arg3[%swap3A_554, %swap3A_555, %swap3A_556] : memref<1x1024x2048xf32, #tpu.memory_space<vmem>>, vector<1x128x128xf32>
    %swap3A_558 = vector.shape_cast %swap3A_557 : vector<1x128x128xf32> to vector<128x128xf32>
    %swap3A_559 = vector.shape_cast %get3A_553 : vector<128x128xf32> to vector<1x128x128xf32>
    tpu.vector_store %arg3[%swap3A_554, %swap3A_555, %swap3A_556], %swap3A_559 {strides = array<i32>} : memref<1x1024x2048xf32, #tpu.memory_space<vmem>>, vector<1x128x128xf32>,
    %sub3A_560 = arith.constant 12 : i32
    %sub3A_561 = arith.subi %sub3A_560, %add3A_319 : i32
    %jit3A_562 = arith.constant -2 : i32
    %jit3A_563 = arith.constant 2 : i32
    %max3A_564 = arith.maxsi %jit3A_562, %sub3A_561 : i32
    %min3A_565 = arith.minsi %jit3A_563, %max3A_564 : i32
    %add3A_566 = arith.constant 2 : i32
    %add3A_567 = arith.addi %min3A_565, %add3A_566 : i32
    %get3A_568 = arith.constant 0 : index
    %get3A_569 = arith.index_cast %add3A_567 : i32 to index
    %get3A_570 = arith.constant 0 : index
    %get3A_571 = arith.constant 0 : index
    %get3A_572 = vector.load %arg2[%get3A_568, %get3A_569, %get3A_570, %get3A_571] : memref<1x5x128x128xf32, #tpu.memory_space<vmem>>, vector<1x1x128x128xf32>
    %get3A_573 = vector.shape_cast %get3A_572 : vector<1x1x128x128xf32> to vector<128x128xf32>
    %swap3A_574 = arith.constant 0 : index
    %swap3A_575 = arith.constant 128 : index
    %swap3A_576 = arith.constant 1536 : index
    %swap3A_577 = vector.load %arg3[%swap3A_574, %swap3A_575, %swap3A_576] : memref<1x1024x2048xf32, #tpu.memory_space<vmem>>, vector<1x128x128xf32>
    %swap3A_578 = vector.shape_cast %swap3A_577 : vector<1x128x128xf32> to vector<128x128xf32>
    %swap3A_579 = vector.shape_cast %get3A_573 : vector<128x128xf32> to vector<1x128x128xf32>
    tpu.vector_store %arg3[%swap3A_574, %swap3A_575, %swap3A_576], %swap3A_579 {strides = array<i32>} : memref<1x1024x2048xf32, #tpu.memory_space<vmem>>, vector<1x128x128xf32>,
    %sub3A_580 = arith.constant 13 : i32
    %sub3A_581 = arith.subi %sub3A_580, %add3A_319 : i32
    %jit3A_582 = arith.constant -2 : i32
    %jit3A_583 = arith.constant 2 : i32
    %max3A_584 = arith.maxsi %jit3A_582, %sub3A_581 : i32
    %min3A_585 = arith.minsi %jit3A_583, %max3A_584 : i32
    %add3A_586 = arith.constant 2 : i32
    %add3A_587 = arith.addi %min3A_585, %add3A_586 : i32
    %get3A_588 = arith.constant 0 : index
    %get3A_589 = arith.index_cast %add3A_587 : i32 to index
    %get3A_590 = arith.constant 0 : index
    %get3A_591 = arith.constant 0 : index
    %get3A_592 = vector.load %arg2[%get3A_588, %get3A_589, %get3A_590, %get3A_591] : memref<1x5x128x128xf32, #tpu.memory_space<vmem>>, vector<1x1x128x128xf32>
    %get3A_593 = vector.shape_cast %get3A_592 : vector<1x1x128x128xf32> to vector<128x128xf32>
    %swap3A_594 = arith.constant 0 : index
    %swap3A_595 = arith.constant 128 : index
    %swap3A_596 = arith.constant 1664 : index
    %swap3A_597 = vector.load %arg3[%swap3A_594, %swap3A_595, %swap3A_596] : memref<1x1024x2048xf32, #tpu.memory_space<vmem>>, vector<1x128x128xf32>
    %swap3A_598 = vector.shape_cast %swap3A_597 : vector<1x128x128xf32> to vector<128x128xf32>
    %swap3A_599 = vector.shape_cast %get3A_593 : vector<128x128xf32> to vector<1x128x128xf32>
    tpu.vector_store %arg3[%swap3A_594, %swap3A_595, %swap3A_596], %swap3A_599 {strides = array<i32>} : memref<1x1024x2048xf32, #tpu.memory_space<vmem>>, vector<1x128x128xf32>,
    %sub3A_600 = arith.constant 14 : i32
    %sub3A_601 = arith.subi %sub3A_600, %add3A_319 : i32
    %jit3A_602 = arith.constant -2 : i32
    %jit3A_603 = arith.constant 2 : i32
    %max3A_604 = arith.maxsi %jit3A_602, %sub3A_601 : i32
    %min3A_605 = arith.minsi %jit3A_603, %max3A_604 : i32
    %add3A_606 = arith.constant 2 : i32
    %add3A_607 = arith.addi %min3A_605, %add3A_606 : i32
    %get3A_608 = arith.constant 0 : index
    %get3A_609 = arith.index_cast %add3A_607 : i32 to index
    %get3A_610 = arith.constant 0 : index
    %get3A_611 = arith.constant 0 : index
    %get3A_612 = vector.load %arg2[%get3A_608, %get3A_609, %get3A_610, %get3A_611] : memref<1x5x128x128xf32, #tpu.memory_space<vmem>>, vector<1x1x128x128xf32>
    %get3A_613 = vector.shape_cast %get3A_612 : vector<1x1x128x128xf32> to vector<128x128xf32>
    %swap3A_614 = arith.constant 0 : index
    %swap3A_615 = arith.constant 128 : index
    %swap3A_616 = arith.constant 1792 : index
    %swap3A_617 = vector.load %arg3[%swap3A_614, %swap3A_615, %swap3A_616] : memref<1x1024x2048xf32, #tpu.memory_space<vmem>>, vector<1x128x128xf32>
    %swap3A_618 = vector.shape_cast %swap3A_617 : vector<1x128x128xf32> to vector<128x128xf32>
    %swap3A_619 = vector.shape_cast %get3A_613 : vector<128x128xf32> to vector<1x128x128xf32>
    tpu.vector_store %arg3[%swap3A_614, %swap3A_615, %swap3A_616], %swap3A_619 {strides = array<i32>} : memref<1x1024x2048xf32, #tpu.memory_space<vmem>>, vector<1x128x128xf32>,
    %sub3A_620 = arith.constant 15 : i32
    %sub3A_621 = arith.subi %sub3A_620, %add3A_319 : i32
    %jit3A_622 = arith.constant -2 : i32
    %jit3A_623 = arith.constant 2 : i32
    %max3A_624 = arith.maxsi %jit3A_622, %sub3A_621 : i32
    %min3A_625 = arith.minsi %jit3A_623, %max3A_624 : i32
    %add3A_626 = arith.constant 2 : i32
    %add3A_627 = arith.addi %min3A_625, %add3A_626 : i32
    %get3A_628 = arith.constant 0 : index
    %get3A_629 = arith.index_cast %add3A_627 : i32 to index
    %get3A_630 = arith.constant 0 : index
    %get3A_631 = arith.constant 0 : index
    %get3A_632 = vector.load %arg2[%get3A_628, %get3A_629, %get3A_630, %get3A_631] : memref<1x5x128x128xf32, #tpu.memory_space<vmem>>, vector<1x1x128x128xf32>
    %get3A_633 = vector.shape_cast %get3A_632 : vector<1x1x128x128xf32> to vector<128x128xf32>
    %swap3A_634 = arith.constant 0 : index
    %swap3A_635 = arith.constant 128 : index
    %swap3A_636 = arith.constant 1920 : index
    %swap3A_637 = vector.load %arg3[%swap3A_634, %swap3A_635, %swap3A_636] : memref<1x1024x2048xf32, #tpu.memory_space<vmem>>, vector<1x128x128xf32>
    %swap3A_638 = vector.shape_cast %swap3A_637 : vector<1x128x128xf32> to vector<128x128xf32>
    %swap3A_639 = vector.shape_cast %get3A_633 : vector<128x128xf32> to vector<1x128x128xf32>
    tpu.vector_store %arg3[%swap3A_634, %swap3A_635, %swap3A_636], %swap3A_639 {strides = array<i32>} : memref<1x1024x2048xf32, #tpu.memory_space<vmem>>, vector<1x128x128xf32>,
    %mul3A_640 = arith.constant 8 : i32
    %mul3A_641 = arith.muli %arg1, %mul3A_640 : i32
    %add3A_642 = arith.constant 2 : i32
    %add3A_643 = arith.addi %mul3A_641, %add3A_642 : i32
    %sub3A_644 = arith.constant 0 : i32
    %sub3A_645 = arith.subi %sub3A_644, %add3A_643 : i32
    %jit3A_646 = arith.constant -2 : i32
    %jit3A_647 = arith.constant 2 : i32
    %max3A_648 = arith.maxsi %jit3A_646, %sub3A_645 : i32
    %min3A_649 = arith.minsi %jit3A_647, %max3A_648 : i32
    %add3A_650 = arith.constant 2 : i32
    %add3A_651 = arith.addi %min3A_649, %add3A_650 : i32
    %get3A_652 = arith.constant 0 : index
    %get3A_653 = arith.index_cast %add3A_651 : i32 to index
    %get3A_654 = arith.constant 0 : index
    %get3A_655 = arith.constant 0 : index
    %get3A_656 = vector.load %arg2[%get3A_652, %get3A_653, %get3A_654, %get3A_655] : memref<1x5x128x128xf32, #tpu.memory_space<vmem>>, vector<1x1x128x128xf32>
    %get3A_657 = vector.shape_cast %get3A_656 : vector<1x1x128x128xf32> to vector<128x128xf32>
    %swap3A_658 = arith.constant 0 : index
    %swap3A_659 = arith.constant 256 : index
    %swap3A_660 = arith.constant 0 : index
    %swap3A_661 = vector.load %arg3[%swap3A_658, %swap3A_659, %swap3A_660] : memref<1x1024x2048xf32, #tpu.memory_space<vmem>>, vector<1x128x128xf32>
    %swap3A_662 = vector.shape_cast %swap3A_661 : vector<1x128x128xf32> to vector<128x128xf32>
    %swap3A_663 = vector.shape_cast %get3A_657 : vector<128x128xf32> to vector<1x128x128xf32>
    tpu.vector_store %arg3[%swap3A_658, %swap3A_659, %swap3A_660], %swap3A_663 {strides = array<i32>} : memref<1x1024x2048xf32, #tpu.memory_space<vmem>>, vector<1x128x128xf32>,
    %sub3A_664 = arith.constant 1 : i32
    %sub3A_665 = arith.subi %sub3A_664, %add3A_643 : i32
    %jit3A_666 = arith.constant -2 : i32
    %jit3A_667 = arith.constant 2 : i32
    %max3A_668 = arith.maxsi %jit3A_666, %sub3A_665 : i32
    %min3A_669 = arith.minsi %jit3A_667, %max3A_668 : i32
    %add3A_670 = arith.constant 2 : i32
    %add3A_671 = arith.addi %min3A_669, %add3A_670 : i32
    %get3A_672 = arith.constant 0 : index
    %get3A_673 = arith.index_cast %add3A_671 : i32 to index
    %get3A_674 = arith.constant 0 : index
    %get3A_675 = arith.constant 0 : index
    %get3A_676 = vector.load %arg2[%get3A_672, %get3A_673, %get3A_674, %get3A_675] : memref<1x5x128x128xf32, #tpu.memory_space<vmem>>, vector<1x1x128x128xf32>
    %get3A_677 = vector.shape_cast %get3A_676 : vector<1x1x128x128xf32> to vector<128x128xf32>
    %swap3A_678 = arith.constant 0 : index
    %swap3A_679 = arith.constant 256 : index
    %swap3A_680 = arith.constant 128 : index
    %swap3A_681 = vector.load %arg3[%swap3A_678, %swap3A_679, %swap3A_680] : memref<1x1024x2048xf32, #tpu.memory_space<vmem>>, vector<1x128x128xf32>
    %swap3A_682 = vector.shape_cast %swap3A_681 : vector<1x128x128xf32> to vector<128x128xf32>
    %swap3A_683 = vector.shape_cast %get3A_677 : vector<128x128xf32> to vector<1x128x128xf32>
    tpu.vector_store %arg3[%swap3A_678, %swap3A_679, %swap3A_680], %swap3A_683 {strides = array<i32>} : memref<1x1024x2048xf32, #tpu.memory_space<vmem>>, vector<1x128x128xf32>,
    %sub3A_684 = arith.constant 2 : i32
    %sub3A_685 = arith.subi %sub3A_684, %add3A_643 : i32
    %jit3A_686 = arith.constant -2 : i32
    %jit3A_687 = arith.constant 2 : i32
    %max3A_688 = arith.maxsi %jit3A_686, %sub3A_685 : i32
    %min3A_689 = arith.minsi %jit3A_687, %max3A_688 : i32
    %add3A_690 = arith.constant 2 : i32
    %add3A_691 = arith.addi %min3A_689, %add3A_690 : i32
    %get3A_692 = arith.constant 0 : index
    %get3A_693 = arith.index_cast %add3A_691 : i32 to index
    %get3A_694 = arith.constant 0 : index
    %get3A_695 = arith.constant 0 : index
    %get3A_696 = vector.load %arg2[%get3A_692, %get3A_693, %get3A_694, %get3A_695] : memref<1x5x128x128xf32, #tpu.memory_space<vmem>>, vector<1x1x128x128xf32>
    %get3A_697 = vector.shape_cast %get3A_696 : vector<1x1x128x128xf32> to vector<128x128xf32>
    %swap3A_698 = arith.constant 0 : index
    %swap3A_699 = arith.constant 256 : index
    %swap3A_700 = arith.constant 256 : index
    %swap3A_701 = vector.load %arg3[%swap3A_698, %swap3A_699, %swap3A_700] : memref<1x1024x2048xf32, #tpu.memory_space<vmem>>, vector<1x128x128xf32>
    %swap3A_702 = vector.shape_cast %swap3A_701 : vector<1x128x128xf32> to vector<128x128xf32>
    %swap3A_703 = vector.shape_cast %get3A_697 : vector<128x128xf32> to vector<1x128x128xf32>
    tpu.vector_store %arg3[%swap3A_698, %swap3A_699, %swap3A_700], %swap3A_703 {strides = array<i32>} : memref<1x1024x2048xf32, #tpu.memory_space<vmem>>, vector<1x128x128xf32>,
    %sub3A_704 = arith.constant 3 : i32
    %sub3A_705 = arith.subi %sub3A_704, %add3A_643 : i32
    %jit3A_706 = arith.constant -2 : i32
    %jit3A_707 = arith.constant 2 : i32
    %max3A_708 = arith.maxsi %jit3A_706, %sub3A_705 : i32
    %min3A_709 = arith.minsi %jit3A_707, %max3A_708 : i32
    %add3A_710 = arith.constant 2 : i32
    %add3A_711 = arith.addi %min3A_709, %add3A_710 : i32
    %get3A_712 = arith.constant 0 : index
    %get3A_713 = arith.index_cast %add3A_711 : i32 to index
    %get3A_714 = arith.constant 0 : index
    %get3A_715 = arith.constant 0 : index
    %get3A_716 = vector.load %arg2[%get3A_712, %get3A_713, %get3A_714, %get3A_715] : memref<1x5x128x128xf32, #tpu.memory_space<vmem>>, vector<1x1x128x128xf32>
    %get3A_717 = vector.shape_cast %get3A_716 : vector<1x1x128x128xf32> to vector<128x128xf32>
    %swap3A_718 = arith.constant 0 : index
    %swap3A_719 = arith.constant 256 : index
    %swap3A_720 = arith.constant 384 : index
    %swap3A_721 = vector.load %arg3[%swap3A_718, %swap3A_719, %swap3A_720] : memref<1x1024x2048xf32, #tpu.memory_space<vmem>>, vector<1x128x128xf32>
    %swap3A_722 = vector.shape_cast %swap3A_721 : vector<1x128x128xf32> to vector<128x128xf32>
    %swap3A_723 = vector.shape_cast %get3A_717 : vector<128x128xf32> to vector<1x128x128xf32>
    tpu.vector_store %arg3[%swap3A_718, %swap3A_719, %swap3A_720], %swap3A_723 {strides = array<i32>} : memref<1x1024x2048xf32, #tpu.memory_space<vmem>>, vector<1x128x128xf32>,
    %sub3A_724 = arith.constant 4 : i32
    %sub3A_725 = arith.subi %sub3A_724, %add3A_643 : i32
    %jit3A_726 = arith.constant -2 : i32
    %jit3A_727 = arith.constant 2 : i32
    %max3A_728 = arith.maxsi %jit3A_726, %sub3A_725 : i32
    %min3A_729 = arith.minsi %jit3A_727, %max3A_728 : i32
    %add3A_730 = arith.constant 2 : i32
    %add3A_731 = arith.addi %min3A_729, %add3A_730 : i32
    %get3A_732 = arith.constant 0 : index
    %get3A_733 = arith.index_cast %add3A_731 : i32 to index
    %get3A_734 = arith.constant 0 : index
    %get3A_735 = arith.constant 0 : index
    %get3A_736 = vector.load %arg2[%get3A_732, %get3A_733, %get3A_734, %get3A_735] : memref<1x5x128x128xf32, #tpu.memory_space<vmem>>, vector<1x1x128x128xf32>
    %get3A_737 = vector.shape_cast %get3A_736 : vector<1x1x128x128xf32> to vector<128x128xf32>
    %swap3A_738 = arith.constant 0 : index
    %swap3A_739 = arith.constant 256 : index
    %swap3A_740 = arith.constant 512 : index
    %swap3A_741 = vector.load %arg3[%swap3A_738, %swap3A_739, %swap3A_740] : memref<1x1024x2048xf32, #tpu.memory_space<vmem>>, vector<1x128x128xf32>
    %swap3A_742 = vector.shape_cast %swap3A_741 : vector<1x128x128xf32> to vector<128x128xf32>
    %swap3A_743 = vector.shape_cast %get3A_737 : vector<128x128xf32> to vector<1x128x128xf32>
    tpu.vector_store %arg3[%swap3A_738, %swap3A_739, %swap3A_740], %swap3A_743 {strides = array<i32>} : memref<1x1024x2048xf32, #tpu.memory_space<vmem>>, vector<1x128x128xf32>,
    %sub3A_744 = arith.constant 5 : i32
    %sub3A_745 = arith.subi %sub3A_744, %add3A_643 : i32
    %jit3A_746 = arith.constant -2 : i32
    %jit3A_747 = arith.constant 2 : i32
    %max3A_748 = arith.maxsi %jit3A_746, %sub3A_745 : i32
    %min3A_749 = arith.minsi %jit3A_747, %max3A_748 : i32
    %add3A_750 = arith.constant 2 : i32
    %add3A_751 = arith.addi %min3A_749, %add3A_750 : i32
    %get3A_752 = arith.constant 0 : index
    %get3A_753 = arith.index_cast %add3A_751 : i32 to index
    %get3A_754 = arith.constant 0 : index
    %get3A_755 = arith.constant 0 : index
    %get3A_756 = vector.load %arg2[%get3A_752, %get3A_753, %get3A_754, %get3A_755] : memref<1x5x128x128xf32, #tpu.memory_space<vmem>>, vector<1x1x128x128xf32>
    %get3A_757 = vector.shape_cast %get3A_756 : vector<1x1x128x128xf32> to vector<128x128xf32>
    %swap3A_758 = arith.constant 0 : index
    %swap3A_759 = arith.constant 256 : index
    %swap3A_760 = arith.constant 640 : index
    %swap3A_761 = vector.load %arg3[%swap3A_758, %swap3A_759, %swap3A_760] : memref<1x1024x2048xf32, #tpu.memory_space<vmem>>, vector<1x128x128xf32>
    %swap3A_762 = vector.shape_cast %swap3A_761 : vector<1x128x128xf32> to vector<128x128xf32>
    %swap3A_763 = vector.shape_cast %get3A_757 : vector<128x128xf32> to vector<1x128x128xf32>
    tpu.vector_store %arg3[%swap3A_758, %swap3A_759, %swap3A_760], %swap3A_763 {strides = array<i32>} : memref<1x1024x2048xf32, #tpu.memory_space<vmem>>, vector<1x128x128xf32>,
    %sub3A_764 = arith.constant 6 : i32
    %sub3A_765 = arith.subi %sub3A_764, %add3A_643 : i32
    %jit3A_766 = arith.constant -2 : i32
    %jit3A_767 = arith.constant 2 : i32
    %max3A_768 = arith.maxsi %jit3A_766, %sub3A_765 : i32
    %min3A_769 = arith.minsi %jit3A_767, %max3A_768 : i32
    %add3A_770 = arith.constant 2 : i32
    %add3A_771 = arith.addi %min3A_769, %add3A_770 : i32
    %get3A_772 = arith.constant 0 : index
    %get3A_773 = arith.index_cast %add3A_771 : i32 to index
    %get3A_774 = arith.constant 0 : index
    %get3A_775 = arith.constant 0 : index
    %get3A_776 = vector.load %arg2[%get3A_772, %get3A_773, %get3A_774, %get3A_775] : memref<1x5x128x128xf32, #tpu.memory_space<vmem>>, vector<1x1x128x128xf32>
    %get3A_777 = vector.shape_cast %get3A_776 : vector<1x1x128x128xf32> to vector<128x128xf32>
    %swap3A_778 = arith.constant 0 : index
    %swap3A_779 = arith.constant 256 : index
    %swap3A_780 = arith.constant 768 : index
    %swap3A_781 = vector.load %arg3[%swap3A_778, %swap3A_779, %swap3A_780] : memref<1x1024x2048xf32, #tpu.memory_space<vmem>>, vector<1x128x128xf32>
    %swap3A_782 = vector.shape_cast %swap3A_781 : vector<1x128x128xf32> to vector<128x128xf32>
    %swap3A_783 = vector.shape_cast %get3A_777 : vector<128x128xf32> to vector<1x128x128xf32>
    tpu.vector_store %arg3[%swap3A_778, %swap3A_779, %swap3A_780], %swap3A_783 {strides = array<i32>} : memref<1x1024x2048xf32, #tpu.memory_space<vmem>>, vector<1x128x128xf32>,
    %sub3A_784 = arith.constant 7 : i32
    %sub3A_785 = arith.subi %sub3A_784, %add3A_643 : i32
    %jit3A_786 = arith.constant -2 : i32
    %jit3A_787 = arith.constant 2 : i32
    %max3A_788 = arith.maxsi %jit3A_786, %sub3A_785 : i32
    %min3A_789 = arith.minsi %jit3A_787, %max3A_788 : i32
    %add3A_790 = arith.constant 2 : i32
    %add3A_791 = arith.addi %min3A_789, %add3A_790 : i32
    %get3A_792 = arith.constant 0 : index
    %get3A_793 = arith.index_cast %add3A_791 : i32 to index
    %get3A_794 = arith.constant 0 : index
    %get3A_795 = arith.constant 0 : index
    %get3A_796 = vector.load %arg2[%get3A_792, %get3A_793, %get3A_794, %get3A_795] : memref<1x5x128x128xf32, #tpu.memory_space<vmem>>, vector<1x1x128x128xf32>
    %get3A_797 = vector.shape_cast %get3A_796 : vector<1x1x128x128xf32> to vector<128x128xf32>
    %swap3A_798 = arith.constant 0 : index
    %swap3A_799 = arith.constant 256 : index
    %swap3A_800 = arith.constant 896 : index
    %swap3A_801 = vector.load %arg3[%swap3A_798, %swap3A_799, %swap3A_800] : memref<1x1024x2048xf32, #tpu.memory_space<vmem>>, vector<1x128x128xf32>
    %swap3A_802 = vector.shape_cast %swap3A_801 : vector<1x128x128xf32> to vector<128x128xf32>
    %swap3A_803 = vector.shape_cast %get3A_797 : vector<128x128xf32> to vector<1x128x128xf32>
    tpu.vector_store %arg3[%swap3A_798, %swap3A_799, %swap3A_800], %swap3A_803 {strides = array<i32>} : memref<1x1024x2048xf32, #tpu.memory_space<vmem>>, vector<1x128x128xf32>,
    %sub3A_804 = arith.constant 8 : i32
    %sub3A_805 = arith.subi %sub3A_804, %add3A_643 : i32
    %jit3A_806 = arith.constant -2 : i32
    %jit3A_807 = arith.constant 2 : i32
    %max3A_808 = arith.maxsi %jit3A_806, %sub3A_805 : i32
    %min3A_809 = arith.minsi %jit3A_807, %max3A_808 : i32
    %add3A_810 = arith.constant 2 : i32
    %add3A_811 = arith.addi %min3A_809, %add3A_810 : i32
    %get3A_812 = arith.constant 0 : index
    %get3A_813 = arith.index_cast %add3A_811 : i32 to index
    %get3A_814 = arith.constant 0 : index
    %get3A_815 = arith.constant 0 : index
    %get3A_816 = vector.load %arg2[%get3A_812, %get3A_813, %get3A_814, %get3A_815] : memref<1x5x128x128xf32, #tpu.memory_space<vmem>>, vector<1x1x128x128xf32>
    %get3A_817 = vector.shape_cast %get3A_816 : vector<1x1x128x128xf32> to vector<128x128xf32>
    %swap3A_818 = arith.constant 0 : index
    %swap3A_819 = arith.constant 256 : index
    %swap3A_820 = arith.constant 1024 : index
    %swap3A_821 = vector.load %arg3[%swap3A_818, %swap3A_819, %swap3A_820] : memref<1x1024x2048xf32, #tpu.memory_space<vmem>>, vector<1x128x128xf32>
    %swap3A_822 = vector.shape_cast %swap3A_821 : vector<1x128x128xf32> to vector<128x128xf32>
    %swap3A_823 = vector.shape_cast %get3A_817 : vector<128x128xf32> to vector<1x128x128xf32>
    tpu.vector_store %arg3[%swap3A_818, %swap3A_819, %swap3A_820], %swap3A_823 {strides = array<i32>} : memref<1x1024x2048xf32, #tpu.memory_space<vmem>>, vector<1x128x128xf32>,
    %sub3A_824 = arith.constant 9 : i32
    %sub3A_825 = arith.subi %sub3A_824, %add3A_643 : i32
    %jit3A_826 = arith.constant -2 : i32
    %jit3A_827 = arith.constant 2 : i32
    %max3A_828 = arith.maxsi %jit3A_826, %sub3A_825 : i32
    %min3A_829 = arith.minsi %jit3A_827, %max3A_828 : i32
    %add3A_830 = arith.constant 2 : i32
    %add3A_831 = arith.addi %min3A_829, %add3A_830 : i32
    %get3A_832 = arith.constant 0 : index
    %get3A_833 = arith.index_cast %add3A_831 : i32 to index
    %get3A_834 = arith.constant 0 : index
    %get3A_835 = arith.constant 0 : index
    %get3A_836 = vector.load %arg2[%get3A_832, %get3A_833, %get3A_834, %get3A_835] : memref<1x5x128x128xf32, #tpu.memory_space<vmem>>, vector<1x1x128x128xf32>
    %get3A_837 = vector.shape_cast %get3A_836 : vector<1x1x128x128xf32> to vector<128x128xf32>
    %swap3A_838 = arith.constant 0 : index
    %swap3A_839 = arith.constant 256 : index
    %swap3A_840 = arith.constant 1152 : index
    %swap3A_841 = vector.load %arg3[%swap3A_838, %swap3A_839, %swap3A_840] : memref<1x1024x2048xf32, #tpu.memory_space<vmem>>, vector<1x128x128xf32>
    %swap3A_842 = vector.shape_cast %swap3A_841 : vector<1x128x128xf32> to vector<128x128xf32>
    %swap3A_843 = vector.shape_cast %get3A_837 : vector<128x128xf32> to vector<1x128x128xf32>
    tpu.vector_store %arg3[%swap3A_838, %swap3A_839, %swap3A_840], %swap3A_843 {strides = array<i32>} : memref<1x1024x2048xf32, #tpu.memory_space<vmem>>, vector<1x128x128xf32>,
    %sub3A_844 = arith.constant 10 : i32
    %sub3A_845 = arith.subi %sub3A_844, %add3A_643 : i32
    %jit3A_846 = arith.constant -2 : i32
    %jit3A_847 = arith.constant 2 : i32
    %max3A_848 = arith.maxsi %jit3A_846, %sub3A_845 : i32
    %min3A_849 = arith.minsi %jit3A_847, %max3A_848 : i32
    %add3A_850 = arith.constant 2 : i32
    %add3A_851 = arith.addi %min3A_849, %add3A_850 : i32
    %get3A_852 = arith.constant 0 : index
    %get3A_853 = arith.index_cast %add3A_851 : i32 to index
    %get3A_854 = arith.constant 0 : index
    %get3A_855 = arith.constant 0 : index
    %get3A_856 = vector.load %arg2[%get3A_852, %get3A_853, %get3A_854, %get3A_855] : memref<1x5x128x128xf32, #tpu.memory_space<vmem>>, vector<1x1x128x128xf32>
    %get3A_857 = vector.shape_cast %get3A_856 : vector<1x1x128x128xf32> to vector<128x128xf32>
    %swap3A_858 = arith.constant 0 : index
    %swap3A_859 = arith.constant 256 : index
    %swap3A_860 = arith.constant 1280 : index
    %swap3A_861 = vector.load %arg3[%swap3A_858, %swap3A_859, %swap3A_860] : memref<1x1024x2048xf32, #tpu.memory_space<vmem>>, vector<1x128x128xf32>
    %swap3A_862 = vector.shape_cast %swap3A_861 : vector<1x128x128xf32> to vector<128x128xf32>
    %swap3A_863 = vector.shape_cast %get3A_857 : vector<128x128xf32> to vector<1x128x128xf32>
    tpu.vector_store %arg3[%swap3A_858, %swap3A_859, %swap3A_860], %swap3A_863 {strides = array<i32>} : memref<1x1024x2048xf32, #tpu.memory_space<vmem>>, vector<1x128x128xf32>,
    %sub3A_864 = arith.constant 11 : i32
    %sub3A_865 = arith.subi %sub3A_864, %add3A_643 : i32
    %jit3A_866 = arith.constant -2 : i32
    %jit3A_867 = arith.constant 2 : i32
    %max3A_868 = arith.maxsi %jit3A_866, %sub3A_865 : i32
    %min3A_869 = arith.minsi %jit3A_867, %max3A_868 : i32
    %add3A_870 = arith.constant 2 : i32
    %add3A_871 = arith.addi %min3A_869, %add3A_870 : i32
    %get3A_872 = arith.constant 0 : index
    %get3A_873 = arith.index_cast %add3A_871 : i32 to index
    %get3A_874 = arith.constant 0 : index
    %get3A_875 = arith.constant 0 : index
    %get3A_876 = vector.load %arg2[%get3A_872, %get3A_873, %get3A_874, %get3A_875] : memref<1x5x128x128xf32, #tpu.memory_space<vmem>>, vector<1x1x128x128xf32>
    %get3A_877 = vector.shape_cast %get3A_876 : vector<1x1x128x128xf32> to vector<128x128xf32>
    %swap3A_878 = arith.constant 0 : index
    %swap3A_879 = arith.constant 256 : index
    %swap3A_880 = arith.constant 1408 : index
    %swap3A_881 = vector.load %arg3[%swap3A_878, %swap3A_879, %swap3A_880] : memref<1x1024x2048xf32, #tpu.memory_space<vmem>>, vector<1x128x128xf32>
    %swap3A_882 = vector.shape_cast %swap3A_881 : vector<1x128x128xf32> to vector<128x128xf32>
    %swap3A_883 = vector.shape_cast %get3A_877 : vector<128x128xf32> to vector<1x128x128xf32>
    tpu.vector_store %arg3[%swap3A_878, %swap3A_879, %swap3A_880], %swap3A_883 {strides = array<i32>} : memref<1x1024x2048xf32, #tpu.memory_space<vmem>>, vector<1x128x128xf32>,
    %sub3A_884 = arith.constant 12 : i32
    %sub3A_885 = arith.subi %sub3A_884, %add3A_643 : i32
    %jit3A_886 = arith.constant -2 : i32
    %jit3A_887 = arith.constant 2 : i32
    %max3A_888 = arith.maxsi %jit3A_886, %sub3A_885 : i32
    %min3A_889 = arith.minsi %jit3A_887, %max3A_888 : i32
    %add3A_890 = arith.constant 2 : i32
    %add3A_891 = arith.addi %min3A_889, %add3A_890 : i32
    %get3A_892 = arith.constant 0 : index
    %get3A_893 = arith.index_cast %add3A_891 : i32 to index
    %get3A_894 = arith.constant 0 : index
    %get3A_895 = arith.constant 0 : index
    %get3A_896 = vector.load %arg2[%get3A_892, %get3A_893, %get3A_894, %get3A_895] : memref<1x5x128x128xf32, #tpu.memory_space<vmem>>, vector<1x1x128x128xf32>
    %get3A_897 = vector.shape_cast %get3A_896 : vector<1x1x128x128xf32> to vector<128x128xf32>
    %swap3A_898 = arith.constant 0 : index
    %swap3A_899 = arith.constant 256 : index
    %swap3A_900 = arith.constant 1536 : index
    %swap3A_901 = vector.load %arg3[%swap3A_898, %swap3A_899, %swap3A_900] : memref<1x1024x2048xf32, #tpu.memory_space<vmem>>, vector<1x128x128xf32>
    %swap3A_902 = vector.shape_cast %swap3A_901 : vector<1x128x128xf32> to vector<128x128xf32>
    %swap3A_903 = vector.shape_cast %get3A_897 : vector<128x128xf32> to vector<1x128x128xf32>
    tpu.vector_store %arg3[%swap3A_898, %swap3A_899, %swap3A_900], %swap3A_903 {strides = array<i32>} : memref<1x1024x2048xf32, #tpu.memory_space<vmem>>, vector<1x128x128xf32>,
    %sub3A_904 = arith.constant 13 : i32
    %sub3A_905 = arith.subi %sub3A_904, %add3A_643 : i32
    %jit3A_906 = arith.constant -2 : i32
    %jit3A_907 = arith.constant 2 : i32
    %max3A_908 = arith.maxsi %jit3A_906, %sub3A_905 : i32
    %min3A_909 = arith.minsi %jit3A_907, %max3A_908 : i32
    %add3A_910 = arith.constant 2 : i32
    %add3A_911 = arith.addi %min3A_909, %add3A_910 : i32
    %get3A_912 = arith.constant 0 : index
    %get3A_913 = arith.index_cast %add3A_911 : i32 to index
    %get3A_914 = arith.constant 0 : index
    %get3A_915 = arith.constant 0 : index
    %get3A_916 = vector.load %arg2[%get3A_912, %get3A_913, %get3A_914, %get3A_915] : memref<1x5x128x128xf32, #tpu.memory_space<vmem>>, vector<1x1x128x128xf32>
    %get3A_917 = vector.shape_cast %get3A_916 : vector<1x1x128x128xf32> to vector<128x128xf32>
    %swap3A_918 = arith.constant 0 : index
    %swap3A_919 = arith.constant 256 : index
    %swap3A_920 = arith.constant 1664 : index
    %swap3A_921 = vector.load %arg3[%swap3A_918, %swap3A_919, %swap3A_920] : memref<1x1024x2048xf32, #tpu.memory_space<vmem>>, vector<1x128x128xf32>
    %swap3A_922 = vector.shape_cast %swap3A_921 : vector<1x128x128xf32> to vector<128x128xf32>
    %swap3A_923 = vector.shape_cast %get3A_917 : vector<128x128xf32> to vector<1x128x128xf32>
    tpu.vector_store %arg3[%swap3A_918, %swap3A_919, %swap3A_920], %swap3A_923 {strides = array<i32>} : memref<1x1024x2048xf32, #tpu.memory_space<vmem>>, vector<1x128x128xf32>,
    %sub3A_924 = arith.constant 14 : i32
    %sub3A_925 = arith.subi %sub3A_924, %add3A_643 : i32
    %jit3A_926 = arith.constant -2 : i32
    %jit3A_927 = arith.constant 2 : i32
    %max3A_928 = arith.maxsi %jit3A_926, %sub3A_925 : i32
    %min3A_929 = arith.minsi %jit3A_927, %max3A_928 : i32
    %add3A_930 = arith.constant 2 : i32
    %add3A_931 = arith.addi %min3A_929, %add3A_930 : i32
    %get3A_932 = arith.constant 0 : index
    %get3A_933 = arith.index_cast %add3A_931 : i32 to index
    %get3A_934 = arith.constant 0 : index
    %get3A_935 = arith.constant 0 : index
    %get3A_936 = vector.load %arg2[%get3A_932, %get3A_933, %get3A_934, %get3A_935] : memref<1x5x128x128xf32, #tpu.memory_space<vmem>>, vector<1x1x128x128xf32>
    %get3A_937 = vector.shape_cast %get3A_936 : vector<1x1x128x128xf32> to vector<128x128xf32>
    %swap3A_938 = arith.constant 0 : index
    %swap3A_939 = arith.constant 256 : index
    %swap3A_940 = arith.constant 1792 : index
    %swap3A_941 = vector.load %arg3[%swap3A_938, %swap3A_939, %swap3A_940] : memref<1x1024x2048xf32, #tpu.memory_space<vmem>>, vector<1x128x128xf32>
    %swap3A_942 = vector.shape_cast %swap3A_941 : vector<1x128x128xf32> to vector<128x128xf32>
    %swap3A_943 = vector.shape_cast %get3A_937 : vector<128x128xf32> to vector<1x128x128xf32>
    tpu.vector_store %arg3[%swap3A_938, %swap3A_939, %swap3A_940], %swap3A_943 {strides = array<i32>} : memref<1x1024x2048xf32, #tpu.memory_space<vmem>>, vector<1x128x128xf32>,
    %sub3A_944 = arith.constant 15 : i32
    %sub3A_945 = arith.subi %sub3A_944, %add3A_643 : i32
    %jit3A_946 = arith.constant -2 : i32
    %jit3A_947 = arith.constant 2 : i32
    %max3A_948 = arith.maxsi %jit3A_946, %sub3A_945 : i32
    %min3A_949 = arith.minsi %jit3A_947, %max3A_948 : i32
    %add3A_950 = arith.constant 2 : i32
    %add3A_951 = arith.addi %min3A_949, %add3A_950 : i32
    %get3A_952 = arith.constant 0 : index
    %get3A_953 = arith.index_cast %add3A_951 : i32 to index
    %get3A_954 = arith.constant 0 : index
    %get3A_955 = arith.constant 0 : index
    %get3A_956 = vector.load %arg2[%get3A_952, %get3A_953, %get3A_954, %get3A_955] : memref<1x5x128x128xf32, #tpu.memory_space<vmem>>, vector<1x1x128x128xf32>
    %get3A_957 = vector.shape_cast %get3A_956 : vector<1x1x128x128xf32> to vector<128x128xf32>
    %swap3A_958 = arith.constant 0 : index
    %swap3A_959 = arith.constant 256 : index
    %swap3A_960 = arith.constant 1920 : index
    %swap3A_961 = vector.load %arg3[%swap3A_958, %swap3A_959, %swap3A_960] : memref<1x1024x2048xf32, #tpu.memory_space<vmem>>, vector<1x128x128xf32>
    %swap3A_962 = vector.shape_cast %swap3A_961 : vector<1x128x128xf32> to vector<128x128xf32>
    %swap3A_963 = vector.shape_cast %get3A_957 : vector<128x128xf32> to vector<1x128x128xf32>
    tpu.vector_store %arg3[%swap3A_958, %swap3A_959, %swap3A_960], %swap3A_963 {strides = array<i32>} : memref<1x1024x2048xf32, #tpu.memory_space<vmem>>, vector<1x128x128xf32>,
    %mul3A_964 = arith.constant 8 : i32
    %mul3A_965 = arith.muli %arg1, %mul3A_964 : i32
    %add3A_966 = arith.constant 3 : i32
    %add3A_967 = arith.addi %mul3A_965, %add3A_966 : i32
    %sub3A_968 = arith.constant 0 : i32
    %sub3A_969 = arith.subi %sub3A_968, %add3A_967 : i32
    %jit3A_970 = arith.constant -2 : i32
    %jit3A_971 = arith.constant 2 : i32
    %max3A_972 = arith.maxsi %jit3A_970, %sub3A_969 : i32
    %min3A_973 = arith.minsi %jit3A_971, %max3A_972 : i32
    %add3A_974 = arith.constant 2 : i32
    %add3A_975 = arith.addi %min3A_973, %add3A_974 : i32
    %get3A_976 = arith.constant 0 : index
    %get3A_977 = arith.index_cast %add3A_975 : i32 to index
    %get3A_978 = arith.constant 0 : index
    %get3A_979 = arith.constant 0 : index
    %get3A_980 = vector.load %arg2[%get3A_976, %get3A_977, %get3A_978, %get3A_979] : memref<1x5x128x128xf32, #tpu.memory_space<vmem>>, vector<1x1x128x128xf32>
    %get3A_981 = vector.shape_cast %get3A_980 : vector<1x1x128x128xf32> to vector<128x128xf32>
    %swap3A_982 = arith.constant 0 : index
    %swap3A_983 = arith.constant 384 : index
    %swap3A_984 = arith.constant 0 : index
    %swap3A_985 = vector.load %arg3[%swap3A_982, %swap3A_983, %swap3A_984] : memref<1x1024x2048xf32, #tpu.memory_space<vmem>>, vector<1x128x128xf32>
    %swap3A_986 = vector.shape_cast %swap3A_985 : vector<1x128x128xf32> to vector<128x128xf32>
    %swap3A_987 = vector.shape_cast %get3A_981 : vector<128x128xf32> to vector<1x128x128xf32>
    tpu.vector_store %arg3[%swap3A_982, %swap3A_983, %swap3A_984], %swap3A_987 {strides = array<i32>} : memref<1x1024x2048xf32, #tpu.memory_space<vmem>>, vector<1x128x128xf32>,
    %sub3A_988 = arith.constant 1 : i32
    %sub3A_989 = arith.subi %sub3A_988, %add3A_967 : i32
    %jit3A_990 = arith.constant -2 : i32
    %jit3A_991 = arith.constant 2 : i32
    %max3A_992 = arith.maxsi %jit3A_990, %sub3A_989 : i32
    %min3A_993 = arith.minsi %jit3A_991, %max3A_992 : i32
    %add3A_994 = arith.constant 2 : i32
    %add3A_995 = arith.addi %min3A_993, %add3A_994 : i32
    %get3A_996 = arith.constant 0 : index
    %get3A_997 = arith.index_cast %add3A_995 : i32 to index
    %get3A_998 = arith.constant 0 : index
    %get3A_999 = arith.constant 0 : index
    %get3A_1000 = vector.load %arg2[%get3A_996, %get3A_997, %get3A_998, %get3A_999] : memref<1x5x128x128xf32, #tpu.memory_space<vmem>>, vector<1x1x128x128xf32>
    %get3A_1001 = vector.shape_cast %get3A_1000 : vector<1x1x128x128xf32> to vector<128x128xf32>
    %swap3A_1002 = arith.constant 0 : index
    %swap3A_1003 = arith.constant 384 : index
    %swap3A_1004 = arith.constant 128 : index
    %swap3A_1005 = vector.load %arg3[%swap3A_1002, %swap3A_1003, %swap3A_1004] : memref<1x1024x2048xf32, #tpu.memory_space<vmem>>, vector<1x128x128xf32>
    %swap3A_1006 = vector.shape_cast %swap3A_1005 : vector<1x128x128xf32> to vector<128x128xf32>
    %swap3A_1007 = vector.shape_cast %get3A_1001 : vector<128x128xf32> to vector<1x128x128xf32>
    tpu.vector_store %arg3[%swap3A_1002, %swap3A_1003, %swap3A_1004], %swap3A_1007 {strides = array<i32>} : memref<1x1024x2048xf32, #tpu.memory_space<vmem>>, vector<1x128x128xf32>,
    %sub3A_1008 = arith.constant 2 : i32
    %sub3A_1009 = arith.subi %sub3A_1008, %add3A_967 : i32
    %jit3A_1010 = arith.constant -2 : i32
    %jit3A_1011 = arith.constant 2 : i32
    %max3A_1012 = arith.maxsi %jit3A_1010, %sub3A_1009 : i32
    %min3A_1013 = arith.minsi %jit3A_1011, %max3A_1012 : i32
    %add3A_1014 = arith.constant 2 : i32
    %add3A_1015 = arith.addi %min3A_1013, %add3A_1014 : i32
    %get3A_1016 = arith.constant 0 : index
    %get3A_1017 = arith.index_cast %add3A_1015 : i32 to index
    %get3A_1018 = arith.constant 0 : index
    %get3A_1019 = arith.constant 0 : index
    %get3A_1020 = vector.load %arg2[%get3A_1016, %get3A_1017, %get3A_1018, %get3A_1019] : memref<1x5x128x128xf32, #tpu.memory_space<vmem>>, vector<1x1x128x128xf32>
    %get3A_1021 = vector.shape_cast %get3A_1020 : vector<1x1x128x128xf32> to vector<128x128xf32>
    %swap3A_1022 = arith.constant 0 : index
    %swap3A_1023 = arith.constant 384 : index
    %swap3A_1024 = arith.constant 256 : index
    %swap3A_1025 = vector.load %arg3[%swap3A_1022, %swap3A_1023, %swap3A_1024] : memref<1x1024x2048xf32, #tpu.memory_space<vmem>>, vector<1x128x128xf32>
    %swap3A_1026 = vector.shape_cast %swap3A_1025 : vector<1x128x128xf32> to vector<128x128xf32>
    %swap3A_1027 = vector.shape_cast %get3A_1021 : vector<128x128xf32> to vector<1x128x128xf32>
    tpu.vector_store %arg3[%swap3A_1022, %swap3A_1023, %swap3A_1024], %swap3A_1027 {strides = array<i32>} : memref<1x1024x2048xf32, #tpu.memory_space<vmem>>, vector<1x128x128xf32>,
    %sub3A_1028 = arith.constant 3 : i32
    %sub3A_1029 = arith.subi %sub3A_1028, %add3A_967 : i32
    %jit3A_1030 = arith.constant -2 : i32
    %jit3A_1031 = arith.constant 2 : i32
    %max3A_1032 = arith.maxsi %jit3A_1030, %sub3A_1029 : i32
    %min3A_1033 = arith.minsi %jit3A_1031, %max3A_1032 : i32
    %add3A_1034 = arith.constant 2 : i32
    %add3A_1035 = arith.addi %min3A_1033, %add3A_1034 : i32
    %get3A_1036 = arith.constant 0 : index
    %get3A_1037 = arith.index_cast %add3A_1035 : i32 to index
    %get3A_1038 = arith.constant 0 : index
    %get3A_1039 = arith.constant 0 : index
    %get3A_1040 = vector.load %arg2[%get3A_1036, %get3A_1037, %get3A_1038, %get3A_1039] : memref<1x5x128x128xf32, #tpu.memory_space<vmem>>, vector<1x1x128x128xf32>
    %get3A_1041 = vector.shape_cast %get3A_1040 : vector<1x1x128x128xf32> to vector<128x128xf32>
    %swap3A_1042 = arith.constant 0 : index
    %swap3A_1043 = arith.constant 384 : index
    %swap3A_1044 = arith.constant 384 : index
    %swap3A_1045 = vector.load %arg3[%swap3A_1042, %swap3A_1043, %swap3A_1044] : memref<1x1024x2048xf32, #tpu.memory_space<vmem>>, vector<1x128x128xf32>
    %swap3A_1046 = vector.shape_cast %swap3A_1045 : vector<1x128x128xf32> to vector<128x128xf32>
    %swap3A_1047 = vector.shape_cast %get3A_1041 : vector<128x128xf32> to vector<1x128x128xf32>
    tpu.vector_store %arg3[%swap3A_1042, %swap3A_1043, %swap3A_1044], %swap3A_1047 {strides = array<i32>} : memref<1x1024x2048xf32, #tpu.memory_space<vmem>>, vector<1x128x128xf32>,
    %sub3A_1048 = arith.constant 4 : i32
    %sub3A_1049 = arith.subi %sub3A_1048, %add3A_967 : i32
    %jit3A_1050 = arith.constant -2 : i32
    %jit3A_1051 = arith.constant 2 : i32
    %max3A_1052 = arith.maxsi %jit3A_1050, %sub3A_1049 : i32
    %min3A_1053 = arith.minsi %jit3A_1051, %max3A_1052 : i32
    %add3A_1054 = arith.constant 2 : i32
    %add3A_1055 = arith.addi %min3A_1053, %add3A_1054 : i32
    %get3A_1056 = arith.constant 0 : index
    %get3A_1057 = arith.index_cast %add3A_1055 : i32 to index
    %get3A_1058 = arith.constant 0 : index
    %get3A_1059 = arith.constant 0 : index
    %get3A_1060 = vector.load %arg2[%get3A_1056, %get3A_1057, %get3A_1058, %get3A_1059] : memref<1x5x128x128xf32, #tpu.memory_space<vmem>>, vector<1x1x128x128xf32>
    %get3A_1061 = vector.shape_cast %get3A_1060 : vector<1x1x128x128xf32> to vector<128x128xf32>
    %swap3A_1062 = arith.constant 0 : index
    %swap3A_1063 = arith.constant 384 : index
    %swap3A_1064 = arith.constant 512 : index
    %swap3A_1065 = vector.load %arg3[%swap3A_1062, %swap3A_1063, %swap3A_1064] : memref<1x1024x2048xf32, #tpu.memory_space<vmem>>, vector<1x128x128xf32>
    %swap3A_1066 = vector.shape_cast %swap3A_1065 : vector<1x128x128xf32> to vector<128x128xf32>
    %swap3A_1067 = vector.shape_cast %get3A_1061 : vector<128x128xf32> to vector<1x128x128xf32>
    tpu.vector_store %arg3[%swap3A_1062, %swap3A_1063, %swap3A_1064], %swap3A_1067 {strides = array<i32>} : memref<1x1024x2048xf32, #tpu.memory_space<vmem>>, vector<1x128x128xf32>,
    %sub3A_1068 = arith.constant 5 : i32
    %sub3A_1069 = arith.subi %sub3A_1068, %add3A_967 : i32
    %jit3A_1070 = arith.constant -2 : i32
    %jit3A_1071 = arith.constant 2 : i32
    %max3A_1072 = arith.maxsi %jit3A_1070, %sub3A_1069 : i32
    %min3A_1073 = arith.minsi %jit3A_1071, %max3A_1072 : i32
    %add3A_1074 = arith.constant 2 : i32
    %add3A_1075 = arith.addi %min3A_1073, %add3A_1074 : i32
    %get3A_1076 = arith.constant 0 : index
    %get3A_1077 = arith.index_cast %add3A_1075 : i32 to index
    %get3A_1078 = arith.constant 0 : index
    %get3A_1079 = arith.constant 0 : index
    %get3A_1080 = vector.load %arg2[%get3A_1076, %get3A_1077, %get3A_1078, %get3A_1079] : memref<1x5x128x128xf32, #tpu.memory_space<vmem>>, vector<1x1x128x128xf32>
    %get3A_1081 = vector.shape_cast %get3A_1080 : vector<1x1x128x128xf32> to vector<128x128xf32>
    %swap3A_1082 = arith.constant 0 : index
    %swap3A_1083 = arith.constant 384 : index
    %swap3A_1084 = arith.constant 640 : index
    %swap3A_1085 = vector.load %arg3[%swap3A_1082, %swap3A_1083, %swap3A_1084] : memref<1x1024x2048xf32, #tpu.memory_space<vmem>>, vector<1x128x128xf32>
    %swap3A_1086 = vector.shape_cast %swap3A_1085 : vector<1x128x128xf32> to vector<128x128xf32>
    %swap3A_1087 = vector.shape_cast %get3A_1081 : vector<128x128xf32> to vector<1x128x128xf32>
    tpu.vector_store %arg3[%swap3A_1082, %swap3A_1083, %swap3A_1084], %swap3A_1087 {strides = array<i32>} : memref<1x1024x2048xf32, #tpu.memory_space<vmem>>, vector<1x128x128xf32>,
    %sub3A_1088 = arith.constant 6 : i32
    %sub3A_1089 = arith.subi %sub3A_1088, %add3A_967 : i32
    %jit3A_1090 = arith.constant -2 : i32
    %jit3A_1091 = arith.constant 2 : i32
    %max3A_1092 = arith.maxsi %jit3A_1090, %sub3A_1089 : i32
    %min3A_1093 = arith.minsi %jit3A_1091, %max3A_1092 : i32
    %add3A_1094 = arith.constant 2 : i32
    %add3A_1095 = arith.addi %min3A_1093, %add3A_1094 : i32
    %get3A_1096 = arith.constant 0 : index
    %get3A_1097 = arith.index_cast %add3A_1095 : i32 to index
    %get3A_1098 = arith.constant 0 : index
    %get3A_1099 = arith.constant 0 : index
    %get3A_1100 = vector.load %arg2[%get3A_1096, %get3A_1097, %get3A_1098, %get3A_1099] : memref<1x5x128x128xf32, #tpu.memory_space<vmem>>, vector<1x1x128x128xf32>
    %get3A_1101 = vector.shape_cast %get3A_1100 : vector<1x1x128x128xf32> to vector<128x128xf32>
    %swap3A_1102 = arith.constant 0 : index
    %swap3A_1103 = arith.constant 384 : index
    %swap3A_1104 = arith.constant 768 : index
    %swap3A_1105 = vector.load %arg3[%swap3A_1102, %swap3A_1103, %swap3A_1104] : memref<1x1024x2048xf32, #tpu.memory_space<vmem>>, vector<1x128x128xf32>
    %swap3A_1106 = vector.shape_cast %swap3A_1105 : vector<1x128x128xf32> to vector<128x128xf32>
    %swap3A_1107 = vector.shape_cast %get3A_1101 : vector<128x128xf32> to vector<1x128x128xf32>
    tpu.vector_store %arg3[%swap3A_1102, %swap3A_1103, %swap3A_1104], %swap3A_1107 {strides = array<i32>} : memref<1x1024x2048xf32, #tpu.memory_space<vmem>>, vector<1x128x128xf32>,
    %sub3A_1108 = arith.constant 7 : i32
    %sub3A_1109 = arith.subi %sub3A_1108, %add3A_967 : i32
    %jit3A_1110 = arith.constant -2 : i32
    %jit3A_1111 = arith.constant 2 : i32
    %max3A_1112 = arith.maxsi %jit3A_1110, %sub3A_1109 : i32
    %min3A_1113 = arith.minsi %jit3A_1111, %max3A_1112 : i32
    %add3A_1114 = arith.constant 2 : i32
    %add3A_1115 = arith.addi %min3A_1113, %add3A_1114 : i32
    %get3A_1116 = arith.constant 0 : index
    %get3A_1117 = arith.index_cast %add3A_1115 : i32 to index
    %get3A_1118 = arith.constant 0 : index
    %get3A_1119 = arith.constant 0 : index
    %get3A_1120 = vector.load %arg2[%get3A_1116, %get3A_1117, %get3A_1118, %get3A_1119] : memref<1x5x128x128xf32, #tpu.memory_space<vmem>>, vector<1x1x128x128xf32>
    %get3A_1121 = vector.shape_cast %get3A_1120 : vector<1x1x128x128xf32> to vector<128x128xf32>
    %swap3A_1122 = arith.constant 0 : index
    %swap3A_1123 = arith.constant 384 : index
    %swap3A_1124 = arith.constant 896 : index
    %swap3A_1125 = vector.load %arg3[%swap3A_1122, %swap3A_1123, %swap3A_1124] : memref<1x1024x2048xf32, #tpu.memory_space<vmem>>, vector<1x128x128xf32>
    %swap3A_1126 = vector.shape_cast %swap3A_1125 : vector<1x128x128xf32> to vector<128x128xf32>
    %swap3A_1127 = vector.shape_cast %get3A_1121 : vector<128x128xf32> to vector<1x128x128xf32>
    tpu.vector_store %arg3[%swap3A_1122, %swap3A_1123, %swap3A_1124], %swap3A_1127 {strides = array<i32>} : memref<1x1024x2048xf32, #tpu.memory_space<vmem>>, vector<1x128x128xf32>,
    %sub3A_1128 = arith.constant 8 : i32
    %sub3A_1129 = arith.subi %sub3A_1128, %add3A_967 : i32
    %jit3A_1130 = arith.constant -2 : i32
    %jit3A_1131 = arith.constant 2 : i32
    %max3A_1132 = arith.maxsi %jit3A_1130, %sub3A_1129 : i32
    %min3A_1133 = arith.minsi %jit3A_1131, %max3A_1132 : i32
    %add3A_1134 = arith.constant 2 : i32
    %add3A_1135 = arith.addi %min3A_1133, %add3A_1134 : i32
    %get3A_1136 = arith.constant 0 : index
    %get3A_1137 = arith.index_cast %add3A_1135 : i32 to index
    %get3A_1138 = arith.constant 0 : index
    %get3A_1139 = arith.constant 0 : index
    %get3A_1140 = vector.load %arg2[%get3A_1136, %get3A_1137, %get3A_1138, %get3A_1139] : memref<1x5x128x128xf32, #tpu.memory_space<vmem>>, vector<1x1x128x128xf32>
    %get3A_1141 = vector.shape_cast %get3A_1140 : vector<1x1x128x128xf32> to vector<128x128xf32>
    %swap3A_1142 = arith.constant 0 : index
    %swap3A_1143 = arith.constant 384 : index
    %swap3A_1144 = arith.constant 1024 : index
    %swap3A_1145 = vector.load %arg3[%swap3A_1142, %swap3A_1143, %swap3A_1144] : memref<1x1024x2048xf32, #tpu.memory_space<vmem>>, vector<1x128x128xf32>
    %swap3A_1146 = vector.shape_cast %swap3A_1145 : vector<1x128x128xf32> to vector<128x128xf32>
    %swap3A_1147 = vector.shape_cast %get3A_1141 : vector<128x128xf32> to vector<1x128x128xf32>
    tpu.vector_store %arg3[%swap3A_1142, %swap3A_1143, %swap3A_1144], %swap3A_1147 {strides = array<i32>} : memref<1x1024x2048xf32, #tpu.memory_space<vmem>>, vector<1x128x128xf32>,
    %sub3A_1148 = arith.constant 9 : i32
    %sub3A_1149 = arith.subi %sub3A_1148, %add3A_967 : i32
    %jit3A_1150 = arith.constant -2 : i32
    %jit3A_1151 = arith.constant 2 : i32
    %max3A_1152 = arith.maxsi %jit3A_1150, %sub3A_1149 : i32
    %min3A_1153 = arith.minsi %jit3A_1151, %max3A_1152 : i32
    %add3A_1154 = arith.constant 2 : i32
    %add3A_1155 = arith.addi %min3A_1153, %add3A_1154 : i32
    %get3A_1156 = arith.constant 0 : index
    %get3A_1157 = arith.index_cast %add3A_1155 : i32 to index
    %get3A_1158 = arith.constant 0 : index
    %get3A_1159 = arith.constant 0 : index
    %get3A_1160 = vector.load %arg2[%get3A_1156, %get3A_1157, %get3A_1158, %get3A_1159] : memref<1x5x128x128xf32, #tpu.memory_space<vmem>>, vector<1x1x128x128xf32>
    %get3A_1161 = vector.shape_cast %get3A_1160 : vector<1x1x128x128xf32> to vector<128x128xf32>
    %swap3A_1162 = arith.constant 0 : index
    %swap3A_1163 = arith.constant 384 : index
    %swap3A_1164 = arith.constant 1152 : index
    %swap3A_1165 = vector.load %arg3[%swap3A_1162, %swap3A_1163, %swap3A_1164] : memref<1x1024x2048xf32, #tpu.memory_space<vmem>>, vector<1x128x128xf32>
    %swap3A_1166 = vector.shape_cast %swap3A_1165 : vector<1x128x128xf32> to vector<128x128xf32>
    %swap3A_1167 = vector.shape_cast %get3A_1161 : vector<128x128xf32> to vector<1x128x128xf32>
    tpu.vector_store %arg3[%swap3A_1162, %swap3A_1163, %swap3A_1164], %swap3A_1167 {strides = array<i32>} : memref<1x1024x2048xf32, #tpu.memory_space<vmem>>, vector<1x128x128xf32>,
    %sub3A_1168 = arith.constant 10 : i32
    %sub3A_1169 = arith.subi %sub3A_1168, %add3A_967 : i32
    %jit3A_1170 = arith.constant -2 : i32
    %jit3A_1171 = arith.constant 2 : i32
    %max3A_1172 = arith.maxsi %jit3A_1170, %sub3A_1169 : i32
    %min3A_1173 = arith.minsi %jit3A_1171, %max3A_1172 : i32
    %add3A_1174 = arith.constant 2 : i32
    %add3A_1175 = arith.addi %min3A_1173, %add3A_1174 : i32
    %get3A_1176 = arith.constant 0 : index
    %get3A_1177 = arith.index_cast %add3A_1175 : i32 to index
    %get3A_1178 = arith.constant 0 : index
    %get3A_1179 = arith.constant 0 : index
    %get3A_1180 = vector.load %arg2[%get3A_1176, %get3A_1177, %get3A_1178, %get3A_1179] : memref<1x5x128x128xf32, #tpu.memory_space<vmem>>, vector<1x1x128x128xf32>
    %get3A_1181 = vector.shape_cast %get3A_1180 : vector<1x1x128x128xf32> to vector<128x128xf32>
    %swap3A_1182 = arith.constant 0 : index
    %swap3A_1183 = arith.constant 384 : index
    %swap3A_1184 = arith.constant 1280 : index
    %swap3A_1185 = vector.load %arg3[%swap3A_1182, %swap3A_1183, %swap3A_1184] : memref<1x1024x2048xf32, #tpu.memory_space<vmem>>, vector<1x128x128xf32>
    %swap3A_1186 = vector.shape_cast %swap3A_1185 : vector<1x128x128xf32> to vector<128x128xf32>
    %swap3A_1187 = vector.shape_cast %get3A_1181 : vector<128x128xf32> to vector<1x128x128xf32>
    tpu.vector_store %arg3[%swap3A_1182, %swap3A_1183, %swap3A_1184], %swap3A_1187 {strides = array<i32>} : memref<1x1024x2048xf32, #tpu.memory_space<vmem>>, vector<1x128x128xf32>,
    %sub3A_1188 = arith.constant 11 : i32
    %sub3A_1189 = arith.subi %sub3A_1188, %add3A_967 : i32
    %jit3A_1190 = arith.constant -2 : i32
    %jit3A_1191 = arith.constant 2 : i32
    %max3A_1192 = arith.maxsi %jit3A_1190, %sub3A_1189 : i32
    %min3A_1193 = arith.minsi %jit3A_1191, %max3A_1192 : i32
    %add3A_1194 = arith.constant 2 : i32
    %add3A_1195 = arith.addi %min3A_1193, %add3A_1194 : i32
    %get3A_1196 = arith.constant 0 : index
    %get3A_1197 = arith.index_cast %add3A_1195 : i32 to index
    %get3A_1198 = arith.constant 0 : index
    %get3A_1199 = arith.constant 0 : index
    %get3A_1200 = vector.load %arg2[%get3A_1196, %get3A_1197, %get3A_1198, %get3A_1199] : memref<1x5x128x128xf32, #tpu.memory_space<vmem>>, vector<1x1x128x128xf32>
    %get3A_1201 = vector.shape_cast %get3A_1200 : vector<1x1x128x128xf32> to vector<128x128xf32>
    %swap3A_1202 = arith.constant 0 : index
    %swap3A_1203 = arith.constant 384 : index
    %swap3A_1204 = arith.constant 1408 : index
    %swap3A_1205 = vector.load %arg3[%swap3A_1202, %swap3A_1203, %swap3A_1204] : memref<1x1024x2048xf32, #tpu.memory_space<vmem>>, vector<1x128x128xf32>
    %swap3A_1206 = vector.shape_cast %swap3A_1205 : vector<1x128x128xf32> to vector<128x128xf32>
    %swap3A_1207 = vector.shape_cast %get3A_1201 : vector<128x128xf32> to vector<1x128x128xf32>
    tpu.vector_store %arg3[%swap3A_1202, %swap3A_1203, %swap3A_1204], %swap3A_1207 {strides = array<i32>} : memref<1x1024x2048xf32, #tpu.memory_space<vmem>>, vector<1x128x128xf32>,
    %sub3A_1208 = arith.constant 12 : i32
    %sub3A_1209 = arith.subi %sub3A_1208, %add3A_967 : i32
    %jit3A_1210 = arith.constant -2 : i32
    %jit3A_1211 = arith.constant 2 : i32
    %max3A_1212 = arith.maxsi %jit3A_1210, %sub3A_1209 : i32
    %min3A_1213 = arith.minsi %jit3A_1211, %max3A_1212 : i32
    %add3A_1214 = arith.constant 2 : i32
    %add3A_1215 = arith.addi %min3A_1213, %add3A_1214 : i32
    %get3A_1216 = arith.constant 0 : index
    %get3A_1217 = arith.index_cast %add3A_1215 : i32 to index
    %get3A_1218 = arith.constant 0 : index
    %get3A_1219 = arith.constant 0 : index
    %get3A_1220 = vector.load %arg2[%get3A_1216, %get3A_1217, %get3A_1218, %get3A_1219] : memref<1x5x128x128xf32, #tpu.memory_space<vmem>>, vector<1x1x128x128xf32>
    %get3A_1221 = vector.shape_cast %get3A_1220 : vector<1x1x128x128xf32> to vector<128x128xf32>
    %swap3A_1222 = arith.constant 0 : index
    %swap3A_1223 = arith.constant 384 : index
    %swap3A_1224 = arith.constant 1536 : index
    %swap3A_1225 = vector.load %arg3[%swap3A_1222, %swap3A_1223, %swap3A_1224] : memref<1x1024x2048xf32, #tpu.memory_space<vmem>>, vector<1x128x128xf32>
    %swap3A_1226 = vector.shape_cast %swap3A_1225 : vector<1x128x128xf32> to vector<128x128xf32>
    %swap3A_1227 = vector.shape_cast %get3A_1221 : vector<128x128xf32> to vector<1x128x128xf32>
    tpu.vector_store %arg3[%swap3A_1222, %swap3A_1223, %swap3A_1224], %swap3A_1227 {strides = array<i32>} : memref<1x1024x2048xf32, #tpu.memory_space<vmem>>, vector<1x128x128xf32>,
    %sub3A_1228 = arith.constant 13 : i32
    %sub3A_1229 = arith.subi %sub3A_1228, %add3A_967 : i32
    %jit3A_1230 = arith.constant -2 : i32
    %jit3A_1231 = arith.constant 2 : i32
    %max3A_1232 = arith.maxsi %jit3A_1230, %sub3A_1229 : i32
    %min3A_1233 = arith.minsi %jit3A_1231, %max3A_1232 : i32
    %add3A_1234 = arith.constant 2 : i32
    %add3A_1235 = arith.addi %min3A_1233, %add3A_1234 : i32
    %get3A_1236 = arith.constant 0 : index
    %get3A_1237 = arith.index_cast %add3A_1235 : i32 to index
    %get3A_1238 = arith.constant 0 : index
    %get3A_1239 = arith.constant 0 : index
    %get3A_1240 = vector.load %arg2[%get3A_1236, %get3A_1237, %get3A_1238, %get3A_1239] : memref<1x5x128x128xf32, #tpu.memory_space<vmem>>, vector<1x1x128x128xf32>
    %get3A_1241 = vector.shape_cast %get3A_1240 : vector<1x1x128x128xf32> to vector<128x128xf32>
    %swap3A_1242 = arith.constant 0 : index
    %swap3A_1243 = arith.constant 384 : index
    %swap3A_1244 = arith.constant 1664 : index
    %swap3A_1245 = vector.load %arg3[%swap3A_1242, %swap3A_1243, %swap3A_1244] : memref<1x1024x2048xf32, #tpu.memory_space<vmem>>, vector<1x128x128xf32>
    %swap3A_1246 = vector.shape_cast %swap3A_1245 : vector<1x128x128xf32> to vector<128x128xf32>
    %swap3A_1247 = vector.shape_cast %get3A_1241 : vector<128x128xf32> to vector<1x128x128xf32>
    tpu.vector_store %arg3[%swap3A_1242, %swap3A_1243, %swap3A_1244], %swap3A_1247 {strides = array<i32>} : memref<1x1024x2048xf32, #tpu.memory_space<vmem>>, vector<1x128x128xf32>,
    %sub3A_1248 = arith.constant 14 : i32
    %sub3A_1249 = arith.subi %sub3A_1248, %add3A_967 : i32
    %jit3A_1250 = arith.constant -2 : i32
    %jit3A_1251 = arith.constant 2 : i32
    %max3A_1252 = arith.maxsi %jit3A_1250, %sub3A_1249 : i32
    %min3A_1253 = arith.minsi %jit3A_1251, %max3A_1252 : i32
    %add3A_1254 = arith.constant 2 : i32
    %add3A_1255 = arith.addi %min3A_1253, %add3A_1254 : i32
    %get3A_1256 = arith.constant 0 : index
    %get3A_1257 = arith.index_cast %add3A_1255 : i32 to index
    %get3A_1258 = arith.constant 0 : index
    %get3A_1259 = arith.constant 0 : index
    %get3A_1260 = vector.load %arg2[%get3A_1256, %get3A_1257, %get3A_1258, %get3A_1259] : memref<1x5x128x128xf32, #tpu.memory_space<vmem>>, vector<1x1x128x128xf32>
    %get3A_1261 = vector.shape_cast %get3A_1260 : vector<1x1x128x128xf32> to vector<128x128xf32>
    %swap3A_1262 = arith.constant 0 : index
    %swap3A_1263 = arith.constant 384 : index
    %swap3A_1264 = arith.constant 1792 : index
    %swap3A_1265 = vector.load %arg3[%swap3A_1262, %swap3A_1263, %swap3A_1264] : memref<1x1024x2048xf32, #tpu.memory_space<vmem>>, vector<1x128x128xf32>
    %swap3A_1266 = vector.shape_cast %swap3A_1265 : vector<1x128x128xf32> to vector<128x128xf32>
    %swap3A_1267 = vector.shape_cast %get3A_1261 : vector<128x128xf32> to vector<1x128x128xf32>
    tpu.vector_store %arg3[%swap3A_1262, %swap3A_1263, %swap3A_1264], %swap3A_1267 {strides = array<i32>} : memref<1x1024x2048xf32, #tpu.memory_space<vmem>>, vector<1x128x128xf32>,
    %sub3A_1268 = arith.constant 15 : i32
    %sub3A_1269 = arith.subi %sub3A_1268, %add3A_967 : i32
    %jit3A_1270 = arith.constant -2 : i32
    %jit3A_1271 = arith.constant 2 : i32
    %max3A_1272 = arith.maxsi %jit3A_1270, %sub3A_1269 : i32
    %min3A_1273 = arith.minsi %jit3A_1271, %max3A_1272 : i32
    %add3A_1274 = arith.constant 2 : i32
    %add3A_1275 = arith.addi %min3A_1273, %add3A_1274 : i32
    %get3A_1276 = arith.constant 0 : index
    %get3A_1277 = arith.index_cast %add3A_1275 : i32 to index
    %get3A_1278 = arith.constant 0 : index
    %get3A_1279 = arith.constant 0 : index
    %get3A_1280 = vector.load %arg2[%get3A_1276, %get3A_1277, %get3A_1278, %get3A_1279] : memref<1x5x128x128xf32, #tpu.memory_space<vmem>>, vector<1x1x128x128xf32>
    %get3A_1281 = vector.shape_cast %get3A_1280 : vector<1x1x128x128xf32> to vector<128x128xf32>
    %swap3A_1282 = arith.constant 0 : index
    %swap3A_1283 = arith.constant 384 : index
    %swap3A_1284 = arith.constant 1920 : index
    %swap3A_1285 = vector.load %arg3[%swap3A_1282, %swap3A_1283, %swap3A_1284] : memref<1x1024x2048xf32, #tpu.memory_space<vmem>>, vector<1x128x128xf32>
    %swap3A_1286 = vector.shape_cast %swap3A_1285 : vector<1x128x128xf32> to vector<128x128xf32>
    %swap3A_1287 = vector.shape_cast %get3A_1281 : vector<128x128xf32> to vector<1x128x128xf32>
    tpu.vector_store %arg3[%swap3A_1282, %swap3A_1283, %swap3A_1284], %swap3A_1287 {strides = array<i32>} : memref<1x1024x2048xf32, #tpu.memory_space<vmem>>, vector<1x128x128xf32>,
    %mul3A_1288 = arith.constant 8 : i32
    %mul3A_1289 = arith.muli %arg1, %mul3A_1288 : i32
    %add3A_1290 = arith.constant 4 : i32
    %add3A_1291 = arith.addi %mul3A_1289, %add3A_1290 : i32
    %sub3A_1292 = arith.constant 0 : i32
    %sub3A_1293 = arith.subi %sub3A_1292, %add3A_1291 : i32
    %jit3A_1294 = arith.constant -2 : i32
    %jit3A_1295 = arith.constant 2 : i32
    %max3A_1296 = arith.maxsi %jit3A_1294, %sub3A_1293 : i32
    %min3A_1297 = arith.minsi %jit3A_1295, %max3A_1296 : i32
    %add3A_1298 = arith.constant 2 : i32
    %add3A_1299 = arith.addi %min3A_1297, %add3A_1298 : i32
    %get3A_1300 = arith.constant 0 : index
    %get3A_1301 = arith.index_cast %add3A_1299 : i32 to index
    %get3A_1302 = arith.constant 0 : index
    %get3A_1303 = arith.constant 0 : index
    %get3A_1304 = vector.load %arg2[%get3A_1300, %get3A_1301, %get3A_1302, %get3A_1303] : memref<1x5x128x128xf32, #tpu.memory_space<vmem>>, vector<1x1x128x128xf32>
    %get3A_1305 = vector.shape_cast %get3A_1304 : vector<1x1x128x128xf32> to vector<128x128xf32>
    %swap3A_1306 = arith.constant 0 : index
    %swap3A_1307 = arith.constant 512 : index
    %swap3A_1308 = arith.constant 0 : index
    %swap3A_1309 = vector.load %arg3[%swap3A_1306, %swap3A_1307, %swap3A_1308] : memref<1x1024x2048xf32, #tpu.memory_space<vmem>>, vector<1x128x128xf32>
    %swap3A_1310 = vector.shape_cast %swap3A_1309 : vector<1x128x128xf32> to vector<128x128xf32>
    %swap3A_1311 = vector.shape_cast %get3A_1305 : vector<128x128xf32> to vector<1x128x128xf32>
    tpu.vector_store %arg3[%swap3A_1306, %swap3A_1307, %swap3A_1308], %swap3A_1311 {strides = array<i32>} : memref<1x1024x2048xf32, #tpu.memory_space<vmem>>, vector<1x128x128xf32>,
    %sub3A_1312 = arith.constant 1 : i32
    %sub3A_1313 = arith.subi %sub3A_1312, %add3A_1291 : i32
    %jit3A_1314 = arith.constant -2 : i32
    %jit3A_1315 = arith.constant 2 : i32
    %max3A_1316 = arith.maxsi %jit3A_1314, %sub3A_1313 : i32
    %min3A_1317 = arith.minsi %jit3A_1315, %max3A_1316 : i32
    %add3A_1318 = arith.constant 2 : i32
    %add3A_1319 = arith.addi %min3A_1317, %add3A_1318 : i32
    %get3A_1320 = arith.constant 0 : index
    %get3A_1321 = arith.index_cast %add3A_1319 : i32 to index
    %get3A_1322 = arith.constant 0 : index
    %get3A_1323 = arith.constant 0 : index
    %get3A_1324 = vector.load %arg2[%get3A_1320, %get3A_1321, %get3A_1322, %get3A_1323] : memref<1x5x128x128xf32, #tpu.memory_space<vmem>>, vector<1x1x128x128xf32>
    %get3A_1325 = vector.shape_cast %get3A_1324 : vector<1x1x128x128xf32> to vector<128x128xf32>
    %swap3A_1326 = arith.constant 0 : index
    %swap3A_1327 = arith.constant 512 : index
    %swap3A_1328 = arith.constant 128 : index
    %swap3A_1329 = vector.load %arg3[%swap3A_1326, %swap3A_1327, %swap3A_1328] : memref<1x1024x2048xf32, #tpu.memory_space<vmem>>, vector<1x128x128xf32>
    %swap3A_1330 = vector.shape_cast %swap3A_1329 : vector<1x128x128xf32> to vector<128x128xf32>
    %swap3A_1331 = vector.shape_cast %get3A_1325 : vector<128x128xf32> to vector<1x128x128xf32>
    tpu.vector_store %arg3[%swap3A_1326, %swap3A_1327, %swap3A_1328], %swap3A_1331 {strides = array<i32>} : memref<1x1024x2048xf32, #tpu.memory_space<vmem>>, vector<1x128x128xf32>,
    %sub3A_1332 = arith.constant 2 : i32
    %sub3A_1333 = arith.subi %sub3A_1332, %add3A_1291 : i32
    %jit3A_1334 = arith.constant -2 : i32
    %jit3A_1335 = arith.constant 2 : i32
    %max3A_1336 = arith.maxsi %jit3A_1334, %sub3A_1333 : i32
    %min3A_1337 = arith.minsi %jit3A_1335, %max3A_1336 : i32
    %add3A_1338 = arith.constant 2 : i32
    %add3A_1339 = arith.addi %min3A_1337, %add3A_1338 : i32
    %get3A_1340 = arith.constant 0 : index
    %get3A_1341 = arith.index_cast %add3A_1339 : i32 to index
    %get3A_1342 = arith.constant 0 : index
    %get3A_1343 = arith.constant 0 : index
    %get3A_1344 = vector.load %arg2[%get3A_1340, %get3A_1341, %get3A_1342, %get3A_1343] : memref<1x5x128x128xf32, #tpu.memory_space<vmem>>, vector<1x1x128x128xf32>
    %get3A_1345 = vector.shape_cast %get3A_1344 : vector<1x1x128x128xf32> to vector<128x128xf32>
    %swap3A_1346 = arith.constant 0 : index
    %swap3A_1347 = arith.constant 512 : index
    %swap3A_1348 = arith.constant 256 : index
    %swap3A_1349 = vector.load %arg3[%swap3A_1346, %swap3A_1347, %swap3A_1348] : memref<1x1024x2048xf32, #tpu.memory_space<vmem>>, vector<1x128x128xf32>
    %swap3A_1350 = vector.shape_cast %swap3A_1349 : vector<1x128x128xf32> to vector<128x128xf32>
    %swap3A_1351 = vector.shape_cast %get3A_1345 : vector<128x128xf32> to vector<1x128x128xf32>
    tpu.vector_store %arg3[%swap3A_1346, %swap3A_1347, %swap3A_1348], %swap3A_1351 {strides = array<i32>} : memref<1x1024x2048xf32, #tpu.memory_space<vmem>>, vector<1x128x128xf32>,
    %sub3A_1352 = arith.constant 3 : i32
    %sub3A_1353 = arith.subi %sub3A_1352, %add3A_1291 : i32
    %jit3A_1354 = arith.constant -2 : i32
    %jit3A_1355 = arith.constant 2 : i32
    %max3A_1356 = arith.maxsi %jit3A_1354, %sub3A_1353 : i32
    %min3A_1357 = arith.minsi %jit3A_1355, %max3A_1356 : i32
    %add3A_1358 = arith.constant 2 : i32
    %add3A_1359 = arith.addi %min3A_1357, %add3A_1358 : i32
    %get3A_1360 = arith.constant 0 : index
    %get3A_1361 = arith.index_cast %add3A_1359 : i32 to index
    %get3A_1362 = arith.constant 0 : index
    %get3A_1363 = arith.constant 0 : index
    %get3A_1364 = vector.load %arg2[%get3A_1360, %get3A_1361, %get3A_1362, %get3A_1363] : memref<1x5x128x128xf32, #tpu.memory_space<vmem>>, vector<1x1x128x128xf32>
    %get3A_1365 = vector.shape_cast %get3A_1364 : vector<1x1x128x128xf32> to vector<128x128xf32>
    %swap3A_1366 = arith.constant 0 : index
    %swap3A_1367 = arith.constant 512 : index
    %swap3A_1368 = arith.constant 384 : index
    %swap3A_1369 = vector.load %arg3[%swap3A_1366, %swap3A_1367, %swap3A_1368] : memref<1x1024x2048xf32, #tpu.memory_space<vmem>>, vector<1x128x128xf32>
    %swap3A_1370 = vector.shape_cast %swap3A_1369 : vector<1x128x128xf32> to vector<128x128xf32>
    %swap3A_1371 = vector.shape_cast %get3A_1365 : vector<128x128xf32> to vector<1x128x128xf32>
    tpu.vector_store %arg3[%swap3A_1366, %swap3A_1367, %swap3A_1368], %swap3A_1371 {strides = array<i32>} : memref<1x1024x2048xf32, #tpu.memory_space<vmem>>, vector<1x128x128xf32>,
    %sub3A_1372 = arith.constant 4 : i32
    %sub3A_1373 = arith.subi %sub3A_1372, %add3A_1291 : i32
    %jit3A_1374 = arith.constant -2 : i32
    %jit3A_1375 = arith.constant 2 : i32
    %max3A_1376 = arith.maxsi %jit3A_1374, %sub3A_1373 : i32
    %min3A_1377 = arith.minsi %jit3A_1375, %max3A_1376 : i32
    %add3A_1378 = arith.constant 2 : i32
    %add3A_1379 = arith.addi %min3A_1377, %add3A_1378 : i32
    %get3A_1380 = arith.constant 0 : index
    %get3A_1381 = arith.index_cast %add3A_1379 : i32 to index
    %get3A_1382 = arith.constant 0 : index
    %get3A_1383 = arith.constant 0 : index
    %get3A_1384 = vector.load %arg2[%get3A_1380, %get3A_1381, %get3A_1382, %get3A_1383] : memref<1x5x128x128xf32, #tpu.memory_space<vmem>>, vector<1x1x128x128xf32>
    %get3A_1385 = vector.shape_cast %get3A_1384 : vector<1x1x128x128xf32> to vector<128x128xf32>
    %swap3A_1386 = arith.constant 0 : index
    %swap3A_1387 = arith.constant 512 : index
    %swap3A_1388 = arith.constant 512 : index
    %swap3A_1389 = vector.load %arg3[%swap3A_1386, %swap3A_1387, %swap3A_1388] : memref<1x1024x2048xf32, #tpu.memory_space<vmem>>, vector<1x128x128xf32>
    %swap3A_1390 = vector.shape_cast %swap3A_1389 : vector<1x128x128xf32> to vector<128x128xf32>
    %swap3A_1391 = vector.shape_cast %get3A_1385 : vector<128x128xf32> to vector<1x128x128xf32>
    tpu.vector_store %arg3[%swap3A_1386, %swap3A_1387, %swap3A_1388], %swap3A_1391 {strides = array<i32>} : memref<1x1024x2048xf32, #tpu.memory_space<vmem>>, vector<1x128x128xf32>,
    %sub3A_1392 = arith.constant 5 : i32
    %sub3A_1393 = arith.subi %sub3A_1392, %add3A_1291 : i32
    %jit3A_1394 = arith.constant -2 : i32
    %jit3A_1395 = arith.constant 2 : i32
    %max3A_1396 = arith.maxsi %jit3A_1394, %sub3A_1393 : i32
    %min3A_1397 = arith.minsi %jit3A_1395, %max3A_1396 : i32
    %add3A_1398 = arith.constant 2 : i32
    %add3A_1399 = arith.addi %min3A_1397, %add3A_1398 : i32
    %get3A_1400 = arith.constant 0 : index
    %get3A_1401 = arith.index_cast %add3A_1399 : i32 to index
    %get3A_1402 = arith.constant 0 : index
    %get3A_1403 = arith.constant 0 : index
    %get3A_1404 = vector.load %arg2[%get3A_1400, %get3A_1401, %get3A_1402, %get3A_1403] : memref<1x5x128x128xf32, #tpu.memory_space<vmem>>, vector<1x1x128x128xf32>
    %get3A_1405 = vector.shape_cast %get3A_1404 : vector<1x1x128x128xf32> to vector<128x128xf32>
    %swap3A_1406 = arith.constant 0 : index
    %swap3A_1407 = arith.constant 512 : index
    %swap3A_1408 = arith.constant 640 : index
    %swap3A_1409 = vector.load %arg3[%swap3A_1406, %swap3A_1407, %swap3A_1408] : memref<1x1024x2048xf32, #tpu.memory_space<vmem>>, vector<1x128x128xf32>
    %swap3A_1410 = vector.shape_cast %swap3A_1409 : vector<1x128x128xf32> to vector<128x128xf32>
    %swap3A_1411 = vector.shape_cast %get3A_1405 : vector<128x128xf32> to vector<1x128x128xf32>
    tpu.vector_store %arg3[%swap3A_1406, %swap3A_1407, %swap3A_1408], %swap3A_1411 {strides = array<i32>} : memref<1x1024x2048xf32, #tpu.memory_space<vmem>>, vector<1x128x128xf32>,
    %sub3A_1412 = arith.constant 6 : i32
    %sub3A_1413 = arith.subi %sub3A_1412, %add3A_1291 : i32
    %jit3A_1414 = arith.constant -2 : i32
    %jit3A_1415 = arith.constant 2 : i32
    %max3A_1416 = arith.maxsi %jit3A_1414, %sub3A_1413 : i32
    %min3A_1417 = arith.minsi %jit3A_1415, %max3A_1416 : i32
    %add3A_1418 = arith.constant 2 : i32
    %add3A_1419 = arith.addi %min3A_1417, %add3A_1418 : i32
    %get3A_1420 = arith.constant 0 : index
    %get3A_1421 = arith.index_cast %add3A_1419 : i32 to index
    %get3A_1422 = arith.constant 0 : index
    %get3A_1423 = arith.constant 0 : index
    %get3A_1424 = vector.load %arg2[%get3A_1420, %get3A_1421, %get3A_1422, %get3A_1423] : memref<1x5x128x128xf32, #tpu.memory_space<vmem>>, vector<1x1x128x128xf32>
    %get3A_1425 = vector.shape_cast %get3A_1424 : vector<1x1x128x128xf32> to vector<128x128xf32>
    %swap3A_1426 = arith.constant 0 : index
    %swap3A_1427 = arith.constant 512 : index
    %swap3A_1428 = arith.constant 768 : index
    %swap3A_1429 = vector.load %arg3[%swap3A_1426, %swap3A_1427, %swap3A_1428] : memref<1x1024x2048xf32, #tpu.memory_space<vmem>>, vector<1x128x128xf32>
    %swap3A_1430 = vector.shape_cast %swap3A_1429 : vector<1x128x128xf32> to vector<128x128xf32>
    %swap3A_1431 = vector.shape_cast %get3A_1425 : vector<128x128xf32> to vector<1x128x128xf32>
    tpu.vector_store %arg3[%swap3A_1426, %swap3A_1427, %swap3A_1428], %swap3A_1431 {strides = array<i32>} : memref<1x1024x2048xf32, #tpu.memory_space<vmem>>, vector<1x128x128xf32>,
    %sub3A_1432 = arith.constant 7 : i32
    %sub3A_1433 = arith.subi %sub3A_1432, %add3A_1291 : i32
    %jit3A_1434 = arith.constant -2 : i32
    %jit3A_1435 = arith.constant 2 : i32
    %max3A_1436 = arith.maxsi %jit3A_1434, %sub3A_1433 : i32
    %min3A_1437 = arith.minsi %jit3A_1435, %max3A_1436 : i32
    %add3A_1438 = arith.constant 2 : i32
    %add3A_1439 = arith.addi %min3A_1437, %add3A_1438 : i32
    %get3A_1440 = arith.constant 0 : index
    %get3A_1441 = arith.index_cast %add3A_1439 : i32 to index
    %get3A_1442 = arith.constant 0 : index
    %get3A_1443 = arith.constant 0 : index
    %get3A_1444 = vector.load %arg2[%get3A_1440, %get3A_1441, %get3A_1442, %get3A_1443] : memref<1x5x128x128xf32, #tpu.memory_space<vmem>>, vector<1x1x128x128xf32>
    %get3A_1445 = vector.shape_cast %get3A_1444 : vector<1x1x128x128xf32> to vector<128x128xf32>
    %swap3A_1446 = arith.constant 0 : index
    %swap3A_1447 = arith.constant 512 : index
    %swap3A_1448 = arith.constant 896 : index
    %swap3A_1449 = vector.load %arg3[%swap3A_1446, %swap3A_1447, %swap3A_1448] : memref<1x1024x2048xf32, #tpu.memory_space<vmem>>, vector<1x128x128xf32>
    %swap3A_1450 = vector.shape_cast %swap3A_1449 : vector<1x128x128xf32> to vector<128x128xf32>
    %swap3A_1451 = vector.shape_cast %get3A_1445 : vector<128x128xf32> to vector<1x128x128xf32>
    tpu.vector_store %arg3[%swap3A_1446, %swap3A_1447, %swap3A_1448], %swap3A_1451 {strides = array<i32>} : memref<1x1024x2048xf32, #tpu.memory_space<vmem>>, vector<1x128x128xf32>,
    %sub3A_1452 = arith.constant 8 : i32
    %sub3A_1453 = arith.subi %sub3A_1452, %add3A_1291 : i32
    %jit3A_1454 = arith.constant -2 : i32
    %jit3A_1455 = arith.constant 2 : i32
    %max3A_1456 = arith.maxsi %jit3A_1454, %sub3A_1453 : i32
    %min3A_1457 = arith.minsi %jit3A_1455, %max3A_1456 : i32
    %add3A_1458 = arith.constant 2 : i32
    %add3A_1459 = arith.addi %min3A_1457, %add3A_1458 : i32
    %get3A_1460 = arith.constant 0 : index
    %get3A_1461 = arith.index_cast %add3A_1459 : i32 to index
    %get3A_1462 = arith.constant 0 : index
    %get3A_1463 = arith.constant 0 : index
    %get3A_1464 = vector.load %arg2[%get3A_1460, %get3A_1461, %get3A_1462, %get3A_1463] : memref<1x5x128x128xf32, #tpu.memory_space<vmem>>, vector<1x1x128x128xf32>
    %get3A_1465 = vector.shape_cast %get3A_1464 : vector<1x1x128x128xf32> to vector<128x128xf32>
    %swap3A_1466 = arith.constant 0 : index
    %swap3A_1467 = arith.constant 512 : index
    %swap3A_1468 = arith.constant 1024 : index
    %swap3A_1469 = vector.load %arg3[%swap3A_1466, %swap3A_1467, %swap3A_1468] : memref<1x1024x2048xf32, #tpu.memory_space<vmem>>, vector<1x128x128xf32>
    %swap3A_1470 = vector.shape_cast %swap3A_1469 : vector<1x128x128xf32> to vector<128x128xf32>
    %swap3A_1471 = vector.shape_cast %get3A_1465 : vector<128x128xf32> to vector<1x128x128xf32>
    tpu.vector_store %arg3[%swap3A_1466, %swap3A_1467, %swap3A_1468], %swap3A_1471 {strides = array<i32>} : memref<1x1024x2048xf32, #tpu.memory_space<vmem>>, vector<1x128x128xf32>,
    %sub3A_1472 = arith.constant 9 : i32
    %sub3A_1473 = arith.subi %sub3A_1472, %add3A_1291 : i32
    %jit3A_1474 = arith.constant -2 : i32
    %jit3A_1475 = arith.constant 2 : i32
    %max3A_1476 = arith.maxsi %jit3A_1474, %sub3A_1473 : i32
    %min3A_1477 = arith.minsi %jit3A_1475, %max3A_1476 : i32
    %add3A_1478 = arith.constant 2 : i32
    %add3A_1479 = arith.addi %min3A_1477, %add3A_1478 : i32
    %get3A_1480 = arith.constant 0 : index
    %get3A_1481 = arith.index_cast %add3A_1479 : i32 to index
    %get3A_1482 = arith.constant 0 : index
    %get3A_1483 = arith.constant 0 : index
    %get3A_1484 = vector.load %arg2[%get3A_1480, %get3A_1481, %get3A_1482, %get3A_1483] : memref<1x5x128x128xf32, #tpu.memory_space<vmem>>, vector<1x1x128x128xf32>
    %get3A_1485 = vector.shape_cast %get3A_1484 : vector<1x1x128x128xf32> to vector<128x128xf32>
    %swap3A_1486 = arith.constant 0 : index
    %swap3A_1487 = arith.constant 512 : index
    %swap3A_1488 = arith.constant 1152 : index
    %swap3A_1489 = vector.load %arg3[%swap3A_1486, %swap3A_1487, %swap3A_1488] : memref<1x1024x2048xf32, #tpu.memory_space<vmem>>, vector<1x128x128xf32>
    %swap3A_1490 = vector.shape_cast %swap3A_1489 : vector<1x128x128xf32> to vector<128x128xf32>
    %swap3A_1491 = vector.shape_cast %get3A_1485 : vector<128x128xf32> to vector<1x128x128xf32>
    tpu.vector_store %arg3[%swap3A_1486, %swap3A_1487, %swap3A_1488], %swap3A_1491 {strides = array<i32>} : memref<1x1024x2048xf32, #tpu.memory_space<vmem>>, vector<1x128x128xf32>,
    %sub3A_1492 = arith.constant 10 : i32
    %sub3A_1493 = arith.subi %sub3A_1492, %add3A_1291 : i32
    %jit3A_1494 = arith.constant -2 : i32
    %jit3A_1495 = arith.constant 2 : i32
    %max3A_1496 = arith.maxsi %jit3A_1494, %sub3A_1493 : i32
    %min3A_1497 = arith.minsi %jit3A_1495, %max3A_1496 : i32
    %add3A_1498 = arith.constant 2 : i32
    %add3A_1499 = arith.addi %min3A_1497, %add3A_1498 : i32
    %get3A_1500 = arith.constant 0 : index
    %get3A_1501 = arith.index_cast %add3A_1499 : i32 to index
    %get3A_1502 = arith.constant 0 : index
    %get3A_1503 = arith.constant 0 : index
    %get3A_1504 = vector.load %arg2[%get3A_1500, %get3A_1501, %get3A_1502, %get3A_1503] : memref<1x5x128x128xf32, #tpu.memory_space<vmem>>, vector<1x1x128x128xf32>
    %get3A_1505 = vector.shape_cast %get3A_1504 : vector<1x1x128x128xf32> to vector<128x128xf32>
    %swap3A_1506 = arith.constant 0 : index
    %swap3A_1507 = arith.constant 512 : index
    %swap3A_1508 = arith.constant 1280 : index
    %swap3A_1509 = vector.load %arg3[%swap3A_1506, %swap3A_1507, %swap3A_1508] : memref<1x1024x2048xf32, #tpu.memory_space<vmem>>, vector<1x128x128xf32>
    %swap3A_1510 = vector.shape_cast %swap3A_1509 : vector<1x128x128xf32> to vector<128x128xf32>
    %swap3A_1511 = vector.shape_cast %get3A_1505 : vector<128x128xf32> to vector<1x128x128xf32>
    tpu.vector_store %arg3[%swap3A_1506, %swap3A_1507, %swap3A_1508], %swap3A_1511 {strides = array<i32>} : memref<1x1024x2048xf32, #tpu.memory_space<vmem>>, vector<1x128x128xf32>,
    %sub3A_1512 = arith.constant 11 : i32
    %sub3A_1513 = arith.subi %sub3A_1512, %add3A_1291 : i32
    %jit3A_1514 = arith.constant -2 : i32
    %jit3A_1515 = arith.constant 2 : i32
    %max3A_1516 = arith.maxsi %jit3A_1514, %sub3A_1513 : i32
    %min3A_1517 = arith.minsi %jit3A_1515, %max3A_1516 : i32
    %add3A_1518 = arith.constant 2 : i32
    %add3A_1519 = arith.addi %min3A_1517, %add3A_1518 : i32
    %get3A_1520 = arith.constant 0 : index
    %get3A_1521 = arith.index_cast %add3A_1519 : i32 to index
    %get3A_1522 = arith.constant 0 : index
    %get3A_1523 = arith.constant 0 : index
    %get3A_1524 = vector.load %arg2[%get3A_1520, %get3A_1521, %get3A_1522, %get3A_1523] : memref<1x5x128x128xf32, #tpu.memory_space<vmem>>, vector<1x1x128x128xf32>
    %get3A_1525 = vector.shape_cast %get3A_1524 : vector<1x1x128x128xf32> to vector<128x128xf32>
    %swap3A_1526 = arith.constant 0 : index
    %swap3A_1527 = arith.constant 512 : index
    %swap3A_1528 = arith.constant 1408 : index
    %swap3A_1529 = vector.load %arg3[%swap3A_1526, %swap3A_1527, %swap3A_1528] : memref<1x1024x2048xf32, #tpu.memory_space<vmem>>, vector<1x128x128xf32>
    %swap3A_1530 = vector.shape_cast %swap3A_1529 : vector<1x128x128xf32> to vector<128x128xf32>
    %swap3A_1531 = vector.shape_cast %get3A_1525 : vector<128x128xf32> to vector<1x128x128xf32>
    tpu.vector_store %arg3[%swap3A_1526, %swap3A_1527, %swap3A_1528], %swap3A_1531 {strides = array<i32>} : memref<1x1024x2048xf32, #tpu.memory_space<vmem>>, vector<1x128x128xf32>,
    %sub3A_1532 = arith.constant 12 : i32
    %sub3A_1533 = arith.subi %sub3A_1532, %add3A_1291 : i32
    %jit3A_1534 = arith.constant -2 : i32
    %jit3A_1535 = arith.constant 2 : i32
    %max3A_1536 = arith.maxsi %jit3A_1534, %sub3A_1533 : i32
    %min3A_1537 = arith.minsi %jit3A_1535, %max3A_1536 : i32
    %add3A_1538 = arith.constant 2 : i32
    %add3A_1539 = arith.addi %min3A_1537, %add3A_1538 : i32
    %get3A_1540 = arith.constant 0 : index
    %get3A_1541 = arith.index_cast %add3A_1539 : i32 to index
    %get3A_1542 = arith.constant 0 : index
    %get3A_1543 = arith.constant 0 : index
    %get3A_1544 = vector.load %arg2[%get3A_1540, %get3A_1541, %get3A_1542, %get3A_1543] : memref<1x5x128x128xf32, #tpu.memory_space<vmem>>, vector<1x1x128x128xf32>
    %get3A_1545 = vector.shape_cast %get3A_1544 : vector<1x1x128x128xf32> to vector<128x128xf32>
    %swap3A_1546 = arith.constant 0 : index
    %swap3A_1547 = arith.constant 512 : index
    %swap3A_1548 = arith.constant 1536 : index
    %swap3A_1549 = vector.load %arg3[%swap3A_1546, %swap3A_1547, %swap3A_1548] : memref<1x1024x2048xf32, #tpu.memory_space<vmem>>, vector<1x128x128xf32>
    %swap3A_1550 = vector.shape_cast %swap3A_1549 : vector<1x128x128xf32> to vector<128x128xf32>
    %swap3A_1551 = vector.shape_cast %get3A_1545 : vector<128x128xf32> to vector<1x128x128xf32>
    tpu.vector_store %arg3[%swap3A_1546, %swap3A_1547, %swap3A_1548], %swap3A_1551 {strides = array<i32>} : memref<1x1024x2048xf32, #tpu.memory_space<vmem>>, vector<1x128x128xf32>,
    %sub3A_1552 = arith.constant 13 : i32
    %sub3A_1553 = arith.subi %sub3A_1552, %add3A_1291 : i32
    %jit3A_1554 = arith.constant -2 : i32
    %jit3A_1555 = arith.constant 2 : i32
    %max3A_1556 = arith.maxsi %jit3A_1554, %sub3A_1553 : i32
    %min3A_1557 = arith.minsi %jit3A_1555, %max3A_1556 : i32
    %add3A_1558 = arith.constant 2 : i32
    %add3A_1559 = arith.addi %min3A_1557, %add3A_1558 : i32
    %get3A_1560 = arith.constant 0 : index
    %get3A_1561 = arith.index_cast %add3A_1559 : i32 to index
    %get3A_1562 = arith.constant 0 : index
    %get3A_1563 = arith.constant 0 : index
    %get3A_1564 = vector.load %arg2[%get3A_1560, %get3A_1561, %get3A_1562, %get3A_1563] : memref<1x5x128x128xf32, #tpu.memory_space<vmem>>, vector<1x1x128x128xf32>
    %get3A_1565 = vector.shape_cast %get3A_1564 : vector<1x1x128x128xf32> to vector<128x128xf32>
    %swap3A_1566 = arith.constant 0 : index
    %swap3A_1567 = arith.constant 512 : index
    %swap3A_1568 = arith.constant 1664 : index
    %swap3A_1569 = vector.load %arg3[%swap3A_1566, %swap3A_1567, %swap3A_1568] : memref<1x1024x2048xf32, #tpu.memory_space<vmem>>, vector<1x128x128xf32>
    %swap3A_1570 = vector.shape_cast %swap3A_1569 : vector<1x128x128xf32> to vector<128x128xf32>
    %swap3A_1571 = vector.shape_cast %get3A_1565 : vector<128x128xf32> to vector<1x128x128xf32>
    tpu.vector_store %arg3[%swap3A_1566, %swap3A_1567, %swap3A_1568], %swap3A_1571 {strides = array<i32>} : memref<1x1024x2048xf32, #tpu.memory_space<vmem>>, vector<1x128x128xf32>,
    %sub3A_1572 = arith.constant 14 : i32
    %sub3A_1573 = arith.subi %sub3A_1572, %add3A_1291 : i32
    %jit3A_1574 = arith.constant -2 : i32
    %jit3A_1575 = arith.constant 2 : i32
    %max3A_1576 = arith.maxsi %jit3A_1574, %sub3A_1573 : i32
    %min3A_1577 = arith.minsi %jit3A_1575, %max3A_1576 : i32
    %add3A_1578 = arith.constant 2 : i32
    %add3A_1579 = arith.addi %min3A_1577, %add3A_1578 : i32
    %get3A_1580 = arith.constant 0 : index
    %get3A_1581 = arith.index_cast %add3A_1579 : i32 to index
    %get3A_1582 = arith.constant 0 : index
    %get3A_1583 = arith.constant 0 : index
    %get3A_1584 = vector.load %arg2[%get3A_1580, %get3A_1581, %get3A_1582, %get3A_1583] : memref<1x5x128x128xf32, #tpu.memory_space<vmem>>, vector<1x1x128x128xf32>
    %get3A_1585 = vector.shape_cast %get3A_1584 : vector<1x1x128x128xf32> to vector<128x128xf32>
    %swap3A_1586 = arith.constant 0 : index
    %swap3A_1587 = arith.constant 512 : index
    %swap3A_1588 = arith.constant 1792 : index
    %swap3A_1589 = vector.load %arg3[%swap3A_1586, %swap3A_1587, %swap3A_1588] : memref<1x1024x2048xf32, #tpu.memory_space<vmem>>, vector<1x128x128xf32>
    %swap3A_1590 = vector.shape_cast %swap3A_1589 : vector<1x128x128xf32> to vector<128x128xf32>
    %swap3A_1591 = vector.shape_cast %get3A_1585 : vector<128x128xf32> to vector<1x128x128xf32>
    tpu.vector_store %arg3[%swap3A_1586, %swap3A_1587, %swap3A_1588], %swap3A_1591 {strides = array<i32>} : memref<1x1024x2048xf32, #tpu.memory_space<vmem>>, vector<1x128x128xf32>,
    %sub3A_1592 = arith.constant 15 : i32
    %sub3A_1593 = arith.subi %sub3A_1592, %add3A_1291 : i32
    %jit3A_1594 = arith.constant -2 : i32
    %jit3A_1595 = arith.constant 2 : i32
    %max3A_1596 = arith.maxsi %jit3A_1594, %sub3A_1593 : i32
    %min3A_1597 = arith.minsi %jit3A_1595, %max3A_1596 : i32
    %add3A_1598 = arith.constant 2 : i32
    %add3A_1599 = arith.addi %min3A_1597, %add3A_1598 : i32
    %get3A_1600 = arith.constant 0 : index
    %get3A_1601 = arith.index_cast %add3A_1599 : i32 to index
    %get3A_1602 = arith.constant 0 : index
    %get3A_1603 = arith.constant 0 : index
    %get3A_1604 = vector.load %arg2[%get3A_1600, %get3A_1601, %get3A_1602, %get3A_1603] : memref<1x5x128x128xf32, #tpu.memory_space<vmem>>, vector<1x1x128x128xf32>
    %get3A_1605 = vector.shape_cast %get3A_1604 : vector<1x1x128x128xf32> to vector<128x128xf32>
    %swap3A_1606 = arith.constant 0 : index
    %swap3A_1607 = arith.constant 512 : index
    %swap3A_1608 = arith.constant 1920 : index
    %swap3A_1609 = vector.load %arg3[%swap3A_1606, %swap3A_1607, %swap3A_1608] : memref<1x1024x2048xf32, #tpu.memory_space<vmem>>, vector<1x128x128xf32>
    %swap3A_1610 = vector.shape_cast %swap3A_1609 : vector<1x128x128xf32> to vector<128x128xf32>
    %swap3A_1611 = vector.shape_cast %get3A_1605 : vector<128x128xf32> to vector<1x128x128xf32>
    tpu.vector_store %arg3[%swap3A_1606, %swap3A_1607, %swap3A_1608], %swap3A_1611 {strides = array<i32>} : memref<1x1024x2048xf32, #tpu.memory_space<vmem>>, vector<1x128x128xf32>,
    %mul3A_1612 = arith.constant 8 : i32
    %mul3A_1613 = arith.muli %arg1, %mul3A_1612 : i32
    %add3A_1614 = arith.constant 5 : i32
    %add3A_1615 = arith.addi %mul3A_1613, %add3A_1614 : i32
    %sub3A_1616 = arith.constant 0 : i32
    %sub3A_1617 = arith.subi %sub3A_1616, %add3A_1615 : i32
    %jit3A_1618 = arith.constant -2 : i32
    %jit3A_1619 = arith.constant 2 : i32
    %max3A_1620 = arith.maxsi %jit3A_1618, %sub3A_1617 : i32
    %min3A_1621 = arith.minsi %jit3A_1619, %max3A_1620 : i32
    %add3A_1622 = arith.constant 2 : i32
    %add3A_1623 = arith.addi %min3A_1621, %add3A_1622 : i32
    %get3A_1624 = arith.constant 0 : index
    %get3A_1625 = arith.index_cast %add3A_1623 : i32 to index
    %get3A_1626 = arith.constant 0 : index
    %get3A_1627 = arith.constant 0 : index
    %get3A_1628 = vector.load %arg2[%get3A_1624, %get3A_1625, %get3A_1626, %get3A_1627] : memref<1x5x128x128xf32, #tpu.memory_space<vmem>>, vector<1x1x128x128xf32>
    %get3A_1629 = vector.shape_cast %get3A_1628 : vector<1x1x128x128xf32> to vector<128x128xf32>
    %swap3A_1630 = arith.constant 0 : index
    %swap3A_1631 = arith.constant 640 : index
    %swap3A_1632 = arith.constant 0 : index
    %swap3A_1633 = vector.load %arg3[%swap3A_1630, %swap3A_1631, %swap3A_1632] : memref<1x1024x2048xf32, #tpu.memory_space<vmem>>, vector<1x128x128xf32>
    %swap3A_1634 = vector.shape_cast %swap3A_1633 : vector<1x128x128xf32> to vector<128x128xf32>
    %swap3A_1635 = vector.shape_cast %get3A_1629 : vector<128x128xf32> to vector<1x128x128xf32>
    tpu.vector_store %arg3[%swap3A_1630, %swap3A_1631, %swap3A_1632], %swap3A_1635 {strides = array<i32>} : memref<1x1024x2048xf32, #tpu.memory_space<vmem>>, vector<1x128x128xf32>,
    %sub3A_1636 = arith.constant 1 : i32
    %sub3A_1637 = arith.subi %sub3A_1636, %add3A_1615 : i32
    %jit3A_1638 = arith.constant -2 : i32
    %jit3A_1639 = arith.constant 2 : i32
    %max3A_1640 = arith.maxsi %jit3A_1638, %sub3A_1637 : i32
    %min3A_1641 = arith.minsi %jit3A_1639, %max3A_1640 : i32
    %add3A_1642 = arith.constant 2 : i32
    %add3A_1643 = arith.addi %min3A_1641, %add3A_1642 : i32
    %get3A_1644 = arith.constant 0 : index
    %get3A_1645 = arith.index_cast %add3A_1643 : i32 to index
    %get3A_1646 = arith.constant 0 : index
    %get3A_1647 = arith.constant 0 : index
    %get3A_1648 = vector.load %arg2[%get3A_1644, %get3A_1645, %get3A_1646, %get3A_1647] : memref<1x5x128x128xf32, #tpu.memory_space<vmem>>, vector<1x1x128x128xf32>
    %get3A_1649 = vector.shape_cast %get3A_1648 : vector<1x1x128x128xf32> to vector<128x128xf32>
    %swap3A_1650 = arith.constant 0 : index
    %swap3A_1651 = arith.constant 640 : index
    %swap3A_1652 = arith.constant 128 : index
    %swap3A_1653 = vector.load %arg3[%swap3A_1650, %swap3A_1651, %swap3A_1652] : memref<1x1024x2048xf32, #tpu.memory_space<vmem>>, vector<1x128x128xf32>
    %swap3A_1654 = vector.shape_cast %swap3A_1653 : vector<1x128x128xf32> to vector<128x128xf32>
    %swap3A_1655 = vector.shape_cast %get3A_1649 : vector<128x128xf32> to vector<1x128x128xf32>
    tpu.vector_store %arg3[%swap3A_1650, %swap3A_1651, %swap3A_1652], %swap3A_1655 {strides = array<i32>} : memref<1x1024x2048xf32, #tpu.memory_space<vmem>>, vector<1x128x128xf32>,
    %sub3A_1656 = arith.constant 2 : i32
    %sub3A_1657 = arith.subi %sub3A_1656, %add3A_1615 : i32
    %jit3A_1658 = arith.constant -2 : i32
    %jit3A_1659 = arith.constant 2 : i32
    %max3A_1660 = arith.maxsi %jit3A_1658, %sub3A_1657 : i32
    %min3A_1661 = arith.minsi %jit3A_1659, %max3A_1660 : i32
    %add3A_1662 = arith.constant 2 : i32
    %add3A_1663 = arith.addi %min3A_1661, %add3A_1662 : i32
    %get3A_1664 = arith.constant 0 : index
    %get3A_1665 = arith.index_cast %add3A_1663 : i32 to index
    %get3A_1666 = arith.constant 0 : index
    %get3A_1667 = arith.constant 0 : index
    %get3A_1668 = vector.load %arg2[%get3A_1664, %get3A_1665, %get3A_1666, %get3A_1667] : memref<1x5x128x128xf32, #tpu.memory_space<vmem>>, vector<1x1x128x128xf32>
    %get3A_1669 = vector.shape_cast %get3A_1668 : vector<1x1x128x128xf32> to vector<128x128xf32>
    %swap3A_1670 = arith.constant 0 : index
    %swap3A_1671 = arith.constant 640 : index
    %swap3A_1672 = arith.constant 256 : index
    %swap3A_1673 = vector.load %arg3[%swap3A_1670, %swap3A_1671, %swap3A_1672] : memref<1x1024x2048xf32, #tpu.memory_space<vmem>>, vector<1x128x128xf32>
    %swap3A_1674 = vector.shape_cast %swap3A_1673 : vector<1x128x128xf32> to vector<128x128xf32>
    %swap3A_1675 = vector.shape_cast %get3A_1669 : vector<128x128xf32> to vector<1x128x128xf32>
    tpu.vector_store %arg3[%swap3A_1670, %swap3A_1671, %swap3A_1672], %swap3A_1675 {strides = array<i32>} : memref<1x1024x2048xf32, #tpu.memory_space<vmem>>, vector<1x128x128xf32>,
    %sub3A_1676 = arith.constant 3 : i32
    %sub3A_1677 = arith.subi %sub3A_1676, %add3A_1615 : i32
    %jit3A_1678 = arith.constant -2 : i32
    %jit3A_1679 = arith.constant 2 : i32
    %max3A_1680 = arith.maxsi %jit3A_1678, %sub3A_1677 : i32
    %min3A_1681 = arith.minsi %jit3A_1679, %max3A_1680 : i32
    %add3A_1682 = arith.constant 2 : i32
    %add3A_1683 = arith.addi %min3A_1681, %add3A_1682 : i32
    %get3A_1684 = arith.constant 0 : index
    %get3A_1685 = arith.index_cast %add3A_1683 : i32 to index
    %get3A_1686 = arith.constant 0 : index
    %get3A_1687 = arith.constant 0 : index
    %get3A_1688 = vector.load %arg2[%get3A_1684, %get3A_1685, %get3A_1686, %get3A_1687] : memref<1x5x128x128xf32, #tpu.memory_space<vmem>>, vector<1x1x128x128xf32>
    %get3A_1689 = vector.shape_cast %get3A_1688 : vector<1x1x128x128xf32> to vector<128x128xf32>
    %swap3A_1690 = arith.constant 0 : index
    %swap3A_1691 = arith.constant 640 : index
    %swap3A_1692 = arith.constant 384 : index
    %swap3A_1693 = vector.load %arg3[%swap3A_1690, %swap3A_1691, %swap3A_1692] : memref<1x1024x2048xf32, #tpu.memory_space<vmem>>, vector<1x128x128xf32>
    %swap3A_1694 = vector.shape_cast %swap3A_1693 : vector<1x128x128xf32> to vector<128x128xf32>
    %swap3A_1695 = vector.shape_cast %get3A_1689 : vector<128x128xf32> to vector<1x128x128xf32>
    tpu.vector_store %arg3[%swap3A_1690, %swap3A_1691, %swap3A_1692], %swap3A_1695 {strides = array<i32>} : memref<1x1024x2048xf32, #tpu.memory_space<vmem>>, vector<1x128x128xf32>,
    %sub3A_1696 = arith.constant 4 : i32
    %sub3A_1697 = arith.subi %sub3A_1696, %add3A_1615 : i32
    %jit3A_1698 = arith.constant -2 : i32
    %jit3A_1699 = arith.constant 2 : i32
    %max3A_1700 = arith.maxsi %jit3A_1698, %sub3A_1697 : i32
    %min3A_1701 = arith.minsi %jit3A_1699, %max3A_1700 : i32
    %add3A_1702 = arith.constant 2 : i32
    %add3A_1703 = arith.addi %min3A_1701, %add3A_1702 : i32
    %get3A_1704 = arith.constant 0 : index
    %get3A_1705 = arith.index_cast %add3A_1703 : i32 to index
    %get3A_1706 = arith.constant 0 : index
    %get3A_1707 = arith.constant 0 : index
    %get3A_1708 = vector.load %arg2[%get3A_1704, %get3A_1705, %get3A_1706, %get3A_1707] : memref<1x5x128x128xf32, #tpu.memory_space<vmem>>, vector<1x1x128x128xf32>
    %get3A_1709 = vector.shape_cast %get3A_1708 : vector<1x1x128x128xf32> to vector<128x128xf32>
    %swap3A_1710 = arith.constant 0 : index
    %swap3A_1711 = arith.constant 640 : index
    %swap3A_1712 = arith.constant 512 : index
    %swap3A_1713 = vector.load %arg3[%swap3A_1710, %swap3A_1711, %swap3A_1712] : memref<1x1024x2048xf32, #tpu.memory_space<vmem>>, vector<1x128x128xf32>
    %swap3A_1714 = vector.shape_cast %swap3A_1713 : vector<1x128x128xf32> to vector<128x128xf32>
    %swap3A_1715 = vector.shape_cast %get3A_1709 : vector<128x128xf32> to vector<1x128x128xf32>
    tpu.vector_store %arg3[%swap3A_1710, %swap3A_1711, %swap3A_1712], %swap3A_1715 {strides = array<i32>} : memref<1x1024x2048xf32, #tpu.memory_space<vmem>>, vector<1x128x128xf32>,
    %sub3A_1716 = arith.constant 5 : i32
    %sub3A_1717 = arith.subi %sub3A_1716, %add3A_1615 : i32
    %jit3A_1718 = arith.constant -2 : i32
    %jit3A_1719 = arith.constant 2 : i32
    %max3A_1720 = arith.maxsi %jit3A_1718, %sub3A_1717 : i32
    %min3A_1721 = arith.minsi %jit3A_1719, %max3A_1720 : i32
    %add3A_1722 = arith.constant 2 : i32
    %add3A_1723 = arith.addi %min3A_1721, %add3A_1722 : i32
    %get3A_1724 = arith.constant 0 : index
    %get3A_1725 = arith.index_cast %add3A_1723 : i32 to index
    %get3A_1726 = arith.constant 0 : index
    %get3A_1727 = arith.constant 0 : index
    %get3A_1728 = vector.load %arg2[%get3A_1724, %get3A_1725, %get3A_1726, %get3A_1727] : memref<1x5x128x128xf32, #tpu.memory_space<vmem>>, vector<1x1x128x128xf32>
    %get3A_1729 = vector.shape_cast %get3A_1728 : vector<1x1x128x128xf32> to vector<128x128xf32>
    %swap3A_1730 = arith.constant 0 : index
    %swap3A_1731 = arith.constant 640 : index
    %swap3A_1732 = arith.constant 640 : index
    %swap3A_1733 = vector.load %arg3[%swap3A_1730, %swap3A_1731, %swap3A_1732] : memref<1x1024x2048xf32, #tpu.memory_space<vmem>>, vector<1x128x128xf32>
    %swap3A_1734 = vector.shape_cast %swap3A_1733 : vector<1x128x128xf32> to vector<128x128xf32>
    %swap3A_1735 = vector.shape_cast %get3A_1729 : vector<128x128xf32> to vector<1x128x128xf32>
    tpu.vector_store %arg3[%swap3A_1730, %swap3A_1731, %swap3A_1732], %swap3A_1735 {strides = array<i32>} : memref<1x1024x2048xf32, #tpu.memory_space<vmem>>, vector<1x128x128xf32>,
    %sub3A_1736 = arith.constant 6 : i32
    %sub3A_1737 = arith.subi %sub3A_1736, %add3A_1615 : i32
    %jit3A_1738 = arith.constant -2 : i32
    %jit3A_1739 = arith.constant 2 : i32
    %max3A_1740 = arith.maxsi %jit3A_1738, %sub3A_1737 : i32
    %min3A_1741 = arith.minsi %jit3A_1739, %max3A_1740 : i32
    %add3A_1742 = arith.constant 2 : i32
    %add3A_1743 = arith.addi %min3A_1741, %add3A_1742 : i32
    %get3A_1744 = arith.constant 0 : index
    %get3A_1745 = arith.index_cast %add3A_1743 : i32 to index
    %get3A_1746 = arith.constant 0 : index
    %get3A_1747 = arith.constant 0 : index
    %get3A_1748 = vector.load %arg2[%get3A_1744, %get3A_1745, %get3A_1746, %get3A_1747] : memref<1x5x128x128xf32, #tpu.memory_space<vmem>>, vector<1x1x128x128xf32>
    %get3A_1749 = vector.shape_cast %get3A_1748 : vector<1x1x128x128xf32> to vector<128x128xf32>
    %swap3A_1750 = arith.constant 0 : index
    %swap3A_1751 = arith.constant 640 : index
    %swap3A_1752 = arith.constant 768 : index
    %swap3A_1753 = vector.load %arg3[%swap3A_1750, %swap3A_1751, %swap3A_1752] : memref<1x1024x2048xf32, #tpu.memory_space<vmem>>, vector<1x128x128xf32>
    %swap3A_1754 = vector.shape_cast %swap3A_1753 : vector<1x128x128xf32> to vector<128x128xf32>
    %swap3A_1755 = vector.shape_cast %get3A_1749 : vector<128x128xf32> to vector<1x128x128xf32>
    tpu.vector_store %arg3[%swap3A_1750, %swap3A_1751, %swap3A_1752], %swap3A_1755 {strides = array<i32>} : memref<1x1024x2048xf32, #tpu.memory_space<vmem>>, vector<1x128x128xf32>,
    %sub3A_1756 = arith.constant 7 : i32
    %sub3A_1757 = arith.subi %sub3A_1756, %add3A_1615 : i32
    %jit3A_1758 = arith.constant -2 : i32
    %jit3A_1759 = arith.constant 2 : i32
    %max3A_1760 = arith.maxsi %jit3A_1758, %sub3A_1757 : i32
    %min3A_1761 = arith.minsi %jit3A_1759, %max3A_1760 : i32
    %add3A_1762 = arith.constant 2 : i32
    %add3A_1763 = arith.addi %min3A_1761, %add3A_1762 : i32
    %get3A_1764 = arith.constant 0 : index
    %get3A_1765 = arith.index_cast %add3A_1763 : i32 to index
    %get3A_1766 = arith.constant 0 : index
    %get3A_1767 = arith.constant 0 : index
    %get3A_1768 = vector.load %arg2[%get3A_1764, %get3A_1765, %get3A_1766, %get3A_1767] : memref<1x5x128x128xf32, #tpu.memory_space<vmem>>, vector<1x1x128x128xf32>
    %get3A_1769 = vector.shape_cast %get3A_1768 : vector<1x1x128x128xf32> to vector<128x128xf32>
    %swap3A_1770 = arith.constant 0 : index
    %swap3A_1771 = arith.constant 640 : index
    %swap3A_1772 = arith.constant 896 : index
    %swap3A_1773 = vector.load %arg3[%swap3A_1770, %swap3A_1771, %swap3A_1772] : memref<1x1024x2048xf32, #tpu.memory_space<vmem>>, vector<1x128x128xf32>
    %swap3A_1774 = vector.shape_cast %swap3A_1773 : vector<1x128x128xf32> to vector<128x128xf32>
    %swap3A_1775 = vector.shape_cast %get3A_1769 : vector<128x128xf32> to vector<1x128x128xf32>
    tpu.vector_store %arg3[%swap3A_1770, %swap3A_1771, %swap3A_1772], %swap3A_1775 {strides = array<i32>} : memref<1x1024x2048xf32, #tpu.memory_space<vmem>>, vector<1x128x128xf32>,
    %sub3A_1776 = arith.constant 8 : i32
    %sub3A_1777 = arith.subi %sub3A_1776, %add3A_1615 : i32
    %jit3A_1778 = arith.constant -2 : i32
    %jit3A_1779 = arith.constant 2 : i32
    %max3A_1780 = arith.maxsi %jit3A_1778, %sub3A_1777 : i32
    %min3A_1781 = arith.minsi %jit3A_1779, %max3A_1780 : i32
    %add3A_1782 = arith.constant 2 : i32
    %add3A_1783 = arith.addi %min3A_1781, %add3A_1782 : i32
    %get3A_1784 = arith.constant 0 : index
    %get3A_1785 = arith.index_cast %add3A_1783 : i32 to index
    %get3A_1786 = arith.constant 0 : index
    %get3A_1787 = arith.constant 0 : index
    %get3A_1788 = vector.load %arg2[%get3A_1784, %get3A_1785, %get3A_1786, %get3A_1787] : memref<1x5x128x128xf32, #tpu.memory_space<vmem>>, vector<1x1x128x128xf32>
    %get3A_1789 = vector.shape_cast %get3A_1788 : vector<1x1x128x128xf32> to vector<128x128xf32>
    %swap3A_1790 = arith.constant 0 : index
    %swap3A_1791 = arith.constant 640 : index
    %swap3A_1792 = arith.constant 1024 : index
    %swap3A_1793 = vector.load %arg3[%swap3A_1790, %swap3A_1791, %swap3A_1792] : memref<1x1024x2048xf32, #tpu.memory_space<vmem>>, vector<1x128x128xf32>
    %swap3A_1794 = vector.shape_cast %swap3A_1793 : vector<1x128x128xf32> to vector<128x128xf32>
    %swap3A_1795 = vector.shape_cast %get3A_1789 : vector<128x128xf32> to vector<1x128x128xf32>
    tpu.vector_store %arg3[%swap3A_1790, %swap3A_1791, %swap3A_1792], %swap3A_1795 {strides = array<i32>} : memref<1x1024x2048xf32, #tpu.memory_space<vmem>>, vector<1x128x128xf32>,
    %sub3A_1796 = arith.constant 9 : i32
    %sub3A_1797 = arith.subi %sub3A_1796, %add3A_1615 : i32
    %jit3A_1798 = arith.constant -2 : i32
    %jit3A_1799 = arith.constant 2 : i32
    %max3A_1800 = arith.maxsi %jit3A_1798, %sub3A_1797 : i32
    %min3A_1801 = arith.minsi %jit3A_1799, %max3A_1800 : i32
    %add3A_1802 = arith.constant 2 : i32
    %add3A_1803 = arith.addi %min3A_1801, %add3A_1802 : i32
    %get3A_1804 = arith.constant 0 : index
    %get3A_1805 = arith.index_cast %add3A_1803 : i32 to index
    %get3A_1806 = arith.constant 0 : index
    %get3A_1807 = arith.constant 0 : index
    %get3A_1808 = vector.load %arg2[%get3A_1804, %get3A_1805, %get3A_1806, %get3A_1807] : memref<1x5x128x128xf32, #tpu.memory_space<vmem>>, vector<1x1x128x128xf32>
    %get3A_1809 = vector.shape_cast %get3A_1808 : vector<1x1x128x128xf32> to vector<128x128xf32>
    %swap3A_1810 = arith.constant 0 : index
    %swap3A_1811 = arith.constant 640 : index
    %swap3A_1812 = arith.constant 1152 : index
    %swap3A_1813 = vector.load %arg3[%swap3A_1810, %swap3A_1811, %swap3A_1812] : memref<1x1024x2048xf32, #tpu.memory_space<vmem>>, vector<1x128x128xf32>
    %swap3A_1814 = vector.shape_cast %swap3A_1813 : vector<1x128x128xf32> to vector<128x128xf32>
    %swap3A_1815 = vector.shape_cast %get3A_1809 : vector<128x128xf32> to vector<1x128x128xf32>
    tpu.vector_store %arg3[%swap3A_1810, %swap3A_1811, %swap3A_1812], %swap3A_1815 {strides = array<i32>} : memref<1x1024x2048xf32, #tpu.memory_space<vmem>>, vector<1x128x128xf32>,
    %sub3A_1816 = arith.constant 10 : i32
    %sub3A_1817 = arith.subi %sub3A_1816, %add3A_1615 : i32
    %jit3A_1818 = arith.constant -2 : i32
    %jit3A_1819 = arith.constant 2 : i32
    %max3A_1820 = arith.maxsi %jit3A_1818, %sub3A_1817 : i32
    %min3A_1821 = arith.minsi %jit3A_1819, %max3A_1820 : i32
    %add3A_1822 = arith.constant 2 : i32
    %add3A_1823 = arith.addi %min3A_1821, %add3A_1822 : i32
    %get3A_1824 = arith.constant 0 : index
    %get3A_1825 = arith.index_cast %add3A_1823 : i32 to index
    %get3A_1826 = arith.constant 0 : index
    %get3A_1827 = arith.constant 0 : index
    %get3A_1828 = vector.load %arg2[%get3A_1824, %get3A_1825, %get3A_1826, %get3A_1827] : memref<1x5x128x128xf32, #tpu.memory_space<vmem>>, vector<1x1x128x128xf32>
    %get3A_1829 = vector.shape_cast %get3A_1828 : vector<1x1x128x128xf32> to vector<128x128xf32>
    %swap3A_1830 = arith.constant 0 : index
    %swap3A_1831 = arith.constant 640 : index
    %swap3A_1832 = arith.constant 1280 : index
    %swap3A_1833 = vector.load %arg3[%swap3A_1830, %swap3A_1831, %swap3A_1832] : memref<1x1024x2048xf32, #tpu.memory_space<vmem>>, vector<1x128x128xf32>
    %swap3A_1834 = vector.shape_cast %swap3A_1833 : vector<1x128x128xf32> to vector<128x128xf32>
    %swap3A_1835 = vector.shape_cast %get3A_1829 : vector<128x128xf32> to vector<1x128x128xf32>
    tpu.vector_store %arg3[%swap3A_1830, %swap3A_1831, %swap3A_1832], %swap3A_1835 {strides = array<i32>} : memref<1x1024x2048xf32, #tpu.memory_space<vmem>>, vector<1x128x128xf32>,
    %sub3A_1836 = arith.constant 11 : i32
    %sub3A_1837 = arith.subi %sub3A_1836, %add3A_1615 : i32
    %jit3A_1838 = arith.constant -2 : i32
    %jit3A_1839 = arith.constant 2 : i32
    %max3A_1840 = arith.maxsi %jit3A_1838, %sub3A_1837 : i32
    %min3A_1841 = arith.minsi %jit3A_1839, %max3A_1840 : i32
    %add3A_1842 = arith.constant 2 : i32
    %add3A_1843 = arith.addi %min3A_1841, %add3A_1842 : i32
    %get3A_1844 = arith.constant 0 : index
    %get3A_1845 = arith.index_cast %add3A_1843 : i32 to index
    %get3A_1846 = arith.constant 0 : index
    %get3A_1847 = arith.constant 0 : index
    %get3A_1848 = vector.load %arg2[%get3A_1844, %get3A_1845, %get3A_1846, %get3A_1847] : memref<1x5x128x128xf32, #tpu.memory_space<vmem>>, vector<1x1x128x128xf32>
    %get3A_1849 = vector.shape_cast %get3A_1848 : vector<1x1x128x128xf32> to vector<128x128xf32>
    %swap3A_1850 = arith.constant 0 : index
    %swap3A_1851 = arith.constant 640 : index
    %swap3A_1852 = arith.constant 1408 : index
    %swap3A_1853 = vector.load %arg3[%swap3A_1850, %swap3A_1851, %swap3A_1852] : memref<1x1024x2048xf32, #tpu.memory_space<vmem>>, vector<1x128x128xf32>
    %swap3A_1854 = vector.shape_cast %swap3A_1853 : vector<1x128x128xf32> to vector<128x128xf32>
    %swap3A_1855 = vector.shape_cast %get3A_1849 : vector<128x128xf32> to vector<1x128x128xf32>
    tpu.vector_store %arg3[%swap3A_1850, %swap3A_1851, %swap3A_1852], %swap3A_1855 {strides = array<i32>} : memref<1x1024x2048xf32, #tpu.memory_space<vmem>>, vector<1x128x128xf32>,
    %sub3A_1856 = arith.constant 12 : i32
    %sub3A_1857 = arith.subi %sub3A_1856, %add3A_1615 : i32
    %jit3A_1858 = arith.constant -2 : i32
    %jit3A_1859 = arith.constant 2 : i32
    %max3A_1860 = arith.maxsi %jit3A_1858, %sub3A_1857 : i32
    %min3A_1861 = arith.minsi %jit3A_1859, %max3A_1860 : i32
    %add3A_1862 = arith.constant 2 : i32
    %add3A_1863 = arith.addi %min3A_1861, %add3A_1862 : i32
    %get3A_1864 = arith.constant 0 : index
    %get3A_1865 = arith.index_cast %add3A_1863 : i32 to index
    %get3A_1866 = arith.constant 0 : index
    %get3A_1867 = arith.constant 0 : index
    %get3A_1868 = vector.load %arg2[%get3A_1864, %get3A_1865, %get3A_1866, %get3A_1867] : memref<1x5x128x128xf32, #tpu.memory_space<vmem>>, vector<1x1x128x128xf32>
    %get3A_1869 = vector.shape_cast %get3A_1868 : vector<1x1x128x128xf32> to vector<128x128xf32>
    %swap3A_1870 = arith.constant 0 : index
    %swap3A_1871 = arith.constant 640 : index
    %swap3A_1872 = arith.constant 1536 : index
    %swap3A_1873 = vector.load %arg3[%swap3A_1870, %swap3A_1871, %swap3A_1872] : memref<1x1024x2048xf32, #tpu.memory_space<vmem>>, vector<1x128x128xf32>
    %swap3A_1874 = vector.shape_cast %swap3A_1873 : vector<1x128x128xf32> to vector<128x128xf32>
    %swap3A_1875 = vector.shape_cast %get3A_1869 : vector<128x128xf32> to vector<1x128x128xf32>
    tpu.vector_store %arg3[%swap3A_1870, %swap3A_1871, %swap3A_1872], %swap3A_1875 {strides = array<i32>} : memref<1x1024x2048xf32, #tpu.memory_space<vmem>>, vector<1x128x128xf32>,
    %sub3A_1876 = arith.constant 13 : i32
    %sub3A_1877 = arith.subi %sub3A_1876, %add3A_1615 : i32
    %jit3A_1878 = arith.constant -2 : i32
    %jit3A_1879 = arith.constant 2 : i32
    %max3A_1880 = arith.maxsi %jit3A_1878, %sub3A_1877 : i32
    %min3A_1881 = arith.minsi %jit3A_1879, %max3A_1880 : i32
    %add3A_1882 = arith.constant 2 : i32
    %add3A_1883 = arith.addi %min3A_1881, %add3A_1882 : i32
    %get3A_1884 = arith.constant 0 : index
    %get3A_1885 = arith.index_cast %add3A_1883 : i32 to index
    %get3A_1886 = arith.constant 0 : index
    %get3A_1887 = arith.constant 0 : index
    %get3A_1888 = vector.load %arg2[%get3A_1884, %get3A_1885, %get3A_1886, %get3A_1887] : memref<1x5x128x128xf32, #tpu.memory_space<vmem>>, vector<1x1x128x128xf32>
    %get3A_1889 = vector.shape_cast %get3A_1888 : vector<1x1x128x128xf32> to vector<128x128xf32>
    %swap3A_1890 = arith.constant 0 : index
    %swap3A_1891 = arith.constant 640 : index
    %swap3A_1892 = arith.constant 1664 : index
    %swap3A_1893 = vector.load %arg3[%swap3A_1890, %swap3A_1891, %swap3A_1892] : memref<1x1024x2048xf32, #tpu.memory_space<vmem>>, vector<1x128x128xf32>
    %swap3A_1894 = vector.shape_cast %swap3A_1893 : vector<1x128x128xf32> to vector<128x128xf32>
    %swap3A_1895 = vector.shape_cast %get3A_1889 : vector<128x128xf32> to vector<1x128x128xf32>
    tpu.vector_store %arg3[%swap3A_1890, %swap3A_1891, %swap3A_1892], %swap3A_1895 {strides = array<i32>} : memref<1x1024x2048xf32, #tpu.memory_space<vmem>>, vector<1x128x128xf32>,
    %sub3A_1896 = arith.constant 14 : i32
    %sub3A_1897 = arith.subi %sub3A_1896, %add3A_1615 : i32
    %jit3A_1898 = arith.constant -2 : i32
    %jit3A_1899 = arith.constant 2 : i32
    %max3A_1900 = arith.maxsi %jit3A_1898, %sub3A_1897 : i32
    %min3A_1901 = arith.minsi %jit3A_1899, %max3A_1900 : i32
    %add3A_1902 = arith.constant 2 : i32
    %add3A_1903 = arith.addi %min3A_1901, %add3A_1902 : i32
    %get3A_1904 = arith.constant 0 : index
    %get3A_1905 = arith.index_cast %add3A_1903 : i32 to index
    %get3A_1906 = arith.constant 0 : index
    %get3A_1907 = arith.constant 0 : index
    %get3A_1908 = vector.load %arg2[%get3A_1904, %get3A_1905, %get3A_1906, %get3A_1907] : memref<1x5x128x128xf32, #tpu.memory_space<vmem>>, vector<1x1x128x128xf32>
    %get3A_1909 = vector.shape_cast %get3A_1908 : vector<1x1x128x128xf32> to vector<128x128xf32>
    %swap3A_1910 = arith.constant 0 : index
    %swap3A_1911 = arith.constant 640 : index
    %swap3A_1912 = arith.constant 1792 : index
    %swap3A_1913 = vector.load %arg3[%swap3A_1910, %swap3A_1911, %swap3A_1912] : memref<1x1024x2048xf32, #tpu.memory_space<vmem>>, vector<1x128x128xf32>
    %swap3A_1914 = vector.shape_cast %swap3A_1913 : vector<1x128x128xf32> to vector<128x128xf32>
    %swap3A_1915 = vector.shape_cast %get3A_1909 : vector<128x128xf32> to vector<1x128x128xf32>
    tpu.vector_store %arg3[%swap3A_1910, %swap3A_1911, %swap3A_1912], %swap3A_1915 {strides = array<i32>} : memref<1x1024x2048xf32, #tpu.memory_space<vmem>>, vector<1x128x128xf32>,
    %sub3A_1916 = arith.constant 15 : i32
    %sub3A_1917 = arith.subi %sub3A_1916, %add3A_1615 : i32
    %jit3A_1918 = arith.constant -2 : i32
    %jit3A_1919 = arith.constant 2 : i32
    %max3A_1920 = arith.maxsi %jit3A_1918, %sub3A_1917 : i32
    %min3A_1921 = arith.minsi %jit3A_1919, %max3A_1920 : i32
    %add3A_1922 = arith.constant 2 : i32
    %add3A_1923 = arith.addi %min3A_1921, %add3A_1922 : i32
    %get3A_1924 = arith.constant 0 : index
    %get3A_1925 = arith.index_cast %add3A_1923 : i32 to index
    %get3A_1926 = arith.constant 0 : index
    %get3A_1927 = arith.constant 0 : index
    %get3A_1928 = vector.load %arg2[%get3A_1924, %get3A_1925, %get3A_1926, %get3A_1927] : memref<1x5x128x128xf32, #tpu.memory_space<vmem>>, vector<1x1x128x128xf32>
    %get3A_1929 = vector.shape_cast %get3A_1928 : vector<1x1x128x128xf32> to vector<128x128xf32>
    %swap3A_1930 = arith.constant 0 : index
    %swap3A_1931 = arith.constant 640 : index
    %swap3A_1932 = arith.constant 1920 : index
    %swap3A_1933 = vector.load %arg3[%swap3A_1930, %swap3A_1931, %swap3A_1932] : memref<1x1024x2048xf32, #tpu.memory_space<vmem>>, vector<1x128x128xf32>
    %swap3A_1934 = vector.shape_cast %swap3A_1933 : vector<1x128x128xf32> to vector<128x128xf32>
    %swap3A_1935 = vector.shape_cast %get3A_1929 : vector<128x128xf32> to vector<1x128x128xf32>
    tpu.vector_store %arg3[%swap3A_1930, %swap3A_1931, %swap3A_1932], %swap3A_1935 {strides = array<i32>} : memref<1x1024x2048xf32, #tpu.memory_space<vmem>>, vector<1x128x128xf32>,
    %mul3A_1936 = arith.constant 8 : i32
    %mul3A_1937 = arith.muli %arg1, %mul3A_1936 : i32
    %add3A_1938 = arith.constant 6 : i32
    %add3A_1939 = arith.addi %mul3A_1937, %add3A_1938 : i32
    %sub3A_1940 = arith.constant 0 : i32
    %sub3A_1941 = arith.subi %sub3A_1940, %add3A_1939 : i32
    %jit3A_1942 = arith.constant -2 : i32
    %jit3A_1943 = arith.constant 2 : i32
    %max3A_1944 = arith.maxsi %jit3A_1942, %sub3A_1941 : i32
    %min3A_1945 = arith.minsi %jit3A_1943, %max3A_1944 : i32
    %add3A_1946 = arith.constant 2 : i32
    %add3A_1947 = arith.addi %min3A_1945, %add3A_1946 : i32
    %get3A_1948 = arith.constant 0 : index
    %get3A_1949 = arith.index_cast %add3A_1947 : i32 to index
    %get3A_1950 = arith.constant 0 : index
    %get3A_1951 = arith.constant 0 : index
    %get3A_1952 = vector.load %arg2[%get3A_1948, %get3A_1949, %get3A_1950, %get3A_1951] : memref<1x5x128x128xf32, #tpu.memory_space<vmem>>, vector<1x1x128x128xf32>
    %get3A_1953 = vector.shape_cast %get3A_1952 : vector<1x1x128x128xf32> to vector<128x128xf32>
    %swap3A_1954 = arith.constant 0 : index
    %swap3A_1955 = arith.constant 768 : index
    %swap3A_1956 = arith.constant 0 : index
    %swap3A_1957 = vector.load %arg3[%swap3A_1954, %swap3A_1955, %swap3A_1956] : memref<1x1024x2048xf32, #tpu.memory_space<vmem>>, vector<1x128x128xf32>
    %swap3A_1958 = vector.shape_cast %swap3A_1957 : vector<1x128x128xf32> to vector<128x128xf32>
    %swap3A_1959 = vector.shape_cast %get3A_1953 : vector<128x128xf32> to vector<1x128x128xf32>
    tpu.vector_store %arg3[%swap3A_1954, %swap3A_1955, %swap3A_1956], %swap3A_1959 {strides = array<i32>} : memref<1x1024x2048xf32, #tpu.memory_space<vmem>>, vector<1x128x128xf32>,
    %sub3A_1960 = arith.constant 1 : i32
    %sub3A_1961 = arith.subi %sub3A_1960, %add3A_1939 : i32
    %jit3A_1962 = arith.constant -2 : i32
    %jit3A_1963 = arith.constant 2 : i32
    %max3A_1964 = arith.maxsi %jit3A_1962, %sub3A_1961 : i32
    %min3A_1965 = arith.minsi %jit3A_1963, %max3A_1964 : i32
    %add3A_1966 = arith.constant 2 : i32
    %add3A_1967 = arith.addi %min3A_1965, %add3A_1966 : i32
    %get3A_1968 = arith.constant 0 : index
    %get3A_1969 = arith.index_cast %add3A_1967 : i32 to index
    %get3A_1970 = arith.constant 0 : index
    %get3A_1971 = arith.constant 0 : index
    %get3A_1972 = vector.load %arg2[%get3A_1968, %get3A_1969, %get3A_1970, %get3A_1971] : memref<1x5x128x128xf32, #tpu.memory_space<vmem>>, vector<1x1x128x128xf32>
    %get3A_1973 = vector.shape_cast %get3A_1972 : vector<1x1x128x128xf32> to vector<128x128xf32>
    %swap3A_1974 = arith.constant 0 : index
    %swap3A_1975 = arith.constant 768 : index
    %swap3A_1976 = arith.constant 128 : index
    %swap3A_1977 = vector.load %arg3[%swap3A_1974, %swap3A_1975, %swap3A_1976] : memref<1x1024x2048xf32, #tpu.memory_space<vmem>>, vector<1x128x128xf32>
    %swap3A_1978 = vector.shape_cast %swap3A_1977 : vector<1x128x128xf32> to vector<128x128xf32>
    %swap3A_1979 = vector.shape_cast %get3A_1973 : vector<128x128xf32> to vector<1x128x128xf32>
    tpu.vector_store %arg3[%swap3A_1974, %swap3A_1975, %swap3A_1976], %swap3A_1979 {strides = array<i32>} : memref<1x1024x2048xf32, #tpu.memory_space<vmem>>, vector<1x128x128xf32>,
    %sub3A_1980 = arith.constant 2 : i32
    %sub3A_1981 = arith.subi %sub3A_1980, %add3A_1939 : i32
    %jit3A_1982 = arith.constant -2 : i32
    %jit3A_1983 = arith.constant 2 : i32
    %max3A_1984 = arith.maxsi %jit3A_1982, %sub3A_1981 : i32
    %min3A_1985 = arith.minsi %jit3A_1983, %max3A_1984 : i32
    %add3A_1986 = arith.constant 2 : i32
    %add3A_1987 = arith.addi %min3A_1985, %add3A_1986 : i32
    %get3A_1988 = arith.constant 0 : index
    %get3A_1989 = arith.index_cast %add3A_1987 : i32 to index
    %get3A_1990 = arith.constant 0 : index
    %get3A_1991 = arith.constant 0 : index
    %get3A_1992 = vector.load %arg2[%get3A_1988, %get3A_1989, %get3A_1990, %get3A_1991] : memref<1x5x128x128xf32, #tpu.memory_space<vmem>>, vector<1x1x128x128xf32>
    %get3A_1993 = vector.shape_cast %get3A_1992 : vector<1x1x128x128xf32> to vector<128x128xf32>
    %swap3A_1994 = arith.constant 0 : index
    %swap3A_1995 = arith.constant 768 : index
    %swap3A_1996 = arith.constant 256 : index
    %swap3A_1997 = vector.load %arg3[%swap3A_1994, %swap3A_1995, %swap3A_1996] : memref<1x1024x2048xf32, #tpu.memory_space<vmem>>, vector<1x128x128xf32>
    %swap3A_1998 = vector.shape_cast %swap3A_1997 : vector<1x128x128xf32> to vector<128x128xf32>
    %swap3A_1999 = vector.shape_cast %get3A_1993 : vector<128x128xf32> to vector<1x128x128xf32>
    tpu.vector_store %arg3[%swap3A_1994, %swap3A_1995, %swap3A_1996], %swap3A_1999 {strides = array<i32>} : memref<1x1024x2048xf32, #tpu.memory_space<vmem>>, vector<1x128x128xf32>,
    %sub3A_2000 = arith.constant 3 : i32
    %sub3A_2001 = arith.subi %sub3A_2000, %add3A_1939 : i32
    %jit3A_2002 = arith.constant -2 : i32
    %jit3A_2003 = arith.constant 2 : i32
    %max3A_2004 = arith.maxsi %jit3A_2002, %sub3A_2001 : i32
    %min3A_2005 = arith.minsi %jit3A_2003, %max3A_2004 : i32
    %add3A_2006 = arith.constant 2 : i32
    %add3A_2007 = arith.addi %min3A_2005, %add3A_2006 : i32
    %get3A_2008 = arith.constant 0 : index
    %get3A_2009 = arith.index_cast %add3A_2007 : i32 to index
    %get3A_2010 = arith.constant 0 : index
    %get3A_2011 = arith.constant 0 : index
    %get3A_2012 = vector.load %arg2[%get3A_2008, %get3A_2009, %get3A_2010, %get3A_2011] : memref<1x5x128x128xf32, #tpu.memory_space<vmem>>, vector<1x1x128x128xf32>
    %get3A_2013 = vector.shape_cast %get3A_2012 : vector<1x1x128x128xf32> to vector<128x128xf32>
    %swap3A_2014 = arith.constant 0 : index
    %swap3A_2015 = arith.constant 768 : index
    %swap3A_2016 = arith.constant 384 : index
    %swap3A_2017 = vector.load %arg3[%swap3A_2014, %swap3A_2015, %swap3A_2016] : memref<1x1024x2048xf32, #tpu.memory_space<vmem>>, vector<1x128x128xf32>
    %swap3A_2018 = vector.shape_cast %swap3A_2017 : vector<1x128x128xf32> to vector<128x128xf32>
    %swap3A_2019 = vector.shape_cast %get3A_2013 : vector<128x128xf32> to vector<1x128x128xf32>
    tpu.vector_store %arg3[%swap3A_2014, %swap3A_2015, %swap3A_2016], %swap3A_2019 {strides = array<i32>} : memref<1x1024x2048xf32, #tpu.memory_space<vmem>>, vector<1x128x128xf32>,
    %sub3A_2020 = arith.constant 4 : i32
    %sub3A_2021 = arith.subi %sub3A_2020, %add3A_1939 : i32
    %jit3A_2022 = arith.constant -2 : i32
    %jit3A_2023 = arith.constant 2 : i32
    %max3A_2024 = arith.maxsi %jit3A_2022, %sub3A_2021 : i32
    %min3A_2025 = arith.minsi %jit3A_2023, %max3A_2024 : i32
    %add3A_2026 = arith.constant 2 : i32
    %add3A_2027 = arith.addi %min3A_2025, %add3A_2026 : i32
    %get3A_2028 = arith.constant 0 : index
    %get3A_2029 = arith.index_cast %add3A_2027 : i32 to index
    %get3A_2030 = arith.constant 0 : index
    %get3A_2031 = arith.constant 0 : index
    %get3A_2032 = vector.load %arg2[%get3A_2028, %get3A_2029, %get3A_2030, %get3A_2031] : memref<1x5x128x128xf32, #tpu.memory_space<vmem>>, vector<1x1x128x128xf32>
    %get3A_2033 = vector.shape_cast %get3A_2032 : vector<1x1x128x128xf32> to vector<128x128xf32>
    %swap3A_2034 = arith.constant 0 : index
    %swap3A_2035 = arith.constant 768 : index
    %swap3A_2036 = arith.constant 512 : index
    %swap3A_2037 = vector.load %arg3[%swap3A_2034, %swap3A_2035, %swap3A_2036] : memref<1x1024x2048xf32, #tpu.memory_space<vmem>>, vector<1x128x128xf32>
    %swap3A_2038 = vector.shape_cast %swap3A_2037 : vector<1x128x128xf32> to vector<128x128xf32>
    %swap3A_2039 = vector.shape_cast %get3A_2033 : vector<128x128xf32> to vector<1x128x128xf32>
    tpu.vector_store %arg3[%swap3A_2034, %swap3A_2035, %swap3A_2036], %swap3A_2039 {strides = array<i32>} : memref<1x1024x2048xf32, #tpu.memory_space<vmem>>, vector<1x128x128xf32>,
    %sub3A_2040 = arith.constant 5 : i32
    %sub3A_2041 = arith.subi %sub3A_2040, %add3A_1939 : i32
    %jit3A_2042 = arith.constant -2 : i32
    %jit3A_2043 = arith.constant 2 : i32
    %max3A_2044 = arith.maxsi %jit3A_2042, %sub3A_2041 : i32
    %min3A_2045 = arith.minsi %jit3A_2043, %max3A_2044 : i32
    %add3A_2046 = arith.constant 2 : i32
    %add3A_2047 = arith.addi %min3A_2045, %add3A_2046 : i32
    %get3A_2048 = arith.constant 0 : index
    %get3A_2049 = arith.index_cast %add3A_2047 : i32 to index
    %get3A_2050 = arith.constant 0 : index
    %get3A_2051 = arith.constant 0 : index
    %get3A_2052 = vector.load %arg2[%get3A_2048, %get3A_2049, %get3A_2050, %get3A_2051] : memref<1x5x128x128xf32, #tpu.memory_space<vmem>>, vector<1x1x128x128xf32>
    %get3A_2053 = vector.shape_cast %get3A_2052 : vector<1x1x128x128xf32> to vector<128x128xf32>
    %swap3A_2054 = arith.constant 0 : index
    %swap3A_2055 = arith.constant 768 : index
    %swap3A_2056 = arith.constant 640 : index
    %swap3A_2057 = vector.load %arg3[%swap3A_2054, %swap3A_2055, %swap3A_2056] : memref<1x1024x2048xf32, #tpu.memory_space<vmem>>, vector<1x128x128xf32>
    %swap3A_2058 = vector.shape_cast %swap3A_2057 : vector<1x128x128xf32> to vector<128x128xf32>
    %swap3A_2059 = vector.shape_cast %get3A_2053 : vector<128x128xf32> to vector<1x128x128xf32>
    tpu.vector_store %arg3[%swap3A_2054, %swap3A_2055, %swap3A_2056], %swap3A_2059 {strides = array<i32>} : memref<1x1024x2048xf32, #tpu.memory_space<vmem>>, vector<1x128x128xf32>,
    %sub3A_2060 = arith.constant 6 : i32
    %sub3A_2061 = arith.subi %sub3A_2060, %add3A_1939 : i32
    %jit3A_2062 = arith.constant -2 : i32
    %jit3A_2063 = arith.constant 2 : i32
    %max3A_2064 = arith.maxsi %jit3A_2062, %sub3A_2061 : i32
    %min3A_2065 = arith.minsi %jit3A_2063, %max3A_2064 : i32
    %add3A_2066 = arith.constant 2 : i32
    %add3A_2067 = arith.addi %min3A_2065, %add3A_2066 : i32
    %get3A_2068 = arith.constant 0 : index
    %get3A_2069 = arith.index_cast %add3A_2067 : i32 to index
    %get3A_2070 = arith.constant 0 : index
    %get3A_2071 = arith.constant 0 : index
    %get3A_2072 = vector.load %arg2[%get3A_2068, %get3A_2069, %get3A_2070, %get3A_2071] : memref<1x5x128x128xf32, #tpu.memory_space<vmem>>, vector<1x1x128x128xf32>
    %get3A_2073 = vector.shape_cast %get3A_2072 : vector<1x1x128x128xf32> to vector<128x128xf32>
    %swap3A_2074 = arith.constant 0 : index
    %swap3A_2075 = arith.constant 768 : index
    %swap3A_2076 = arith.constant 768 : index
    %swap3A_2077 = vector.load %arg3[%swap3A_2074, %swap3A_2075, %swap3A_2076] : memref<1x1024x2048xf32, #tpu.memory_space<vmem>>, vector<1x128x128xf32>
    %swap3A_2078 = vector.shape_cast %swap3A_2077 : vector<1x128x128xf32> to vector<128x128xf32>
    %swap3A_2079 = vector.shape_cast %get3A_2073 : vector<128x128xf32> to vector<1x128x128xf32>
    tpu.vector_store %arg3[%swap3A_2074, %swap3A_2075, %swap3A_2076], %swap3A_2079 {strides = array<i32>} : memref<1x1024x2048xf32, #tpu.memory_space<vmem>>, vector<1x128x128xf32>,
    %sub3A_2080 = arith.constant 7 : i32
    %sub3A_2081 = arith.subi %sub3A_2080, %add3A_1939 : i32
    %jit3A_2082 = arith.constant -2 : i32
    %jit3A_2083 = arith.constant 2 : i32
    %max3A_2084 = arith.maxsi %jit3A_2082, %sub3A_2081 : i32
    %min3A_2085 = arith.minsi %jit3A_2083, %max3A_2084 : i32
    %add3A_2086 = arith.constant 2 : i32
    %add3A_2087 = arith.addi %min3A_2085, %add3A_2086 : i32
    %get3A_2088 = arith.constant 0 : index
    %get3A_2089 = arith.index_cast %add3A_2087 : i32 to index
    %get3A_2090 = arith.constant 0 : index
    %get3A_2091 = arith.constant 0 : index
    %get3A_2092 = vector.load %arg2[%get3A_2088, %get3A_2089, %get3A_2090, %get3A_2091] : memref<1x5x128x128xf32, #tpu.memory_space<vmem>>, vector<1x1x128x128xf32>
    %get3A_2093 = vector.shape_cast %get3A_2092 : vector<1x1x128x128xf32> to vector<128x128xf32>
    %swap3A_2094 = arith.constant 0 : index
    %swap3A_2095 = arith.constant 768 : index
    %swap3A_2096 = arith.constant 896 : index
    %swap3A_2097 = vector.load %arg3[%swap3A_2094, %swap3A_2095, %swap3A_2096] : memref<1x1024x2048xf32, #tpu.memory_space<vmem>>, vector<1x128x128xf32>
    %swap3A_2098 = vector.shape_cast %swap3A_2097 : vector<1x128x128xf32> to vector<128x128xf32>
    %swap3A_2099 = vector.shape_cast %get3A_2093 : vector<128x128xf32> to vector<1x128x128xf32>
    tpu.vector_store %arg3[%swap3A_2094, %swap3A_2095, %swap3A_2096], %swap3A_2099 {strides = array<i32>} : memref<1x1024x2048xf32, #tpu.memory_space<vmem>>, vector<1x128x128xf32>,
    %sub3A_2100 = arith.constant 8 : i32
    %sub3A_2101 = arith.subi %sub3A_2100, %add3A_1939 : i32
    %jit3A_2102 = arith.constant -2 : i32
    %jit3A_2103 = arith.constant 2 : i32
    %max3A_2104 = arith.maxsi %jit3A_2102, %sub3A_2101 : i32
    %min3A_2105 = arith.minsi %jit3A_2103, %max3A_2104 : i32
    %add3A_2106 = arith.constant 2 : i32
    %add3A_2107 = arith.addi %min3A_2105, %add3A_2106 : i32
    %get3A_2108 = arith.constant 0 : index
    %get3A_2109 = arith.index_cast %add3A_2107 : i32 to index
    %get3A_2110 = arith.constant 0 : index
    %get3A_2111 = arith.constant 0 : index
    %get3A_2112 = vector.load %arg2[%get3A_2108, %get3A_2109, %get3A_2110, %get3A_2111] : memref<1x5x128x128xf32, #tpu.memory_space<vmem>>, vector<1x1x128x128xf32>
    %get3A_2113 = vector.shape_cast %get3A_2112 : vector<1x1x128x128xf32> to vector<128x128xf32>
    %swap3A_2114 = arith.constant 0 : index
    %swap3A_2115 = arith.constant 768 : index
    %swap3A_2116 = arith.constant 1024 : index
    %swap3A_2117 = vector.load %arg3[%swap3A_2114, %swap3A_2115, %swap3A_2116] : memref<1x1024x2048xf32, #tpu.memory_space<vmem>>, vector<1x128x128xf32>
    %swap3A_2118 = vector.shape_cast %swap3A_2117 : vector<1x128x128xf32> to vector<128x128xf32>
    %swap3A_2119 = vector.shape_cast %get3A_2113 : vector<128x128xf32> to vector<1x128x128xf32>
    tpu.vector_store %arg3[%swap3A_2114, %swap3A_2115, %swap3A_2116], %swap3A_2119 {strides = array<i32>} : memref<1x1024x2048xf32, #tpu.memory_space<vmem>>, vector<1x128x128xf32>,
    %sub3A_2120 = arith.constant 9 : i32
    %sub3A_2121 = arith.subi %sub3A_2120, %add3A_1939 : i32
    %jit3A_2122 = arith.constant -2 : i32
    %jit3A_2123 = arith.constant 2 : i32
    %max3A_2124 = arith.maxsi %jit3A_2122, %sub3A_2121 : i32
    %min3A_2125 = arith.minsi %jit3A_2123, %max3A_2124 : i32
    %add3A_2126 = arith.constant 2 : i32
    %add3A_2127 = arith.addi %min3A_2125, %add3A_2126 : i32
    %get3A_2128 = arith.constant 0 : index
    %get3A_2129 = arith.index_cast %add3A_2127 : i32 to index
    %get3A_2130 = arith.constant 0 : index
    %get3A_2131 = arith.constant 0 : index
    %get3A_2132 = vector.load %arg2[%get3A_2128, %get3A_2129, %get3A_2130, %get3A_2131] : memref<1x5x128x128xf32, #tpu.memory_space<vmem>>, vector<1x1x128x128xf32>
    %get3A_2133 = vector.shape_cast %get3A_2132 : vector<1x1x128x128xf32> to vector<128x128xf32>
    %swap3A_2134 = arith.constant 0 : index
    %swap3A_2135 = arith.constant 768 : index
    %swap3A_2136 = arith.constant 1152 : index
    %swap3A_2137 = vector.load %arg3[%swap3A_2134, %swap3A_2135, %swap3A_2136] : memref<1x1024x2048xf32, #tpu.memory_space<vmem>>, vector<1x128x128xf32>
    %swap3A_2138 = vector.shape_cast %swap3A_2137 : vector<1x128x128xf32> to vector<128x128xf32>
    %swap3A_2139 = vector.shape_cast %get3A_2133 : vector<128x128xf32> to vector<1x128x128xf32>
    tpu.vector_store %arg3[%swap3A_2134, %swap3A_2135, %swap3A_2136], %swap3A_2139 {strides = array<i32>} : memref<1x1024x2048xf32, #tpu.memory_space<vmem>>, vector<1x128x128xf32>,
    %sub3A_2140 = arith.constant 10 : i32
    %sub3A_2141 = arith.subi %sub3A_2140, %add3A_1939 : i32
    %jit3A_2142 = arith.constant -2 : i32
    %jit3A_2143 = arith.constant 2 : i32
    %max3A_2144 = arith.maxsi %jit3A_2142, %sub3A_2141 : i32
    %min3A_2145 = arith.minsi %jit3A_2143, %max3A_2144 : i32
    %add3A_2146 = arith.constant 2 : i32
    %add3A_2147 = arith.addi %min3A_2145, %add3A_2146 : i32
    %get3A_2148 = arith.constant 0 : index
    %get3A_2149 = arith.index_cast %add3A_2147 : i32 to index
    %get3A_2150 = arith.constant 0 : index
    %get3A_2151 = arith.constant 0 : index
    %get3A_2152 = vector.load %arg2[%get3A_2148, %get3A_2149, %get3A_2150, %get3A_2151] : memref<1x5x128x128xf32, #tpu.memory_space<vmem>>, vector<1x1x128x128xf32>
    %get3A_2153 = vector.shape_cast %get3A_2152 : vector<1x1x128x128xf32> to vector<128x128xf32>
    %swap3A_2154 = arith.constant 0 : index
    %swap3A_2155 = arith.constant 768 : index
    %swap3A_2156 = arith.constant 1280 : index
    %swap3A_2157 = vector.load %arg3[%swap3A_2154, %swap3A_2155, %swap3A_2156] : memref<1x1024x2048xf32, #tpu.memory_space<vmem>>, vector<1x128x128xf32>
    %swap3A_2158 = vector.shape_cast %swap3A_2157 : vector<1x128x128xf32> to vector<128x128xf32>
    %swap3A_2159 = vector.shape_cast %get3A_2153 : vector<128x128xf32> to vector<1x128x128xf32>
    tpu.vector_store %arg3[%swap3A_2154, %swap3A_2155, %swap3A_2156], %swap3A_2159 {strides = array<i32>} : memref<1x1024x2048xf32, #tpu.memory_space<vmem>>, vector<1x128x128xf32>,
    %sub3A_2160 = arith.constant 11 : i32
    %sub3A_2161 = arith.subi %sub3A_2160, %add3A_1939 : i32
    %jit3A_2162 = arith.constant -2 : i32
    %jit3A_2163 = arith.constant 2 : i32
    %max3A_2164 = arith.maxsi %jit3A_2162, %sub3A_2161 : i32
    %min3A_2165 = arith.minsi %jit3A_2163, %max3A_2164 : i32
    %add3A_2166 = arith.constant 2 : i32
    %add3A_2167 = arith.addi %min3A_2165, %add3A_2166 : i32
    %get3A_2168 = arith.constant 0 : index
    %get3A_2169 = arith.index_cast %add3A_2167 : i32 to index
    %get3A_2170 = arith.constant 0 : index
    %get3A_2171 = arith.constant 0 : index
    %get3A_2172 = vector.load %arg2[%get3A_2168, %get3A_2169, %get3A_2170, %get3A_2171] : memref<1x5x128x128xf32, #tpu.memory_space<vmem>>, vector<1x1x128x128xf32>
    %get3A_2173 = vector.shape_cast %get3A_2172 : vector<1x1x128x128xf32> to vector<128x128xf32>
    %swap3A_2174 = arith.constant 0 : index
    %swap3A_2175 = arith.constant 768 : index
    %swap3A_2176 = arith.constant 1408 : index
    %swap3A_2177 = vector.load %arg3[%swap3A_2174, %swap3A_2175, %swap3A_2176] : memref<1x1024x2048xf32, #tpu.memory_space<vmem>>, vector<1x128x128xf32>
    %swap3A_2178 = vector.shape_cast %swap3A_2177 : vector<1x128x128xf32> to vector<128x128xf32>
    %swap3A_2179 = vector.shape_cast %get3A_2173 : vector<128x128xf32> to vector<1x128x128xf32>
    tpu.vector_store %arg3[%swap3A_2174, %swap3A_2175, %swap3A_2176], %swap3A_2179 {strides = array<i32>} : memref<1x1024x2048xf32, #tpu.memory_space<vmem>>, vector<1x128x128xf32>,
    %sub3A_2180 = arith.constant 12 : i32
    %sub3A_2181 = arith.subi %sub3A_2180, %add3A_1939 : i32
    %jit3A_2182 = arith.constant -2 : i32
    %jit3A_2183 = arith.constant 2 : i32
    %max3A_2184 = arith.maxsi %jit3A_2182, %sub3A_2181 : i32
    %min3A_2185 = arith.minsi %jit3A_2183, %max3A_2184 : i32
    %add3A_2186 = arith.constant 2 : i32
    %add3A_2187 = arith.addi %min3A_2185, %add3A_2186 : i32
    %get3A_2188 = arith.constant 0 : index
    %get3A_2189 = arith.index_cast %add3A_2187 : i32 to index
    %get3A_2190 = arith.constant 0 : index
    %get3A_2191 = arith.constant 0 : index
    %get3A_2192 = vector.load %arg2[%get3A_2188, %get3A_2189, %get3A_2190, %get3A_2191] : memref<1x5x128x128xf32, #tpu.memory_space<vmem>>, vector<1x1x128x128xf32>
    %get3A_2193 = vector.shape_cast %get3A_2192 : vector<1x1x128x128xf32> to vector<128x128xf32>
    %swap3A_2194 = arith.constant 0 : index
    %swap3A_2195 = arith.constant 768 : index
    %swap3A_2196 = arith.constant 1536 : index
    %swap3A_2197 = vector.load %arg3[%swap3A_2194, %swap3A_2195, %swap3A_2196] : memref<1x1024x2048xf32, #tpu.memory_space<vmem>>, vector<1x128x128xf32>
    %swap3A_2198 = vector.shape_cast %swap3A_2197 : vector<1x128x128xf32> to vector<128x128xf32>
    %swap3A_2199 = vector.shape_cast %get3A_2193 : vector<128x128xf32> to vector<1x128x128xf32>
    tpu.vector_store %arg3[%swap3A_2194, %swap3A_2195, %swap3A_2196], %swap3A_2199 {strides = array<i32>} : memref<1x1024x2048xf32, #tpu.memory_space<vmem>>, vector<1x128x128xf32>,
    %sub3A_2200 = arith.constant 13 : i32
    %sub3A_2201 = arith.subi %sub3A_2200, %add3A_1939 : i32
    %jit3A_2202 = arith.constant -2 : i32
    %jit3A_2203 = arith.constant 2 : i32
    %max3A_2204 = arith.maxsi %jit3A_2202, %sub3A_2201 : i32
    %min3A_2205 = arith.minsi %jit3A_2203, %max3A_2204 : i32
    %add3A_2206 = arith.constant 2 : i32
    %add3A_2207 = arith.addi %min3A_2205, %add3A_2206 : i32
    %get3A_2208 = arith.constant 0 : index
    %get3A_2209 = arith.index_cast %add3A_2207 : i32 to index
    %get3A_2210 = arith.constant 0 : index
    %get3A_2211 = arith.constant 0 : index
    %get3A_2212 = vector.load %arg2[%get3A_2208, %get3A_2209, %get3A_2210, %get3A_2211] : memref<1x5x128x128xf32, #tpu.memory_space<vmem>>, vector<1x1x128x128xf32>
    %get3A_2213 = vector.shape_cast %get3A_2212 : vector<1x1x128x128xf32> to vector<128x128xf32>
    %swap3A_2214 = arith.constant 0 : index
    %swap3A_2215 = arith.constant 768 : index
    %swap3A_2216 = arith.constant 1664 : index
    %swap3A_2217 = vector.load %arg3[%swap3A_2214, %swap3A_2215, %swap3A_2216] : memref<1x1024x2048xf32, #tpu.memory_space<vmem>>, vector<1x128x128xf32>
    %swap3A_2218 = vector.shape_cast %swap3A_2217 : vector<1x128x128xf32> to vector<128x128xf32>
    %swap3A_2219 = vector.shape_cast %get3A_2213 : vector<128x128xf32> to vector<1x128x128xf32>
    tpu.vector_store %arg3[%swap3A_2214, %swap3A_2215, %swap3A_2216], %swap3A_2219 {strides = array<i32>} : memref<1x1024x2048xf32, #tpu.memory_space<vmem>>, vector<1x128x128xf32>,
    %sub3A_2220 = arith.constant 14 : i32
    %sub3A_2221 = arith.subi %sub3A_2220, %add3A_1939 : i32
    %jit3A_2222 = arith.constant -2 : i32
    %jit3A_2223 = arith.constant 2 : i32
    %max3A_2224 = arith.maxsi %jit3A_2222, %sub3A_2221 : i32
    %min3A_2225 = arith.minsi %jit3A_2223, %max3A_2224 : i32
    %add3A_2226 = arith.constant 2 : i32
    %add3A_2227 = arith.addi %min3A_2225, %add3A_2226 : i32
    %get3A_2228 = arith.constant 0 : index
    %get3A_2229 = arith.index_cast %add3A_2227 : i32 to index
    %get3A_2230 = arith.constant 0 : index
    %get3A_2231 = arith.constant 0 : index
    %get3A_2232 = vector.load %arg2[%get3A_2228, %get3A_2229, %get3A_2230, %get3A_2231] : memref<1x5x128x128xf32, #tpu.memory_space<vmem>>, vector<1x1x128x128xf32>
    %get3A_2233 = vector.shape_cast %get3A_2232 : vector<1x1x128x128xf32> to vector<128x128xf32>
    %swap3A_2234 = arith.constant 0 : index
    %swap3A_2235 = arith.constant 768 : index
    %swap3A_2236 = arith.constant 1792 : index
    %swap3A_2237 = vector.load %arg3[%swap3A_2234, %swap3A_2235, %swap3A_2236] : memref<1x1024x2048xf32, #tpu.memory_space<vmem>>, vector<1x128x128xf32>
    %swap3A_2238 = vector.shape_cast %swap3A_2237 : vector<1x128x128xf32> to vector<128x128xf32>
    %swap3A_2239 = vector.shape_cast %get3A_2233 : vector<128x128xf32> to vector<1x128x128xf32>
    tpu.vector_store %arg3[%swap3A_2234, %swap3A_2235, %swap3A_2236], %swap3A_2239 {strides = array<i32>} : memref<1x1024x2048xf32, #tpu.memory_space<vmem>>, vector<1x128x128xf32>,
    %sub3A_2240 = arith.constant 15 : i32
    %sub3A_2241 = arith.subi %sub3A_2240, %add3A_1939 : i32
    %jit3A_2242 = arith.constant -2 : i32
    %jit3A_2243 = arith.constant 2 : i32
    %max3A_2244 = arith.maxsi %jit3A_2242, %sub3A_2241 : i32
    %min3A_2245 = arith.minsi %jit3A_2243, %max3A_2244 : i32
    %add3A_2246 = arith.constant 2 : i32
    %add3A_2247 = arith.addi %min3A_2245, %add3A_2246 : i32
    %get3A_2248 = arith.constant 0 : index
    %get3A_2249 = arith.index_cast %add3A_2247 : i32 to index
    %get3A_2250 = arith.constant 0 : index
    %get3A_2251 = arith.constant 0 : index
    %get3A_2252 = vector.load %arg2[%get3A_2248, %get3A_2249, %get3A_2250, %get3A_2251] : memref<1x5x128x128xf32, #tpu.memory_space<vmem>>, vector<1x1x128x128xf32>
    %get3A_2253 = vector.shape_cast %get3A_2252 : vector<1x1x128x128xf32> to vector<128x128xf32>
    %swap3A_2254 = arith.constant 0 : index
    %swap3A_2255 = arith.constant 768 : index
    %swap3A_2256 = arith.constant 1920 : index
    %swap3A_2257 = vector.load %arg3[%swap3A_2254, %swap3A_2255, %swap3A_2256] : memref<1x1024x2048xf32, #tpu.memory_space<vmem>>, vector<1x128x128xf32>
    %swap3A_2258 = vector.shape_cast %swap3A_2257 : vector<1x128x128xf32> to vector<128x128xf32>
    %swap3A_2259 = vector.shape_cast %get3A_2253 : vector<128x128xf32> to vector<1x128x128xf32>
    tpu.vector_store %arg3[%swap3A_2254, %swap3A_2255, %swap3A_2256], %swap3A_2259 {strides = array<i32>} : memref<1x1024x2048xf32, #tpu.memory_space<vmem>>, vector<1x128x128xf32>,
    %mul3A_2260 = arith.constant 8 : i32
    %mul3A_2261 = arith.muli %arg1, %mul3A_2260 : i32
    %add3A_2262 = arith.constant 7 : i32
    %add3A_2263 = arith.addi %mul3A_2261, %add3A_2262 : i32
    %sub3A_2264 = arith.constant 0 : i32
    %sub3A_2265 = arith.subi %sub3A_2264, %add3A_2263 : i32
    %jit3A_2266 = arith.constant -2 : i32
    %jit3A_2267 = arith.constant 2 : i32
    %max3A_2268 = arith.maxsi %jit3A_2266, %sub3A_2265 : i32
    %min3A_2269 = arith.minsi %jit3A_2267, %max3A_2268 : i32
    %add3A_2270 = arith.constant 2 : i32
    %add3A_2271 = arith.addi %min3A_2269, %add3A_2270 : i32
    %get3A_2272 = arith.constant 0 : index
    %get3A_2273 = arith.index_cast %add3A_2271 : i32 to index
    %get3A_2274 = arith.constant 0 : index
    %get3A_2275 = arith.constant 0 : index
    %get3A_2276 = vector.load %arg2[%get3A_2272, %get3A_2273, %get3A_2274, %get3A_2275] : memref<1x5x128x128xf32, #tpu.memory_space<vmem>>, vector<1x1x128x128xf32>
    %get3A_2277 = vector.shape_cast %get3A_2276 : vector<1x1x128x128xf32> to vector<128x128xf32>
    %swap3A_2278 = arith.constant 0 : index
    %swap3A_2279 = arith.constant 896 : index
    %swap3A_2280 = arith.constant 0 : index
    %swap3A_2281 = vector.load %arg3[%swap3A_2278, %swap3A_2279, %swap3A_2280] : memref<1x1024x2048xf32, #tpu.memory_space<vmem>>, vector<1x128x128xf32>
    %swap3A_2282 = vector.shape_cast %swap3A_2281 : vector<1x128x128xf32> to vector<128x128xf32>
    %swap3A_2283 = vector.shape_cast %get3A_2277 : vector<128x128xf32> to vector<1x128x128xf32>
    tpu.vector_store %arg3[%swap3A_2278, %swap3A_2279, %swap3A_2280], %swap3A_2283 {strides = array<i32>} : memref<1x1024x2048xf32, #tpu.memory_space<vmem>>, vector<1x128x128xf32>,
    %sub3A_2284 = arith.constant 1 : i32
    %sub3A_2285 = arith.subi %sub3A_2284, %add3A_2263 : i32
    %jit3A_2286 = arith.constant -2 : i32
    %jit3A_2287 = arith.constant 2 : i32
    %max3A_2288 = arith.maxsi %jit3A_2286, %sub3A_2285 : i32
    %min3A_2289 = arith.minsi %jit3A_2287, %max3A_2288 : i32
    %add3A_2290 = arith.constant 2 : i32
    %add3A_2291 = arith.addi %min3A_2289, %add3A_2290 : i32
    %get3A_2292 = arith.constant 0 : index
    %get3A_2293 = arith.index_cast %add3A_2291 : i32 to index
    %get3A_2294 = arith.constant 0 : index
    %get3A_2295 = arith.constant 0 : index
    %get3A_2296 = vector.load %arg2[%get3A_2292, %get3A_2293, %get3A_2294, %get3A_2295] : memref<1x5x128x128xf32, #tpu.memory_space<vmem>>, vector<1x1x128x128xf32>
    %get3A_2297 = vector.shape_cast %get3A_2296 : vector<1x1x128x128xf32> to vector<128x128xf32>
    %swap3A_2298 = arith.constant 0 : index
    %swap3A_2299 = arith.constant 896 : index
    %swap3A_2300 = arith.constant 128 : index
    %swap3A_2301 = vector.load %arg3[%swap3A_2298, %swap3A_2299, %swap3A_2300] : memref<1x1024x2048xf32, #tpu.memory_space<vmem>>, vector<1x128x128xf32>
    %swap3A_2302 = vector.shape_cast %swap3A_2301 : vector<1x128x128xf32> to vector<128x128xf32>
    %swap3A_2303 = vector.shape_cast %get3A_2297 : vector<128x128xf32> to vector<1x128x128xf32>
    tpu.vector_store %arg3[%swap3A_2298, %swap3A_2299, %swap3A_2300], %swap3A_2303 {strides = array<i32>} : memref<1x1024x2048xf32, #tpu.memory_space<vmem>>, vector<1x128x128xf32>,
    %sub3A_2304 = arith.constant 2 : i32
    %sub3A_2305 = arith.subi %sub3A_2304, %add3A_2263 : i32
    %jit3A_2306 = arith.constant -2 : i32
    %jit3A_2307 = arith.constant 2 : i32
    %max3A_2308 = arith.maxsi %jit3A_2306, %sub3A_2305 : i32
    %min3A_2309 = arith.minsi %jit3A_2307, %max3A_2308 : i32
    %add3A_2310 = arith.constant 2 : i32
    %add3A_2311 = arith.addi %min3A_2309, %add3A_2310 : i32
    %get3A_2312 = arith.constant 0 : index
    %get3A_2313 = arith.index_cast %add3A_2311 : i32 to index
    %get3A_2314 = arith.constant 0 : index
    %get3A_2315 = arith.constant 0 : index
    %get3A_2316 = vector.load %arg2[%get3A_2312, %get3A_2313, %get3A_2314, %get3A_2315] : memref<1x5x128x128xf32, #tpu.memory_space<vmem>>, vector<1x1x128x128xf32>
    %get3A_2317 = vector.shape_cast %get3A_2316 : vector<1x1x128x128xf32> to vector<128x128xf32>
    %swap3A_2318 = arith.constant 0 : index
    %swap3A_2319 = arith.constant 896 : index
    %swap3A_2320 = arith.constant 256 : index
    %swap3A_2321 = vector.load %arg3[%swap3A_2318, %swap3A_2319, %swap3A_2320] : memref<1x1024x2048xf32, #tpu.memory_space<vmem>>, vector<1x128x128xf32>
    %swap3A_2322 = vector.shape_cast %swap3A_2321 : vector<1x128x128xf32> to vector<128x128xf32>
    %swap3A_2323 = vector.shape_cast %get3A_2317 : vector<128x128xf32> to vector<1x128x128xf32>
    tpu.vector_store %arg3[%swap3A_2318, %swap3A_2319, %swap3A_2320], %swap3A_2323 {strides = array<i32>} : memref<1x1024x2048xf32, #tpu.memory_space<vmem>>, vector<1x128x128xf32>,
    %sub3A_2324 = arith.constant 3 : i32
    %sub3A_2325 = arith.subi %sub3A_2324, %add3A_2263 : i32
    %jit3A_2326 = arith.constant -2 : i32
    %jit3A_2327 = arith.constant 2 : i32
    %max3A_2328 = arith.maxsi %jit3A_2326, %sub3A_2325 : i32
    %min3A_2329 = arith.minsi %jit3A_2327, %max3A_2328 : i32
    %add3A_2330 = arith.constant 2 : i32
    %add3A_2331 = arith.addi %min3A_2329, %add3A_2330 : i32
    %get3A_2332 = arith.constant 0 : index
    %get3A_2333 = arith.index_cast %add3A_2331 : i32 to index
    %get3A_2334 = arith.constant 0 : index
    %get3A_2335 = arith.constant 0 : index
    %get3A_2336 = vector.load %arg2[%get3A_2332, %get3A_2333, %get3A_2334, %get3A_2335] : memref<1x5x128x128xf32, #tpu.memory_space<vmem>>, vector<1x1x128x128xf32>
    %get3A_2337 = vector.shape_cast %get3A_2336 : vector<1x1x128x128xf32> to vector<128x128xf32>
    %swap3A_2338 = arith.constant 0 : index
    %swap3A_2339 = arith.constant 896 : index
    %swap3A_2340 = arith.constant 384 : index
    %swap3A_2341 = vector.load %arg3[%swap3A_2338, %swap3A_2339, %swap3A_2340] : memref<1x1024x2048xf32, #tpu.memory_space<vmem>>, vector<1x128x128xf32>
    %swap3A_2342 = vector.shape_cast %swap3A_2341 : vector<1x128x128xf32> to vector<128x128xf32>
    %swap3A_2343 = vector.shape_cast %get3A_2337 : vector<128x128xf32> to vector<1x128x128xf32>
    tpu.vector_store %arg3[%swap3A_2338, %swap3A_2339, %swap3A_2340], %swap3A_2343 {strides = array<i32>} : memref<1x1024x2048xf32, #tpu.memory_space<vmem>>, vector<1x128x128xf32>,
    %sub3A_2344 = arith.constant 4 : i32
    %sub3A_2345 = arith.subi %sub3A_2344, %add3A_2263 : i32
    %jit3A_2346 = arith.constant -2 : i32
    %jit3A_2347 = arith.constant 2 : i32
    %max3A_2348 = arith.maxsi %jit3A_2346, %sub3A_2345 : i32
    %min3A_2349 = arith.minsi %jit3A_2347, %max3A_2348 : i32
    %add3A_2350 = arith.constant 2 : i32
    %add3A_2351 = arith.addi %min3A_2349, %add3A_2350 : i32
    %get3A_2352 = arith.constant 0 : index
    %get3A_2353 = arith.index_cast %add3A_2351 : i32 to index
    %get3A_2354 = arith.constant 0 : index
    %get3A_2355 = arith.constant 0 : index
    %get3A_2356 = vector.load %arg2[%get3A_2352, %get3A_2353, %get3A_2354, %get3A_2355] : memref<1x5x128x128xf32, #tpu.memory_space<vmem>>, vector<1x1x128x128xf32>
    %get3A_2357 = vector.shape_cast %get3A_2356 : vector<1x1x128x128xf32> to vector<128x128xf32>
    %swap3A_2358 = arith.constant 0 : index
    %swap3A_2359 = arith.constant 896 : index
    %swap3A_2360 = arith.constant 512 : index
    %swap3A_2361 = vector.load %arg3[%swap3A_2358, %swap3A_2359, %swap3A_2360] : memref<1x1024x2048xf32, #tpu.memory_space<vmem>>, vector<1x128x128xf32>
    %swap3A_2362 = vector.shape_cast %swap3A_2361 : vector<1x128x128xf32> to vector<128x128xf32>
    %swap3A_2363 = vector.shape_cast %get3A_2357 : vector<128x128xf32> to vector<1x128x128xf32>
    tpu.vector_store %arg3[%swap3A_2358, %swap3A_2359, %swap3A_2360], %swap3A_2363 {strides = array<i32>} : memref<1x1024x2048xf32, #tpu.memory_space<vmem>>, vector<1x128x128xf32>,
    %sub3A_2364 = arith.constant 5 : i32
    %sub3A_2365 = arith.subi %sub3A_2364, %add3A_2263 : i32
    %jit3A_2366 = arith.constant -2 : i32
    %jit3A_2367 = arith.constant 2 : i32
    %max3A_2368 = arith.maxsi %jit3A_2366, %sub3A_2365 : i32
    %min3A_2369 = arith.minsi %jit3A_2367, %max3A_2368 : i32
    %add3A_2370 = arith.constant 2 : i32
    %add3A_2371 = arith.addi %min3A_2369, %add3A_2370 : i32
    %get3A_2372 = arith.constant 0 : index
    %get3A_2373 = arith.index_cast %add3A_2371 : i32 to index
    %get3A_2374 = arith.constant 0 : index
    %get3A_2375 = arith.constant 0 : index
    %get3A_2376 = vector.load %arg2[%get3A_2372, %get3A_2373, %get3A_2374, %get3A_2375] : memref<1x5x128x128xf32, #tpu.memory_space<vmem>>, vector<1x1x128x128xf32>
    %get3A_2377 = vector.shape_cast %get3A_2376 : vector<1x1x128x128xf32> to vector<128x128xf32>
    %swap3A_2378 = arith.constant 0 : index
    %swap3A_2379 = arith.constant 896 : index
    %swap3A_2380 = arith.constant 640 : index
    %swap3A_2381 = vector.load %arg3[%swap3A_2378, %swap3A_2379, %swap3A_2380] : memref<1x1024x2048xf32, #tpu.memory_space<vmem>>, vector<1x128x128xf32>
    %swap3A_2382 = vector.shape_cast %swap3A_2381 : vector<1x128x128xf32> to vector<128x128xf32>
    %swap3A_2383 = vector.shape_cast %get3A_2377 : vector<128x128xf32> to vector<1x128x128xf32>
    tpu.vector_store %arg3[%swap3A_2378, %swap3A_2379, %swap3A_2380], %swap3A_2383 {strides = array<i32>} : memref<1x1024x2048xf32, #tpu.memory_space<vmem>>, vector<1x128x128xf32>,
    %sub3A_2384 = arith.constant 6 : i32
    %sub3A_2385 = arith.subi %sub3A_2384, %add3A_2263 : i32
    %jit3A_2386 = arith.constant -2 : i32
    %jit3A_2387 = arith.constant 2 : i32
    %max3A_2388 = arith.maxsi %jit3A_2386, %sub3A_2385 : i32
    %min3A_2389 = arith.minsi %jit3A_2387, %max3A_2388 : i32
    %add3A_2390 = arith.constant 2 : i32
    %add3A_2391 = arith.addi %min3A_2389, %add3A_2390 : i32
    %get3A_2392 = arith.constant 0 : index
    %get3A_2393 = arith.index_cast %add3A_2391 : i32 to index
    %get3A_2394 = arith.constant 0 : index
    %get3A_2395 = arith.constant 0 : index
    %get3A_2396 = vector.load %arg2[%get3A_2392, %get3A_2393, %get3A_2394, %get3A_2395] : memref<1x5x128x128xf32, #tpu.memory_space<vmem>>, vector<1x1x128x128xf32>
    %get3A_2397 = vector.shape_cast %get3A_2396 : vector<1x1x128x128xf32> to vector<128x128xf32>
    %swap3A_2398 = arith.constant 0 : index
    %swap3A_2399 = arith.constant 896 : index
    %swap3A_2400 = arith.constant 768 : index
    %swap3A_2401 = vector.load %arg3[%swap3A_2398, %swap3A_2399, %swap3A_2400] : memref<1x1024x2048xf32, #tpu.memory_space<vmem>>, vector<1x128x128xf32>
    %swap3A_2402 = vector.shape_cast %swap3A_2401 : vector<1x128x128xf32> to vector<128x128xf32>
    %swap3A_2403 = vector.shape_cast %get3A_2397 : vector<128x128xf32> to vector<1x128x128xf32>
    tpu.vector_store %arg3[%swap3A_2398, %swap3A_2399, %swap3A_2400], %swap3A_2403 {strides = array<i32>} : memref<1x1024x2048xf32, #tpu.memory_space<vmem>>, vector<1x128x128xf32>,
    %sub3A_2404 = arith.constant 7 : i32
    %sub3A_2405 = arith.subi %sub3A_2404, %add3A_2263 : i32
    %jit3A_2406 = arith.constant -2 : i32
    %jit3A_2407 = arith.constant 2 : i32
    %max3A_2408 = arith.maxsi %jit3A_2406, %sub3A_2405 : i32
    %min3A_2409 = arith.minsi %jit3A_2407, %max3A_2408 : i32
    %add3A_2410 = arith.constant 2 : i32
    %add3A_2411 = arith.addi %min3A_2409, %add3A_2410 : i32
    %get3A_2412 = arith.constant 0 : index
    %get3A_2413 = arith.index_cast %add3A_2411 : i32 to index
    %get3A_2414 = arith.constant 0 : index
    %get3A_2415 = arith.constant 0 : index
    %get3A_2416 = vector.load %arg2[%get3A_2412, %get3A_2413, %get3A_2414, %get3A_2415] : memref<1x5x128x128xf32, #tpu.memory_space<vmem>>, vector<1x1x128x128xf32>
    %get3A_2417 = vector.shape_cast %get3A_2416 : vector<1x1x128x128xf32> to vector<128x128xf32>
    %swap3A_2418 = arith.constant 0 : index
    %swap3A_2419 = arith.constant 896 : index
    %swap3A_2420 = arith.constant 896 : index
    %swap3A_2421 = vector.load %arg3[%swap3A_2418, %swap3A_2419, %swap3A_2420] : memref<1x1024x2048xf32, #tpu.memory_space<vmem>>, vector<1x128x128xf32>
    %swap3A_2422 = vector.shape_cast %swap3A_2421 : vector<1x128x128xf32> to vector<128x128xf32>
    %swap3A_2423 = vector.shape_cast %get3A_2417 : vector<128x128xf32> to vector<1x128x128xf32>
    tpu.vector_store %arg3[%swap3A_2418, %swap3A_2419, %swap3A_2420], %swap3A_2423 {strides = array<i32>} : memref<1x1024x2048xf32, #tpu.memory_space<vmem>>, vector<1x128x128xf32>,
    %sub3A_2424 = arith.constant 8 : i32
    %sub3A_2425 = arith.subi %sub3A_2424, %add3A_2263 : i32
    %jit3A_2426 = arith.constant -2 : i32
    %jit3A_2427 = arith.constant 2 : i32
    %max3A_2428 = arith.maxsi %jit3A_2426, %sub3A_2425 : i32
    %min3A_2429 = arith.minsi %jit3A_2427, %max3A_2428 : i32
    %add3A_2430 = arith.constant 2 : i32
    %add3A_2431 = arith.addi %min3A_2429, %add3A_2430 : i32
    %get3A_2432 = arith.constant 0 : index
    %get3A_2433 = arith.index_cast %add3A_2431 : i32 to index
    %get3A_2434 = arith.constant 0 : index
    %get3A_2435 = arith.constant 0 : index
    %get3A_2436 = vector.load %arg2[%get3A_2432, %get3A_2433, %get3A_2434, %get3A_2435] : memref<1x5x128x128xf32, #tpu.memory_space<vmem>>, vector<1x1x128x128xf32>
    %get3A_2437 = vector.shape_cast %get3A_2436 : vector<1x1x128x128xf32> to vector<128x128xf32>
    %swap3A_2438 = arith.constant 0 : index
    %swap3A_2439 = arith.constant 896 : index
    %swap3A_2440 = arith.constant 1024 : index
    %swap3A_2441 = vector.load %arg3[%swap3A_2438, %swap3A_2439, %swap3A_2440] : memref<1x1024x2048xf32, #tpu.memory_space<vmem>>, vector<1x128x128xf32>
    %swap3A_2442 = vector.shape_cast %swap3A_2441 : vector<1x128x128xf32> to vector<128x128xf32>
    %swap3A_2443 = vector.shape_cast %get3A_2437 : vector<128x128xf32> to vector<1x128x128xf32>
    tpu.vector_store %arg3[%swap3A_2438, %swap3A_2439, %swap3A_2440], %swap3A_2443 {strides = array<i32>} : memref<1x1024x2048xf32, #tpu.memory_space<vmem>>, vector<1x128x128xf32>,
    %sub3A_2444 = arith.constant 9 : i32
    %sub3A_2445 = arith.subi %sub3A_2444, %add3A_2263 : i32
    %jit3A_2446 = arith.constant -2 : i32
    %jit3A_2447 = arith.constant 2 : i32
    %max3A_2448 = arith.maxsi %jit3A_2446, %sub3A_2445 : i32
    %min3A_2449 = arith.minsi %jit3A_2447, %max3A_2448 : i32
    %add3A_2450 = arith.constant 2 : i32
    %add3A_2451 = arith.addi %min3A_2449, %add3A_2450 : i32
    %get3A_2452 = arith.constant 0 : index
    %get3A_2453 = arith.index_cast %add3A_2451 : i32 to index
    %get3A_2454 = arith.constant 0 : index
    %get3A_2455 = arith.constant 0 : index
    %get3A_2456 = vector.load %arg2[%get3A_2452, %get3A_2453, %get3A_2454, %get3A_2455] : memref<1x5x128x128xf32, #tpu.memory_space<vmem>>, vector<1x1x128x128xf32>
    %get3A_2457 = vector.shape_cast %get3A_2456 : vector<1x1x128x128xf32> to vector<128x128xf32>
    %swap3A_2458 = arith.constant 0 : index
    %swap3A_2459 = arith.constant 896 : index
    %swap3A_2460 = arith.constant 1152 : index
    %swap3A_2461 = vector.load %arg3[%swap3A_2458, %swap3A_2459, %swap3A_2460] : memref<1x1024x2048xf32, #tpu.memory_space<vmem>>, vector<1x128x128xf32>
    %swap3A_2462 = vector.shape_cast %swap3A_2461 : vector<1x128x128xf32> to vector<128x128xf32>
    %swap3A_2463 = vector.shape_cast %get3A_2457 : vector<128x128xf32> to vector<1x128x128xf32>
    tpu.vector_store %arg3[%swap3A_2458, %swap3A_2459, %swap3A_2460], %swap3A_2463 {strides = array<i32>} : memref<1x1024x2048xf32, #tpu.memory_space<vmem>>, vector<1x128x128xf32>,
    %sub3A_2464 = arith.constant 10 : i32
    %sub3A_2465 = arith.subi %sub3A_2464, %add3A_2263 : i32
    %jit3A_2466 = arith.constant -2 : i32
    %jit3A_2467 = arith.constant 2 : i32
    %max3A_2468 = arith.maxsi %jit3A_2466, %sub3A_2465 : i32
    %min3A_2469 = arith.minsi %jit3A_2467, %max3A_2468 : i32
    %add3A_2470 = arith.constant 2 : i32
    %add3A_2471 = arith.addi %min3A_2469, %add3A_2470 : i32
    %get3A_2472 = arith.constant 0 : index
    %get3A_2473 = arith.index_cast %add3A_2471 : i32 to index
    %get3A_2474 = arith.constant 0 : index
    %get3A_2475 = arith.constant 0 : index
    %get3A_2476 = vector.load %arg2[%get3A_2472, %get3A_2473, %get3A_2474, %get3A_2475] : memref<1x5x128x128xf32, #tpu.memory_space<vmem>>, vector<1x1x128x128xf32>
    %get3A_2477 = vector.shape_cast %get3A_2476 : vector<1x1x128x128xf32> to vector<128x128xf32>
    %swap3A_2478 = arith.constant 0 : index
    %swap3A_2479 = arith.constant 896 : index
    %swap3A_2480 = arith.constant 1280 : index
    %swap3A_2481 = vector.load %arg3[%swap3A_2478, %swap3A_2479, %swap3A_2480] : memref<1x1024x2048xf32, #tpu.memory_space<vmem>>, vector<1x128x128xf32>
    %swap3A_2482 = vector.shape_cast %swap3A_2481 : vector<1x128x128xf32> to vector<128x128xf32>
    %swap3A_2483 = vector.shape_cast %get3A_2477 : vector<128x128xf32> to vector<1x128x128xf32>
    tpu.vector_store %arg3[%swap3A_2478, %swap3A_2479, %swap3A_2480], %swap3A_2483 {strides = array<i32>} : memref<1x1024x2048xf32, #tpu.memory_space<vmem>>, vector<1x128x128xf32>,
    %sub3A_2484 = arith.constant 11 : i32
    %sub3A_2485 = arith.subi %sub3A_2484, %add3A_2263 : i32
    %jit3A_2486 = arith.constant -2 : i32
    %jit3A_2487 = arith.constant 2 : i32
    %max3A_2488 = arith.maxsi %jit3A_2486, %sub3A_2485 : i32
    %min3A_2489 = arith.minsi %jit3A_2487, %max3A_2488 : i32
    %add3A_2490 = arith.constant 2 : i32
    %add3A_2491 = arith.addi %min3A_2489, %add3A_2490 : i32
    %get3A_2492 = arith.constant 0 : index
    %get3A_2493 = arith.index_cast %add3A_2491 : i32 to index
    %get3A_2494 = arith.constant 0 : index
    %get3A_2495 = arith.constant 0 : index
    %get3A_2496 = vector.load %arg2[%get3A_2492, %get3A_2493, %get3A_2494, %get3A_2495] : memref<1x5x128x128xf32, #tpu.memory_space<vmem>>, vector<1x1x128x128xf32>
    %get3A_2497 = vector.shape_cast %get3A_2496 : vector<1x1x128x128xf32> to vector<128x128xf32>
    %swap3A_2498 = arith.constant 0 : index
    %swap3A_2499 = arith.constant 896 : index
    %swap3A_2500 = arith.constant 1408 : index
    %swap3A_2501 = vector.load %arg3[%swap3A_2498, %swap3A_2499, %swap3A_2500] : memref<1x1024x2048xf32, #tpu.memory_space<vmem>>, vector<1x128x128xf32>
    %swap3A_2502 = vector.shape_cast %swap3A_2501 : vector<1x128x128xf32> to vector<128x128xf32>
    %swap3A_2503 = vector.shape_cast %get3A_2497 : vector<128x128xf32> to vector<1x128x128xf32>
    tpu.vector_store %arg3[%swap3A_2498, %swap3A_2499, %swap3A_2500], %swap3A_2503 {strides = array<i32>} : memref<1x1024x2048xf32, #tpu.memory_space<vmem>>, vector<1x128x128xf32>,
    %sub3A_2504 = arith.constant 12 : i32
    %sub3A_2505 = arith.subi %sub3A_2504, %add3A_2263 : i32
    %jit3A_2506 = arith.constant -2 : i32
    %jit3A_2507 = arith.constant 2 : i32
    %max3A_2508 = arith.maxsi %jit3A_2506, %sub3A_2505 : i32
    %min3A_2509 = arith.minsi %jit3A_2507, %max3A_2508 : i32
    %add3A_2510 = arith.constant 2 : i32
    %add3A_2511 = arith.addi %min3A_2509, %add3A_2510 : i32
    %get3A_2512 = arith.constant 0 : index
    %get3A_2513 = arith.index_cast %add3A_2511 : i32 to index
    %get3A_2514 = arith.constant 0 : index
    %get3A_2515 = arith.constant 0 : index
    %get3A_2516 = vector.load %arg2[%get3A_2512, %get3A_2513, %get3A_2514, %get3A_2515] : memref<1x5x128x128xf32, #tpu.memory_space<vmem>>, vector<1x1x128x128xf32>
    %get3A_2517 = vector.shape_cast %get3A_2516 : vector<1x1x128x128xf32> to vector<128x128xf32>
    %swap3A_2518 = arith.constant 0 : index
    %swap3A_2519 = arith.constant 896 : index
    %swap3A_2520 = arith.constant 1536 : index
    %swap3A_2521 = vector.load %arg3[%swap3A_2518, %swap3A_2519, %swap3A_2520] : memref<1x1024x2048xf32, #tpu.memory_space<vmem>>, vector<1x128x128xf32>
    %swap3A_2522 = vector.shape_cast %swap3A_2521 : vector<1x128x128xf32> to vector<128x128xf32>
    %swap3A_2523 = vector.shape_cast %get3A_2517 : vector<128x128xf32> to vector<1x128x128xf32>
    tpu.vector_store %arg3[%swap3A_2518, %swap3A_2519, %swap3A_2520], %swap3A_2523 {strides = array<i32>} : memref<1x1024x2048xf32, #tpu.memory_space<vmem>>, vector<1x128x128xf32>,
    %sub3A_2524 = arith.constant 13 : i32
    %sub3A_2525 = arith.subi %sub3A_2524, %add3A_2263 : i32
    %jit3A_2526 = arith.constant -2 : i32
    %jit3A_2527 = arith.constant 2 : i32
    %max3A_2528 = arith.maxsi %jit3A_2526, %sub3A_2525 : i32
    %min3A_2529 = arith.minsi %jit3A_2527, %max3A_2528 : i32
    %add3A_2530 = arith.constant 2 : i32
    %add3A_2531 = arith.addi %min3A_2529, %add3A_2530 : i32
    %get3A_2532 = arith.constant 0 : index
    %get3A_2533 = arith.index_cast %add3A_2531 : i32 to index
    %get3A_2534 = arith.constant 0 : index
    %get3A_2535 = arith.constant 0 : index
    %get3A_2536 = vector.load %arg2[%get3A_2532, %get3A_2533, %get3A_2534, %get3A_2535] : memref<1x5x128x128xf32, #tpu.memory_space<vmem>>, vector<1x1x128x128xf32>
    %get3A_2537 = vector.shape_cast %get3A_2536 : vector<1x1x128x128xf32> to vector<128x128xf32>
    %swap3A_2538 = arith.constant 0 : index
    %swap3A_2539 = arith.constant 896 : index
    %swap3A_2540 = arith.constant 1664 : index
    %swap3A_2541 = vector.load %arg3[%swap3A_2538, %swap3A_2539, %swap3A_2540] : memref<1x1024x2048xf32, #tpu.memory_space<vmem>>, vector<1x128x128xf32>
    %swap3A_2542 = vector.shape_cast %swap3A_2541 : vector<1x128x128xf32> to vector<128x128xf32>
    %swap3A_2543 = vector.shape_cast %get3A_2537 : vector<128x128xf32> to vector<1x128x128xf32>
    tpu.vector_store %arg3[%swap3A_2538, %swap3A_2539, %swap3A_2540], %swap3A_2543 {strides = array<i32>} : memref<1x1024x2048xf32, #tpu.memory_space<vmem>>, vector<1x128x128xf32>,
    %sub3A_2544 = arith.constant 14 : i32
    %sub3A_2545 = arith.subi %sub3A_2544, %add3A_2263 : i32
    %jit3A_2546 = arith.constant -2 : i32
    %jit3A_2547 = arith.constant 2 : i32
    %max3A_2548 = arith.maxsi %jit3A_2546, %sub3A_2545 : i32
    %min3A_2549 = arith.minsi %jit3A_2547, %max3A_2548 : i32
    %add3A_2550 = arith.constant 2 : i32
    %add3A_2551 = arith.addi %min3A_2549, %add3A_2550 : i32
    %get3A_2552 = arith.constant 0 : index
    %get3A_2553 = arith.index_cast %add3A_2551 : i32 to index
    %get3A_2554 = arith.constant 0 : index
    %get3A_2555 = arith.constant 0 : index
    %get3A_2556 = vector.load %arg2[%get3A_2552, %get3A_2553, %get3A_2554, %get3A_2555] : memref<1x5x128x128xf32, #tpu.memory_space<vmem>>, vector<1x1x128x128xf32>
    %get3A_2557 = vector.shape_cast %get3A_2556 : vector<1x1x128x128xf32> to vector<128x128xf32>
    %swap3A_2558 = arith.constant 0 : index
    %swap3A_2559 = arith.constant 896 : index
    %swap3A_2560 = arith.constant 1792 : index
    %swap3A_2561 = vector.load %arg3[%swap3A_2558, %swap3A_2559, %swap3A_2560] : memref<1x1024x2048xf32, #tpu.memory_space<vmem>>, vector<1x128x128xf32>
    %swap3A_2562 = vector.shape_cast %swap3A_2561 : vector<1x128x128xf32> to vector<128x128xf32>
    %swap3A_2563 = vector.shape_cast %get3A_2557 : vector<128x128xf32> to vector<1x128x128xf32>
    tpu.vector_store %arg3[%swap3A_2558, %swap3A_2559, %swap3A_2560], %swap3A_2563 {strides = array<i32>} : memref<1x1024x2048xf32, #tpu.memory_space<vmem>>, vector<1x128x128xf32>,
    %sub3A_2564 = arith.constant 15 : i32
    %sub3A_2565 = arith.subi %sub3A_2564, %add3A_2263 : i32
    %jit3A_2566 = arith.constant -2 : i32
    %jit3A_2567 = arith.constant 2 : i32
    %max3A_2568 = arith.maxsi %jit3A_2566, %sub3A_2565 : i32
    %min3A_2569 = arith.minsi %jit3A_2567, %max3A_2568 : i32
    %add3A_2570 = arith.constant 2 : i32
    %add3A_2571 = arith.addi %min3A_2569, %add3A_2570 : i32
    %get3A_2572 = arith.constant 0 : index
    %get3A_2573 = arith.index_cast %add3A_2571 : i32 to index
    %get3A_2574 = arith.constant 0 : index
    %get3A_2575 = arith.constant 0 : index
    %get3A_2576 = vector.load %arg2[%get3A_2572, %get3A_2573, %get3A_2574, %get3A_2575] : memref<1x5x128x128xf32, #tpu.memory_space<vmem>>, vector<1x1x128x128xf32>
    %get3A_2577 = vector.shape_cast %get3A_2576 : vector<1x1x128x128xf32> to vector<128x128xf32>
    %swap3A_2578 = arith.constant 0 : index
    %swap3A_2579 = arith.constant 896 : index
    %swap3A_2580 = arith.constant 1920 : index
    %swap3A_2581 = vector.load %arg3[%swap3A_2578, %swap3A_2579, %swap3A_2580] : memref<1x1024x2048xf32, #tpu.memory_space<vmem>>, vector<1x128x128xf32>
    %swap3A_2582 = vector.shape_cast %swap3A_2581 : vector<1x128x128xf32> to vector<128x128xf32>
    %swap3A_2583 = vector.shape_cast %get3A_2577 : vector<128x128xf32> to vector<1x128x128xf32>
    tpu.vector_store %arg3[%swap3A_2578, %swap3A_2579, %swap3A_2580], %swap3A_2583 {strides = array<i32>} : memref<1x1024x2048xf32, #tpu.memory_space<vmem>>, vector<1x128x128xf32>,
    return
  }
  func.func @transform_0(%arg0: i32, %arg1: i32) -> (i32, i32, i32, i32) {
    %c0_i32 = arith.constant 0 : i32
    %c0_i32_0 = arith.constant 0 : i32
    %c0_i32_1 = arith.constant 0 : i32
    %c0_i32_2 = arith.constant 0 : i32
    return %arg0, %c0_i32, %c0_i32_0, %c0_i32_1 : i32, i32, i32, i32
  }
  func.func @transform_1(%arg0: i32, %arg1: i32) -> (i32, i32, i32) {
    %c0_i32 = arith.constant 0 : i32
    %c0_i32_0 = arith.constant 0 : i32
    return %arg0, %arg1, %c0_i32 : i32, i32, i32
  }
}

</mosaic_0001>

<sc_bundles>
// kernel: kernel.4.cloned.1.call-start
scs
__scs_entry_jumppad:
0x0: {  	(pc) =	sbr.rel $0x88, $3  }
0x1: {  	(tag) =	ssettag $0x0;
	lr =	simm.s32 $0x1  }
0x2: {  	[smem:$0x3FA0] =	sst lr;
	_ =	strace $0xD0000000  }
0x3: {  	_ = 	snop  }
0x4: {  	_ = 	snop  }
0x5: {  	_ = 	snop  }
0x6: {  	_ = 	snop  }
0x7: {  	_ = 	snop  }
__scs_overlays_trampoline_lowered:
0x8: {  	[smem:$0x3FAF] =	sst s0  }
0x9: {  	[smem:$0x3FB0] =	sst s1  }
0xa: {  	[smem:$0x3FB1] =	sst s2  }
0xb: {  	[smem:$0x3FB2] =	sst s3  }
0xc: {  	[smem:$0x3FB3] =	sst s4  }
0xd: {  	[smem:$0x3FB4] =	sst s5  }
0xe: {  	[smem:$0x3FB5] =	sst s6  }
0xf: {  	[smem:$0x3FB6] =	sst s7  }
0x10: {  	[smem:$0x3FB7] =	sst s8  }
0x11: {  	[smem:$0x3FB8] =	sst s9;
	s0 =	simm.s32 @!p0 $0x0  }
0x12: {  	s1 =	sld [smem:$0x3F9E];
	s0 =	simm.s32 @p0 $0x1  }
0x13: {  	[smem:$0x3FB9] =	sst s0;
	s0 =	simm.s32 @!p1 $0x0  }
0x14: {  	s2 =	sld [smem:$0x3F9D];
	s0 =	simm.s32 @p1 $0x1  }
0x15: {  	[smem:$0x3FBA] =	sst s0;
	s0 =	simm.s32 @!p2 $0x0  }
0x16: {  	s3 =	sld [smem:$0x3FDB];
	s0 =	simm.s32 @p2 $0x1  }
0x17: {  	s4 =	simm.s32 $0x1BF5;
	[smem:$0x3FBC] =	sst s0  }
0x18: {  	s0 =	sld [smem:$0x3F9F];
	_ =	swait.ge [sflag:s4], $0x0  }
0x19: {  	s7 =	sld [smem:$0x3FA0]  }
0x1a: {  	s8 =	sadd.s32 $0xFFFFE003, lr  }
0x1b: {  	s9 =	sadd.s32 $0xFFFFFEF7, lr;
	s5 =	simm.s32 $0xFFFFFFFF;
	p2 =	slt.u32 s8, $0xFFFFF086  }
0x1c: {  	p1 =	slt.u32 s9, $0xF7A;
	s5 =	simm.s32 @!p2 $0x0  }
0x1d: {  	s5 =	simm.s32 @p1 $0x1;
	p0 =	seq.s32 s7, s2  }
0x1e: {  	s7 =	smul.u32 @!p0 $0xF7A, s2;
	p2 =	seq.s32 @!p0 s5, $0x0  }
0x1f: {  	s9 =	smul.u32 $0xF7A, s1;
	s8 =	simm.s32 @!p0 $0x1BF5;
	p2 =	por !p2, p0  }
0x20: {  	[sflag:s8] =	ssyncset.s32 @!p0 $0xFFFFF086;
	s6 =	sadd.s32 @!p0 s3, s7;
	s7 =	simm.s32 @!p0 $0x108  }
0x21: {  	s3 =	sadd.s32 s3, s9;
	s6 =	sadd.s32 @!p0 $0x88, s6;
	s7 =	simm.s32 @p2 $0x1082  }
0x22: {  	[simem:s7], [sflag:s8] =	dma.local @!p0 [hbm:s6], $0xF7A  }
0x23: {  	s9 =	sor.u32 $0xD0000000, s2;
	s6 =	simm.s32 $0x108;
	_ =	swait.ge @!p0 [sflag:s8], $0x0  }
0x24: {  	s3 =	sadd.s32 $0x88, s3;
	s6 =	simm.s32 @!p1 $0x1082;
	[sflag:s4] =	ssyncset.s32 $0xFFFFF086  }
0x25: {  	[simem:s6], [sflag:s4] =	dma.local [hbm:s3], $0xF7A  }
0x26: {  	[smem:$0x3FA0] =	sst s1;
	(tag) =	ssettag s2;
	_ =	strace s9  }
0x27: {  	s1 =	sld [smem:$0x3FB0]  }
0x28: {  	s2 =	sld [smem:$0x3FB1]  }
0x29: {  	s4 =	sld [smem:$0x3FB3]  }
0x2a: {  	p0 =	seq.s32 s5, $0x0;
	s5 =	sld [smem:$0x3FB4]  }
0x2b: {  	s6 =	sld [smem:$0x3FB5]  }
0x2c: {  	s7 =	sld [smem:$0x3FB6]  }
0x2d: {  	s3 =	simm.s32 $0x108;
	s8 =	sld [smem:$0x3FB7]  }
0x2e: {  	s3 =	simm.s32 @!p0 $0x1082;
	s9 =	sld [smem:$0x3FB8]  }
0x2f: {  	lr =	sadd.s32 s0, s3;
	s0 =	sld [smem:$0x3FAF]  }
0x30: {  	s3 =	sld [smem:$0x3FB2]  }
0x31: {  	[smem:$0x3FBB] =	sst s10  }
0x32: {  	s10 =	sld [smem:$0x3FB9];
	_ =	sdelay $0x3  }
0x33: {  	p0 =	seq.s32 s10, $0x1;
	s10 =	sld [smem:$0x3FBB];
	_ =	sdelay $0x3  }
0x34: {  	[smem:$0x3FBB] =	sst s10  }
0x35: {  	s10 =	sld [smem:$0x3FBA];
	_ =	sdelay $0x3  }
0x36: {  	p1 =	seq.s32 s10, $0x1;
	s10 =	sld [smem:$0x3FBB];
	_ =	sdelay $0x3  }
0x37: {  	[smem:$0x3FBB] =	sst s10  }
0x38: {  	s10 =	sld [smem:$0x3FBC]  }
0x39: {  	_ = 	snop;
	(pc) =	sbr.ind lr, $3  }
0x3a: {  	_ = 	snop  }
0x3b: {  	_ = 	snop  }
0x3c: {  	p2 =	seq.s32 s10, $0x1;
	s10 =	sld [smem:$0x3FBB]  }
0x3d: {  	_ =	shalt  }
0x3e: {  	_ =	shalt  }
0x3f: {  	_ =	shalt  }
0x40: {  	_ =	shalt  }
0x41: {  	_ =	shalt  }
0x42: {  	_ =	shalt  }
0x43: {  	_ =	shalt  }
0x44: {  	_ =	shalt  }
0x45: {  	_ =	shalt  }
0x46: {  	_ =	shalt  }
0x47: {  	_ =	shalt  }
0x48: {  	_ =	shalt  }
0x49: {  	_ =	shalt  }
0x4a: {  	_ =	shalt  }
0x4b: {  	_ =	shalt  }
0x4c: {  	_ =	shalt  }
0x4d: {  	_ =	shalt  }
0x4e: {  	_ =	shalt  }
0x4f: {  	_ =	shalt  }
0x50: {  	_ =	shalt  }
0x51: {  	_ =	shalt  }
0x52: {  	_ =	shalt  }
0x53: {  	_ =	shalt  }
0x54: {  	_ =	shalt  }
0x55: {  	_ =	shalt  }
0x56: {  	_ =	shalt  }
0x57: {  	_ =	shalt  }
0x58: {  	_ =	shalt  }
0x59: {  	_ =	shalt  }
0x5a: {  	_ =	shalt  }
0x5b: {  	_ =	shalt  }
0x5c: {  	_ =	shalt  }
0x5d: {  	_ =	shalt  }
0x5e: {  	_ =	shalt  }
0x5f: {  	_ =	shalt  }
0x60: {  	_ =	shalt  }
0x61: {  	_ =	shalt  }
0x62: {  	_ =	shalt  }
0x63: {  	_ =	shalt  }
0x64: {  	_ =	shalt  }
0x65: {  	_ =	shalt  }
0x66: {  	_ =	shalt  }
0x67: {  	_ =	shalt  }
0x68: {  	_ =	shalt  }
0x69: {  	_ =	shalt  }
0x6a: {  	_ =	shalt  }
0x6b: {  	_ =	shalt  }
0x6c: {  	_ =	shalt  }
0x6d: {  	_ =	shalt  }
0x6e: {  	_ =	shalt  }
0x6f: {  	_ =	shalt  }
0x70: {  	_ =	shalt  }
0x71: {  	_ =	shalt  }
0x72: {  	_ =	shalt  }
0x73: {  	_ =	shalt  }
0x74: {  	_ =	shalt  }
0x75: {  	_ =	shalt  }
0x76: {  	_ =	shalt  }
0x77: {  	_ =	shalt  }
0x78: {  	_ =	shalt  }
0x79: {  	_ =	shalt  }
0x7a: {  	_ =	shalt  }
0x7b: {  	_ =	shalt  }
0x7c: {  	_ =	shalt  }
0x7d: {  	_ =	shalt  }
0x7e: {  	_ =	shalt  }
0x7f: {  	_ =	shalt  }
0x80: {  	_ =	shalt  }
0x81: {  	_ =	shalt  }
0x82: {  	_ =	shalt  }
0x83: {  	_ =	shalt  }
0x84: {  	_ =	shalt  }
0x85: {  	_ =	shalt  }
0x86: {  	_ =	shalt  }
0x87: {  	_ =	shalt  }
.Lfunc_end0:
.L_simem_size_0:
called_computation_lowered:
.L_overlay_start_0:
0x88: {  	s2 =	sld [smem:$0x3FD9]  }
0x89: {  	s3 =	sld [smem:$0x3FFE];
	_ =	sdelay $0x1  }
0x8a: {  	s1 =	srdreg.scid  }
0x8b: {  	s0 =	sand.u32 $0x1, s1  }
0x8c: {  	s17 =	sshll.u32 s0, $0xA;
	s2 =	sadd.s32 s3, s2  }
0x8d: {  	s2 =	sadd.s32 s2, s17  }
0x8e: {  	[smem:$0x3FC7] =	sst s2  }
0x8f: {  	_ = 	snop  }
0x90: {  	s2 =	sld [smem:$0x3FD0];
	(tm) =	ssettm $0x1  }
0x91: {  	s18 =	sld [smem:$0x3FFB];
	_ =	sdelay $0x3  }
0x92: {  	_ =	strace s18  }
0x93: {  	s3 =	sld [smem:$0x3FFC];
	_ =	sdelay $0x3  }
0x94: {  	_ =	strace s3  }
0x95: {  	s3 =	sld [smem:$0x3FFD];
	_ =	sdelay $0x3  }
0x96: {  	_ =	strace s3  }
0x97: {  	_ =	strace $0x8FFFFFFF  }
0x98: {  	s19 =	sld [smem:$0x3FDB];
	_ =	sdelay $0x1  }
0x99: {  	s4 =	simm.s32 $_scs_section_size  }
0x9a: {  	s5 =	simm.s32 $_size__tile_overlayer_lowered;
	s6 =	simm.s32 $_tile_overlayer_lowered  }
0x9b: {  	s22 =	simm.s32 $0x1BFF;
	s21 =	sshll.u32 s6, $0x1;
	s3 =	sadd.s32 s4, s19  }
0x9c: {  	s7 =	simm.s32 $0x0;
	s20 =	sshll.u32 s5, $0x1;
	s5 =	sadd.s32 s21, s3  }
0x9d: {  	[timem:s7], [sflag:s22] =	dma.local [hbm:s5], s20  }
0x9e: {  	_ =	swait.ge [sflag:s22], s20  }
0x9f: {  	s4 =	ssub.s32 $0x0, s20;
	[sflag:s22] =	ssyncset.done $0x0  }
0xa0: {  	[sflag:s22] =	ssyncadd.s32 s4;
	_ =	sdelay $0x1  }
0xa1: {  	s23 =	simm.s32 $0x1B8B  }
0xa2: {  	_ =	swait.ge [sflag:s23], $0x1  }
0xa3: {  	[sflag:s23] =	ssyncset.done $0x0  }
0xa4: {  	s25 =	simm.s32 $0x1B8E;
	s24 =	sld [smem:$0x3FFE];
	[sflag:s23] =	ssyncadd.s32 $0xFFFFFFFF  }
0xa5: {  	s26 =	simm.s32 $execute0_lowered;
	[smem:$0x3FD2] =	sst s25  }
0xa6: {  	s5 =	sshll.u32 s26, $0x1;
	_ =	strace $0x80000046;
	[dreg:$0x1] =	wrdreg $0xFFFFFFFF  }
0xa7: {  	s28 =	simm.s32 $_size_execute0_lowered;
	s3 =	sadd.s32 s3, s5;
	[dreg:$0x0] =	wrdreg $0x0  }
0xa8: {  	s5 =	sshll.u32 s28, $0x1;
	[dreg:$0x2] =	wrdreg s3  }
0xa9: {  	[dreg:$0x3] =	wrdreg s5  }
0xaa: {  	[dreg:$0x4] =	wrdreg $0xC0  }
0xab: {  	_ =	task [dreg:s7], $0x5FFFF  }
0xac: {  	[dreg:$0x1] =	wrdreg $0xFFFFFFFF  }
0xad: {  	[dreg:$0x0] =	wrdreg $0x60  }
0xae: {  	[dreg:$0x2] =	wrdreg s24  }
0xaf: {  	[dreg:$0x3] =	wrdreg s2  }
0xb0: {  	[dreg:$0x4] =	wrdreg $0x9  }
0xb1: {  	_ =	task.clear_ibuf [dreg:s7], $0x5FFFF;
	_ =	strace $0x90000046  }
0xb2: {  	s29 =	simm.s32 $0x9;
	_ =	strace $0x80000048  }
0xb3: {  	_ =	swait.ge [sflag:s29], $0x1  }
0xb4: {  	[sflag:s29] =	ssyncadd.s32 $0xFFFFFFFF  }
0xb5: {  	_ =	strace $0x90000048  }
0xb6: {  	_ =	sfence  }
0xb7: {  	s30 =	sld [smem:$0x0];
	_ =	sdelay $0x2  }
0xb8: {  	s31 =	sshll.u32 s1, $0xD;
	s1 =	sshrl.u32 s1, $0x2  }
0xb9: {  	s3 =	sand.u32 $0x4000, s31;
	s1 =	sadd.s32 s1, s30  }
0xba: {  	s0 =	sor.u32 s3, s0;
	s1 =	sshll.u32 s1, $0x11  }
0xbb: {  	s0 =	sor.u32 s1, s0  }
0xbc: {  	s0 =	sadd.s32 $0x8F2B, s0  }
0xbd: {  	[sflag:s0] =	ssyncadd.remote.s32 $0x1  }
0xbe: {  	_ =	sfence.sel $0xFFFF  }
0xbf: {  	[dreg:$0x0] =	wrdreg $0xFFFFFFFF;
	(pc) =	sbr.abs _section_cstart, $3  }
0xc0: {  	[dreg:$0x1] =	wrdreg $0xFFFFFFFF  }
0xc1: {  	_ =	task.clear_ibuf [dreg:s7], $0x2FFFF;
	_ =	strace $0x9FFFFFFF  }
0xc2: {  	(tm) =	ssettm $0x7FFFFFFF  }
0xc3: {  	_ =	shalt  }
tec
execute0_lowered:
.L_overlay_start_1:
0x0: {  	(tag) =	ssettag $0x1  }
0x1: {  	s1 =	srdreg.scid;
	s0 =	stileid.u32  }
0x2: {  	s5 =	rddreg [dreg:$0x0];
	s6 =	simm.s32 $0x1;
	s4 =	sand.u32 $0x1, s1  }
0x3: {  	s2 =	rddreg [dreg:$0x1];
	s3 =	simm.s32 $0x0;
	s1 =	sor.u32 s4, s0  }
0x4: {  	s10 =	simm.s32 $0x2;
	p0 =	seq.s32 s4, $0x1;
	p1 =	seq.s32 s1, $0x0  }
0x5: {  	s11 =	simm.s32 $0x0;
	[smem:$0x7FF] =	sst s3;
	p1 =	por !p1, !p0  }
0x6: {  	v10 =	vlaneseq.u32;
	s30 =	ssub.s32 $0x2, s4;
	s4 =	sadd.s32 $0x600, s5;
	p1 =	por !p1, !p1  }
0x7: {  	v3 =	vadd.s32 $0xFFFFF808, v10;
	v4 =	vadd.s32 $0xFFFFF807, v10;
	s5 =	simm.s32 $0x1;
	s1 =	rddreg [dreg:$0x2];
	s6 =	simm.s32 @!p1 $0x0  }
0x8: {  	v5 =	vadd.s32 $0xFFFFF806, v10;
	v6 =	vadd.s32 $0xFFFFF805, v10;
	v7 =	vadd.s32 $0xFFFFF804, v10;
	s31 =	sshrl.u32 s30, $0x1;
	s7 =	ssub.s32 s0, s6;
	s6 =	simm.s32 $0x28  }
0x9: {  	v8 =	vadd.s32 $0xFFFFF803, v10;
	v9 =	vadd.s32 $0xFFFFF802, v10;
	s8 =	ssub.s32 s30, s31;
	v0 =	vmov s7;
	s7 =	smul.u32 $0x14000, s7;
	s6 =	simm.s32 @!p0 $0x0  }
0xa: {  	v10 =	vadd.s32 $0xFFFFF801, v10;
	_ =	strace $0x80000047;
	s8 =	smax.u32 s8, $0x1;
	v1 =	vadd.s32 $0x1000, v0;
	v2 =	vadd.s32 $0x800, v0;
	s9 =	sshll.u32 s6, $0x3  }
.LBB2_1:
0xb: {  	[tilespmem:s3], [sflag:$0x2] =	stream.linear.gather [hbm4b:s4+s3], $0x1010, $0x38;
	[tilespmem:$0x9010] =	vst v63  }
0xc: {  	_ =	swait.ge [sflag:s10], $0x1010  }
0xd: {  	[sflag:s10] =	ssyncset.done $0x0  }
0xe: {  	[sflag:s10] =	ssyncadd.s32 $0xFFFFEFF0  }
0xf: {  	v12 =	vld.idx.msk [tilespmem:v1+s3+$0x0], $0xffff  }
0x10: {  	v11 =	vld.idx.msk [tilespmem:v0+s3+$0x0], $0xffff;
	_ =	sdelay $0x2  }
0x11: {  	s12 =	simm.s32 $0x0;
	s13 =	simm.s32 $0x1C0  }
.LBB2_2:
0x12: {  	p0 =	sne.s32 s13, $0x1C00;
	[tilespmem:s12+$0x1900] =	vst v12  }
0x13: {  	[tilespmem:s12+$0x1010] =	vst v11  }
0x14: {  	[tilespmem:s12+$0x18A0] =	vst v12  }
0x15: {  	[tilespmem:s12+$0x1020] =	vst v11  }
0x16: {  	[tilespmem:s12+$0x18B0] =	vst v12  }
0x17: {  	[tilespmem:s12+$0x1030] =	vst v11  }
0x18: {  	[tilespmem:s12+$0x18C0] =	vst v12  }
0x19: {  	[tilespmem:s12+$0x1040] =	vst v11  }
0x1a: {  	[tilespmem:s12+$0x18D0] =	vst v12  }
.Ltmp0:
0x1b: {  	[tilespmem:s12+$0x1050] =	vst v11;
	(pc) =	sbr.rel @p0 .LBB2_2-.Ltmp0, $4  }
0x1c: {  	[tilespmem:s12+$0x18E0] =	vst v12  }
0x1d: {  	[tilespmem:s12+$0x1060] =	vst v11  }
0x1e: {  	[tilespmem:s12+$0x18F0] =	vst v12  }
0x1f: {  	[tilespmem:s12+$0x1070] =	vst v11;
	s12 =	sshra.s32 s13, $0x2;
	s13 =	sadd.s32 $0x1C0, s13  }
0x20: {  	[tilespmem:s12+$0x1900] =	vst v12  }
0x21: {  	[tilespmem:s12+$0x1010] =	vst v11  }
0x22: {  	[tilespmem:s12+$0x18A0] =	vst v12;
	s13 =	simm.s32 $0x770  }
0x23: {  	[tilespmem:s12+$0x1020] =	vst v11;
	v13 =	vadd.s32 s13, v3  }
0x24: {  	[tilespmem:s12+$0x18B0] =	vst v12;
	vm0 =	vgt.s32 v13, $0xFFFFFF80  }
0x25: {  	[tilespmem:s12+$0x1030] =	vst v11;
	v13 =	vnsel vm0, $0xFFFFFF80, v13  }
0x26: {  	[tilespmem:s12+$0x18C0] =	vst v12;
	vm0 =	vlt.s32 v13, $0x80  }
0x27: {  	[tilespmem:s12+$0x1040] =	vst v11;
	v13 =	vnsel vm0, $0x80, v13  }
0x28: {  	[tilespmem:s12+$0x18D0] =	vst v12;
	s30 =	simm.s32 $0x780;
	v13 =	vshll.u32 v13, $0x4  }
0x29: {  	[tilespmem:s12+$0x1050] =	vst v11;
	v14 =	vadd.s32 s30, v3;
	v13 =	vadd.s32 v13, v2  }
0x2a: {  	[tilespmem:s12+$0x18E0] =	vst v12;
	vm14 =	vgt.s32 v14, $0xFFFFFF80  }
0x2b: {  	[tilespmem:s12+$0x1060] =	vst v11;
	v14 =	vnsel vm14, $0xFFFFFF80, v14  }
0x2c: {  	[tilespmem:s12+$0x18F0] =	vst v12;
	vm0 =	vlt.s32 v14, $0x80  }
0x2d: {  	[tilespmem:s12+$0x1070] =	vst v11;
	s12 =	simm.s32 $0x0;
	v14 =	vnsel vm0, $0x80, v14  }
0x2e: {  	s31 =	simm.s32 $0x790;
	v14 =	vshll.u32 v14, $0x4;
	v13 =	vld.idx.msk [tilespmem:v13+s12+$0x0], $0xffff  }
0x2f: {  	v15 =	vadd.s32 s31, v3;
	v14 =	vadd.s32 v14, v2  }
0x30: {  	vm15 =	vgt.s32 v15, $0xFFFFFF80  }
0x31: {  	v15 =	vnsel vm15, $0xFFFFFF80, v15  }
0x32: {  	s13 =	simm.s32 $0x1780;
	vm0 =	vlt.s32 v15, $0x80  }
0x33: {  	v15 =	vnsel vm0, $0x80, v15;
	[tilespmem:s13+$0x0] =	vst v13  }
0x34: {  	v15 =	vshll.u32 v15, $0x4;
	v13 =	vld.idx.msk [tilespmem:v14+s12+$0x0], $0xffff  }
0x35: {  	s14 =	simm.s32 $0x7A0;
	v14 =	vadd.s32 v15, v2  }
0x36: {  	v15 =	vadd.s32 s14, v3;
	s14 =	simm.s32 $0x7B0  }
.LBB2_4:
0x37: {  	p0 =	sne.s32 s14, $0x880;
	vm0 =	vgt.s32 v15, $0xFFFFFF80  }
0x38: {  	s13 =	sadd.s32 $0x10, s13;
	v15 =	vnsel vm0, $0xFFFFFF80, v15  }
.Ltmp1:
0x39: {  	vm0 =	vlt.s32 v15, $0x80;
	[tilespmem:s13+$0x0] =	vst v13;
	(pc) =	sbr.rel @p0 .LBB2_4-.Ltmp1, $4  }
0x3a: {  	v15 =	vnsel vm0, $0x80, v15;
	v13 =	vld.idx.msk [tilespmem:v14+s12+$0x0], $0xffff  }
0x3b: {  	v14 =	vshll.u32 v15, $0x4  }
0x3c: {  	v14 =	vadd.s32 v14, v2  }
0x3d: {  	v15 =	vadd.s32 s14, v3;
	s14 =	sadd.s32 $0x10, s14  }
0x3e: {  	vm0 =	vgt.s32 v15, $0xFFFFFF80  }
0x3f: {  	v15 =	vnsel vm0, $0xFFFFFF80, v15  }
0x40: {  	s13 =	sadd.s32 $0x10, s13;
	vm0 =	vlt.s32 v15, $0x80  }
0x41: {  	s12 =	simm.s32 $0x0;
	[tilespmem:s13+$0x0] =	vst v13;
	v13 =	vnsel vm0, $0x80, v15  }
0x42: {  	v14 =	vld.idx.msk [tilespmem:v14+s12+$0x0], $0xffff;
	v13 =	vshll.u32 v13, $0x4  }
0x43: {  	v13 =	vadd.s32 v13, v2;
	_ =	sdelay $0x2  }
0x44: {  	s13 =	sadd.s32 $0x10, s13  }
0x45: {  	[tilespmem:s13+$0x0] =	vst v14  }
0x46: {  	p0 =	por $0x1, $0x1;
	v13 =	vld.idx.msk [tilespmem:v13+s12+$0x0], $0xffff  }
.Ltmp2:
0x47: {  	_ = 	snop;
	(pc) =	sbr.rel @!p0 .LBB2_7-.Ltmp2, $3  }
0x48: {  	_ =	sdelay $0x1  }
0x49: {  	s13 =	sadd.s32 $0x10, s13  }
0x4a: {  	s14 =	simm.s32 $0x1C0;
	[tilespmem:s13+$0x0] =	vst v13;
	s13 =	simm.s32 $0x0  }
.LBB2_6:
0x4b: {  	p0 =	sne.s32 s14, $0x1C00;
	[tilespmem:s13+$0x2900] =	vst v12  }
0x4c: {  	[tilespmem:s13+$0x2010] =	vst v11  }
0x4d: {  	[tilespmem:s13+$0x28A0] =	vst v12  }
0x4e: {  	[tilespmem:s13+$0x2020] =	vst v11  }
0x4f: {  	[tilespmem:s13+$0x28B0] =	vst v12  }
0x50: {  	[tilespmem:s13+$0x2030] =	vst v11  }
0x51: {  	[tilespmem:s13+$0x28C0] =	vst v12  }
0x52: {  	[tilespmem:s13+$0x2040] =	vst v11  }
0x53: {  	[tilespmem:s13+$0x28D0] =	vst v12  }
.Ltmp3:
0x54: {  	[tilespmem:s13+$0x2050] =	vst v11;
	(pc) =	sbr.rel @p0 .LBB2_6-.Ltmp3, $4  }
0x55: {  	[tilespmem:s13+$0x28E0] =	vst v12  }
0x56: {  	[tilespmem:s13+$0x2060] =	vst v11  }
0x57: {  	[tilespmem:s13+$0x28F0] =	vst v12  }
0x58: {  	[tilespmem:s13+$0x2070] =	vst v11;
	s13 =	sshra.s32 s14, $0x2;
	s14 =	sadd.s32 $0x1C0, s14  }
.LBB2_7:
0x59: {  	[tilespmem:s13+$0x2900] =	vst v12  }
0x5a: {  	[tilespmem:s13+$0x2010] =	vst v11  }
0x5b: {  	[tilespmem:s13+$0x28A0] =	vst v12;
	s14 =	simm.s32 $0x770  }
0x5c: {  	[tilespmem:s13+$0x2020] =	vst v11;
	v13 =	vadd.s32 s14, v4  }
0x5d: {  	[tilespmem:s13+$0x28B0] =	vst v12;
	vm0 =	vgt.s32 v13, $0xFFFFFF80  }
0x5e: {  	[tilespmem:s13+$0x2030] =	vst v11;
	v13 =	vnsel vm0, $0xFFFFFF80, v13  }
0x5f: {  	[tilespmem:s13+$0x28C0] =	vst v12;
	vm0 =	vlt.s32 v13, $0x80  }
0x60: {  	[tilespmem:s13+$0x2040] =	vst v11;
	v13 =	vnsel vm0, $0x80, v13  }
0x61: {  	[tilespmem:s13+$0x28D0] =	vst v12;
	s29 =	simm.s32 $0x780;
	v13 =	vshll.u32 v13, $0x4  }
0x62: {  	[tilespmem:s13+$0x2050] =	vst v11;
	v14 =	vadd.s32 s29, v4;
	v13 =	vadd.s32 v13, v2  }
0x63: {  	[tilespmem:s13+$0x28E0] =	vst v12;
	vm14 =	vgt.s32 v14, $0xFFFFFF80  }
0x64: {  	[tilespmem:s13+$0x2060] =	vst v11;
	v14 =	vnsel vm14, $0xFFFFFF80, v14  }
0x65: {  	[tilespmem:s13+$0x28F0] =	vst v12;
	vm0 =	vlt.s32 v14, $0x80  }
0x66: {  	[tilespmem:s13+$0x2070] =	vst v11;
	v14 =	vnsel vm0, $0x80, v14  }
0x67: {  	s30 =	simm.s32 $0x790;
	v14 =	vshll.u32 v14, $0x4;
	v13 =	vld.idx.msk [tilespmem:v13+s12+$0x0], $0xffff  }
0x68: {  	v15 =	vadd.s32 s30, v4;
	v14 =	vadd.s32 v14, v2  }
0x69: {  	vm15 =	vgt.s32 v15, $0xFFFFFF80  }
0x6a: {  	v15 =	vnsel vm15, $0xFFFFFF80, v15  }
0x6b: {  	s13 =	simm.s32 $0x2780;
	vm0 =	vlt.s32 v15, $0x80  }
0x6c: {  	v15 =	vnsel vm0, $0x80, v15;
	[tilespmem:s13+$0x0] =	vst v13  }
0x6d: {  	v15 =	vshll.u32 v15, $0x4;
	v13 =	vld.idx.msk [tilespmem:v14+s12+$0x0], $0xffff  }
0x6e: {  	s31 =	simm.s32 $0x7A0;
	v14 =	vadd.s32 v15, v2  }
0x6f: {  	s14 =	simm.s32 $0x7B0;
	v15 =	vadd.s32 s31, v4  }
.LBB2_8:
0x70: {  	p0 =	sne.s32 s14, $0x880;
	vm0 =	vgt.s32 v15, $0xFFFFFF80  }
0x71: {  	s13 =	sadd.s32 $0x10, s13;
	v15 =	vnsel vm0, $0xFFFFFF80, v15  }
.Ltmp4:
0x72: {  	s12 =	simm.s32 $0x0;
	vm0 =	vlt.s32 v15, $0x80;
	[tilespmem:s13+$0x0] =	vst v13;
	(pc) =	sbr.rel @p0 .LBB2_8-.Ltmp4, $4  }
0x73: {  	v15 =	vnsel vm0, $0x80, v15;
	v13 =	vld.idx.msk [tilespmem:v14+s12+$0x0], $0xffff  }
0x74: {  	v14 =	vshll.u32 v15, $0x4  }
0x75: {  	v14 =	vadd.s32 v14, v2  }
0x76: {  	v15 =	vadd.s32 s14, v4;
	s14 =	sadd.s32 $0x10, s14  }
0x77: {  	vm0 =	vgt.s32 v15, $0xFFFFFF80  }
0x78: {  	v15 =	vnsel vm0, $0xFFFFFF80, v15  }
0x79: {  	s13 =	sadd.s32 $0x10, s13;
	vm0 =	vlt.s32 v15, $0x80  }
0x7a: {  	[tilespmem:s13+$0x0] =	vst v13;
	v13 =	vnsel vm0, $0x80, v15  }
0x7b: {  	v14 =	vld.idx.msk [tilespmem:v14+s12+$0x0], $0xffff;
	v13 =	vshll.u32 v13, $0x4  }
0x7c: {  	v13 =	vadd.s32 v13, v2;
	_ =	sdelay $0x2  }
0x7d: {  	s13 =	sadd.s32 $0x10, s13  }
0x7e: {  	[tilespmem:s13+$0x0] =	vst v14  }
0x7f: {  	p0 =	por $0x1, $0x1;
	v13 =	vld.idx.msk [tilespmem:v13+s12+$0x0], $0xffff  }
.Ltmp5:
0x80: {  	_ = 	snop;
	(pc) =	sbr.rel @!p0 .LBB2_11-.Ltmp5, $3  }
0x81: {  	_ =	sdelay $0x1  }
0x82: {  	s31 =	sadd.s32 $0x10, s13  }
0x83: {  	s13 =	simm.s32 $0x1C0;
	s12 =	simm.s32 $0x0;
	[tilespmem:s31+$0x0] =	vst v13  }
.LBB2_10:
0x84: {  	p0 =	sne.s32 s13, $0x1C00;
	[tilespmem:s12+$0x3900] =	vst v12  }
0x85: {  	[tilespmem:s12+$0x3010] =	vst v11  }
0x86: {  	[tilespmem:s12+$0x38A0] =	vst v12  }
0x87: {  	[tilespmem:s12+$0x3020] =	vst v11  }
0x88: {  	[tilespmem:s12+$0x38B0] =	vst v12  }
0x89: {  	[tilespmem:s12+$0x3030] =	vst v11  }
0x8a: {  	[tilespmem:s12+$0x38C0] =	vst v12  }
0x8b: {  	[tilespmem:s12+$0x3040] =	vst v11  }
0x8c: {  	[tilespmem:s12+$0x38D0] =	vst v12  }
.Ltmp6:
0x8d: {  	[tilespmem:s12+$0x3050] =	vst v11;
	(pc) =	sbr.rel @p0 .LBB2_10-.Ltmp6, $4  }
0x8e: {  	[tilespmem:s12+$0x38E0] =	vst v12  }
0x8f: {  	[tilespmem:s12+$0x3060] =	vst v11  }
0x90: {  	[tilespmem:s12+$0x38F0] =	vst v12  }
0x91: {  	[tilespmem:s12+$0x3070] =	vst v11;
	s12 =	sshra.s32 s13, $0x2;
	s13 =	sadd.s32 $0x1C0, s13  }
.LBB2_11:
0x92: {  	[tilespmem:s12+$0x3900] =	vst v12  }
0x93: {  	[tilespmem:s12+$0x3010] =	vst v11  }
0x94: {  	[tilespmem:s12+$0x38A0] =	vst v12;
	s13 =	simm.s32 $0x770  }
0x95: {  	[tilespmem:s12+$0x3020] =	vst v11;
	v13 =	vadd.s32 s13, v5  }
0x96: {  	[tilespmem:s12+$0x38B0] =	vst v12;
	vm0 =	vgt.s32 v13, $0xFFFFFF80  }
0x97: {  	[tilespmem:s12+$0x3030] =	vst v11;
	v13 =	vnsel vm0, $0xFFFFFF80, v13  }
0x98: {  	[tilespmem:s12+$0x38C0] =	vst v12;
	vm0 =	vlt.s32 v13, $0x80  }
0x99: {  	[tilespmem:s12+$0x3040] =	vst v11;
	v13 =	vnsel vm0, $0x80, v13  }
0x9a: {  	[tilespmem:s12+$0x38D0] =	vst v12;
	s30 =	simm.s32 $0x780;
	v13 =	vshll.u32 v13, $0x4  }
0x9b: {  	[tilespmem:s12+$0x3050] =	vst v11;
	v14 =	vadd.s32 s30, v5;
	v13 =	vadd.s32 v13, v2  }
0x9c: {  	[tilespmem:s12+$0x38E0] =	vst v12;
	vm14 =	vgt.s32 v14, $0xFFFFFF80  }
0x9d: {  	[tilespmem:s12+$0x3060] =	vst v11;
	v14 =	vnsel vm14, $0xFFFFFF80, v14  }
0x9e: {  	[tilespmem:s12+$0x38F0] =	vst v12;
	vm0 =	vlt.s32 v14, $0x80  }
0x9f: {  	[tilespmem:s12+$0x3070] =	vst v11;
	s12 =	simm.s32 $0x0;
	v14 =	vnsel vm0, $0x80, v14  }
0xa0: {  	s31 =	simm.s32 $0x790;
	v14 =	vshll.u32 v14, $0x4;
	v13 =	vld.idx.msk [tilespmem:v13+s12+$0x0], $0xffff  }
0xa1: {  	v15 =	vadd.s32 s31, v5;
	v14 =	vadd.s32 v14, v2  }
0xa2: {  	vm15 =	vgt.s32 v15, $0xFFFFFF80  }
0xa3: {  	v15 =	vnsel vm15, $0xFFFFFF80, v15  }
0xa4: {  	s13 =	simm.s32 $0x3780;
	vm0 =	vlt.s32 v15, $0x80  }
0xa5: {  	v15 =	vnsel vm0, $0x80, v15;
	[tilespmem:s13+$0x0] =	vst v13  }
0xa6: {  	v15 =	vshll.u32 v15, $0x4;
	v13 =	vld.idx.msk [tilespmem:v14+s12+$0x0], $0xffff  }
0xa7: {  	s14 =	simm.s32 $0x7A0;
	v14 =	vadd.s32 v15, v2  }
0xa8: {  	v15 =	vadd.s32 s14, v5;
	s14 =	simm.s32 $0x7B0  }
.LBB2_12:
0xa9: {  	p0 =	sne.s32 s14, $0x880;
	vm0 =	vgt.s32 v15, $0xFFFFFF80  }
0xaa: {  	s13 =	sadd.s32 $0x10, s13;
	v15 =	vnsel vm0, $0xFFFFFF80, v15  }
.Ltmp7:
0xab: {  	vm0 =	vlt.s32 v15, $0x80;
	[tilespmem:s13+$0x0] =	vst v13;
	(pc) =	sbr.rel @p0 .LBB2_12-.Ltmp7, $4  }
0xac: {  	v15 =	vnsel vm0, $0x80, v15;
	v13 =	vld.idx.msk [tilespmem:v14+s12+$0x0], $0xffff  }
0xad: {  	v14 =	vshll.u32 v15, $0x4  }
0xae: {  	v14 =	vadd.s32 v14, v2  }
0xaf: {  	v15 =	vadd.s32 s14, v5;
	s14 =	sadd.s32 $0x10, s14  }
0xb0: {  	vm0 =	vgt.s32 v15, $0xFFFFFF80  }
0xb1: {  	v15 =	vnsel vm0, $0xFFFFFF80, v15  }
0xb2: {  	s13 =	sadd.s32 $0x10, s13;
	vm0 =	vlt.s32 v15, $0x80  }
0xb3: {  	s12 =	simm.s32 $0x0;
	[tilespmem:s13+$0x0] =	vst v13;
	v13 =	vnsel vm0, $0x80, v15  }
0xb4: {  	v14 =	vld.idx.msk [tilespmem:v14+s12+$0x0], $0xffff;
	v13 =	vshll.u32 v13, $0x4  }
0xb5: {  	v13 =	vadd.s32 v13, v2;
	_ =	sdelay $0x2  }
0xb6: {  	s13 =	sadd.s32 $0x10, s13  }
0xb7: {  	[tilespmem:s13+$0x0] =	vst v14  }
0xb8: {  	p0 =	por $0x1, $0x1;
	v13 =	vld.idx.msk [tilespmem:v13+s12+$0x0], $0xffff  }
.Ltmp8:
0xb9: {  	_ = 	snop;
	(pc) =	sbr.rel @!p0 .LBB2_15-.Ltmp8, $3  }
0xba: {  	_ =	sdelay $0x1  }
0xbb: {  	s13 =	sadd.s32 $0x10, s13  }
0xbc: {  	s14 =	simm.s32 $0x1C0;
	[tilespmem:s13+$0x0] =	vst v13;
	s13 =	simm.s32 $0x0  }
.LBB2_14:
0xbd: {  	p0 =	sne.s32 s14, $0x1C00;
	[tilespmem:s13+$0x4900] =	vst v12  }
0xbe: {  	[tilespmem:s13+$0x4010] =	vst v11  }
0xbf: {  	[tilespmem:s13+$0x48A0] =	vst v12  }
0xc0: {  	[tilespmem:s13+$0x4020] =	vst v11  }
0xc1: {  	[tilespmem:s13+$0x48B0] =	vst v12  }
0xc2: {  	[tilespmem:s13+$0x4030] =	vst v11  }
0xc3: {  	[tilespmem:s13+$0x48C0] =	vst v12  }
0xc4: {  	[tilespmem:s13+$0x4040] =	vst v11  }
0xc5: {  	[tilespmem:s13+$0x48D0] =	vst v12  }
.Ltmp9:
0xc6: {  	[tilespmem:s13+$0x4050] =	vst v11;
	(pc) =	sbr.rel @p0 .LBB2_14-.Ltmp9, $4  }
0xc7: {  	[tilespmem:s13+$0x48E0] =	vst v12  }
0xc8: {  	[tilespmem:s13+$0x4060] =	vst v11  }
0xc9: {  	[tilespmem:s13+$0x48F0] =	vst v12  }
0xca: {  	[tilespmem:s13+$0x4070] =	vst v11;
	s13 =	sshra.s32 s14, $0x2;
	s14 =	sadd.s32 $0x1C0, s14  }
.LBB2_15:
0xcb: {  	[tilespmem:s13+$0x4900] =	vst v12  }
0xcc: {  	[tilespmem:s13+$0x4010] =	vst v11  }
0xcd: {  	[tilespmem:s13+$0x48A0] =	vst v12;
	s14 =	simm.s32 $0x770  }
0xce: {  	[tilespmem:s13+$0x4020] =	vst v11;
	v13 =	vadd.s32 s14, v6  }
0xcf: {  	[tilespmem:s13+$0x48B0] =	vst v12;
	vm0 =	vgt.s32 v13, $0xFFFFFF80  }
0xd0: {  	[tilespmem:s13+$0x4030] =	vst v11;
	v13 =	vnsel vm0, $0xFFFFFF80, v13  }
0xd1: {  	[tilespmem:s13+$0x48C0] =	vst v12;
	vm0 =	vlt.s32 v13, $0x80  }
0xd2: {  	[tilespmem:s13+$0x4040] =	vst v11;
	v13 =	vnsel vm0, $0x80, v13  }
0xd3: {  	[tilespmem:s13+$0x48D0] =	vst v12;
	s29 =	simm.s32 $0x780;
	v13 =	vshll.u32 v13, $0x4  }
0xd4: {  	[tilespmem:s13+$0x4050] =	vst v11;
	v14 =	vadd.s32 s29, v6;
	v13 =	vadd.s32 v13, v2  }
0xd5: {  	[tilespmem:s13+$0x48E0] =	vst v12;
	vm14 =	vgt.s32 v14, $0xFFFFFF80  }
0xd6: {  	[tilespmem:s13+$0x4060] =	vst v11;
	v14 =	vnsel vm14, $0xFFFFFF80, v14  }
0xd7: {  	[tilespmem:s13+$0x48F0] =	vst v12;
	vm0 =	vlt.s32 v14, $0x80  }
0xd8: {  	[tilespmem:s13+$0x4070] =	vst v11;
	v14 =	vnsel vm0, $0x80, v14  }
0xd9: {  	s30 =	simm.s32 $0x790;
	v14 =	vshll.u32 v14, $0x4;
	v13 =	vld.idx.msk [tilespmem:v13+s12+$0x0], $0xffff  }
0xda: {  	v15 =	vadd.s32 s30, v6;
	v14 =	vadd.s32 v14, v2  }
0xdb: {  	vm15 =	vgt.s32 v15, $0xFFFFFF80  }
0xdc: {  	v15 =	vnsel vm15, $0xFFFFFF80, v15  }
0xdd: {  	s13 =	simm.s32 $0x4780;
	vm0 =	vlt.s32 v15, $0x80  }
0xde: {  	v15 =	vnsel vm0, $0x80, v15;
	[tilespmem:s13+$0x0] =	vst v13  }
0xdf: {  	v15 =	vshll.u32 v15, $0x4;
	v13 =	vld.idx.msk [tilespmem:v14+s12+$0x0], $0xffff  }
0xe0: {  	s31 =	simm.s32 $0x7A0;
	v14 =	vadd.s32 v15, v2  }
0xe1: {  	s14 =	simm.s32 $0x7B0;
	v15 =	vadd.s32 s31, v6  }
.LBB2_16:
0xe2: {  	p0 =	sne.s32 s14, $0x880;
	vm0 =	vgt.s32 v15, $0xFFFFFF80  }
0xe3: {  	s13 =	sadd.s32 $0x10, s13;
	v15 =	vnsel vm0, $0xFFFFFF80, v15  }
.Ltmp10:
0xe4: {  	s12 =	simm.s32 $0x0;
	vm0 =	vlt.s32 v15, $0x80;
	[tilespmem:s13+$0x0] =	vst v13;
	(pc) =	sbr.rel @p0 .LBB2_16-.Ltmp10, $4  }
0xe5: {  	v15 =	vnsel vm0, $0x80, v15;
	v13 =	vld.idx.msk [tilespmem:v14+s12+$0x0], $0xffff  }
0xe6: {  	v14 =	vshll.u32 v15, $0x4  }
0xe7: {  	v14 =	vadd.s32 v14, v2  }
0xe8: {  	v15 =	vadd.s32 s14, v6;
	s14 =	sadd.s32 $0x10, s14  }
0xe9: {  	vm0 =	vgt.s32 v15, $0xFFFFFF80  }
0xea: {  	v15 =	vnsel vm0, $0xFFFFFF80, v15  }
0xeb: {  	s13 =	sadd.s32 $0x10, s13;
	vm0 =	vlt.s32 v15, $0x80  }
0xec: {  	[tilespmem:s13+$0x0] =	vst v13;
	v13 =	vnsel vm0, $0x80, v15  }
0xed: {  	v14 =	vld.idx.msk [tilespmem:v14+s12+$0x0], $0xffff;
	v13 =	vshll.u32 v13, $0x4  }
0xee: {  	v13 =	vadd.s32 v13, v2;
	_ =	sdelay $0x2  }
0xef: {  	s13 =	sadd.s32 $0x10, s13  }
0xf0: {  	[tilespmem:s13+$0x0] =	vst v14  }
0xf1: {  	p0 =	por $0x1, $0x1;
	v13 =	vld.idx.msk [tilespmem:v13+s12+$0x0], $0xffff  }
.Ltmp11:
0xf2: {  	_ = 	snop;
	(pc) =	sbr.rel @!p0 .LBB2_19-.Ltmp11, $3  }
0xf3: {  	_ =	sdelay $0x1  }
0xf4: {  	s31 =	sadd.s32 $0x10, s13  }
0xf5: {  	s13 =	simm.s32 $0x1C0;
	s12 =	simm.s32 $0x0;
	[tilespmem:s31+$0x0] =	vst v13  }
.LBB2_18:
0xf6: {  	p0 =	sne.s32 s13, $0x1C00;
	[tilespmem:s12+$0x5900] =	vst v12  }
0xf7: {  	[tilespmem:s12+$0x5010] =	vst v11  }
0xf8: {  	[tilespmem:s12+$0x58A0] =	vst v12  }
0xf9: {  	[tilespmem:s12+$0x5020] =	vst v11  }
0xfa: {  	[tilespmem:s12+$0x58B0] =	vst v12  }
0xfb: {  	[tilespmem:s12+$0x5030] =	vst v11  }
0xfc: {  	[tilespmem:s12+$0x58C0] =	vst v12  }
0xfd: {  	[tilespmem:s12+$0x5040] =	vst v11  }
0xfe: {  	[tilespmem:s12+$0x58D0] =	vst v12  }
.Ltmp12:
0xff: {  	[tilespmem:s12+$0x5050] =	vst v11;
	(pc) =	sbr.rel @p0 .LBB2_18-.Ltmp12, $4  }
0x100: {  	[tilespmem:s12+$0x58E0] =	vst v12  }
0x101: {  	[tilespmem:s12+$0x5060] =	vst v11  }
0x102: {  	[tilespmem:s12+$0x58F0] =	vst v12  }
0x103: {  	[tilespmem:s12+$0x5070] =	vst v11;
	s12 =	sshra.s32 s13, $0x2;
	s13 =	sadd.s32 $0x1C0, s13  }
.LBB2_19:
0x104: {  	[tilespmem:s12+$0x5900] =	vst v12  }
0x105: {  	[tilespmem:s12+$0x5010] =	vst v11  }
0x106: {  	[tilespmem:s12+$0x58A0] =	vst v12;
	s13 =	simm.s32 $0x770  }
0x107: {  	[tilespmem:s12+$0x5020] =	vst v11;
	v13 =	vadd.s32 s13, v7  }
0x108: {  	[tilespmem:s12+$0x58B0] =	vst v12;
	vm0 =	vgt.s32 v13, $0xFFFFFF80  }
0x109: {  	[tilespmem:s12+$0x5030] =	vst v11;
	v13 =	vnsel vm0, $0xFFFFFF80, v13  }
0x10a: {  	[tilespmem:s12+$0x58C0] =	vst v12;
	vm0 =	vlt.s32 v13, $0x80  }
0x10b: {  	[tilespmem:s12+$0x5040] =	vst v11;
	v13 =	vnsel vm0, $0x80, v13  }
0x10c: {  	[tilespmem:s12+$0x58D0] =	vst v12;
	s30 =	simm.s32 $0x780;
	v13 =	vshll.u32 v13, $0x4  }
0x10d: {  	[tilespmem:s12+$0x5050] =	vst v11;
	v14 =	vadd.s32 s30, v7;
	v13 =	vadd.s32 v13, v2  }
0x10e: {  	[tilespmem:s12+$0x58E0] =	vst v12;
	vm14 =	vgt.s32 v14, $0xFFFFFF80  }
0x10f: {  	[tilespmem:s12+$0x5060] =	vst v11;
	v14 =	vnsel vm14, $0xFFFFFF80, v14  }
0x110: {  	[tilespmem:s12+$0x58F0] =	vst v12;
	vm0 =	vlt.s32 v14, $0x80  }
0x111: {  	[tilespmem:s12+$0x5070] =	vst v11;
	s12 =	simm.s32 $0x0;
	v14 =	vnsel vm0, $0x80, v14  }
0x112: {  	s31 =	simm.s32 $0x790;
	v14 =	vshll.u32 v14, $0x4;
	v13 =	vld.idx.msk [tilespmem:v13+s12+$0x0], $0xffff  }
0x113: {  	v15 =	vadd.s32 s31, v7;
	v14 =	vadd.s32 v14, v2  }
0x114: {  	vm15 =	vgt.s32 v15, $0xFFFFFF80  }
0x115: {  	v15 =	vnsel vm15, $0xFFFFFF80, v15  }
0x116: {  	s13 =	simm.s32 $0x5780;
	vm0 =	vlt.s32 v15, $0x80  }
0x117: {  	v15 =	vnsel vm0, $0x80, v15;
	[tilespmem:s13+$0x0] =	vst v13  }
0x118: {  	v15 =	vshll.u32 v15, $0x4;
	v13 =	vld.idx.msk [tilespmem:v14+s12+$0x0], $0xffff  }
0x119: {  	s14 =	simm.s32 $0x7A0;
	v14 =	vadd.s32 v15, v2  }
0x11a: {  	v15 =	vadd.s32 s14, v7;
	s14 =	simm.s32 $0x7B0  }
.LBB2_20:
0x11b: {  	p0 =	sne.s32 s14, $0x880;
	vm0 =	vgt.s32 v15, $0xFFFFFF80  }
0x11c: {  	s13 =	sadd.s32 $0x10, s13;
	v15 =	vnsel vm0, $0xFFFFFF80, v15  }
.Ltmp13:
0x11d: {  	vm0 =	vlt.s32 v15, $0x80;
	[tilespmem:s13+$0x0] =	vst v13;
	(pc) =	sbr.rel @p0 .LBB2_20-.Ltmp13, $4  }
0x11e: {  	v15 =	vnsel vm0, $0x80, v15;
	v13 =	vld.idx.msk [tilespmem:v14+s12+$0x0], $0xffff  }
0x11f: {  	v14 =	vshll.u32 v15, $0x4  }
0x120: {  	v14 =	vadd.s32 v14, v2  }
0x121: {  	v15 =	vadd.s32 s14, v7;
	s14 =	sadd.s32 $0x10, s14  }
0x122: {  	vm0 =	vgt.s32 v15, $0xFFFFFF80  }
0x123: {  	v15 =	vnsel vm0, $0xFFFFFF80, v15  }
0x124: {  	s13 =	sadd.s32 $0x10, s13;
	vm0 =	vlt.s32 v15, $0x80  }
0x125: {  	s12 =	simm.s32 $0x0;
	[tilespmem:s13+$0x0] =	vst v13;
	v13 =	vnsel vm0, $0x80, v15  }
0x126: {  	v14 =	vld.idx.msk [tilespmem:v14+s12+$0x0], $0xffff;
	v13 =	vshll.u32 v13, $0x4  }
0x127: {  	v13 =	vadd.s32 v13, v2;
	_ =	sdelay $0x2  }
0x128: {  	s13 =	sadd.s32 $0x10, s13  }
0x129: {  	[tilespmem:s13+$0x0] =	vst v14  }
0x12a: {  	p0 =	por $0x1, $0x1;
	v13 =	vld.idx.msk [tilespmem:v13+s12+$0x0], $0xffff  }
.Ltmp14:
0x12b: {  	_ = 	snop;
	(pc) =	sbr.rel @!p0 .LBB2_23-.Ltmp14, $3  }
0x12c: {  	_ =	sdelay $0x1  }
0x12d: {  	s13 =	sadd.s32 $0x10, s13  }
0x12e: {  	s14 =	simm.s32 $0x1C0;
	[tilespmem:s13+$0x0] =	vst v13;
	s13 =	simm.s32 $0x0  }
.LBB2_22:
0x12f: {  	p0 =	sne.s32 s14, $0x1C00;
	[tilespmem:s13+$0x6900] =	vst v12  }
0x130: {  	[tilespmem:s13+$0x6010] =	vst v11  }
0x131: {  	[tilespmem:s13+$0x68A0] =	vst v12  }
0x132: {  	[tilespmem:s13+$0x6020] =	vst v11  }
0x133: {  	[tilespmem:s13+$0x68B0] =	vst v12  }
0x134: {  	[tilespmem:s13+$0x6030] =	vst v11  }
0x135: {  	[tilespmem:s13+$0x68C0] =	vst v12  }
0x136: {  	[tilespmem:s13+$0x6040] =	vst v11  }
0x137: {  	[tilespmem:s13+$0x68D0] =	vst v12  }
.Ltmp15:
0x138: {  	[tilespmem:s13+$0x6050] =	vst v11;
	(pc) =	sbr.rel @p0 .LBB2_22-.Ltmp15, $4  }
0x139: {  	[tilespmem:s13+$0x68E0] =	vst v12  }
0x13a: {  	[tilespmem:s13+$0x6060] =	vst v11  }
0x13b: {  	[tilespmem:s13+$0x68F0] =	vst v12  }
0x13c: {  	[tilespmem:s13+$0x6070] =	vst v11;
	s13 =	sshra.s32 s14, $0x2;
	s14 =	sadd.s32 $0x1C0, s14  }
.LBB2_23:
0x13d: {  	[tilespmem:s13+$0x6900] =	vst v12  }
0x13e: {  	[tilespmem:s13+$0x6010] =	vst v11  }
0x13f: {  	[tilespmem:s13+$0x68A0] =	vst v12;
	s14 =	simm.s32 $0x770  }
0x140: {  	[tilespmem:s13+$0x6020] =	vst v11;
	v13 =	vadd.s32 s14, v8  }
0x141: {  	[tilespmem:s13+$0x68B0] =	vst v12;
	vm0 =	vgt.s32 v13, $0xFFFFFF80  }
0x142: {  	[tilespmem:s13+$0x6030] =	vst v11;
	v13 =	vnsel vm0, $0xFFFFFF80, v13  }
0x143: {  	[tilespmem:s13+$0x68C0] =	vst v12;
	vm0 =	vlt.s32 v13, $0x80  }
0x144: {  	[tilespmem:s13+$0x6040] =	vst v11;
	v13 =	vnsel vm0, $0x80, v13  }
0x145: {  	[tilespmem:s13+$0x68D0] =	vst v12;
	s29 =	simm.s32 $0x780;
	v13 =	vshll.u32 v13, $0x4  }
0x146: {  	[tilespmem:s13+$0x6050] =	vst v11;
	v14 =	vadd.s32 s29, v8;
	v13 =	vadd.s32 v13, v2  }
0x147: {  	[tilespmem:s13+$0x68E0] =	vst v12;
	vm14 =	vgt.s32 v14, $0xFFFFFF80  }
0x148: {  	[tilespmem:s13+$0x6060] =	vst v11;
	v14 =	vnsel vm14, $0xFFFFFF80, v14  }
0x149: {  	[tilespmem:s13+$0x68F0] =	vst v12;
	vm0 =	vlt.s32 v14, $0x80  }
0x14a: {  	[tilespmem:s13+$0x6070] =	vst v11;
	v14 =	vnsel vm0, $0x80, v14  }
0x14b: {  	s30 =	simm.s32 $0x790;
	v14 =	vshll.u32 v14, $0x4;
	v13 =	vld.idx.msk [tilespmem:v13+s12+$0x0], $0xffff  }
0x14c: {  	v15 =	vadd.s32 s30, v8;
	v14 =	vadd.s32 v14, v2  }
0x14d: {  	vm15 =	vgt.s32 v15, $0xFFFFFF80  }
0x14e: {  	v15 =	vnsel vm15, $0xFFFFFF80, v15  }
0x14f: {  	s13 =	simm.s32 $0x6780;
	vm0 =	vlt.s32 v15, $0x80  }
0x150: {  	v15 =	vnsel vm0, $0x80, v15;
	[tilespmem:s13+$0x0] =	vst v13  }
0x151: {  	v15 =	vshll.u32 v15, $0x4;
	v13 =	vld.idx.msk [tilespmem:v14+s12+$0x0], $0xffff  }
0x152: {  	s31 =	simm.s32 $0x7A0;
	v14 =	vadd.s32 v15, v2  }
0x153: {  	s14 =	simm.s32 $0x7B0;
	v15 =	vadd.s32 s31, v8  }
.LBB2_24:
0x154: {  	p0 =	sne.s32 s14, $0x880;
	vm0 =	vgt.s32 v15, $0xFFFFFF80  }
0x155: {  	s13 =	sadd.s32 $0x10, s13;
	v15 =	vnsel vm0, $0xFFFFFF80, v15  }
.Ltmp16:
0x156: {  	s12 =	simm.s32 $0x0;
	vm0 =	vlt.s32 v15, $0x80;
	[tilespmem:s13+$0x0] =	vst v13;
	(pc) =	sbr.rel @p0 .LBB2_24-.Ltmp16, $4  }
0x157: {  	v15 =	vnsel vm0, $0x80, v15;
	v13 =	vld.idx.msk [tilespmem:v14+s12+$0x0], $0xffff  }
0x158: {  	v14 =	vshll.u32 v15, $0x4  }
0x159: {  	v14 =	vadd.s32 v14, v2  }
0x15a: {  	v15 =	vadd.s32 s14, v8;
	s14 =	sadd.s32 $0x10, s14  }
0x15b: {  	vm0 =	vgt.s32 v15, $0xFFFFFF80  }
0x15c: {  	v15 =	vnsel vm0, $0xFFFFFF80, v15  }
0x15d: {  	s13 =	sadd.s32 $0x10, s13;
	vm0 =	vlt.s32 v15, $0x80  }
0x15e: {  	[tilespmem:s13+$0x0] =	vst v13;
	v13 =	vnsel vm0, $0x80, v15  }
0x15f: {  	v14 =	vld.idx.msk [tilespmem:v14+s12+$0x0], $0xffff;
	v13 =	vshll.u32 v13, $0x4  }
0x160: {  	v13 =	vadd.s32 v13, v2;
	_ =	sdelay $0x2  }
0x161: {  	s13 =	sadd.s32 $0x10, s13  }
0x162: {  	[tilespmem:s13+$0x0] =	vst v14  }
0x163: {  	p0 =	por $0x1, $0x1;
	v13 =	vld.idx.msk [tilespmem:v13+s12+$0x0], $0xffff  }
.Ltmp17:
0x164: {  	_ = 	snop;
	(pc) =	sbr.rel @!p0 .LBB2_27-.Ltmp17, $3  }
0x165: {  	_ =	sdelay $0x1  }
0x166: {  	s31 =	sadd.s32 $0x10, s13  }
0x167: {  	s13 =	simm.s32 $0x1C0;
	s12 =	simm.s32 $0x0;
	[tilespmem:s31+$0x0] =	vst v13  }
.LBB2_26:
0x168: {  	p0 =	sne.s32 s13, $0x1C00;
	[tilespmem:s12+$0x7900] =	vst v12  }
0x169: {  	[tilespmem:s12+$0x7010] =	vst v11  }
0x16a: {  	[tilespmem:s12+$0x78A0] =	vst v12  }
0x16b: {  	[tilespmem:s12+$0x7020] =	vst v11  }
0x16c: {  	[tilespmem:s12+$0x78B0] =	vst v12  }
0x16d: {  	[tilespmem:s12+$0x7030] =	vst v11  }
0x16e: {  	[tilespmem:s12+$0x78C0] =	vst v12  }
0x16f: {  	[tilespmem:s12+$0x7040] =	vst v11  }
0x170: {  	[tilespmem:s12+$0x78D0] =	vst v12  }
.Ltmp18:
0x171: {  	[tilespmem:s12+$0x7050] =	vst v11;
	(pc) =	sbr.rel @p0 .LBB2_26-.Ltmp18, $4  }
0x172: {  	[tilespmem:s12+$0x78E0] =	vst v12  }
0x173: {  	[tilespmem:s12+$0x7060] =	vst v11  }
0x174: {  	[tilespmem:s12+$0x78F0] =	vst v12  }
0x175: {  	[tilespmem:s12+$0x7070] =	vst v11;
	s12 =	sshra.s32 s13, $0x2;
	s13 =	sadd.s32 $0x1C0, s13  }
.LBB2_27:
0x176: {  	[tilespmem:s12+$0x7900] =	vst v12  }
0x177: {  	[tilespmem:s12+$0x7010] =	vst v11  }
0x178: {  	[tilespmem:s12+$0x78A0] =	vst v12;
	s13 =	simm.s32 $0x770  }
0x179: {  	[tilespmem:s12+$0x7020] =	vst v11;
	v13 =	vadd.s32 s13, v9  }
0x17a: {  	[tilespmem:s12+$0x78B0] =	vst v12;
	vm0 =	vgt.s32 v13, $0xFFFFFF80  }
0x17b: {  	[tilespmem:s12+$0x7030] =	vst v11;
	v13 =	vnsel vm0, $0xFFFFFF80, v13  }
0x17c: {  	[tilespmem:s12+$0x78C0] =	vst v12;
	vm0 =	vlt.s32 v13, $0x80  }
0x17d: {  	[tilespmem:s12+$0x7040] =	vst v11;
	v13 =	vnsel vm0, $0x80, v13  }
0x17e: {  	[tilespmem:s12+$0x78D0] =	vst v12;
	s30 =	simm.s32 $0x780;
	v13 =	vshll.u32 v13, $0x4  }
0x17f: {  	[tilespmem:s12+$0x7050] =	vst v11;
	v14 =	vadd.s32 s30, v9;
	v13 =	vadd.s32 v13, v2  }
0x180: {  	[tilespmem:s12+$0x78E0] =	vst v12;
	vm14 =	vgt.s32 v14, $0xFFFFFF80  }
0x181: {  	[tilespmem:s12+$0x7060] =	vst v11;
	v14 =	vnsel vm14, $0xFFFFFF80, v14  }
0x182: {  	[tilespmem:s12+$0x78F0] =	vst v12;
	vm0 =	vlt.s32 v14, $0x80  }
0x183: {  	[tilespmem:s12+$0x7070] =	vst v11;
	s12 =	simm.s32 $0x0;
	v14 =	vnsel vm0, $0x80, v14  }
0x184: {  	s31 =	simm.s32 $0x790;
	v14 =	vshll.u32 v14, $0x4;
	v13 =	vld.idx.msk [tilespmem:v13+s12+$0x0], $0xffff  }
0x185: {  	v15 =	vadd.s32 s31, v9;
	v14 =	vadd.s32 v14, v2  }
0x186: {  	vm15 =	vgt.s32 v15, $0xFFFFFF80  }
0x187: {  	v15 =	vnsel vm15, $0xFFFFFF80, v15  }
0x188: {  	s13 =	simm.s32 $0x7780;
	vm0 =	vlt.s32 v15, $0x80  }
0x189: {  	v15 =	vnsel vm0, $0x80, v15;
	[tilespmem:s13+$0x0] =	vst v13  }
0x18a: {  	v15 =	vshll.u32 v15, $0x4;
	v13 =	vld.idx.msk [tilespmem:v14+s12+$0x0], $0xffff  }
0x18b: {  	s14 =	simm.s32 $0x7A0;
	v14 =	vadd.s32 v15, v2  }
0x18c: {  	v15 =	vadd.s32 s14, v9;
	s14 =	simm.s32 $0x7B0  }
.LBB2_28:
0x18d: {  	p0 =	sne.s32 s14, $0x880;
	vm0 =	vgt.s32 v15, $0xFFFFFF80  }
0x18e: {  	s13 =	sadd.s32 $0x10, s13;
	v15 =	vnsel vm0, $0xFFFFFF80, v15  }
.Ltmp19:
0x18f: {  	vm0 =	vlt.s32 v15, $0x80;
	[tilespmem:s13+$0x0] =	vst v13;
	(pc) =	sbr.rel @p0 .LBB2_28-.Ltmp19, $4  }
0x190: {  	v15 =	vnsel vm0, $0x80, v15;
	v13 =	vld.idx.msk [tilespmem:v14+s12+$0x0], $0xffff  }
0x191: {  	v14 =	vshll.u32 v15, $0x4  }
0x192: {  	v14 =	vadd.s32 v14, v2  }
0x193: {  	v15 =	vadd.s32 s14, v9;
	s14 =	sadd.s32 $0x10, s14  }
0x194: {  	vm0 =	vgt.s32 v15, $0xFFFFFF80  }
0x195: {  	v15 =	vnsel vm0, $0xFFFFFF80, v15  }
0x196: {  	s13 =	sadd.s32 $0x10, s13;
	vm0 =	vlt.s32 v15, $0x80  }
0x197: {  	s12 =	simm.s32 $0x0;
	[tilespmem:s13+$0x0] =	vst v13;
	v13 =	vnsel vm0, $0x80, v15  }
0x198: {  	v14 =	vld.idx.msk [tilespmem:v14+s12+$0x0], $0xffff;
	v13 =	vshll.u32 v13, $0x4  }
0x199: {  	v13 =	vadd.s32 v13, v2;
	_ =	sdelay $0x2  }
0x19a: {  	s13 =	sadd.s32 $0x10, s13  }
0x19b: {  	[tilespmem:s13+$0x0] =	vst v14  }
0x19c: {  	p0 =	por $0x1, $0x1;
	v13 =	vld.idx.msk [tilespmem:v13+s12+$0x0], $0xffff  }
.Ltmp20:
0x19d: {  	_ = 	snop;
	(pc) =	sbr.rel @!p0 .LBB2_31-.Ltmp20, $3  }
0x19e: {  	_ =	sdelay $0x1  }
0x19f: {  	s13 =	sadd.s32 $0x10, s13  }
0x1a0: {  	s14 =	simm.s32 $0x1C0;
	[tilespmem:s13+$0x0] =	vst v13;
	s13 =	simm.s32 $0x0  }
.LBB2_30:
0x1a1: {  	p0 =	sne.s32 s14, $0x1C00;
	[tilespmem:s13+$0x8900] =	vst v12  }
0x1a2: {  	[tilespmem:s13+$0x8010] =	vst v11  }
0x1a3: {  	[tilespmem:s13+$0x88A0] =	vst v12  }
0x1a4: {  	[tilespmem:s13+$0x8020] =	vst v11  }
0x1a5: {  	[tilespmem:s13+$0x88B0] =	vst v12  }
0x1a6: {  	[tilespmem:s13+$0x8030] =	vst v11  }
0x1a7: {  	[tilespmem:s13+$0x88C0] =	vst v12  }
0x1a8: {  	[tilespmem:s13+$0x8040] =	vst v11  }
0x1a9: {  	[tilespmem:s13+$0x88D0] =	vst v12  }
.Ltmp21:
0x1aa: {  	[tilespmem:s13+$0x8050] =	vst v11;
	(pc) =	sbr.rel @p0 .LBB2_30-.Ltmp21, $4  }
0x1ab: {  	[tilespmem:s13+$0x88E0] =	vst v12  }
0x1ac: {  	[tilespmem:s13+$0x8060] =	vst v11  }
0x1ad: {  	[tilespmem:s13+$0x88F0] =	vst v12  }
0x1ae: {  	[tilespmem:s13+$0x8070] =	vst v11;
	s13 =	sshra.s32 s14, $0x2;
	s14 =	sadd.s32 $0x1C0, s14  }
.LBB2_31:
0x1af: {  	[tilespmem:s13+$0x8900] =	vst v12  }
0x1b0: {  	[tilespmem:s13+$0x8010] =	vst v11  }
0x1b1: {  	[tilespmem:s13+$0x88A0] =	vst v12;
	s14 =	simm.s32 $0x770  }
0x1b2: {  	[tilespmem:s13+$0x8020] =	vst v11;
	v13 =	vadd.s32 s14, v10  }
0x1b3: {  	[tilespmem:s13+$0x88B0] =	vst v12;
	vm0 =	vgt.s32 v13, $0xFFFFFF80  }
0x1b4: {  	[tilespmem:s13+$0x8030] =	vst v11;
	v13 =	vnsel vm0, $0xFFFFFF80, v13  }
0x1b5: {  	[tilespmem:s13+$0x88C0] =	vst v12;
	vm0 =	vlt.s32 v13, $0x80  }
0x1b6: {  	[tilespmem:s13+$0x8040] =	vst v11;
	v13 =	vnsel vm0, $0x80, v13  }
0x1b7: {  	[tilespmem:s13+$0x88D0] =	vst v12;
	s29 =	simm.s32 $0x780;
	v13 =	vshll.u32 v13, $0x4  }
0x1b8: {  	[tilespmem:s13+$0x8050] =	vst v11;
	v14 =	vadd.s32 s29, v10;
	v13 =	vadd.s32 v13, v2  }
0x1b9: {  	[tilespmem:s13+$0x88E0] =	vst v12;
	vm14 =	vgt.s32 v14, $0xFFFFFF80  }
0x1ba: {  	[tilespmem:s13+$0x8060] =	vst v11;
	v14 =	vnsel vm14, $0xFFFFFF80, v14  }
0x1bb: {  	[tilespmem:s13+$0x88F0] =	vst v12;
	vm0 =	vlt.s32 v14, $0x80  }
0x1bc: {  	[tilespmem:s13+$0x8070] =	vst v11;
	v11 =	vnsel vm0, $0x80, v14  }
0x1bd: {  	s30 =	simm.s32 $0x790;
	v11 =	vshll.u32 v11, $0x4;
	v12 =	vld.idx.msk [tilespmem:v13+s12+$0x0], $0xffff  }
0x1be: {  	v11 =	vadd.s32 v11, v2;
	v13 =	vadd.s32 s30, v10  }
0x1bf: {  	vm15 =	vgt.s32 v13, $0xFFFFFF80  }
0x1c0: {  	v13 =	vnsel vm15, $0xFFFFFF80, v13  }
0x1c1: {  	s14 =	simm.s32 $0x8780;
	vm0 =	vlt.s32 v13, $0x80  }
0x1c2: {  	v13 =	vnsel vm0, $0x80, v13;
	[tilespmem:s14+$0x0] =	vst v12  }
0x1c3: {  	v12 =	vshll.u32 v13, $0x4;
	v11 =	vld.idx.msk [tilespmem:v11+s12+$0x0], $0xffff  }
0x1c4: {  	s31 =	simm.s32 $0x7A0;
	v12 =	vadd.s32 v12, v2  }
0x1c5: {  	v13 =	vadd.s32 s31, v10;
	s12 =	simm.s32 $0x7B0  }
.LBB2_32:
0x1c6: {  	p0 =	sne.s32 s12, $0x880;
	vm0 =	vgt.s32 v13, $0xFFFFFF80  }
0x1c7: {  	s14 =	sadd.s32 $0x10, s14;
	v13 =	vnsel vm0, $0xFFFFFF80, v13  }
.Ltmp22:
0x1c8: {  	s13 =	simm.s32 $0x0;
	vm0 =	vlt.s32 v13, $0x80;
	[tilespmem:s14+$0x0] =	vst v11;
	(pc) =	sbr.rel @p0 .LBB2_32-.Ltmp22, $4  }
0x1c9: {  	v13 =	vnsel vm0, $0x80, v13;
	v11 =	vld.idx.msk [tilespmem:v12+s13+$0x0], $0xffff  }
0x1ca: {  	v12 =	vshll.u32 v13, $0x4  }
0x1cb: {  	v12 =	vadd.s32 v12, v2  }
0x1cc: {  	v13 =	vadd.s32 s12, v10;
	s12 =	sadd.s32 $0x10, s12  }
0x1cd: {  	vm0 =	vgt.s32 v13, $0xFFFFFF80  }
0x1ce: {  	v13 =	vnsel vm0, $0xFFFFFF80, v13  }
0x1cf: {  	s12 =	sadd.s32 $0x10, s14;
	vm0 =	vlt.s32 v13, $0x80  }
0x1d0: {  	[tilespmem:s12+$0x0] =	vst v11;
	v11 =	vnsel vm0, $0x80, v13  }
0x1d1: {  	v12 =	vld.idx.msk [tilespmem:v12+s13+$0x0], $0xffff;
	v11 =	vshll.u32 v11, $0x4  }
0x1d2: {  	v11 =	vadd.s32 v11, v2;
	_ =	sdelay $0x2  }
0x1d3: {  	s12 =	sadd.s32 $0x10, s12  }
0x1d4: {  	[tilespmem:s12+$0x0] =	vst v12  }
0x1d5: {  	p1 =	por $0x1, $0x1;
	v11 =	vld.idx.msk [tilespmem:v11+s13+$0x0], $0xffff  }
.Ltmp23:
0x1d6: {  	_ = 	snop;
	(pc) =	sbr.rel @!p1 .LBB2_34-.Ltmp23, $4  }
0x1d7: {  	_ = 	snop  }
0x1d8: {  	s15 =	sadd.s32 $0x0, s6;
	p0 =	por $0x0, $0x0  }
0x1d9: {  	s16 =	sshrl.u32 s15, $0x4;
	s15 =	sand.u32 $0x78, s9;
	s31 =	sadd.s32 $0x10, s12  }
0x1da: {  	s18 =	sshll.u32 s16, $0xE;
	s16 =	sshll.u32 s16, $0x7;
	s12 =	simm.s32 $0x1;
	[tilespmem:s31+$0x0] =	vst v11  }
0x1db: {  	s13 =	sadd.s32 s7, s18;
	s14 =	sshll.u32 s15, $0x7  }
0x1dc: {  	s13 =	sor.u32 s14, s13  }
0x1dd: {  	s30 =	ssub.s32 s16, s15;
	s13 =	sshrl.u32 s13, $0x3  }
0x1de: {  	s16 =	sadd.s32 $0x1708, s30;
	s31 =	sadd.s32 s2, s13  }
0x1df: {  	[hbm4b:s31+s3] =	stream.linear.scatter [tilespmem:s16], [sflag:$0x1], $0x80, $0x38;
	[tilespmem:$0x9010] =	vst v63  }
0x1e0: {  	s17 =	sadd.s32 $0x2708, s30;
	s18 =	sadd.s32 $0x10, s31  }
0x1e1: {  	[hbm4b:s18+s3] =	stream.linear.scatter [tilespmem:s17], [sflag:$0x1], $0x80, $0x38;
	[tilespmem:$0x9010] =	vst v63  }
0x1e2: {  	s19 =	sadd.s32 $0x3708, s30;
	s20 =	sadd.s32 $0x20, s31  }
0x1e3: {  	[hbm4b:s20+s3] =	stream.linear.scatter [tilespmem:s19], [sflag:$0x1], $0x80, $0x38;
	[tilespmem:$0x9010] =	vst v63  }
0x1e4: {  	p1 =	por $0x1, $0x1;
	s21 =	sadd.s32 $0x4708, s30;
	s22 =	sadd.s32 $0x30, s31  }
0x1e5: {  	[hbm4b:s22+s3] =	stream.linear.scatter [tilespmem:s21], [sflag:$0x1], $0x80, $0x38;
	[tilespmem:$0x9010] =	vst v63  }
0x1e6: {  	p2 =	por $0x1, $0x1;
	s23 =	sadd.s32 $0x5708, s30;
	s17 =	sadd.s32 $0x40, s31  }
0x1e7: {  	[hbm4b:s17+s3] =	stream.linear.scatter [tilespmem:s23], [sflag:$0x1], $0x80, $0x38;
	[tilespmem:$0x9010] =	vst v63  }
0x1e8: {  	s29 =	sadd.s32 $0x1, s6;
	s24 =	sadd.s32 $0x6708, s30;
	s25 =	sadd.s32 $0x50, s31  }
0x1e9: {  	[hbm4b:s25+s3] =	stream.linear.scatter [tilespmem:s24], [sflag:$0x1], $0x80, $0x38;
	[tilespmem:$0x9010] =	vst v63  }
0x1ea: {  	p0 =	por $0x1, $0x1;
	s14 =	sadd.s32 $0x7708, s30;
	s28 =	sadd.s32 $0x60, s31  }
0x1eb: {  	[hbm4b:s28+s3] =	stream.linear.scatter [tilespmem:s14], [sflag:$0x1], $0x80, $0x38;
	[tilespmem:$0x9010] =	vst v63  }
.Ltmp24:
0x1ec: {  	s26 =	sadd.s32 $0x8708, s30;
	s13 =	simm.s32 $0x2;
	(pc) =	sbr.rel @!p1 .LBB2_36-.Ltmp24, $4  }
0x1ed: {  	s30 =	sadd.s32 $0x70, s31;
	s31 =	sshrl.u32 s29, $0x4;
	s17 =	simm.s32 @!p2 $0x1  }
0x1ee: {  	[hbm4b:s30+s3] =	stream.linear.scatter [tilespmem:s26], [sflag:$0x1], $0x80, $0x38;
	[tilespmem:$0x9010] =	vst v63  }
0x1ef: {  	s18 =	sshll.u32 s31, $0xE;
	s14 =	sadd.s32 $0x8, s9;
	_ =	swait.ge @!p2 [sflag:s17], $0x400  }
0x1f0: {  	s16 =	sshll.u32 s31, $0x7;
	s15 =	sand.u32 $0x78, s14;
	[sflag:s17] =	ssyncset.done @!p2 $0x0  }
.LBB2_37:
0x1f1: {  	s18 =	sadd.s32 s7, s18;
	s19 =	sshll.u32 s15, $0x7  }
0x1f2: {  	[sflag:s17] =	ssyncadd.s32 @!p2 $0xFFFFFC00;
	s17 =	smov.u32 s12;
	s12 =	smov.u32 s13  }
0x1f3: {  	s13 =	sadd.s32 $0x1, s13;
	s18 =	sor.u32 s19, s18  }
0x1f4: {  	s15 =	ssub.s32 s16, s15;
	p1 =	sne.s32 s13, $0x28;
	s16 =	sshrl.u32 s18, $0x3  }
0x1f5: {  	s18 =	sadd.s32 $0x1708, s15;
	s16 =	sadd.s32 s2, s16  }
0x1f6: {  	[hbm4b:s16+s3] =	stream.linear.scatter [tilespmem:s18], [sflag:$0x1], $0x80, $0x38;
	[tilespmem:$0x9010] =	vst v63  }
0x1f7: {  	s18 =	sadd.s32 $0x2708, s15;
	s19 =	sadd.s32 $0x10, s16  }
0x1f8: {  	[hbm4b:s19+s3] =	stream.linear.scatter [tilespmem:s18], [sflag:$0x1], $0x80, $0x38;
	[tilespmem:$0x9010] =	vst v63  }
0x1f9: {  	s18 =	sadd.s32 $0x3708, s15;
	s19 =	sadd.s32 $0x20, s16  }
0x1fa: {  	[hbm4b:s19+s3] =	stream.linear.scatter [tilespmem:s18], [sflag:$0x1], $0x80, $0x38;
	[tilespmem:$0x9010] =	vst v63  }
0x1fb: {  	s18 =	sadd.s32 $0x4708, s15;
	s19 =	sadd.s32 $0x30, s16  }
0x1fc: {  	[hbm4b:s19+s3] =	stream.linear.scatter [tilespmem:s18], [sflag:$0x1], $0x80, $0x38;
	[tilespmem:$0x9010] =	vst v63  }
0x1fd: {  	s14 =	sadd.s32 $0x8, s14;
	s18 =	sadd.s32 $0x5708, s15;
	s19 =	sadd.s32 $0x40, s16  }
0x1fe: {  	[hbm4b:s19+s3] =	stream.linear.scatter [tilespmem:s18], [sflag:$0x1], $0x80, $0x38;
	[tilespmem:$0x9010] =	vst v63  }
0x1ff: {  	s20 =	sadd.s32 $0x8708, s15;
	s18 =	sadd.s32 $0x6708, s15;
	s19 =	sadd.s32 $0x50, s16  }
0x200: {  	[hbm4b:s19+s3] =	stream.linear.scatter [tilespmem:s18], [sflag:$0x1], $0x80, $0x38;
	[tilespmem:$0x9010] =	vst v63  }
0x201: {  	p2 =	slt.u32 s17, $0x4;
	s15 =	sadd.s32 $0x7708, s15;
	s18 =	sadd.s32 $0x60, s16  }
0x202: {  	[hbm4b:s18+s3] =	stream.linear.scatter [tilespmem:s15], [sflag:$0x1], $0x80, $0x38;
	[tilespmem:$0x9010] =	vst v63  }
.Ltmp25:
0x203: {  	_ = 	snop;
	(pc) =	sbr.rel @p1 .LBB2_37-.Ltmp25, $4  }
0x204: {  	s17 =	simm.s32 @!p2 $0x1;
	s16 =	sadd.s32 $0x70, s16;
	s15 =	sadd.s32 s12, s6  }
0x205: {  	[hbm4b:s16+s3] =	stream.linear.scatter [tilespmem:s20], [sflag:$0x1], $0x80, $0x38;
	[tilespmem:$0x9010] =	vst v63  }
0x206: {  	s16 =	sshrl.u32 s15, $0x4;
	s15 =	sand.u32 $0x78, s14;
	_ =	swait.ge @!p2 [sflag:s17], $0x400  }
0x207: {  	s18 =	sshll.u32 s16, $0xE;
	s16 =	sshll.u32 s16, $0x7;
	[sflag:s17] =	ssyncset.done @!p2 $0x0  }
0x208: {  	s13 =	smov.u32 s12  }
.LBB2_39:
0x209: {  	s12 =	sadd.s32 s7, s18;
	s14 =	sshll.u32 s15, $0x7  }
0x20a: {  	s12 =	sor.u32 s14, s12  }
0x20b: {  	p0 =	por p2, !p0;
	s31 =	ssub.s32 s16, s15;
	s12 =	sshrl.u32 s12, $0x3  }
0x20c: {  	[sflag:s17] =	ssyncadd.s32 @!p0 $0xFFFFFC00;
	s15 =	sadd.s32 $0x1708, s31;
	s12 =	sadd.s32 s2, s12  }
0x20d: {  	[hbm4b:s12+s3] =	stream.linear.scatter [tilespmem:s15], [sflag:$0x1], $0x80, $0x38;
	[tilespmem:$0x9010] =	vst v63  }
0x20e: {  	s18 =	sadd.s32 $0x2708, s31;
	s19 =	sadd.s32 $0x10, s12  }
0x20f: {  	[hbm4b:s19+s3] =	stream.linear.scatter [tilespmem:s18], [sflag:$0x1], $0x80, $0x38;
	[tilespmem:$0x9010] =	vst v63  }
0x210: {  	s20 =	sadd.s32 $0x3708, s31;
	s21 =	sadd.s32 $0x20, s12  }
0x211: {  	[hbm4b:s21+s3] =	stream.linear.scatter [tilespmem:s20], [sflag:$0x1], $0x80, $0x38;
	[tilespmem:$0x9010] =	vst v63  }
0x212: {  	s22 =	sadd.s32 $0x4708, s31;
	s23 =	sadd.s32 $0x30, s12  }
0x213: {  	[hbm4b:s23+s3] =	stream.linear.scatter [tilespmem:s22], [sflag:$0x1], $0x80, $0x38;
	[tilespmem:$0x9010] =	vst v63  }
0x214: {  	s24 =	sadd.s32 $0x5708, s31;
	s25 =	sadd.s32 $0x40, s12  }
0x215: {  	[hbm4b:s25+s3] =	stream.linear.scatter [tilespmem:s24], [sflag:$0x1], $0x80, $0x38;
	[tilespmem:$0x9010] =	vst v63  }
0x216: {  	s26 =	sadd.s32 $0x6708, s31;
	s28 =	sadd.s32 $0x50, s12  }
0x217: {  	[hbm4b:s28+s3] =	stream.linear.scatter [tilespmem:s26], [sflag:$0x1], $0x80, $0x38;
	[tilespmem:$0x9010] =	vst v63  }
0x218: {  	s29 =	sadd.s32 $0x7708, s31;
	p0 =	slt.u32 s13, $0x4;
	s30 =	sadd.s32 $0x60, s12  }
0x219: {  	[hbm4b:s30+s3] =	stream.linear.scatter [tilespmem:s29], [sflag:$0x1], $0x80, $0x38;
	[tilespmem:$0x9010] =	vst v63  }
0x21a: {  	s31 =	sadd.s32 $0x8708, s31;
	s14 =	simm.s32 @!p0 $0x1;
	s12 =	sadd.s32 $0x70, s12  }
0x21b: {  	[hbm4b:s12+s3] =	stream.linear.scatter [tilespmem:s31], [sflag:$0x1], $0x80, $0x38;
	[tilespmem:$0x9010] =	vst v63  }
0x21c: {  	_ =	swait.ge @!p0 [sflag:s14], $0x400  }
0x21d: {  	[sflag:s14] =	ssyncset.done @!p0 $0x0  }
0x21e: {  	[sflag:s14] =	ssyncadd.s32 @!p0 $0xFFFFFC00  }
0x21f: {  	_ =	swait.ge [sflag:s5], $0x400  }
0x220: {  	[sflag:s5] =	ssyncset.done $0x0  }
0x221: {  	[sflag:s5] =	ssyncadd.s32 $0xFFFFFC00  }
0x222: {  	_ =	swait.ge [sflag:s5], $0x400  }
0x223: {  	[sflag:s5] =	ssyncset.done $0x0  }
0x224: {  	s11 =	sadd.s32 $0x1, s11;
	[sflag:s5] =	ssyncadd.s32 $0xFFFFFC00  }
0x225: {  	p0 =	sne.s32 s11, s8;
	_ =	swait.ge [sflag:s5], $0x400  }
.Ltmp26:
0x226: {  	[sflag:s5] =	ssyncset.done $0x0;
	(pc) =	sbr.rel @p0 .LBB2_1-.Ltmp26, $4  }
.Ltmp27:
0x227: {  	[sflag:s5] =	ssyncadd.s32 $0xFFFFFC00;
	(pc) =	sbr.rel @!p0 .LBB2_40-.Ltmp27, $4  }
0x228: {  	_ =	swait.ge [sflag:s5], $0x400  }
0x229: {  	[sflag:s5] =	ssyncset.done $0x0  }
0x22a: {  	[sflag:s5] =	ssyncadd.s32 $0xFFFFFC00  }
0x22b: {  	_ = 	snop  }
.LBB2_34:
.Ltmp28:
0x22c: {  	(pc) =	sbr.rel .LBB2_39-.Ltmp28, $2  }
0x22d: {  	_ =	sdelay $0x2  }
0x22e: {  	_ = 	snop  }
.LBB2_36:
.Ltmp29:
0x22f: {  	(pc) =	sbr.rel .LBB2_39-.Ltmp29, $2  }
0x230: {  	_ =	sdelay $0x2  }
0x231: {  	s13 =	simm.s32 $0x1  }
.LBB2_40:
0x232: {  	_ =	sfence.sel $0x180000  }
0x233: {  	[bflag:$0x0] =	sbarrier.arrive $0xFFFF  }
0x234: {  	p0 =	sne.s32 s0, $0x0;
	_ =	strace $0x90000047  }
0x235: {  	s0 =	sadd.s32 @!p0 $0x100000, s1;
	[bflag:$0x2] =	sbarrier.arrive $0xFFFF  }
0x236: {  	[sflag:s0] =	ssyncadd.tile.s32 @!p0 $0x1;
	_ =	shalt  }
.Lfunc_end2:
_tile_overlayer_lowered:
.L_overlay_start_2:
0x237: {  	(tag) =	ssettag $0x2  }
0x238: {  	s0 =	rddreg [dreg:$0x0];
	s2 =	stileid.u32  }
0x239: {  	s1 =	rddreg [dreg:$0x1];
	p0 =	sne.s32 s2, $0x0  }
0x23a: {  	s3 =	rddreg [dreg:$0x2];
	[bflag:$0x3] =	sbarrier.arrive $0xFFFF;
	s2 =	simm.s32 @!p0 $0x1C02  }
0x23b: {  	[timem:s3], [sflag:s2] =	dma.local @!p0 [hbm:s0], s1  }
0x23c: {  	s0 =	simm.s32 @!p0 $0x2  }
0x23d: {  	_ =	swait.ge @!p0 [sflag:s0], s1  }
0x23e: {  	s1 =	ssub.s32 @!p0 $0x0, s1;
	[sflag:s0] =	ssyncset.done @!p0 $0x0  }
0x23f: {  	[sflag:s0] =	ssyncadd.s32 @!p0 s1  }
0x240: {  	[bflag:$0x3] =	sbarrier.arrive $0xFFFF  }
0x241: {  	_ =	shalt  }

</sc_bundles>
